<compile_context>
chip_gen: v7x
topology: tpu7x:2x2x1
jax: 0.10.2.dev20260603
libtpu: 0.0.44.dev20260713+nightly
codegen_flags: <defaults>
</compile_context>

<pallas_src>
import functools

import jax
import jax.numpy as jnp
from jax import lax
from jax.experimental import pallas as pl
from jax.experimental.pallas import tpu as pltpu
from jax.experimental.pallas import tpu_sc as plsc

N = 50000
T = 2
C = 3
E = 800000
EMB = 128
HID = 32
G = 32

R = 2048
N_PAD = 51200
NBLK = N_PAD // R
ROWS_PER_TILE = N_PAD // 16

E_PAD = 802816
ECHUNKS = E_PAD // 128
CH_PER_TILE = ECHUNKS // 16
CH_PER_WORKER = ECHUNKS // 32
IGRP = 28
ZROWS = 640

EPS = 1e-5

_MESH = dict(core_axis_name="c", subcore_axis_name="s", num_cores=2,
             num_subcores=16)



def _deg_body(dst_hbm, out_hbm, hist, idxb):
    c = lax.axis_index("c")
    s = lax.axis_index("s")
    wid = s * 2 + c
    zero16 = jnp.zeros((16,), jnp.float32)
    one16 = jnp.ones((16,), jnp.float32)

    def zloop(i, _):
        hist[pl.ds(i * 16, 16)] = zero16
        return 0
    lax.fori_loop(0, N_PAD // 16, zloop, 0)

    pltpu.sync_copy(dst_hbm.at[pl.ds(wid * CH_PER_WORKER, CH_PER_WORKER)],
                    idxb)

    def eloop(g, _):
        for k in range(8):
            idx = idxb[g, pl.ds(k * 16, 16)]
            plsc.addupdate_scatter(hist, [idx], one16)
        return 0
    lax.fori_loop(0, CH_PER_WORKER, eloop, 0)

    pltpu.sync_copy(hist, out_hbm.at[wid])


def _sc_degree(dstA):
    mesh = plsc.VectorSubcoreMesh(**_MESH)
    return pl.kernel(
        _deg_body,
        out_type=jax.ShapeDtypeStruct((32, N_PAD), jnp.float32),
        mesh=mesh,
        scratch_types=[
            pltpu.VMEM((N_PAD,), jnp.float32),
            pltpu.VMEM((CH_PER_WORKER, 128), jnp.int32),
        ],
        compiler_params=pltpu.CompilerParams(use_tc_tiling_on_sc=False, needs_layout_passes=False),
        name="sc_degree",
    )(dstA)


NB = 2
NBURST_G = IGRP // NB


def _agg_body(tab2_hbm, srcA_hbm, dstA_hbm, out_hbm,
              acc, srcb, dstb, rowsA, rowsB, semA, semB):
    c = lax.axis_index("c")
    s = lax.axis_index("s")

    slab = pl.ds(s * ROWS_PER_TILE, ROWS_PER_TILE)
    pltpu.sync_copy(tab2_hbm.at[pl.ds(c * N_PAD + s * ROWS_PER_TILE,
                                      ROWS_PER_TILE)], acc.at[slab])
    plsc.subcore_barrier()

    row0 = s * CH_PER_TILE

    def issue(burst, buf, sem):
        for b in range(NB):
            pltpu.async_copy(tab2_hbm.at[srcb.at[burst * NB + b]],
                             buf.at[b], sem)

    def drain_scatter(burst, buf, sem):
        for b in range(NB):
            pltpu.make_async_copy(tab2_hbm.at[pl.ds(0, 128)],
                                  buf.at[b], sem).wait()
        for b in range(NB):
            pltpu.sync_copy(buf.at[b], acc.at[dstb.at[burst * NB + b]],
                            add=True)

    def grp(g, _):
        pltpu.sync_copy(srcA_hbm.at[c, pl.ds(row0 + g * IGRP, IGRP)], srcb)
        pltpu.sync_copy(dstA_hbm.at[pl.ds(row0 + g * IGRP, IGRP)], dstb)
        issue(0, rowsA, semA)
        issue(1, rowsB, semB)

        def pair(k, _):
            drain_scatter(2 * k, rowsA, semA)

            @pl.when(2 * k + 2 < NBURST_G)
            def _():
                issue(2 * k + 2, rowsA, semA)
            drain_scatter(2 * k + 1, rowsB, semB)

            @pl.when(2 * k + 3 < NBURST_G)
            def _():
                issue(2 * k + 3, rowsB, semB)
            return 0
        lax.fori_loop(0, NBURST_G // 2, pair, 0)
        return 0
    lax.fori_loop(0, CH_PER_TILE // IGRP, grp, 0)

    plsc.subcore_barrier()
    pltpu.sync_copy(acc.at[slab], out_hbm.at[c, slab])


def _sc_aggregate(tab64, srcA, dstA, d):
    tab2 = jnp.concatenate([tab64[:, :d], tab64[:, d:]], axis=0)
    mesh = plsc.VectorSubcoreMesh(**_MESH)
    out = pl.kernel(
        _agg_body,
        out_type=jax.ShapeDtypeStruct((2, N_PAD, d), jnp.float32),
        mesh=mesh,
        scratch_types=[
            pltpu.VMEM_SHARED((N_PAD, d), jnp.float32),
            pltpu.VMEM((IGRP, 128), jnp.int32),
            pltpu.VMEM((IGRP, 128), jnp.int32),
            pltpu.VMEM((NB, 128, d), jnp.float32),
            pltpu.VMEM((NB, 128, d), jnp.float32),
            pltpu.SemaphoreType.DMA,
            pltpu.SemaphoreType.DMA,
        ],
        compiler_params=pltpu.CompilerParams(use_tc_tiling_on_sc=False, needs_layout_passes=False),
        name=f"sc_aggregate_d{d}",
    )(tab2, srcA, dstA)
    return jnp.concatenate([out[0], out[1]], axis=1)



def _onehotT(batch_ref):
    bb = batch_ref[0]
    gi = lax.broadcasted_iota(jnp.int32, (G, 1), 0)
    return (bb == gi).astype(jnp.float32)


def _gelu(v):
    return 0.5 * v * (1.0 + lax.erf(v * 0.7071067811865476))


def _prep_body(degp_ref, x2_ref, batch_ref, dinv_ref, u0_ref, cnt_ref,
               cnt_acc):
    i = pl.program_id(0)
    deg = jnp.sum(degp_ref[...], axis=1, keepdims=True) + 1.0
    dinv = lax.rsqrt(deg)
    dinv_ref[...] = dinv
    xb = x2_ref[...]
    pad = jnp.zeros((R, 16 - C), jnp.float32)
    u0_ref[...] = jnp.concatenate(
        [xb[:, 0:C] * dinv, pad, xb[:, C:2 * C] * dinv, pad], axis=1)
    mT = _onehotT(batch_ref)

    @pl.when(i == 0)
    def _():
        cnt_acc[...] = jnp.zeros_like(cnt_acc)
    cnt_acc[...] += jnp.sum(mT, axis=1, keepdims=True)

    @pl.when(i == NBLK - 1)
    def _():
        cnt_ref[...] = jnp.maximum(cnt_acc[...], 1.0)


def _tc_prep(degpT, x2, batch3):
    grid = (NBLK,)
    return pl.pallas_call(
        _prep_body,
        grid=grid,
        in_specs=[
            pl.BlockSpec((R, 32), lambda i: (i, 0)),
            pl.BlockSpec((R, 2 * C), lambda i: (i, 0)),
            pl.BlockSpec((1, 1, R), lambda i: (i, 0, 0)),
        ],
        out_specs=[
            pl.BlockSpec((R, 1), lambda i: (i, 0)),
            pl.BlockSpec((R, 32), lambda i: (i, 0)),
            pl.BlockSpec((G, 1), lambda i: (0, 0)),
        ],
        out_shape=[
            jax.ShapeDtypeStruct((N_PAD, 1), jnp.float32),
            jax.ShapeDtypeStruct((N_PAD, 32), jnp.float32),
            jax.ShapeDtypeStruct((G, 1), jnp.float32),
        ],
        scratch_shapes=[pltpu.VMEM((G, 1), jnp.float32)],
        name="tc_prep",
    )(degpT, x2, batch3)


def _matstats_body(din, fout, agg_ref, dinv_ref, batch_ref, w_ref,
                   b_ref, z_ref, s1_ref, s2_ref, s1_acc, s2_acc):
    i = pl.program_id(0)
    dinv = dinv_ref[...]
    w = w_ref[...]
    zs = []
    for t in range(2):
        a = agg_ref[:, t * din:(t + 1) * din]
        a = a[:, :w.shape[0]]
        zs.append(lax.dot_general(a, w, (((1,), (0,)), ((), ())),
                                  preferred_element_type=jnp.float32,
                           precision=lax.Precision.HIGHEST))
    z = jnp.concatenate(zs, axis=1) * dinv + b_ref[...]
    z_ref[...] = z
    mT = _onehotT(batch_ref)

    @pl.when(i == 0)
    def _():
        s1_acc[...] = jnp.zeros_like(s1_acc)
        s2_acc[...] = jnp.zeros_like(s2_acc)
    s1_acc[...] += lax.dot_general(mT, z, (((1,), (0,)), ((), ())),
                                   preferred_element_type=jnp.float32,
                           precision=lax.Precision.HIGHEST)
    s2_acc[...] += lax.dot_general(mT, z * z, (((1,), (0,)), ((), ())),
                                   preferred_element_type=jnp.float32,
                           precision=lax.Precision.HIGHEST)

    @pl.when(i == NBLK - 1)
    def _():
        s1_ref[...] = s1_acc[...]
        s2_ref[...] = s2_acc[...]


def _tc_matstats(agg, dinv, batch3, w, b2, din, fout):
    grid = (NBLK,)
    f2 = 2 * fout
    return pl.pallas_call(
        functools.partial(_matstats_body, din, fout),
        grid=grid,
        in_specs=[
            pl.BlockSpec((R, 2 * din), lambda i: (i, 0)),
            pl.BlockSpec((R, 1), lambda i: (i, 0)),
            pl.BlockSpec((1, 1, R), lambda i: (i, 0, 0)),
            pl.BlockSpec(w.shape, lambda i: (0, 0)),
            pl.BlockSpec((1, f2), lambda i: (0, 0)),
        ],
        out_specs=[
            pl.BlockSpec((R, f2), lambda i: (i, 0)),
            pl.BlockSpec((G, f2), lambda i: (0, 0)),
            pl.BlockSpec((G, f2), lambda i: (0, 0)),
        ],
        out_shape=[
            jax.ShapeDtypeStruct((N_PAD, f2), jnp.float32),
            jax.ShapeDtypeStruct((G, f2), jnp.float32),
            jax.ShapeDtypeStruct((G, f2), jnp.float32),
        ],
        scratch_shapes=[pltpu.VMEM((G, f2), jnp.float32),
                        pltpu.VMEM((G, f2), jnp.float32)],
        name=f"tc_matstats_f{fout}",
    )(agg, dinv, batch3, w, b2)


def _norm_body(fout, out_h, out_u, has_res, *refs):
    it = iter(refs)
    z_ref = next(it); s1_ref = next(it); s2_ref = next(it); cnt_ref = next(it)
    dinv_ref = next(it); batch_ref = next(it)
    gw_ref = next(it); gb_ref = next(it); gs_ref = next(it)
    res_ref = next(it) if has_res else None
    h_ref = next(it) if out_h else None
    u_ref = next(it) if out_u else None

    cnt = cnt_ref[...]
    ms = gs_ref[...]
    mean = s1_ref[...] / cnt
    var = s2_ref[...] / cnt - (2.0 - ms) * ms * mean * mean
    rstd = lax.rsqrt(var + EPS)
    mT = _onehotT(batch_ref)
    mrow = lax.dot_general(mT, mean, (((0,), (0,)), ((), ())),
                           preferred_element_type=jnp.float32,
                           precision=lax.Precision.HIGHEST)
    rrow = lax.dot_general(mT, rstd, (((0,), (0,)), ((), ())),
                           preferred_element_type=jnp.float32,
                           precision=lax.Precision.HIGHEST)
    z = z_ref[...]
    h = _gelu((z - mrow * ms) * rrow * gw_ref[...] + gb_ref[...])
    if has_res:
        h = h + res_ref[...]
    if out_h == "final":
        h_ref[:, 0, :] = h[:, :fout]
        h_ref[:, 1, :] = h[:, fout:]
    elif out_h:
        h_ref[...] = h
    if out_u:
        u_ref[...] = h * dinv_ref[...]


def _tc_norm(z, s1, s2, cnt, dinv, batch3, gw2, gb2, gs2, res, fout,
             out_h, out_u):
    grid = (NBLK,)
    f2 = 2 * fout
    in_specs = [
        pl.BlockSpec((R, f2), lambda i: (i, 0)),
        pl.BlockSpec((G, f2), lambda i: (0, 0)),
        pl.BlockSpec((G, f2), lambda i: (0, 0)),
        pl.BlockSpec((G, 1), lambda i: (0, 0)),
        pl.BlockSpec((R, 1), lambda i: (i, 0)),
        pl.BlockSpec((1, 1, R), lambda i: (i, 0, 0)),
        pl.BlockSpec((1, f2), lambda i: (0, 0)),
        pl.BlockSpec((1, f2), lambda i: (0, 0)),
        pl.BlockSpec((1, f2), lambda i: (0, 0)),
    ]
    args = [z, s1, s2, cnt, dinv, batch3, gw2, gb2, gs2]
    if res is not None:
        in_specs.append(pl.BlockSpec((R, f2), lambda i: (i, 0)))
        args.append(res)
    out_specs, out_shape = [], []
    if out_h == "final":
        out_specs.append(pl.BlockSpec((R, 2, fout), lambda i: (i, 0, 0)))
        out_shape.append(jax.ShapeDtypeStruct((N, 2, fout), jnp.float32))
    elif out_h:
        out_specs.append(pl.BlockSpec((R, f2), lambda i: (i, 0)))
        out_shape.append(jax.ShapeDtypeStruct((N_PAD, f2), jnp.float32))
    if out_u:
        out_specs.append(pl.BlockSpec((R, f2), lambda i: (i, 0)))
        out_shape.append(jax.ShapeDtypeStruct((N_PAD, f2), jnp.float32))
    res_out = pl.pallas_call(
        functools.partial(_norm_body, fout, out_h, out_u, res is not None),
        grid=grid,
        in_specs=in_specs,
        out_specs=out_specs,
        out_shape=out_shape,
        name=f"tc_norm_f{fout}",
    )(*args)
    return res_out



def kernel(x, batch, edge_index, W0, b0, W1, b1, W2, b2,
           gn0_w, gn0_b, gn0_s, gn1_w, gn1_b, gn1_s, gn2_w, gn2_b, gn2_s):
    f32 = jnp.float32
    i32 = jnp.int32

    src = edge_index[0].astype(i32)
    dst = edge_index[1].astype(i32)
    epad = E_PAD - E
    src_p = jnp.concatenate([src, jnp.zeros((epad,), i32)])
    dst_p = jnp.concatenate([dst, jnp.full((epad,), N_PAD - 1, i32)])
    srcA = jnp.stack([src_p, src_p + N_PAD]).reshape(2, ECHUNKS, 128)
    dstA = dst_p.reshape(ECHUNKS, 128)

    x2 = jnp.concatenate(
        [x.reshape(N, 2 * C), jnp.zeros((N_PAD - N, 2 * C), f32)])
    batch3 = jnp.concatenate(
        [batch.astype(i32), jnp.full((N_PAD - N,), -1, i32)]
    ).reshape(NBLK, 1, R)

    def two(v):
        return jnp.concatenate([v, v]).reshape(1, -1)

    b0t, b1t, b2t = two(b0), two(b1), two(b2)

    degp = _sc_degree(dstA)
    dinv, u0, cnt = _tc_prep(degp.T, x2, batch3)

    agg0 = _sc_aggregate(u0, srcA, dstA, 16)
    z0, s1, s2 = _tc_matstats(agg0, dinv, batch3, W0, b0t, 16, HID)
    h0, u1 = _tc_norm(z0, s1, s2, cnt, dinv, batch3, two(gn0_w), two(gn0_b),
                      two(gn0_s), None, HID, True, True)

    agg1 = _sc_aggregate(u1, srcA, dstA, HID)
    z1, s1, s2 = _tc_matstats(agg1, dinv, batch3, W1, b1t, HID, HID)
    (u2,) = _tc_norm(z1, s1, s2, cnt, dinv, batch3, two(gn1_w), two(gn1_b),
                     two(gn1_s), h0, HID, False, True)

    agg2 = _sc_aggregate(u2, srcA, dstA, HID)
    z2, s1, s2 = _tc_matstats(agg2, dinv, batch3, W2, b2t, HID, EMB)
    (x_out,) = _tc_norm(z2, s1, s2, cnt, dinv, batch3, two(gn2_w), two(gn2_b),
                        two(gn2_s), None, EMB, "final", False)
    return (x_out, batch, edge_index)

# --- scband reference (transcript-rebuilt; emitter-appended) ---
"""Pipeline reference for scband-graphh-mlp-stem-6305011991075 (READ-ONLY COPY).

The authoritative reference and input builder live on the scoring server;
editing this copy changes nothing except your own understanding.
"""

import jax, jax.numpy as jnp
import numpy as np

N = 50000
T = 2
C = 3
E = 800000
EMB = 128
HID = 32
G = 32


def _gcn(x, src, dst, W, b, n):
    # GCNConv: add self-loops (done by caller via src/dst), symmetric norm, scatter-add
    xw = x @ W
    deg = jnp.zeros((n,), xw.dtype).at[dst].add(1.0)
    dinv = jnp.where(deg > 0, deg ** -0.5, 0.0)
    norm = dinv[src] * dinv[dst]
    msg = xw[src] * norm[:, None]
    out = jnp.zeros((n, W.shape[1]), xw.dtype).at[dst].add(msg)
    return out + b


def _gnorm(x, batch, w, bsh, ms, g, eps=1e-5):
    # PyG GraphNorm: out = w * (x - ms * mean[batch]) / sqrt(var + eps) + bsh
    cnt = jnp.maximum(jnp.zeros((g,), x.dtype).at[batch].add(1.0), 1.0)
    mean = jax.ops.segment_sum(x, batch, num_segments=g) / cnt[:, None]
    out = x - mean[batch] * ms
    var = jax.ops.segment_sum(out * out, batch, num_segments=g) / cnt[:, None]
    std = jnp.sqrt(var + eps)
    return w * out / std[batch] + bsh


def _forward(x, batch, edge_index, params):
    loop = jnp.arange(N, dtype=edge_index.dtype)
    src = jnp.concatenate([edge_index[0], loop])
    dst = jnp.concatenate([edge_index[1], loop])
    outs = []
    for it in range(T):
        h = x[:, it, :]
        for (W, b, gw, gb, gs) in params:
            h_in = h
            h = _gcn(h, src, dst, W, b, N)
            h = _gnorm(h, batch, gw, gb, gs, G)
            h = jax.nn.gelu(h, approximate=False)
            if h.shape == h_in.shape:
                h = h + h_in
        outs.append(h)
    return jnp.stack(outs, axis=1)


def setup_inputs(seed: int = 0) -> dict:
    key = jax.random.key(seed)
    ks = jax.random.split(key, 8)
    x = jax.random.normal(ks[0], (N, T, C), jnp.float32)
    batch = jnp.sort(jax.random.randint(ks[1], (N,), 0, G)).astype(jnp.int32)
    edge_index = jax.random.randint(ks[2], (2, E), 0, N).astype(jnp.int32)

    def lin(k, fi, fo):
        return (jax.random.uniform(k, (fi, fo), jnp.float32, -1.0, 1.0) / np.sqrt(fi)).astype(jnp.float32)

    return {
        "x": x,
        "batch": batch,
        "edge_index": edge_index,
        "W0": lin(ks[3], C, HID), "b0": jnp.zeros((HID,), jnp.float32),
        "W1": lin(ks[4], HID, HID), "b1": jnp.zeros((HID,), jnp.float32),
        "W2": lin(ks[5], HID, EMB), "b2": jnp.zeros((EMB,), jnp.float32),
        "gn0_w": jnp.ones((HID,), jnp.float32), "gn0_b": jnp.zeros((HID,), jnp.float32), "gn0_s": jnp.ones((HID,), jnp.float32),
        "gn1_w": jnp.ones((HID,), jnp.float32), "gn1_b": jnp.zeros((HID,), jnp.float32), "gn1_s": jnp.ones((HID,), jnp.float32),
        "gn2_w": jnp.ones((EMB,), jnp.float32), "gn2_b": jnp.zeros((EMB,), jnp.float32), "gn2_s": jnp.ones((EMB,), jnp.float32),
    }


def reference(x, batch, edge_index, W0, b0, W1, b1, W2, b2,
              gn0_w, gn0_b, gn0_s, gn1_w, gn1_b, gn1_s, gn2_w, gn2_b, gn2_s):
    params = [
        (W0, b0, gn0_w, gn0_b, gn0_s),
        (W1, b1, gn1_w, gn1_b, gn1_s),
        (W2, b2, gn2_w, gn2_b, gn2_s),
    ]
    x_out = _forward(x, batch, edge_index, params)
    return (x_out, batch, edge_index)

if __name__ == "__main__":
    import jax
    _d = setup_inputs()
    print(jax.jit(kernel)(*tuple(_d.values())))

</pallas_src>

<mosaic_0001>
#map = affine_map<(d0, d1) -> (0, 0)>
module attributes {stable_mosaic.version = 14 : i64} {
  func.func @sc_degree(%arg0: i32, %arg1: i32, %arg2: memref<6272x128xi32, #tpu.memory_space<hbm>>, %arg3: memref<32x51200xf32, #tpu.memory_space<hbm>>, %arg4: memref<51200xf32, #tpu.memory_space<vmem>>, %arg5: memref<196x128xi32, #tpu.memory_space<vmem>>) attributes {dimension_semantics = [#tpu.dimension_semantics<core_parallel>, #tpu.dimension_semantics<subcore_parallel>], iteration_bounds = array<i64: 2, 16>, scalar_prefetch = 0 : i64, scratch_operands = 2 : i64, tpu.core_type = #tpu.core_type<sc_vector_subcore>, window_params = [{transform_indices = #map}, {transform_indices = #map}]} {
    %mul3A = arith.constant 2 : i32
    %mul3A_0 = arith.muli %arg1, %mul3A : i32
    %add3A = arith.addi %mul3A_0, %arg0 : i32
    %broadcast_in_dim3A = arith.constant 0.000000e+00 : f32
    %broadcast_in_dim3A_1 = vector.broadcast %broadcast_in_dim3A : f32 to vector<16xf32>
    %broadcast_in_dim3A_2 = arith.constant 1.000000e+00 : f32
    %broadcast_in_dim3A_3 = vector.broadcast %broadcast_in_dim3A_2 : f32 to vector<16xf32>
    %scan3A = arith.constant 0 : i32
    %scan3A_4 = arith.constant 0 : i32
    %scan3A_5 = arith.constant 3200 : i32
    %scan3A_6 = arith.addi %scan3A_4, %scan3A_5 : i32
    %scan3A_7 = arith.constant 1 : i32
    %scan3A_8 = scf.for %scan3A_19 = %scan3A_4 to %scan3A_6 step %scan3A_7 iter_args(%scan3A_20 = %scan3A) -> (i32)  : i32 {
      %mul3A_21 = arith.constant 16 : i32
      %mul3A_22 = arith.muli %scan3A_19, %mul3A_21 : i32
      %swap3A = arith.index_cast %mul3A_22 : i32 to index
      %swap3A_23 = tpu.vector_load %arg4[%swap3A] {strides = array<i32>} : memref<51200xf32, #tpu.memory_space<vmem>>, vector<16xf32>,
      tpu.vector_store %arg4[%swap3A], %broadcast_in_dim3A_1 {strides = array<i32>} : memref<51200xf32, #tpu.memory_space<vmem>>, vector<16xf32>,
      %scan3A_24 = arith.constant 0 : i32
      scf.yield %scan3A_24 : i32
    }
    %scan3A_9 = arith.constant 3200 : i32
    %mul3A_10 = arith.constant 196 : i32
    %mul3A_11 = arith.muli %add3A, %mul3A_10 : i32
    "tpu.region"() ({
      %run_scoped3A = tpu.sem_alloc : memref<!tpu.dma_semaphore, #tpu.memory_space<semaphore_mem>>
      %dma_start3A = arith.constant 0 : i32
      %dma_start3A_19 = tpu.memref_slice %arg2[%mul3A_11, %dma_start3A] : memref<6272x128xi32, #tpu.memory_space<hbm>> -> memref<196x128xi32, #tpu.memory_space<hbm>>
      %dma_start3A_20 = arith.constant 0 : i32
      %dma_start3A_21 = tpu.memref_slice %arg2[%mul3A_11, %dma_start3A_20] : memref<6272x128xi32, #tpu.memory_space<hbm>> -> memref<196x128xi32, #tpu.memory_space<hbm>>
      tpu.enqueue_dma source(%dma_start3A_21 : memref<196x128xi32, #tpu.memory_space<hbm>>) target(%arg5 : memref<196x128xi32, #tpu.memory_space<vmem>>) target_semaphore(%run_scoped3A : memref<!tpu.dma_semaphore, #tpu.memory_space<semaphore_mem>>)
      %dma_wait3A = arith.constant 0 : i32
      %dma_wait3A_22 = tpu.memref_slice %arg2[%mul3A_11, %dma_wait3A] : memref<6272x128xi32, #tpu.memory_space<hbm>> -> memref<196x128xi32, #tpu.memory_space<hbm>>
      %dma_wait3A_23 = arith.constant 0 : i32
      %dma_wait3A_24 = tpu.memref_slice %arg2[%mul3A_11, %dma_wait3A_23] : memref<6272x128xi32, #tpu.memory_space<hbm>> -> memref<196x128xi32, #tpu.memory_space<hbm>>
      tpu.wait_dma2 semaphore(%run_scoped3A : memref<!tpu.dma_semaphore, #tpu.memory_space<semaphore_mem>>) src(%dma_wait3A_24 : memref<196x128xi32, #tpu.memory_space<hbm>>) dst(%arg5 : memref<196x128xi32, #tpu.memory_space<vmem>>)
      tpu.yield
    }) : () -> ()
    %scan3A_12 = arith.constant 0 : i32
    %scan3A_13 = arith.constant 0 : i32
    %scan3A_14 = arith.constant 196 : i32
    %scan3A_15 = arith.addi %scan3A_13, %scan3A_14 : i32
    %scan3A_16 = arith.constant 1 : i32
    %scan3A_17 = scf.for %scan3A_19 = %scan3A_13 to %scan3A_15 step %scan3A_16 iter_args(%scan3A_20 = %scan3A_12) -> (i32)  : i32 {
      %get3A = arith.index_cast %scan3A_19 : i32 to index
      %get3A_21 = arith.constant 0 : index
      %get3A_22 = tpu.vector_load %arg5[%get3A, %get3A_21] {strides = array<i32>} : memref<196x128xi32, #tpu.memory_space<vmem>>, vector<16xi32>,
      tpu.vector_store_idx %arg4[%get3A_22], %broadcast_in_dim3A_3 {add = true} : memref<51200xf32, #tpu.memory_space<vmem>>[vector<16xi32>], vector<16xf32>,
      %get3A_23 = arith.index_cast %scan3A_19 : i32 to index
      %get3A_24 = arith.constant 16 : index
      %get3A_25 = tpu.vector_load %arg5[%get3A_23, %get3A_24] {strides = array<i32>} : memref<196x128xi32, #tpu.memory_space<vmem>>, vector<16xi32>,
      tpu.vector_store_idx %arg4[%get3A_25], %broadcast_in_dim3A_3 {add = true} : memref<51200xf32, #tpu.memory_space<vmem>>[vector<16xi32>], vector<16xf32>,
      %get3A_26 = arith.index_cast %scan3A_19 : i32 to index
      %get3A_27 = arith.constant 32 : index
      %get3A_28 = tpu.vector_load %arg5[%get3A_26, %get3A_27] {strides = array<i32>} : memref<196x128xi32, #tpu.memory_space<vmem>>, vector<16xi32>,
      tpu.vector_store_idx %arg4[%get3A_28], %broadcast_in_dim3A_3 {add = true} : memref<51200xf32, #tpu.memory_space<vmem>>[vector<16xi32>], vector<16xf32>,
      %get3A_29 = arith.index_cast %scan3A_19 : i32 to index
      %get3A_30 = arith.constant 48 : index
      %get3A_31 = tpu.vector_load %arg5[%get3A_29, %get3A_30] {strides = array<i32>} : memref<196x128xi32, #tpu.memory_space<vmem>>, vector<16xi32>,
      tpu.vector_store_idx %arg4[%get3A_31], %broadcast_in_dim3A_3 {add = true} : memref<51200xf32, #tpu.memory_space<vmem>>[vector<16xi32>], vector<16xf32>,
      %get3A_32 = arith.index_cast %scan3A_19 : i32 to index
      %get3A_33 = arith.constant 64 : index
      %get3A_34 = tpu.vector_load %arg5[%get3A_32, %get3A_33] {strides = array<i32>} : memref<196x128xi32, #tpu.memory_space<vmem>>, vector<16xi32>,
      tpu.vector_store_idx %arg4[%get3A_34], %broadcast_in_dim3A_3 {add = true} : memref<51200xf32, #tpu.memory_space<vmem>>[vector<16xi32>], vector<16xf32>,
      %get3A_35 = arith.index_cast %scan3A_19 : i32 to index
      %get3A_36 = arith.constant 80 : index
      %get3A_37 = tpu.vector_load %arg5[%get3A_35, %get3A_36] {strides = array<i32>} : memref<196x128xi32, #tpu.memory_space<vmem>>, vector<16xi32>,
      tpu.vector_store_idx %arg4[%get3A_37], %broadcast_in_dim3A_3 {add = true} : memref<51200xf32, #tpu.memory_space<vmem>>[vector<16xi32>], vector<16xf32>,
      %get3A_38 = arith.index_cast %scan3A_19 : i32 to index
      %get3A_39 = arith.constant 96 : index
      %get3A_40 = tpu.vector_load %arg5[%get3A_38, %get3A_39] {strides = array<i32>} : memref<196x128xi32, #tpu.memory_space<vmem>>, vector<16xi32>,
      tpu.vector_store_idx %arg4[%get3A_40], %broadcast_in_dim3A_3 {add = true} : memref<51200xf32, #tpu.memory_space<vmem>>[vector<16xi32>], vector<16xf32>,
      %get3A_41 = arith.index_cast %scan3A_19 : i32 to index
      %get3A_42 = arith.constant 112 : index
      %get3A_43 = tpu.vector_load %arg5[%get3A_41, %get3A_42] {strides = array<i32>} : memref<196x128xi32, #tpu.memory_space<vmem>>, vector<16xi32>,
      tpu.vector_store_idx %arg4[%get3A_43], %broadcast_in_dim3A_3 {add = true} : memref<51200xf32, #tpu.memory_space<vmem>>[vector<16xi32>], vector<16xf32>,
      %scan3A_44 = arith.constant 0 : i32
      scf.yield %scan3A_44 : i32
    }
    %scan3A_18 = arith.constant 196 : i32
    "tpu.region"() ({
      %run_scoped3A = tpu.sem_alloc : memref<!tpu.dma_semaphore, #tpu.memory_space<semaphore_mem>>
      %dma_start3A = arith.constant 0 : i32
      %dma_start3A_19 = tpu.memref_slice %arg3[%add3A, %dma_start3A] : memref<32x51200xf32, #tpu.memory_space<hbm>> -> memref<1x51200xf32, #tpu.memory_space<hbm>>
      %dma_start3A_20 = tpu.memref_squeeze %dma_start3A_19 : memref<1x51200xf32, #tpu.memory_space<hbm>> -> memref<51200xf32, #tpu.memory_space<hbm>>
      %dma_start3A_21 = arith.constant 0 : i32
      %dma_start3A_22 = tpu.memref_slice %arg3[%add3A, %dma_start3A_21] : memref<32x51200xf32, #tpu.memory_space<hbm>> -> memref<1x51200xf32, #tpu.memory_space<hbm>>
      %dma_start3A_23 = tpu.memref_squeeze %dma_start3A_22 : memref<1x51200xf32, #tpu.memory_space<hbm>> -> memref<51200xf32, #tpu.memory_space<hbm>>
      tpu.enqueue_dma source(%arg4 : memref<51200xf32, #tpu.memory_space<vmem>>) target(%dma_start3A_23 : memref<51200xf32, #tpu.memory_space<hbm>>) target_semaphore(%run_scoped3A : memref<!tpu.dma_semaphore, #tpu.memory_space<semaphore_mem>>)
      %dma_wait3A = arith.constant 0 : i32
      %dma_wait3A_24 = tpu.memref_slice %arg3[%add3A, %dma_wait3A] : memref<32x51200xf32, #tpu.memory_space<hbm>> -> memref<1x51200xf32, #tpu.memory_space<hbm>>
      %dma_wait3A_25 = tpu.memref_squeeze %dma_wait3A_24 : memref<1x51200xf32, #tpu.memory_space<hbm>> -> memref<51200xf32, #tpu.memory_space<hbm>>
      %dma_wait3A_26 = arith.constant 0 : i32
      %dma_wait3A_27 = tpu.memref_slice %arg3[%add3A, %dma_wait3A_26] : memref<32x51200xf32, #tpu.memory_space<hbm>> -> memref<1x51200xf32, #tpu.memory_space<hbm>>
      %dma_wait3A_28 = tpu.memref_squeeze %dma_wait3A_27 : memref<1x51200xf32, #tpu.memory_space<hbm>> -> memref<51200xf32, #tpu.memory_space<hbm>>
      tpu.wait_dma2 semaphore(%run_scoped3A : memref<!tpu.dma_semaphore, #tpu.memory_space<semaphore_mem>>) src(%arg4 : memref<51200xf32, #tpu.memory_space<vmem>>) dst(%dma_wait3A_28 : memref<51200xf32, #tpu.memory_space<hbm>>)
      tpu.yield
    }) : () -> ()
    return
  }
}

#map = affine_map<(d0, d1) -> (0, 0)>
#map1 = affine_map<(d0, d1) -> (0, 0, 0)>
module attributes {stable_mosaic.version = 14 : i64} {
  func.func @sc_aggregate_d32(%arg0: i32, %arg1: i32, %arg2: memref<102400x32xf32, #tpu.memory_space<hbm>>, %arg3: memref<2x6272x128xi32, #tpu.memory_space<hbm>>, %arg4: memref<6272x128xi32, #tpu.memory_space<hbm>>, %arg5: memref<2x51200x32xf32, #tpu.memory_space<hbm>>, %arg6: memref<51200x32xf32, #tpu.memory_space<vmem_shared>>, %arg7: memref<28x128xi32, #tpu.memory_space<vmem>>, %arg8: memref<28x128xi32, #tpu.memory_space<vmem>>, %arg9: memref<2x128x32xf32, #tpu.memory_space<vmem>>, %arg10: memref<2x128x32xf32, #tpu.memory_space<vmem>>, %arg11: memref<!tpu.dma_semaphore, #tpu.memory_space<semaphore_mem>>, %arg12: memref<!tpu.dma_semaphore, #tpu.memory_space<semaphore_mem>>) attributes {dimension_semantics = [#tpu.dimension_semantics<core_parallel>, #tpu.dimension_semantics<subcore_parallel>], iteration_bounds = array<i64: 2, 16>, scalar_prefetch = 0 : i64, scratch_operands = 7 : i64, tpu.core_type = #tpu.core_type<sc_vector_subcore>, window_params = [{transform_indices = #map}, {transform_indices = #map1}, {transform_indices = #map}, {transform_indices = #map1}]} {
    %mul3A = arith.constant 3200 : i32
    %mul3A_0 = arith.muli %arg1, %mul3A : i32
    %mul3A_1 = arith.constant 51200 : i32
    %mul3A_2 = arith.muli %arg0, %mul3A_1 : i32
    %mul3A_3 = arith.constant 3200 : i32
    %mul3A_4 = arith.muli %arg1, %mul3A_3 : i32
    %add3A = arith.addi %mul3A_2, %mul3A_4 : i32
    "tpu.region"() ({
      %run_scoped3A = tpu.sem_alloc : memref<!tpu.dma_semaphore, #tpu.memory_space<semaphore_mem>>
      %dma_start3A = arith.constant 0 : i32
      %dma_start3A_14 = tpu.memref_slice %arg6[%mul3A_0, %dma_start3A] : memref<51200x32xf32, #tpu.memory_space<vmem_shared>> -> memref<3200x32xf32, #tpu.memory_space<vmem_shared>>
      %dma_start3A_15 = arith.constant 0 : i32
      %dma_start3A_16 = tpu.memref_slice %arg2[%add3A, %dma_start3A_15] : memref<102400x32xf32, #tpu.memory_space<hbm>> -> memref<3200x32xf32, #tpu.memory_space<hbm>>
      tpu.enqueue_dma source(%dma_start3A_16 : memref<3200x32xf32, #tpu.memory_space<hbm>>) target(%dma_start3A_14 : memref<3200x32xf32, #tpu.memory_space<vmem_shared>>) target_semaphore(%run_scoped3A : memref<!tpu.dma_semaphore, #tpu.memory_space<semaphore_mem>>)
      %dma_wait3A = arith.constant 0 : i32
      %dma_wait3A_17 = tpu.memref_slice %arg6[%mul3A_0, %dma_wait3A] : memref<51200x32xf32, #tpu.memory_space<vmem_shared>> -> memref<3200x32xf32, #tpu.memory_space<vmem_shared>>
      %dma_wait3A_18 = arith.constant 0 : i32
      %dma_wait3A_19 = tpu.memref_slice %arg2[%add3A, %dma_wait3A_18] : memref<102400x32xf32, #tpu.memory_space<hbm>> -> memref<3200x32xf32, #tpu.memory_space<hbm>>
      tpu.wait_dma2 semaphore(%run_scoped3A : memref<!tpu.dma_semaphore, #tpu.memory_space<semaphore_mem>>) src(%dma_wait3A_19 : memref<3200x32xf32, #tpu.memory_space<hbm>>) dst(%dma_wait3A_17 : memref<3200x32xf32, #tpu.memory_space<vmem_shared>>)
      tpu.yield
    }) : () -> ()
    %barrier3A = arith.constant 0 : index
    tpu.barrier barrier_id(%barrier3A)
    %mul3A_5 = arith.constant 392 : i32
    %mul3A_6 = arith.muli %arg1, %mul3A_5 : i32
    %scan3A = arith.constant 0 : i32
    %scan3A_7 = arith.constant 0 : i32
    %scan3A_8 = arith.constant 14 : i32
    %scan3A_9 = arith.addi %scan3A_7, %scan3A_8 : i32
    %scan3A_10 = arith.constant 1 : i32
    %scan3A_11 = scf.for %scan3A_14 = %scan3A_7 to %scan3A_9 step %scan3A_10 iter_args(%scan3A_15 = %scan3A) -> (i32)  : i32 {
      %mul3A_16 = arith.constant 28 : i32
      %mul3A_17 = arith.muli %scan3A_14, %mul3A_16 : i32
      %add3A_18 = arith.addi %mul3A_6, %mul3A_17 : i32
      "tpu.region"() ({
        %run_scoped3A = tpu.sem_alloc : memref<!tpu.dma_semaphore, #tpu.memory_space<semaphore_mem>>
        %dma_start3A_77 = arith.constant 0 : i32
        %dma_start3A_78 = tpu.memref_slice %arg3[%arg0, %add3A_18, %dma_start3A_77] : memref<2x6272x128xi32, #tpu.memory_space<hbm>> -> memref<1x28x128xi32, #tpu.memory_space<hbm>>
        %dma_start3A_79 = tpu.memref_squeeze %dma_start3A_78 : memref<1x28x128xi32, #tpu.memory_space<hbm>> -> memref<28x128xi32, #tpu.memory_space<hbm>>
        %dma_start3A_80 = arith.constant 0 : i32
        %dma_start3A_81 = tpu.memref_slice %arg3[%arg0, %add3A_18, %dma_start3A_80] : memref<2x6272x128xi32, #tpu.memory_space<hbm>> -> memref<1x28x128xi32, #tpu.memory_space<hbm>>
        %dma_start3A_82 = tpu.memref_squeeze %dma_start3A_81 : memref<1x28x128xi32, #tpu.memory_space<hbm>> -> memref<28x128xi32, #tpu.memory_space<hbm>>
        tpu.enqueue_dma source(%dma_start3A_82 : memref<28x128xi32, #tpu.memory_space<hbm>>) target(%arg7 : memref<28x128xi32, #tpu.memory_space<vmem>>) target_semaphore(%run_scoped3A : memref<!tpu.dma_semaphore, #tpu.memory_space<semaphore_mem>>)
        %dma_wait3A = arith.constant 0 : i32
        %dma_wait3A_83 = tpu.memref_slice %arg3[%arg0, %add3A_18, %dma_wait3A] : memref<2x6272x128xi32, #tpu.memory_space<hbm>> -> memref<1x28x128xi32, #tpu.memory_space<hbm>>
        %dma_wait3A_84 = tpu.memref_squeeze %dma_wait3A_83 : memref<1x28x128xi32, #tpu.memory_space<hbm>> -> memref<28x128xi32, #tpu.memory_space<hbm>>
        %dma_wait3A_85 = arith.constant 0 : i32
        %dma_wait3A_86 = tpu.memref_slice %arg3[%arg0, %add3A_18, %dma_wait3A_85] : memref<2x6272x128xi32, #tpu.memory_space<hbm>> -> memref<1x28x128xi32, #tpu.memory_space<hbm>>
        %dma_wait3A_87 = tpu.memref_squeeze %dma_wait3A_86 : memref<1x28x128xi32, #tpu.memory_space<hbm>> -> memref<28x128xi32, #tpu.memory_space<hbm>>
        tpu.wait_dma2 semaphore(%run_scoped3A : memref<!tpu.dma_semaphore, #tpu.memory_space<semaphore_mem>>) src(%dma_wait3A_87 : memref<28x128xi32, #tpu.memory_space<hbm>>) dst(%arg7 : memref<28x128xi32, #tpu.memory_space<vmem>>)
        tpu.yield
      }) : () -> ()
      %mul3A_19 = arith.constant 28 : i32
      %mul3A_20 = arith.muli %scan3A_14, %mul3A_19 : i32
      %add3A_21 = arith.addi %mul3A_6, %mul3A_20 : i32
      "tpu.region"() ({
        %run_scoped3A = tpu.sem_alloc : memref<!tpu.dma_semaphore, #tpu.memory_space<semaphore_mem>>
        %dma_start3A_77 = arith.constant 0 : i32
        %dma_start3A_78 = tpu.memref_slice %arg4[%add3A_21, %dma_start3A_77] : memref<6272x128xi32, #tpu.memory_space<hbm>> -> memref<28x128xi32, #tpu.memory_space<hbm>>
        %dma_start3A_79 = arith.constant 0 : i32
        %dma_start3A_80 = tpu.memref_slice %arg4[%add3A_21, %dma_start3A_79] : memref<6272x128xi32, #tpu.memory_space<hbm>> -> memref<28x128xi32, #tpu.memory_space<hbm>>
        tpu.enqueue_dma source(%dma_start3A_80 : memref<28x128xi32, #tpu.memory_space<hbm>>) target(%arg8 : memref<28x128xi32, #tpu.memory_space<vmem>>) target_semaphore(%run_scoped3A : memref<!tpu.dma_semaphore, #tpu.memory_space<semaphore_mem>>)
        %dma_wait3A = arith.constant 0 : i32
        %dma_wait3A_81 = tpu.memref_slice %arg4[%add3A_21, %dma_wait3A] : memref<6272x128xi32, #tpu.memory_space<hbm>> -> memref<28x128xi32, #tpu.memory_space<hbm>>
        %dma_wait3A_82 = arith.constant 0 : i32
        %dma_wait3A_83 = tpu.memref_slice %arg4[%add3A_21, %dma_wait3A_82] : memref<6272x128xi32, #tpu.memory_space<hbm>> -> memref<28x128xi32, #tpu.memory_space<hbm>>
        tpu.wait_dma2 semaphore(%run_scoped3A : memref<!tpu.dma_semaphore, #tpu.memory_space<semaphore_mem>>) src(%dma_wait3A_83 : memref<28x128xi32, #tpu.memory_space<hbm>>) dst(%arg8 : memref<28x128xi32, #tpu.memory_space<vmem>>)
        tpu.yield
      }) : () -> ()
      %dma_start3A = arith.constant 0 : i32
      %dma_start3A_22 = arith.constant 0 : i32
      %dma_start3A_23 = arith.constant 0 : i32
      %dma_start3A_24 = arith.constant 0 : i32
      %dma_start3A_25 = tpu.memref_slice %arg9[%dma_start3A_22, %dma_start3A_23, %dma_start3A_24] : memref<2x128x32xf32, #tpu.memory_space<vmem>> -> memref<1x128x32xf32, #tpu.memory_space<vmem>>
      %dma_start3A_26 = tpu.memref_squeeze %dma_start3A_25 : memref<1x128x32xf32, #tpu.memory_space<vmem>> -> memref<128x32xf32, #tpu.memory_space<vmem>>
      %dma_start3A_27 = arith.constant 0 : i32
      %dma_start3A_28 = tpu.memref_slice %arg7[%dma_start3A, %dma_start3A_27] : memref<28x128xi32, #tpu.memory_space<vmem>> -> memref<1x128xi32, #tpu.memory_space<vmem>>
      %dma_start3A_29 = tpu.memref_squeeze %dma_start3A_28 : memref<1x128xi32, #tpu.memory_space<vmem>> -> memref<128xi32, #tpu.memory_space<vmem>>
      %dma_start3A_30 = arith.constant 0 : i32
      %dma_start3A_31 = arith.constant 0 : i32
      %dma_start3A_32 = tpu.memref_slice %arg2[%dma_start3A_30, %dma_start3A_31] : memref<102400x32xf32, #tpu.memory_space<hbm>> -> memref<102400x32xf32, #tpu.memory_space<hbm>>
      tpu.enqueue_indirect_dma source(%dma_start3A_32 : memref<102400x32xf32, #tpu.memory_space<hbm>>) target(%dma_start3A_26 : memref<128x32xf32, #tpu.memory_space<vmem>>) offsets(%dma_start3A_29 : memref<128xi32, #tpu.memory_space<vmem>>) semaphore(%arg11 : memref<!tpu.dma_semaphore, #tpu.memory_space<semaphore_mem>>)
      %dma_start3A_33 = arith.constant 1 : i32
      %dma_start3A_34 = arith.constant 1 : i32
      %dma_start3A_35 = arith.constant 0 : i32
      %dma_start3A_36 = arith.constant 0 : i32
      %dma_start3A_37 = tpu.memref_slice %arg9[%dma_start3A_34, %dma_start3A_35, %dma_start3A_36] : memref<2x128x32xf32, #tpu.memory_space<vmem>> -> memref<1x128x32xf32, #tpu.memory_space<vmem>>
      %dma_start3A_38 = tpu.memref_squeeze %dma_start3A_37 : memref<1x128x32xf32, #tpu.memory_space<vmem>> -> memref<128x32xf32, #tpu.memory_space<vmem>>
      %dma_start3A_39 = arith.constant 0 : i32
      %dma_start3A_40 = tpu.memref_slice %arg7[%dma_start3A_33, %dma_start3A_39] : memref<28x128xi32, #tpu.memory_space<vmem>> -> memref<1x128xi32, #tpu.memory_space<vmem>>
      %dma_start3A_41 = tpu.memref_squeeze %dma_start3A_40 : memref<1x128xi32, #tpu.memory_space<vmem>> -> memref<128xi32, #tpu.memory_space<vmem>>
      %dma_start3A_42 = arith.constant 0 : i32
      %dma_start3A_43 = arith.constant 0 : i32
      %dma_start3A_44 = tpu.memref_slice %arg2[%dma_start3A_42, %dma_start3A_43] : memref<102400x32xf32, #tpu.memory_space<hbm>> -> memref<102400x32xf32, #tpu.memory_space<hbm>>
      tpu.enqueue_indirect_dma source(%dma_start3A_44 : memref<102400x32xf32, #tpu.memory_space<hbm>>) target(%dma_start3A_38 : memref<128x32xf32, #tpu.memory_space<vmem>>) offsets(%dma_start3A_41 : memref<128xi32, #tpu.memory_space<vmem>>) semaphore(%arg11 : memref<!tpu.dma_semaphore, #tpu.memory_space<semaphore_mem>>)
      %dma_start3A_45 = arith.constant 2 : i32
      %dma_start3A_46 = arith.constant 0 : i32
      %dma_start3A_47 = arith.constant 0 : i32
      %dma_start3A_48 = arith.constant 0 : i32
      %dma_start3A_49 = tpu.memref_slice %arg10[%dma_start3A_46, %dma_start3A_47, %dma_start3A_48] : memref<2x128x32xf32, #tpu.memory_space<vmem>> -> memref<1x128x32xf32, #tpu.memory_space<vmem>>
      %dma_start3A_50 = tpu.memref_squeeze %dma_start3A_49 : memref<1x128x32xf32, #tpu.memory_space<vmem>> -> memref<128x32xf32, #tpu.memory_space<vmem>>
      %dma_start3A_51 = arith.constant 0 : i32
      %dma_start3A_52 = tpu.memref_slice %arg7[%dma_start3A_45, %dma_start3A_51] : memref<28x128xi32, #tpu.memory_space<vmem>> -> memref<1x128xi32, #tpu.memory_space<vmem>>
      %dma_start3A_53 = tpu.memref_squeeze %dma_start3A_52 : memref<1x128xi32, #tpu.memory_space<vmem>> -> memref<128xi32, #tpu.memory_space<vmem>>
      %dma_start3A_54 = arith.constant 0 : i32
      %dma_start3A_55 = arith.constant 0 : i32
      %dma_start3A_56 = tpu.memref_slice %arg2[%dma_start3A_54, %dma_start3A_55] : memref<102400x32xf32, #tpu.memory_space<hbm>> -> memref<102400x32xf32, #tpu.memory_space<hbm>>
      tpu.enqueue_indirect_dma source(%dma_start3A_56 : memref<102400x32xf32, #tpu.memory_space<hbm>>) target(%dma_start3A_50 : memref<128x32xf32, #tpu.memory_space<vmem>>) offsets(%dma_start3A_53 : memref<128xi32, #tpu.memory_space<vmem>>) semaphore(%arg12 : memref<!tpu.dma_semaphore, #tpu.memory_space<semaphore_mem>>)
      %dma_start3A_57 = arith.constant 3 : i32
      %dma_start3A_58 = arith.constant 1 : i32
      %dma_start3A_59 = arith.constant 0 : i32
      %dma_start3A_60 = arith.constant 0 : i32
      %dma_start3A_61 = tpu.memref_slice %arg10[%dma_start3A_58, %dma_start3A_59, %dma_start3A_60] : memref<2x128x32xf32, #tpu.memory_space<vmem>> -> memref<1x128x32xf32, #tpu.memory_space<vmem>>
      %dma_start3A_62 = tpu.memref_squeeze %dma_start3A_61 : memref<1x128x32xf32, #tpu.memory_space<vmem>> -> memref<128x32xf32, #tpu.memory_space<vmem>>
      %dma_start3A_63 = arith.constant 0 : i32
      %dma_start3A_64 = tpu.memref_slice %arg7[%dma_start3A_57, %dma_start3A_63] : memref<28x128xi32, #tpu.memory_space<vmem>> -> memref<1x128xi32, #tpu.memory_space<vmem>>
      %dma_start3A_65 = tpu.memref_squeeze %dma_start3A_64 : memref<1x128xi32, #tpu.memory_space<vmem>> -> memref<128xi32, #tpu.memory_space<vmem>>
      %dma_start3A_66 = arith.constant 0 : i32
      %dma_start3A_67 = arith.constant 0 : i32
      %dma_start3A_68 = tpu.memref_slice %arg2[%dma_start3A_66, %dma_start3A_67] : memref<102400x32xf32, #tpu.memory_space<hbm>> -> memref<102400x32xf32, #tpu.memory_space<hbm>>
      tpu.enqueue_indirect_dma source(%dma_start3A_68 : memref<102400x32xf32, #tpu.memory_space<hbm>>) target(%dma_start3A_62 : memref<128x32xf32, #tpu.memory_space<vmem>>) offsets(%dma_start3A_65 : memref<128xi32, #tpu.memory_space<vmem>>) semaphore(%arg12 : memref<!tpu.dma_semaphore, #tpu.memory_space<semaphore_mem>>)
      %scan3A_69 = arith.constant 0 : i32
      %scan3A_70 = arith.constant 0 : i32
      %scan3A_71 = arith.constant 7 : i32
      %scan3A_72 = arith.addi %scan3A_70, %scan3A_71 : i32
      %scan3A_73 = arith.constant 1 : i32
      %scan3A_74 = scf.for %scan3A_77 = %scan3A_70 to %scan3A_72 step %scan3A_73 iter_args(%scan3A_78 = %scan3A_69) -> (i32)  : i32 {
        %mul3A_79 = arith.constant 2 : i32
        %mul3A_80 = arith.muli %mul3A_79, %scan3A_77 : i32
        %dma_wait3A = arith.constant 0 : i32
        %dma_wait3A_81 = arith.constant 0 : i32
        %dma_wait3A_82 = arith.constant 0 : i32
        %dma_wait3A_83 = tpu.memref_slice %arg9[%dma_wait3A, %dma_wait3A_81, %dma_wait3A_82] : memref<2x128x32xf32, #tpu.memory_space<vmem>> -> memref<1x128x32xf32, #tpu.memory_space<vmem>>
        %dma_wait3A_84 = tpu.memref_squeeze %dma_wait3A_83 : memref<1x128x32xf32, #tpu.memory_space<vmem>> -> memref<128x32xf32, #tpu.memory_space<vmem>>
        %dma_wait3A_85 = arith.constant 0 : i32
        %dma_wait3A_86 = arith.constant 0 : i32
        %dma_wait3A_87 = tpu.memref_slice %arg2[%dma_wait3A_85, %dma_wait3A_86] : memref<102400x32xf32, #tpu.memory_space<hbm>> -> memref<128x32xf32, #tpu.memory_space<hbm>>
        %dma_wait3A_88 = arith.constant 0 : i32
        %dma_wait3A_89 = arith.constant 0 : i32
        %dma_wait3A_90 = tpu.memref_slice %arg9[%dma_wait3A, %dma_wait3A_88, %dma_wait3A_89] : memref<2x128x32xf32, #tpu.memory_space<vmem>> -> memref<1x128x32xf32, #tpu.memory_space<vmem>>
        %dma_wait3A_91 = tpu.memref_squeeze %dma_wait3A_90 : memref<1x128x32xf32, #tpu.memory_space<vmem>> -> memref<128x32xf32, #tpu.memory_space<vmem>>
        %dma_wait3A_92 = arith.constant 0 : i32
        %dma_wait3A_93 = arith.constant 0 : i32
        %dma_wait3A_94 = tpu.memref_slice %arg2[%dma_wait3A_92, %dma_wait3A_93] : memref<102400x32xf32, #tpu.memory_space<hbm>> -> memref<128x32xf32, #tpu.memory_space<hbm>>
        tpu.wait_dma2 semaphore(%arg11 : memref<!tpu.dma_semaphore, #tpu.memory_space<semaphore_mem>>) src(%dma_wait3A_94 : memref<128x32xf32, #tpu.memory_space<hbm>>) dst(%dma_wait3A_91 : memref<128x32xf32, #tpu.memory_space<vmem>>)
        %dma_wait3A_95 = arith.constant 1 : i32
        %dma_wait3A_96 = arith.constant 0 : i32
        %dma_wait3A_97 = arith.constant 0 : i32
        %dma_wait3A_98 = tpu.memref_slice %arg9[%dma_wait3A_95, %dma_wait3A_96, %dma_wait3A_97] : memref<2x128x32xf32, #tpu.memory_space<vmem>> -> memref<1x128x32xf32, #tpu.memory_space<vmem>>
        %dma_wait3A_99 = tpu.memref_squeeze %dma_wait3A_98 : memref<1x128x32xf32, #tpu.memory_space<vmem>> -> memref<128x32xf32, #tpu.memory_space<vmem>>
        %dma_wait3A_100 = arith.constant 0 : i32
        %dma_wait3A_101 = arith.constant 0 : i32
        %dma_wait3A_102 = tpu.memref_slice %arg2[%dma_wait3A_100, %dma_wait3A_101] : memref<102400x32xf32, #tpu.memory_space<hbm>> -> memref<128x32xf32, #tpu.memory_space<hbm>>
        %dma_wait3A_103 = arith.constant 0 : i32
        %dma_wait3A_104 = arith.constant 0 : i32
        %dma_wait3A_105 = tpu.memref_slice %arg9[%dma_wait3A_95, %dma_wait3A_103, %dma_wait3A_104] : memref<2x128x32xf32, #tpu.memory_space<vmem>> -> memref<1x128x32xf32, #tpu.memory_space<vmem>>
        %dma_wait3A_106 = tpu.memref_squeeze %dma_wait3A_105 : memref<1x128x32xf32, #tpu.memory_space<vmem>> -> memref<128x32xf32, #tpu.memory_space<vmem>>
        %dma_wait3A_107 = arith.constant 0 : i32
        %dma_wait3A_108 = arith.constant 0 : i32
        %dma_wait3A_109 = tpu.memref_slice %arg2[%dma_wait3A_107, %dma_wait3A_108] : memref<102400x32xf32, #tpu.memory_space<hbm>> -> memref<128x32xf32, #tpu.memory_space<hbm>>
        tpu.wait_dma2 semaphore(%arg11 : memref<!tpu.dma_semaphore, #tpu.memory_space<semaphore_mem>>) src(%dma_wait3A_109 : memref<128x32xf32, #tpu.memory_space<hbm>>) dst(%dma_wait3A_106 : memref<128x32xf32, #tpu.memory_space<vmem>>)
        %mul3A_110 = arith.constant 2 : i32
        %mul3A_111 = arith.muli %mul3A_80, %mul3A_110 : i32
        %add3A_112 = arith.constant 0 : i32
        %add3A_113 = arith.addi %mul3A_111, %add3A_112 : i32
        %run_scoped3A = arith.constant 0 : i32
        "tpu.region"() ({
          %run_scoped3A_179 = tpu.sem_alloc : memref<!tpu.dma_semaphore, #tpu.memory_space<semaphore_mem>>
          %dma_start3A_180 = arith.constant 0 : i32
          %dma_start3A_181 = arith.constant 0 : i32
          %dma_start3A_182 = tpu.memref_slice %arg9[%run_scoped3A, %dma_start3A_180, %dma_start3A_181] : memref<2x128x32xf32, #tpu.memory_space<vmem>> -> memref<1x128x32xf32, #tpu.memory_space<vmem>>
          %dma_start3A_183 = tpu.memref_squeeze %dma_start3A_182 : memref<1x128x32xf32, #tpu.memory_space<vmem>> -> memref<128x32xf32, #tpu.memory_space<vmem>>
          %dma_start3A_184 = arith.constant 0 : i32
          %dma_start3A_185 = tpu.memref_slice %arg8[%add3A_113, %dma_start3A_184] : memref<28x128xi32, #tpu.memory_space<vmem>> -> memref<1x128xi32, #tpu.memory_space<vmem>>
          %dma_start3A_186 = tpu.memref_squeeze %dma_start3A_185 : memref<1x128xi32, #tpu.memory_space<vmem>> -> memref<128xi32, #tpu.memory_space<vmem>>
          %dma_start3A_187 = arith.constant 0 : i32
          %dma_start3A_188 = arith.constant 0 : i32
          %dma_start3A_189 = tpu.memref_slice %arg6[%dma_start3A_187, %dma_start3A_188] : memref<51200x32xf32, #tpu.memory_space<vmem_shared>> -> memref<51200x32xf32, #tpu.memory_space<vmem_shared>>
          tpu.enqueue_indirect_dma source(%dma_start3A_183 : memref<128x32xf32, #tpu.memory_space<vmem>>) target(%dma_start3A_189 : memref<51200x32xf32, #tpu.memory_space<vmem_shared>>) offsets(%dma_start3A_186 : memref<128xi32, #tpu.memory_space<vmem>>) semaphore(%run_scoped3A_179 : memref<!tpu.dma_semaphore, #tpu.memory_space<semaphore_mem>>) {add = true}
          %dma_wait3A_190 = arith.constant 0 : i32
          %dma_wait3A_191 = arith.constant 0 : i32
          %dma_wait3A_192 = tpu.memref_slice %arg9[%run_scoped3A, %dma_wait3A_190, %dma_wait3A_191] : memref<2x128x32xf32, #tpu.memory_space<vmem>> -> memref<1x128x32xf32, #tpu.memory_space<vmem>>
          %dma_wait3A_193 = tpu.memref_squeeze %dma_wait3A_192 : memref<1x128x32xf32, #tpu.memory_space<vmem>> -> memref<128x32xf32, #tpu.memory_space<vmem>>
          %dma_wait3A_194 = arith.constant 0 : i32
          %dma_wait3A_195 = tpu.memref_slice %arg8[%add3A_113, %dma_wait3A_194] : memref<28x128xi32, #tpu.memory_space<vmem>> -> memref<1x128xi32, #tpu.memory_space<vmem>>
          %dma_wait3A_196 = tpu.memref_squeeze %dma_wait3A_195 : memref<1x128xi32, #tpu.memory_space<vmem>> -> memref<128xi32, #tpu.memory_space<vmem>>
          %dma_wait3A_197 = arith.constant 0 : i32
          %dma_wait3A_198 = arith.constant 0 : i32
          %dma_wait3A_199 = tpu.memref_slice %arg6[%dma_wait3A_197, %dma_wait3A_198] : memref<51200x32xf32, #tpu.memory_space<vmem_shared>> -> memref<51200x32xf32, #tpu.memory_space<vmem_shared>>
          tpu.wait_indirect_dma semaphore(%run_scoped3A_179 : memref<!tpu.dma_semaphore, #tpu.memory_space<semaphore_mem>>) src(%dma_wait3A_193 : memref<128x32xf32, #tpu.memory_space<vmem>>) dst(%dma_wait3A_199 : memref<51200x32xf32, #tpu.memory_space<vmem_shared>>)
          tpu.yield
        }) : () -> ()
        %mul3A_114 = arith.constant 2 : i32
        %mul3A_115 = arith.muli %mul3A_80, %mul3A_114 : i32
        %add3A_116 = arith.constant 1 : i32
        %add3A_117 = arith.addi %mul3A_115, %add3A_116 : i32
        %run_scoped3A_118 = arith.constant 1 : i32
        "tpu.region"() ({
          %run_scoped3A_179 = tpu.sem_alloc : memref<!tpu.dma_semaphore, #tpu.memory_space<semaphore_mem>>
          %dma_start3A_180 = arith.constant 0 : i32
          %dma_start3A_181 = arith.constant 0 : i32
          %dma_start3A_182 = tpu.memref_slice %arg9[%run_scoped3A_118, %dma_start3A_180, %dma_start3A_181] : memref<2x128x32xf32, #tpu.memory_space<vmem>> -> memref<1x128x32xf32, #tpu.memory_space<vmem>>
          %dma_start3A_183 = tpu.memref_squeeze %dma_start3A_182 : memref<1x128x32xf32, #tpu.memory_space<vmem>> -> memref<128x32xf32, #tpu.memory_space<vmem>>
          %dma_start3A_184 = arith.constant 0 : i32
          %dma_start3A_185 = tpu.memref_slice %arg8[%add3A_117, %dma_start3A_184] : memref<28x128xi32, #tpu.memory_space<vmem>> -> memref<1x128xi32, #tpu.memory_space<vmem>>
          %dma_start3A_186 = tpu.memref_squeeze %dma_start3A_185 : memref<1x128xi32, #tpu.memory_space<vmem>> -> memref<128xi32, #tpu.memory_space<vmem>>
          %dma_start3A_187 = arith.constant 0 : i32
          %dma_start3A_188 = arith.constant 0 : i32
          %dma_start3A_189 = tpu.memref_slice %arg6[%dma_start3A_187, %dma_start3A_188] : memref<51200x32xf32, #tpu.memory_space<vmem_shared>> -> memref<51200x32xf32, #tpu.memory_space<vmem_shared>>
          tpu.enqueue_indirect_dma source(%dma_start3A_183 : memref<128x32xf32, #tpu.memory_space<vmem>>) target(%dma_start3A_189 : memref<51200x32xf32, #tpu.memory_space<vmem_shared>>) offsets(%dma_start3A_186 : memref<128xi32, #tpu.memory_space<vmem>>) semaphore(%run_scoped3A_179 : memref<!tpu.dma_semaphore, #tpu.memory_space<semaphore_mem>>) {add = true}
          %dma_wait3A_190 = arith.constant 0 : i32
          %dma_wait3A_191 = arith.constant 0 : i32
          %dma_wait3A_192 = tpu.memref_slice %arg9[%run_scoped3A_118, %dma_wait3A_190, %dma_wait3A_191] : memref<2x128x32xf32, #tpu.memory_space<vmem>> -> memref<1x128x32xf32, #tpu.memory_space<vmem>>
          %dma_wait3A_193 = tpu.memref_squeeze %dma_wait3A_192 : memref<1x128x32xf32, #tpu.memory_space<vmem>> -> memref<128x32xf32, #tpu.memory_space<vmem>>
          %dma_wait3A_194 = arith.constant 0 : i32
          %dma_wait3A_195 = tpu.memref_slice %arg8[%add3A_117, %dma_wait3A_194] : memref<28x128xi32, #tpu.memory_space<vmem>> -> memref<1x128xi32, #tpu.memory_space<vmem>>
          %dma_wait3A_196 = tpu.memref_squeeze %dma_wait3A_195 : memref<1x128xi32, #tpu.memory_space<vmem>> -> memref<128xi32, #tpu.memory_space<vmem>>
          %dma_wait3A_197 = arith.constant 0 : i32
          %dma_wait3A_198 = arith.constant 0 : i32
          %dma_wait3A_199 = tpu.memref_slice %arg6[%dma_wait3A_197, %dma_wait3A_198] : memref<51200x32xf32, #tpu.memory_space<vmem_shared>> -> memref<51200x32xf32, #tpu.memory_space<vmem_shared>>
          tpu.wait_indirect_dma semaphore(%run_scoped3A_179 : memref<!tpu.dma_semaphore, #tpu.memory_space<semaphore_mem>>) src(%dma_wait3A_193 : memref<128x32xf32, #tpu.memory_space<vmem>>) dst(%dma_wait3A_199 : memref<51200x32xf32, #tpu.memory_space<vmem_shared>>)
          tpu.yield
        }) : () -> ()
        %mul3A_119 = arith.constant 2 : i32
        %mul3A_120 = arith.muli %mul3A_119, %scan3A_77 : i32
        %add3A_121 = arith.constant 2 : i32
        %add3A_122 = arith.addi %mul3A_120, %add3A_121 : i32
        %lt3A = arith.constant 14 : i32
        %lt3A_123 = arith.cmpi slt, %add3A_122, %lt3A : i32
        %convert_element_type3A = arith.extui %lt3A_123 : i1 to i32
        %cond3A = arith.constant 0 : i32
        %cond3A_124 = arith.cmpi ne, %convert_element_type3A, %cond3A : i32
        scf.if %cond3A_124 {
          %mul3A_179 = arith.constant 2 : i32
          %mul3A_180 = arith.muli %mul3A_179, %scan3A_77 : i32
          %add3A_181 = arith.constant 2 : i32
          %add3A_182 = arith.addi %mul3A_180, %add3A_181 : i32
          %mul3A_183 = arith.constant 2 : i32
          %mul3A_184 = arith.muli %add3A_182, %mul3A_183 : i32
          %add3A_185 = arith.constant 0 : i32
          %add3A_186 = arith.addi %mul3A_184, %add3A_185 : i32
          %dma_start3A_187 = arith.constant 0 : i32
          %dma_start3A_188 = arith.constant 0 : i32
          %dma_start3A_189 = arith.constant 0 : i32
          %dma_start3A_190 = tpu.memref_slice %arg9[%dma_start3A_187, %dma_start3A_188, %dma_start3A_189] : memref<2x128x32xf32, #tpu.memory_space<vmem>> -> memref<1x128x32xf32, #tpu.memory_space<vmem>>
          %dma_start3A_191 = tpu.memref_squeeze %dma_start3A_190 : memref<1x128x32xf32, #tpu.memory_space<vmem>> -> memref<128x32xf32, #tpu.memory_space<vmem>>
          %dma_start3A_192 = arith.constant 0 : i32
          %dma_start3A_193 = tpu.memref_slice %arg7[%add3A_186, %dma_start3A_192] : memref<28x128xi32, #tpu.memory_space<vmem>> -> memref<1x128xi32, #tpu.memory_space<vmem>>
          %dma_start3A_194 = tpu.memref_squeeze %dma_start3A_193 : memref<1x128xi32, #tpu.memory_space<vmem>> -> memref<128xi32, #tpu.memory_space<vmem>>
          %dma_start3A_195 = arith.constant 0 : i32
          %dma_start3A_196 = arith.constant 0 : i32
          %dma_start3A_197 = tpu.memref_slice %arg2[%dma_start3A_195, %dma_start3A_196] : memref<102400x32xf32, #tpu.memory_space<hbm>> -> memref<102400x32xf32, #tpu.memory_space<hbm>>
          tpu.enqueue_indirect_dma source(%dma_start3A_197 : memref<102400x32xf32, #tpu.memory_space<hbm>>) target(%dma_start3A_191 : memref<128x32xf32, #tpu.memory_space<vmem>>) offsets(%dma_start3A_194 : memref<128xi32, #tpu.memory_space<vmem>>) semaphore(%arg11 : memref<!tpu.dma_semaphore, #tpu.memory_space<semaphore_mem>>)
          %mul3A_198 = arith.constant 2 : i32
          %mul3A_199 = arith.muli %add3A_182, %mul3A_198 : i32
          %add3A_200 = arith.constant 1 : i32
          %add3A_201 = arith.addi %mul3A_199, %add3A_200 : i32
          %dma_start3A_202 = arith.constant 1 : i32
          %dma_start3A_203 = arith.constant 0 : i32
          %dma_start3A_204 = arith.constant 0 : i32
          %dma_start3A_205 = tpu.memref_slice %arg9[%dma_start3A_202, %dma_start3A_203, %dma_start3A_204] : memref<2x128x32xf32, #tpu.memory_space<vmem>> -> memref<1x128x32xf32, #tpu.memory_space<vmem>>
          %dma_start3A_206 = tpu.memref_squeeze %dma_start3A_205 : memref<1x128x32xf32, #tpu.memory_space<vmem>> -> memref<128x32xf32, #tpu.memory_space<vmem>>
          %dma_start3A_207 = arith.constant 0 : i32
          %dma_start3A_208 = tpu.memref_slice %arg7[%add3A_201, %dma_start3A_207] : memref<28x128xi32, #tpu.memory_space<vmem>> -> memref<1x128xi32, #tpu.memory_space<vmem>>
          %dma_start3A_209 = tpu.memref_squeeze %dma_start3A_208 : memref<1x128xi32, #tpu.memory_space<vmem>> -> memref<128xi32, #tpu.memory_space<vmem>>
          %dma_start3A_210 = arith.constant 0 : i32
          %dma_start3A_211 = arith.constant 0 : i32
          %dma_start3A_212 = tpu.memref_slice %arg2[%dma_start3A_210, %dma_start3A_211] : memref<102400x32xf32, #tpu.memory_space<hbm>> -> memref<102400x32xf32, #tpu.memory_space<hbm>>
          tpu.enqueue_indirect_dma source(%dma_start3A_212 : memref<102400x32xf32, #tpu.memory_space<hbm>>) target(%dma_start3A_206 : memref<128x32xf32, #tpu.memory_space<vmem>>) offsets(%dma_start3A_209 : memref<128xi32, #tpu.memory_space<vmem>>) semaphore(%arg11 : memref<!tpu.dma_semaphore, #tpu.memory_space<semaphore_mem>>)
        } else {
        }
        %mul3A_125 = arith.constant 2 : i32
        %mul3A_126 = arith.muli %mul3A_125, %scan3A_77 : i32
        %add3A_127 = arith.constant 1 : i32
        %add3A_128 = arith.addi %mul3A_126, %add3A_127 : i32
        %dma_wait3A_129 = arith.constant 0 : i32
        %dma_wait3A_130 = arith.constant 0 : i32
        %dma_wait3A_131 = arith.constant 0 : i32
        %dma_wait3A_132 = tpu.memref_slice %arg10[%dma_wait3A_129, %dma_wait3A_130, %dma_wait3A_131] : memref<2x128x32xf32, #tpu.memory_space<vmem>> -> memref<1x128x32xf32, #tpu.memory_space<vmem>>
        %dma_wait3A_133 = tpu.memref_squeeze %dma_wait3A_132 : memref<1x128x32xf32, #tpu.memory_space<vmem>> -> memref<128x32xf32, #tpu.memory_space<vmem>>
        %dma_wait3A_134 = arith.constant 0 : i32
        %dma_wait3A_135 = arith.constant 0 : i32
        %dma_wait3A_136 = tpu.memref_slice %arg2[%dma_wait3A_134, %dma_wait3A_135] : memref<102400x32xf32, #tpu.memory_space<hbm>> -> memref<128x32xf32, #tpu.memory_space<hbm>>
        %dma_wait3A_137 = arith.constant 0 : i32
        %dma_wait3A_138 = arith.constant 0 : i32
        %dma_wait3A_139 = tpu.memref_slice %arg10[%dma_wait3A_129, %dma_wait3A_137, %dma_wait3A_138] : memref<2x128x32xf32, #tpu.memory_space<vmem>> -> memref<1x128x32xf32, #tpu.memory_space<vmem>>
        %dma_wait3A_140 = tpu.memref_squeeze %dma_wait3A_139 : memref<1x128x32xf32, #tpu.memory_space<vmem>> -> memref<128x32xf32, #tpu.memory_space<vmem>>
        %dma_wait3A_141 = arith.constant 0 : i32
        %dma_wait3A_142 = arith.constant 0 : i32
        %dma_wait3A_143 = tpu.memref_slice %arg2[%dma_wait3A_141, %dma_wait3A_142] : memref<102400x32xf32, #tpu.memory_space<hbm>> -> memref<128x32xf32, #tpu.memory_space<hbm>>
        tpu.wait_dma2 semaphore(%arg12 : memref<!tpu.dma_semaphore, #tpu.memory_space<semaphore_mem>>) src(%dma_wait3A_143 : memref<128x32xf32, #tpu.memory_space<hbm>>) dst(%dma_wait3A_140 : memref<128x32xf32, #tpu.memory_space<vmem>>)
        %dma_wait3A_144 = arith.constant 1 : i32
        %dma_wait3A_145 = arith.constant 0 : i32
        %dma_wait3A_146 = arith.constant 0 : i32
        %dma_wait3A_147 = tpu.memref_slice %arg10[%dma_wait3A_144, %dma_wait3A_145, %dma_wait3A_146] : memref<2x128x32xf32, #tpu.memory_space<vmem>> -> memref<1x128x32xf32, #tpu.memory_space<vmem>>
        %dma_wait3A_148 = tpu.memref_squeeze %dma_wait3A_147 : memref<1x128x32xf32, #tpu.memory_space<vmem>> -> memref<128x32xf32, #tpu.memory_space<vmem>>
        %dma_wait3A_149 = arith.constant 0 : i32
        %dma_wait3A_150 = arith.constant 0 : i32
        %dma_wait3A_151 = tpu.memref_slice %arg2[%dma_wait3A_149, %dma_wait3A_150] : memref<102400x32xf32, #tpu.memory_space<hbm>> -> memref<128x32xf32, #tpu.memory_space<hbm>>
        %dma_wait3A_152 = arith.constant 0 : i32
        %dma_wait3A_153 = arith.constant 0 : i32
        %dma_wait3A_154 = tpu.memref_slice %arg10[%dma_wait3A_144, %dma_wait3A_152, %dma_wait3A_153] : memref<2x128x32xf32, #tpu.memory_space<vmem>> -> memref<1x128x32xf32, #tpu.memory_space<vmem>>
        %dma_wait3A_155 = tpu.memref_squeeze %dma_wait3A_154 : memref<1x128x32xf32, #tpu.memory_space<vmem>> -> memref<128x32xf32, #tpu.memory_space<vmem>>
        %dma_wait3A_156 = arith.constant 0 : i32
        %dma_wait3A_157 = arith.constant 0 : i32
        %dma_wait3A_158 = tpu.memref_slice %arg2[%dma_wait3A_156, %dma_wait3A_157] : memref<102400x32xf32, #tpu.memory_space<hbm>> -> memref<128x32xf32, #tpu.memory_space<hbm>>
        tpu.wait_dma2 semaphore(%arg12 : memref<!tpu.dma_semaphore, #tpu.memory_space<semaphore_mem>>) src(%dma_wait3A_158 : memref<128x32xf32, #tpu.memory_space<hbm>>) dst(%dma_wait3A_155 : memref<128x32xf32, #tpu.memory_space<vmem>>)
        %mul3A_159 = arith.constant 2 : i32
        %mul3A_160 = arith.muli %add3A_128, %mul3A_159 : i32
        %add3A_161 = arith.constant 0 : i32
        %add3A_162 = arith.addi %mul3A_160, %add3A_161 : i32
        %run_scoped3A_163 = arith.constant 0 : i32
        "tpu.region"() ({
          %run_scoped3A_179 = tpu.sem_alloc : memref<!tpu.dma_semaphore, #tpu.memory_space<semaphore_mem>>
          %dma_start3A_180 = arith.constant 0 : i32
          %dma_start3A_181 = arith.constant 0 : i32
          %dma_start3A_182 = tpu.memref_slice %arg10[%run_scoped3A_163, %dma_start3A_180, %dma_start3A_181] : memref<2x128x32xf32, #tpu.memory_space<vmem>> -> memref<1x128x32xf32, #tpu.memory_space<vmem>>
          %dma_start3A_183 = tpu.memref_squeeze %dma_start3A_182 : memref<1x128x32xf32, #tpu.memory_space<vmem>> -> memref<128x32xf32, #tpu.memory_space<vmem>>
          %dma_start3A_184 = arith.constant 0 : i32
          %dma_start3A_185 = tpu.memref_slice %arg8[%add3A_162, %dma_start3A_184] : memref<28x128xi32, #tpu.memory_space<vmem>> -> memref<1x128xi32, #tpu.memory_space<vmem>>
          %dma_start3A_186 = tpu.memref_squeeze %dma_start3A_185 : memref<1x128xi32, #tpu.memory_space<vmem>> -> memref<128xi32, #tpu.memory_space<vmem>>
          %dma_start3A_187 = arith.constant 0 : i32
          %dma_start3A_188 = arith.constant 0 : i32
          %dma_start3A_189 = tpu.memref_slice %arg6[%dma_start3A_187, %dma_start3A_188] : memref<51200x32xf32, #tpu.memory_space<vmem_shared>> -> memref<51200x32xf32, #tpu.memory_space<vmem_shared>>
          tpu.enqueue_indirect_dma source(%dma_start3A_183 : memref<128x32xf32, #tpu.memory_space<vmem>>) target(%dma_start3A_189 : memref<51200x32xf32, #tpu.memory_space<vmem_shared>>) offsets(%dma_start3A_186 : memref<128xi32, #tpu.memory_space<vmem>>) semaphore(%run_scoped3A_179 : memref<!tpu.dma_semaphore, #tpu.memory_space<semaphore_mem>>) {add = true}
          %dma_wait3A_190 = arith.constant 0 : i32
          %dma_wait3A_191 = arith.constant 0 : i32
          %dma_wait3A_192 = tpu.memref_slice %arg10[%run_scoped3A_163, %dma_wait3A_190, %dma_wait3A_191] : memref<2x128x32xf32, #tpu.memory_space<vmem>> -> memref<1x128x32xf32, #tpu.memory_space<vmem>>
          %dma_wait3A_193 = tpu.memref_squeeze %dma_wait3A_192 : memref<1x128x32xf32, #tpu.memory_space<vmem>> -> memref<128x32xf32, #tpu.memory_space<vmem>>
          %dma_wait3A_194 = arith.constant 0 : i32
          %dma_wait3A_195 = tpu.memref_slice %arg8[%add3A_162, %dma_wait3A_194] : memref<28x128xi32, #tpu.memory_space<vmem>> -> memref<1x128xi32, #tpu.memory_space<vmem>>
          %dma_wait3A_196 = tpu.memref_squeeze %dma_wait3A_195 : memref<1x128xi32, #tpu.memory_space<vmem>> -> memref<128xi32, #tpu.memory_space<vmem>>
          %dma_wait3A_197 = arith.constant 0 : i32
          %dma_wait3A_198 = arith.constant 0 : i32
          %dma_wait3A_199 = tpu.memref_slice %arg6[%dma_wait3A_197, %dma_wait3A_198] : memref<51200x32xf32, #tpu.memory_space<vmem_shared>> -> memref<51200x32xf32, #tpu.memory_space<vmem_shared>>
          tpu.wait_indirect_dma semaphore(%run_scoped3A_179 : memref<!tpu.dma_semaphore, #tpu.memory_space<semaphore_mem>>) src(%dma_wait3A_193 : memref<128x32xf32, #tpu.memory_space<vmem>>) dst(%dma_wait3A_199 : memref<51200x32xf32, #tpu.memory_space<vmem_shared>>)
          tpu.yield
        }) : () -> ()
        %mul3A_164 = arith.constant 2 : i32
        %mul3A_165 = arith.muli %add3A_128, %mul3A_164 : i32
        %add3A_166 = arith.constant 1 : i32
        %add3A_167 = arith.addi %mul3A_165, %add3A_166 : i32
        %run_scoped3A_168 = arith.constant 1 : i32
        "tpu.region"() ({
          %run_scoped3A_179 = tpu.sem_alloc : memref<!tpu.dma_semaphore, #tpu.memory_space<semaphore_mem>>
          %dma_start3A_180 = arith.constant 0 : i32
          %dma_start3A_181 = arith.constant 0 : i32
          %dma_start3A_182 = tpu.memref_slice %arg10[%run_scoped3A_168, %dma_start3A_180, %dma_start3A_181] : memref<2x128x32xf32, #tpu.memory_space<vmem>> -> memref<1x128x32xf32, #tpu.memory_space<vmem>>
          %dma_start3A_183 = tpu.memref_squeeze %dma_start3A_182 : memref<1x128x32xf32, #tpu.memory_space<vmem>> -> memref<128x32xf32, #tpu.memory_space<vmem>>
          %dma_start3A_184 = arith.constant 0 : i32
          %dma_start3A_185 = tpu.memref_slice %arg8[%add3A_167, %dma_start3A_184] : memref<28x128xi32, #tpu.memory_space<vmem>> -> memref<1x128xi32, #tpu.memory_space<vmem>>
          %dma_start3A_186 = tpu.memref_squeeze %dma_start3A_185 : memref<1x128xi32, #tpu.memory_space<vmem>> -> memref<128xi32, #tpu.memory_space<vmem>>
          %dma_start3A_187 = arith.constant 0 : i32
          %dma_start3A_188 = arith.constant 0 : i32
          %dma_start3A_189 = tpu.memref_slice %arg6[%dma_start3A_187, %dma_start3A_188] : memref<51200x32xf32, #tpu.memory_space<vmem_shared>> -> memref<51200x32xf32, #tpu.memory_space<vmem_shared>>
          tpu.enqueue_indirect_dma source(%dma_start3A_183 : memref<128x32xf32, #tpu.memory_space<vmem>>) target(%dma_start3A_189 : memref<51200x32xf32, #tpu.memory_space<vmem_shared>>) offsets(%dma_start3A_186 : memref<128xi32, #tpu.memory_space<vmem>>) semaphore(%run_scoped3A_179 : memref<!tpu.dma_semaphore, #tpu.memory_space<semaphore_mem>>) {add = true}
          %dma_wait3A_190 = arith.constant 0 : i32
          %dma_wait3A_191 = arith.constant 0 : i32
          %dma_wait3A_192 = tpu.memref_slice %arg10[%run_scoped3A_168, %dma_wait3A_190, %dma_wait3A_191] : memref<2x128x32xf32, #tpu.memory_space<vmem>> -> memref<1x128x32xf32, #tpu.memory_space<vmem>>
          %dma_wait3A_193 = tpu.memref_squeeze %dma_wait3A_192 : memref<1x128x32xf32, #tpu.memory_space<vmem>> -> memref<128x32xf32, #tpu.memory_space<vmem>>
          %dma_wait3A_194 = arith.constant 0 : i32
          %dma_wait3A_195 = tpu.memref_slice %arg8[%add3A_167, %dma_wait3A_194] : memref<28x128xi32, #tpu.memory_space<vmem>> -> memref<1x128xi32, #tpu.memory_space<vmem>>
          %dma_wait3A_196 = tpu.memref_squeeze %dma_wait3A_195 : memref<1x128xi32, #tpu.memory_space<vmem>> -> memref<128xi32, #tpu.memory_space<vmem>>
          %dma_wait3A_197 = arith.constant 0 : i32
          %dma_wait3A_198 = arith.constant 0 : i32
          %dma_wait3A_199 = tpu.memref_slice %arg6[%dma_wait3A_197, %dma_wait3A_198] : memref<51200x32xf32, #tpu.memory_space<vmem_shared>> -> memref<51200x32xf32, #tpu.memory_space<vmem_shared>>
          tpu.wait_indirect_dma semaphore(%run_scoped3A_179 : memref<!tpu.dma_semaphore, #tpu.memory_space<semaphore_mem>>) src(%dma_wait3A_193 : memref<128x32xf32, #tpu.memory_space<vmem>>) dst(%dma_wait3A_199 : memref<51200x32xf32, #tpu.memory_space<vmem_shared>>)
          tpu.yield
        }) : () -> ()
        %mul3A_169 = arith.constant 2 : i32
        %mul3A_170 = arith.muli %mul3A_169, %scan3A_77 : i32
        %add3A_171 = arith.constant 3 : i32
        %add3A_172 = arith.addi %mul3A_170, %add3A_171 : i32
        %lt3A_173 = arith.constant 14 : i32
        %lt3A_174 = arith.cmpi slt, %add3A_172, %lt3A_173 : i32
        %convert_element_type3A_175 = arith.extui %lt3A_174 : i1 to i32
        %cond3A_176 = arith.constant 0 : i32
        %cond3A_177 = arith.cmpi ne, %convert_element_type3A_175, %cond3A_176 : i32
        scf.if %cond3A_177 {
          %mul3A_179 = arith.constant 2 : i32
          %mul3A_180 = arith.muli %mul3A_179, %scan3A_77 : i32
          %add3A_181 = arith.constant 3 : i32
          %add3A_182 = arith.addi %mul3A_180, %add3A_181 : i32
          %mul3A_183 = arith.constant 2 : i32
          %mul3A_184 = arith.muli %add3A_182, %mul3A_183 : i32
          %add3A_185 = arith.constant 0 : i32
          %add3A_186 = arith.addi %mul3A_184, %add3A_185 : i32
          %dma_start3A_187 = arith.constant 0 : i32
          %dma_start3A_188 = arith.constant 0 : i32
          %dma_start3A_189 = arith.constant 0 : i32
          %dma_start3A_190 = tpu.memref_slice %arg10[%dma_start3A_187, %dma_start3A_188, %dma_start3A_189] : memref<2x128x32xf32, #tpu.memory_space<vmem>> -> memref<1x128x32xf32, #tpu.memory_space<vmem>>
          %dma_start3A_191 = tpu.memref_squeeze %dma_start3A_190 : memref<1x128x32xf32, #tpu.memory_space<vmem>> -> memref<128x32xf32, #tpu.memory_space<vmem>>
          %dma_start3A_192 = arith.constant 0 : i32
          %dma_start3A_193 = tpu.memref_slice %arg7[%add3A_186, %dma_start3A_192] : memref<28x128xi32, #tpu.memory_space<vmem>> -> memref<1x128xi32, #tpu.memory_space<vmem>>
          %dma_start3A_194 = tpu.memref_squeeze %dma_start3A_193 : memref<1x128xi32, #tpu.memory_space<vmem>> -> memref<128xi32, #tpu.memory_space<vmem>>
          %dma_start3A_195 = arith.constant 0 : i32
          %dma_start3A_196 = arith.constant 0 : i32
          %dma_start3A_197 = tpu.memref_slice %arg2[%dma_start3A_195, %dma_start3A_196] : memref<102400x32xf32, #tpu.memory_space<hbm>> -> memref<102400x32xf32, #tpu.memory_space<hbm>>
          tpu.enqueue_indirect_dma source(%dma_start3A_197 : memref<102400x32xf32, #tpu.memory_space<hbm>>) target(%dma_start3A_191 : memref<128x32xf32, #tpu.memory_space<vmem>>) offsets(%dma_start3A_194 : memref<128xi32, #tpu.memory_space<vmem>>) semaphore(%arg12 : memref<!tpu.dma_semaphore, #tpu.memory_space<semaphore_mem>>)
          %mul3A_198 = arith.constant 2 : i32
          %mul3A_199 = arith.muli %add3A_182, %mul3A_198 : i32
          %add3A_200 = arith.constant 1 : i32
          %add3A_201 = arith.addi %mul3A_199, %add3A_200 : i32
          %dma_start3A_202 = arith.constant 1 : i32
          %dma_start3A_203 = arith.constant 0 : i32
          %dma_start3A_204 = arith.constant 0 : i32
          %dma_start3A_205 = tpu.memref_slice %arg10[%dma_start3A_202, %dma_start3A_203, %dma_start3A_204] : memref<2x128x32xf32, #tpu.memory_space<vmem>> -> memref<1x128x32xf32, #tpu.memory_space<vmem>>
          %dma_start3A_206 = tpu.memref_squeeze %dma_start3A_205 : memref<1x128x32xf32, #tpu.memory_space<vmem>> -> memref<128x32xf32, #tpu.memory_space<vmem>>
          %dma_start3A_207 = arith.constant 0 : i32
          %dma_start3A_208 = tpu.memref_slice %arg7[%add3A_201, %dma_start3A_207] : memref<28x128xi32, #tpu.memory_space<vmem>> -> memref<1x128xi32, #tpu.memory_space<vmem>>
          %dma_start3A_209 = tpu.memref_squeeze %dma_start3A_208 : memref<1x128xi32, #tpu.memory_space<vmem>> -> memref<128xi32, #tpu.memory_space<vmem>>
          %dma_start3A_210 = arith.constant 0 : i32
          %dma_start3A_211 = arith.constant 0 : i32
          %dma_start3A_212 = tpu.memref_slice %arg2[%dma_start3A_210, %dma_start3A_211] : memref<102400x32xf32, #tpu.memory_space<hbm>> -> memref<102400x32xf32, #tpu.memory_space<hbm>>
          tpu.enqueue_indirect_dma source(%dma_start3A_212 : memref<102400x32xf32, #tpu.memory_space<hbm>>) target(%dma_start3A_206 : memref<128x32xf32, #tpu.memory_space<vmem>>) offsets(%dma_start3A_209 : memref<128xi32, #tpu.memory_space<vmem>>) semaphore(%arg12 : memref<!tpu.dma_semaphore, #tpu.memory_space<semaphore_mem>>)
        } else {
        }
        %scan3A_178 = arith.constant 0 : i32
        scf.yield %scan3A_178 : i32
      }
      %scan3A_75 = arith.constant 7 : i32
      %scan3A_76 = arith.constant 0 : i32
      scf.yield %scan3A_76 : i32
    }
    %scan3A_12 = arith.constant 14 : i32
    %barrier3A_13 = arith.constant 0 : index
    tpu.barrier barrier_id(%barrier3A_13)
    "tpu.region"() ({
      %run_scoped3A = tpu.sem_alloc : memref<!tpu.dma_semaphore, #tpu.memory_space<semaphore_mem>>
      %dma_start3A = arith.constant 0 : i32
      %dma_start3A_14 = tpu.memref_slice %arg5[%arg0, %mul3A_0, %dma_start3A] : memref<2x51200x32xf32, #tpu.memory_space<hbm>> -> memref<1x3200x32xf32, #tpu.memory_space<hbm>>
      %dma_start3A_15 = tpu.memref_squeeze %dma_start3A_14 : memref<1x3200x32xf32, #tpu.memory_space<hbm>> -> memref<3200x32xf32, #tpu.memory_space<hbm>>
      %dma_start3A_16 = arith.constant 0 : i32
      %dma_start3A_17 = tpu.memref_slice %arg6[%mul3A_0, %dma_start3A_16] : memref<51200x32xf32, #tpu.memory_space<vmem_shared>> -> memref<3200x32xf32, #tpu.memory_space<vmem_shared>>
      tpu.enqueue_dma source(%dma_start3A_17 : memref<3200x32xf32, #tpu.memory_space<vmem_shared>>) target(%dma_start3A_15 : memref<3200x32xf32, #tpu.memory_space<hbm>>) target_semaphore(%run_scoped3A : memref<!tpu.dma_semaphore, #tpu.memory_space<semaphore_mem>>)
      %dma_wait3A = arith.constant 0 : i32
      %dma_wait3A_18 = tpu.memref_slice %arg5[%arg0, %mul3A_0, %dma_wait3A] : memref<2x51200x32xf32, #tpu.memory_space<hbm>> -> memref<1x3200x32xf32, #tpu.memory_space<hbm>>
      %dma_wait3A_19 = tpu.memref_squeeze %dma_wait3A_18 : memref<1x3200x32xf32, #tpu.memory_space<hbm>> -> memref<3200x32xf32, #tpu.memory_space<hbm>>
      %dma_wait3A_20 = arith.constant 0 : i32
      %dma_wait3A_21 = tpu.memref_slice %arg6[%mul3A_0, %dma_wait3A_20] : memref<51200x32xf32, #tpu.memory_space<vmem_shared>> -> memref<3200x32xf32, #tpu.memory_space<vmem_shared>>
      tpu.wait_dma2 semaphore(%run_scoped3A : memref<!tpu.dma_semaphore, #tpu.memory_space<semaphore_mem>>) src(%dma_wait3A_21 : memref<3200x32xf32, #tpu.memory_space<vmem_shared>>) dst(%dma_wait3A_19 : memref<3200x32xf32, #tpu.memory_space<hbm>>)
      tpu.yield
    }) : () -> ()
    return
  }
}

#map = affine_map<(d0, d1) -> (0, 0)>
#map1 = affine_map<(d0, d1) -> (0, 0, 0)>
module attributes {stable_mosaic.version = 14 : i64} {
  func.func @sc_aggregate_d16(%arg0: i32, %arg1: i32, %arg2: memref<102400x16xf32, #tpu.memory_space<hbm>>, %arg3: memref<2x6272x128xi32, #tpu.memory_space<hbm>>, %arg4: memref<6272x128xi32, #tpu.memory_space<hbm>>, %arg5: memref<2x51200x16xf32, #tpu.memory_space<hbm>>, %arg6: memref<51200x16xf32, #tpu.memory_space<vmem_shared>>, %arg7: memref<28x128xi32, #tpu.memory_space<vmem>>, %arg8: memref<28x128xi32, #tpu.memory_space<vmem>>, %arg9: memref<2x128x16xf32, #tpu.memory_space<vmem>>, %arg10: memref<2x128x16xf32, #tpu.memory_space<vmem>>, %arg11: memref<!tpu.dma_semaphore, #tpu.memory_space<semaphore_mem>>, %arg12: memref<!tpu.dma_semaphore, #tpu.memory_space<semaphore_mem>>) attributes {dimension_semantics = [#tpu.dimension_semantics<core_parallel>, #tpu.dimension_semantics<subcore_parallel>], iteration_bounds = array<i64: 2, 16>, scalar_prefetch = 0 : i64, scratch_operands = 7 : i64, tpu.core_type = #tpu.core_type<sc_vector_subcore>, window_params = [{transform_indices = #map}, {transform_indices = #map1}, {transform_indices = #map}, {transform_indices = #map1}]} {
    %mul3A = arith.constant 3200 : i32
    %mul3A_0 = arith.muli %arg1, %mul3A : i32
    %mul3A_1 = arith.constant 51200 : i32
    %mul3A_2 = arith.muli %arg0, %mul3A_1 : i32
    %mul3A_3 = arith.constant 3200 : i32
    %mul3A_4 = arith.muli %arg1, %mul3A_3 : i32
    %add3A = arith.addi %mul3A_2, %mul3A_4 : i32
    "tpu.region"() ({
      %run_scoped3A = tpu.sem_alloc : memref<!tpu.dma_semaphore, #tpu.memory_space<semaphore_mem>>
      %dma_start3A = arith.constant 0 : i32
      %dma_start3A_14 = tpu.memref_slice %arg6[%mul3A_0, %dma_start3A] : memref<51200x16xf32, #tpu.memory_space<vmem_shared>> -> memref<3200x16xf32, #tpu.memory_space<vmem_shared>>
      %dma_start3A_15 = arith.constant 0 : i32
      %dma_start3A_16 = tpu.memref_slice %arg2[%add3A, %dma_start3A_15] : memref<102400x16xf32, #tpu.memory_space<hbm>> -> memref<3200x16xf32, #tpu.memory_space<hbm>>
      tpu.enqueue_dma source(%dma_start3A_16 : memref<3200x16xf32, #tpu.memory_space<hbm>>) target(%dma_start3A_14 : memref<3200x16xf32, #tpu.memory_space<vmem_shared>>) target_semaphore(%run_scoped3A : memref<!tpu.dma_semaphore, #tpu.memory_space<semaphore_mem>>)
      %dma_wait3A = arith.constant 0 : i32
      %dma_wait3A_17 = tpu.memref_slice %arg6[%mul3A_0, %dma_wait3A] : memref<51200x16xf32, #tpu.memory_space<vmem_shared>> -> memref<3200x16xf32, #tpu.memory_space<vmem_shared>>
      %dma_wait3A_18 = arith.constant 0 : i32
      %dma_wait3A_19 = tpu.memref_slice %arg2[%add3A, %dma_wait3A_18] : memref<102400x16xf32, #tpu.memory_space<hbm>> -> memref<3200x16xf32, #tpu.memory_space<hbm>>
      tpu.wait_dma2 semaphore(%run_scoped3A : memref<!tpu.dma_semaphore, #tpu.memory_space<semaphore_mem>>) src(%dma_wait3A_19 : memref<3200x16xf32, #tpu.memory_space<hbm>>) dst(%dma_wait3A_17 : memref<3200x16xf32, #tpu.memory_space<vmem_shared>>)
      tpu.yield
    }) : () -> ()
    %barrier3A = arith.constant 0 : index
    tpu.barrier barrier_id(%barrier3A)
    %mul3A_5 = arith.constant 392 : i32
    %mul3A_6 = arith.muli %arg1, %mul3A_5 : i32
    %scan3A = arith.constant 0 : i32
    %scan3A_7 = arith.constant 0 : i32
    %scan3A_8 = arith.constant 14 : i32
    %scan3A_9 = arith.addi %scan3A_7, %scan3A_8 : i32
    %scan3A_10 = arith.constant 1 : i32
    %scan3A_11 = scf.for %scan3A_14 = %scan3A_7 to %scan3A_9 step %scan3A_10 iter_args(%scan3A_15 = %scan3A) -> (i32)  : i32 {
      %mul3A_16 = arith.constant 28 : i32
      %mul3A_17 = arith.muli %scan3A_14, %mul3A_16 : i32
      %add3A_18 = arith.addi %mul3A_6, %mul3A_17 : i32
      "tpu.region"() ({
        %run_scoped3A = tpu.sem_alloc : memref<!tpu.dma_semaphore, #tpu.memory_space<semaphore_mem>>
        %dma_start3A_77 = arith.constant 0 : i32
        %dma_start3A_78 = tpu.memref_slice %arg3[%arg0, %add3A_18, %dma_start3A_77] : memref<2x6272x128xi32, #tpu.memory_space<hbm>> -> memref<1x28x128xi32, #tpu.memory_space<hbm>>
        %dma_start3A_79 = tpu.memref_squeeze %dma_start3A_78 : memref<1x28x128xi32, #tpu.memory_space<hbm>> -> memref<28x128xi32, #tpu.memory_space<hbm>>
        %dma_start3A_80 = arith.constant 0 : i32
        %dma_start3A_81 = tpu.memref_slice %arg3[%arg0, %add3A_18, %dma_start3A_80] : memref<2x6272x128xi32, #tpu.memory_space<hbm>> -> memref<1x28x128xi32, #tpu.memory_space<hbm>>
        %dma_start3A_82 = tpu.memref_squeeze %dma_start3A_81 : memref<1x28x128xi32, #tpu.memory_space<hbm>> -> memref<28x128xi32, #tpu.memory_space<hbm>>
        tpu.enqueue_dma source(%dma_start3A_82 : memref<28x128xi32, #tpu.memory_space<hbm>>) target(%arg7 : memref<28x128xi32, #tpu.memory_space<vmem>>) target_semaphore(%run_scoped3A : memref<!tpu.dma_semaphore, #tpu.memory_space<semaphore_mem>>)
        %dma_wait3A = arith.constant 0 : i32
        %dma_wait3A_83 = tpu.memref_slice %arg3[%arg0, %add3A_18, %dma_wait3A] : memref<2x6272x128xi32, #tpu.memory_space<hbm>> -> memref<1x28x128xi32, #tpu.memory_space<hbm>>
        %dma_wait3A_84 = tpu.memref_squeeze %dma_wait3A_83 : memref<1x28x128xi32, #tpu.memory_space<hbm>> -> memref<28x128xi32, #tpu.memory_space<hbm>>
        %dma_wait3A_85 = arith.constant 0 : i32
        %dma_wait3A_86 = tpu.memref_slice %arg3[%arg0, %add3A_18, %dma_wait3A_85] : memref<2x6272x128xi32, #tpu.memory_space<hbm>> -> memref<1x28x128xi32, #tpu.memory_space<hbm>>
        %dma_wait3A_87 = tpu.memref_squeeze %dma_wait3A_86 : memref<1x28x128xi32, #tpu.memory_space<hbm>> -> memref<28x128xi32, #tpu.memory_space<hbm>>
        tpu.wait_dma2 semaphore(%run_scoped3A : memref<!tpu.dma_semaphore, #tpu.memory_space<semaphore_mem>>) src(%dma_wait3A_87 : memref<28x128xi32, #tpu.memory_space<hbm>>) dst(%arg7 : memref<28x128xi32, #tpu.memory_space<vmem>>)
        tpu.yield
      }) : () -> ()
      %mul3A_19 = arith.constant 28 : i32
      %mul3A_20 = arith.muli %scan3A_14, %mul3A_19 : i32
      %add3A_21 = arith.addi %mul3A_6, %mul3A_20 : i32
      "tpu.region"() ({
        %run_scoped3A = tpu.sem_alloc : memref<!tpu.dma_semaphore, #tpu.memory_space<semaphore_mem>>
        %dma_start3A_77 = arith.constant 0 : i32
        %dma_start3A_78 = tpu.memref_slice %arg4[%add3A_21, %dma_start3A_77] : memref<6272x128xi32, #tpu.memory_space<hbm>> -> memref<28x128xi32, #tpu.memory_space<hbm>>
        %dma_start3A_79 = arith.constant 0 : i32
        %dma_start3A_80 = tpu.memref_slice %arg4[%add3A_21, %dma_start3A_79] : memref<6272x128xi32, #tpu.memory_space<hbm>> -> memref<28x128xi32, #tpu.memory_space<hbm>>
        tpu.enqueue_dma source(%dma_start3A_80 : memref<28x128xi32, #tpu.memory_space<hbm>>) target(%arg8 : memref<28x128xi32, #tpu.memory_space<vmem>>) target_semaphore(%run_scoped3A : memref<!tpu.dma_semaphore, #tpu.memory_space<semaphore_mem>>)
        %dma_wait3A = arith.constant 0 : i32
        %dma_wait3A_81 = tpu.memref_slice %arg4[%add3A_21, %dma_wait3A] : memref<6272x128xi32, #tpu.memory_space<hbm>> -> memref<28x128xi32, #tpu.memory_space<hbm>>
        %dma_wait3A_82 = arith.constant 0 : i32
        %dma_wait3A_83 = tpu.memref_slice %arg4[%add3A_21, %dma_wait3A_82] : memref<6272x128xi32, #tpu.memory_space<hbm>> -> memref<28x128xi32, #tpu.memory_space<hbm>>
        tpu.wait_dma2 semaphore(%run_scoped3A : memref<!tpu.dma_semaphore, #tpu.memory_space<semaphore_mem>>) src(%dma_wait3A_83 : memref<28x128xi32, #tpu.memory_space<hbm>>) dst(%arg8 : memref<28x128xi32, #tpu.memory_space<vmem>>)
        tpu.yield
      }) : () -> ()
      %dma_start3A = arith.constant 0 : i32
      %dma_start3A_22 = arith.constant 0 : i32
      %dma_start3A_23 = arith.constant 0 : i32
      %dma_start3A_24 = arith.constant 0 : i32
      %dma_start3A_25 = tpu.memref_slice %arg9[%dma_start3A_22, %dma_start3A_23, %dma_start3A_24] : memref<2x128x16xf32, #tpu.memory_space<vmem>> -> memref<1x128x16xf32, #tpu.memory_space<vmem>>
      %dma_start3A_26 = tpu.memref_squeeze %dma_start3A_25 : memref<1x128x16xf32, #tpu.memory_space<vmem>> -> memref<128x16xf32, #tpu.memory_space<vmem>>
      %dma_start3A_27 = arith.constant 0 : i32
      %dma_start3A_28 = tpu.memref_slice %arg7[%dma_start3A, %dma_start3A_27] : memref<28x128xi32, #tpu.memory_space<vmem>> -> memref<1x128xi32, #tpu.memory_space<vmem>>
      %dma_start3A_29 = tpu.memref_squeeze %dma_start3A_28 : memref<1x128xi32, #tpu.memory_space<vmem>> -> memref<128xi32, #tpu.memory_space<vmem>>
      %dma_start3A_30 = arith.constant 0 : i32
      %dma_start3A_31 = arith.constant 0 : i32
      %dma_start3A_32 = tpu.memref_slice %arg2[%dma_start3A_30, %dma_start3A_31] : memref<102400x16xf32, #tpu.memory_space<hbm>> -> memref<102400x16xf32, #tpu.memory_space<hbm>>
      tpu.enqueue_indirect_dma source(%dma_start3A_32 : memref<102400x16xf32, #tpu.memory_space<hbm>>) target(%dma_start3A_26 : memref<128x16xf32, #tpu.memory_space<vmem>>) offsets(%dma_start3A_29 : memref<128xi32, #tpu.memory_space<vmem>>) semaphore(%arg11 : memref<!tpu.dma_semaphore, #tpu.memory_space<semaphore_mem>>)
      %dma_start3A_33 = arith.constant 1 : i32
      %dma_start3A_34 = arith.constant 1 : i32
      %dma_start3A_35 = arith.constant 0 : i32
      %dma_start3A_36 = arith.constant 0 : i32
      %dma_start3A_37 = tpu.memref_slice %arg9[%dma_start3A_34, %dma_start3A_35, %dma_start3A_36] : memref<2x128x16xf32, #tpu.memory_space<vmem>> -> memref<1x128x16xf32, #tpu.memory_space<vmem>>
      %dma_start3A_38 = tpu.memref_squeeze %dma_start3A_37 : memref<1x128x16xf32, #tpu.memory_space<vmem>> -> memref<128x16xf32, #tpu.memory_space<vmem>>
      %dma_start3A_39 = arith.constant 0 : i32
      %dma_start3A_40 = tpu.memref_slice %arg7[%dma_start3A_33, %dma_start3A_39] : memref<28x128xi32, #tpu.memory_space<vmem>> -> memref<1x128xi32, #tpu.memory_space<vmem>>
      %dma_start3A_41 = tpu.memref_squeeze %dma_start3A_40 : memref<1x128xi32, #tpu.memory_space<vmem>> -> memref<128xi32, #tpu.memory_space<vmem>>
      %dma_start3A_42 = arith.constant 0 : i32
      %dma_start3A_43 = arith.constant 0 : i32
      %dma_start3A_44 = tpu.memref_slice %arg2[%dma_start3A_42, %dma_start3A_43] : memref<102400x16xf32, #tpu.memory_space<hbm>> -> memref<102400x16xf32, #tpu.memory_space<hbm>>
      tpu.enqueue_indirect_dma source(%dma_start3A_44 : memref<102400x16xf32, #tpu.memory_space<hbm>>) target(%dma_start3A_38 : memref<128x16xf32, #tpu.memory_space<vmem>>) offsets(%dma_start3A_41 : memref<128xi32, #tpu.memory_space<vmem>>) semaphore(%arg11 : memref<!tpu.dma_semaphore, #tpu.memory_space<semaphore_mem>>)
      %dma_start3A_45 = arith.constant 2 : i32
      %dma_start3A_46 = arith.constant 0 : i32
      %dma_start3A_47 = arith.constant 0 : i32
      %dma_start3A_48 = arith.constant 0 : i32
      %dma_start3A_49 = tpu.memref_slice %arg10[%dma_start3A_46, %dma_start3A_47, %dma_start3A_48] : memref<2x128x16xf32, #tpu.memory_space<vmem>> -> memref<1x128x16xf32, #tpu.memory_space<vmem>>
      %dma_start3A_50 = tpu.memref_squeeze %dma_start3A_49 : memref<1x128x16xf32, #tpu.memory_space<vmem>> -> memref<128x16xf32, #tpu.memory_space<vmem>>
      %dma_start3A_51 = arith.constant 0 : i32
      %dma_start3A_52 = tpu.memref_slice %arg7[%dma_start3A_45, %dma_start3A_51] : memref<28x128xi32, #tpu.memory_space<vmem>> -> memref<1x128xi32, #tpu.memory_space<vmem>>
      %dma_start3A_53 = tpu.memref_squeeze %dma_start3A_52 : memref<1x128xi32, #tpu.memory_space<vmem>> -> memref<128xi32, #tpu.memory_space<vmem>>
      %dma_start3A_54 = arith.constant 0 : i32
      %dma_start3A_55 = arith.constant 0 : i32
      %dma_start3A_56 = tpu.memref_slice %arg2[%dma_start3A_54, %dma_start3A_55] : memref<102400x16xf32, #tpu.memory_space<hbm>> -> memref<102400x16xf32, #tpu.memory_space<hbm>>
      tpu.enqueue_indirect_dma source(%dma_start3A_56 : memref<102400x16xf32, #tpu.memory_space<hbm>>) target(%dma_start3A_50 : memref<128x16xf32, #tpu.memory_space<vmem>>) offsets(%dma_start3A_53 : memref<128xi32, #tpu.memory_space<vmem>>) semaphore(%arg12 : memref<!tpu.dma_semaphore, #tpu.memory_space<semaphore_mem>>)
      %dma_start3A_57 = arith.constant 3 : i32
      %dma_start3A_58 = arith.constant 1 : i32
      %dma_start3A_59 = arith.constant 0 : i32
      %dma_start3A_60 = arith.constant 0 : i32
      %dma_start3A_61 = tpu.memref_slice %arg10[%dma_start3A_58, %dma_start3A_59, %dma_start3A_60] : memref<2x128x16xf32, #tpu.memory_space<vmem>> -> memref<1x128x16xf32, #tpu.memory_space<vmem>>
      %dma_start3A_62 = tpu.memref_squeeze %dma_start3A_61 : memref<1x128x16xf32, #tpu.memory_space<vmem>> -> memref<128x16xf32, #tpu.memory_space<vmem>>
      %dma_start3A_63 = arith.constant 0 : i32
      %dma_start3A_64 = tpu.memref_slice %arg7[%dma_start3A_57, %dma_start3A_63] : memref<28x128xi32, #tpu.memory_space<vmem>> -> memref<1x128xi32, #tpu.memory_space<vmem>>
      %dma_start3A_65 = tpu.memref_squeeze %dma_start3A_64 : memref<1x128xi32, #tpu.memory_space<vmem>> -> memref<128xi32, #tpu.memory_space<vmem>>
      %dma_start3A_66 = arith.constant 0 : i32
      %dma_start3A_67 = arith.constant 0 : i32
      %dma_start3A_68 = tpu.memref_slice %arg2[%dma_start3A_66, %dma_start3A_67] : memref<102400x16xf32, #tpu.memory_space<hbm>> -> memref<102400x16xf32, #tpu.memory_space<hbm>>
      tpu.enqueue_indirect_dma source(%dma_start3A_68 : memref<102400x16xf32, #tpu.memory_space<hbm>>) target(%dma_start3A_62 : memref<128x16xf32, #tpu.memory_space<vmem>>) offsets(%dma_start3A_65 : memref<128xi32, #tpu.memory_space<vmem>>) semaphore(%arg12 : memref<!tpu.dma_semaphore, #tpu.memory_space<semaphore_mem>>)
      %scan3A_69 = arith.constant 0 : i32
      %scan3A_70 = arith.constant 0 : i32
      %scan3A_71 = arith.constant 7 : i32
      %scan3A_72 = arith.addi %scan3A_70, %scan3A_71 : i32
      %scan3A_73 = arith.constant 1 : i32
      %scan3A_74 = scf.for %scan3A_77 = %scan3A_70 to %scan3A_72 step %scan3A_73 iter_args(%scan3A_78 = %scan3A_69) -> (i32)  : i32 {
        %mul3A_79 = arith.constant 2 : i32
        %mul3A_80 = arith.muli %mul3A_79, %scan3A_77 : i32
        %dma_wait3A = arith.constant 0 : i32
        %dma_wait3A_81 = arith.constant 0 : i32
        %dma_wait3A_82 = arith.constant 0 : i32
        %dma_wait3A_83 = tpu.memref_slice %arg9[%dma_wait3A, %dma_wait3A_81, %dma_wait3A_82] : memref<2x128x16xf32, #tpu.memory_space<vmem>> -> memref<1x128x16xf32, #tpu.memory_space<vmem>>
        %dma_wait3A_84 = tpu.memref_squeeze %dma_wait3A_83 : memref<1x128x16xf32, #tpu.memory_space<vmem>> -> memref<128x16xf32, #tpu.memory_space<vmem>>
        %dma_wait3A_85 = arith.constant 0 : i32
        %dma_wait3A_86 = arith.constant 0 : i32
        %dma_wait3A_87 = tpu.memref_slice %arg2[%dma_wait3A_85, %dma_wait3A_86] : memref<102400x16xf32, #tpu.memory_space<hbm>> -> memref<128x16xf32, #tpu.memory_space<hbm>>
        %dma_wait3A_88 = arith.constant 0 : i32
        %dma_wait3A_89 = arith.constant 0 : i32
        %dma_wait3A_90 = tpu.memref_slice %arg9[%dma_wait3A, %dma_wait3A_88, %dma_wait3A_89] : memref<2x128x16xf32, #tpu.memory_space<vmem>> -> memref<1x128x16xf32, #tpu.memory_space<vmem>>
        %dma_wait3A_91 = tpu.memref_squeeze %dma_wait3A_90 : memref<1x128x16xf32, #tpu.memory_space<vmem>> -> memref<128x16xf32, #tpu.memory_space<vmem>>
        %dma_wait3A_92 = arith.constant 0 : i32
        %dma_wait3A_93 = arith.constant 0 : i32
        %dma_wait3A_94 = tpu.memref_slice %arg2[%dma_wait3A_92, %dma_wait3A_93] : memref<102400x16xf32, #tpu.memory_space<hbm>> -> memref<128x16xf32, #tpu.memory_space<hbm>>
        tpu.wait_dma2 semaphore(%arg11 : memref<!tpu.dma_semaphore, #tpu.memory_space<semaphore_mem>>) src(%dma_wait3A_94 : memref<128x16xf32, #tpu.memory_space<hbm>>) dst(%dma_wait3A_91 : memref<128x16xf32, #tpu.memory_space<vmem>>)
        %dma_wait3A_95 = arith.constant 1 : i32
        %dma_wait3A_96 = arith.constant 0 : i32
        %dma_wait3A_97 = arith.constant 0 : i32
        %dma_wait3A_98 = tpu.memref_slice %arg9[%dma_wait3A_95, %dma_wait3A_96, %dma_wait3A_97] : memref<2x128x16xf32, #tpu.memory_space<vmem>> -> memref<1x128x16xf32, #tpu.memory_space<vmem>>
        %dma_wait3A_99 = tpu.memref_squeeze %dma_wait3A_98 : memref<1x128x16xf32, #tpu.memory_space<vmem>> -> memref<128x16xf32, #tpu.memory_space<vmem>>
        %dma_wait3A_100 = arith.constant 0 : i32
        %dma_wait3A_101 = arith.constant 0 : i32
        %dma_wait3A_102 = tpu.memref_slice %arg2[%dma_wait3A_100, %dma_wait3A_101] : memref<102400x16xf32, #tpu.memory_space<hbm>> -> memref<128x16xf32, #tpu.memory_space<hbm>>
        %dma_wait3A_103 = arith.constant 0 : i32
        %dma_wait3A_104 = arith.constant 0 : i32
        %dma_wait3A_105 = tpu.memref_slice %arg9[%dma_wait3A_95, %dma_wait3A_103, %dma_wait3A_104] : memref<2x128x16xf32, #tpu.memory_space<vmem>> -> memref<1x128x16xf32, #tpu.memory_space<vmem>>
        %dma_wait3A_106 = tpu.memref_squeeze %dma_wait3A_105 : memref<1x128x16xf32, #tpu.memory_space<vmem>> -> memref<128x16xf32, #tpu.memory_space<vmem>>
        %dma_wait3A_107 = arith.constant 0 : i32
        %dma_wait3A_108 = arith.constant 0 : i32
        %dma_wait3A_109 = tpu.memref_slice %arg2[%dma_wait3A_107, %dma_wait3A_108] : memref<102400x16xf32, #tpu.memory_space<hbm>> -> memref<128x16xf32, #tpu.memory_space<hbm>>
        tpu.wait_dma2 semaphore(%arg11 : memref<!tpu.dma_semaphore, #tpu.memory_space<semaphore_mem>>) src(%dma_wait3A_109 : memref<128x16xf32, #tpu.memory_space<hbm>>) dst(%dma_wait3A_106 : memref<128x16xf32, #tpu.memory_space<vmem>>)
        %mul3A_110 = arith.constant 2 : i32
        %mul3A_111 = arith.muli %mul3A_80, %mul3A_110 : i32
        %add3A_112 = arith.constant 0 : i32
        %add3A_113 = arith.addi %mul3A_111, %add3A_112 : i32
        %run_scoped3A = arith.constant 0 : i32
        "tpu.region"() ({
          %run_scoped3A_179 = tpu.sem_alloc : memref<!tpu.dma_semaphore, #tpu.memory_space<semaphore_mem>>
          %dma_start3A_180 = arith.constant 0 : i32
          %dma_start3A_181 = arith.constant 0 : i32
          %dma_start3A_182 = tpu.memref_slice %arg9[%run_scoped3A, %dma_start3A_180, %dma_start3A_181] : memref<2x128x16xf32, #tpu.memory_space<vmem>> -> memref<1x128x16xf32, #tpu.memory_space<vmem>>
          %dma_start3A_183 = tpu.memref_squeeze %dma_start3A_182 : memref<1x128x16xf32, #tpu.memory_space<vmem>> -> memref<128x16xf32, #tpu.memory_space<vmem>>
          %dma_start3A_184 = arith.constant 0 : i32
          %dma_start3A_185 = tpu.memref_slice %arg8[%add3A_113, %dma_start3A_184] : memref<28x128xi32, #tpu.memory_space<vmem>> -> memref<1x128xi32, #tpu.memory_space<vmem>>
          %dma_start3A_186 = tpu.memref_squeeze %dma_start3A_185 : memref<1x128xi32, #tpu.memory_space<vmem>> -> memref<128xi32, #tpu.memory_space<vmem>>
          %dma_start3A_187 = arith.constant 0 : i32
          %dma_start3A_188 = arith.constant 0 : i32
          %dma_start3A_189 = tpu.memref_slice %arg6[%dma_start3A_187, %dma_start3A_188] : memref<51200x16xf32, #tpu.memory_space<vmem_shared>> -> memref<51200x16xf32, #tpu.memory_space<vmem_shared>>
          tpu.enqueue_indirect_dma source(%dma_start3A_183 : memref<128x16xf32, #tpu.memory_space<vmem>>) target(%dma_start3A_189 : memref<51200x16xf32, #tpu.memory_space<vmem_shared>>) offsets(%dma_start3A_186 : memref<128xi32, #tpu.memory_space<vmem>>) semaphore(%run_scoped3A_179 : memref<!tpu.dma_semaphore, #tpu.memory_space<semaphore_mem>>) {add = true}
          %dma_wait3A_190 = arith.constant 0 : i32
          %dma_wait3A_191 = arith.constant 0 : i32
          %dma_wait3A_192 = tpu.memref_slice %arg9[%run_scoped3A, %dma_wait3A_190, %dma_wait3A_191] : memref<2x128x16xf32, #tpu.memory_space<vmem>> -> memref<1x128x16xf32, #tpu.memory_space<vmem>>
          %dma_wait3A_193 = tpu.memref_squeeze %dma_wait3A_192 : memref<1x128x16xf32, #tpu.memory_space<vmem>> -> memref<128x16xf32, #tpu.memory_space<vmem>>
          %dma_wait3A_194 = arith.constant 0 : i32
          %dma_wait3A_195 = tpu.memref_slice %arg8[%add3A_113, %dma_wait3A_194] : memref<28x128xi32, #tpu.memory_space<vmem>> -> memref<1x128xi32, #tpu.memory_space<vmem>>
          %dma_wait3A_196 = tpu.memref_squeeze %dma_wait3A_195 : memref<1x128xi32, #tpu.memory_space<vmem>> -> memref<128xi32, #tpu.memory_space<vmem>>
          %dma_wait3A_197 = arith.constant 0 : i32
          %dma_wait3A_198 = arith.constant 0 : i32
          %dma_wait3A_199 = tpu.memref_slice %arg6[%dma_wait3A_197, %dma_wait3A_198] : memref<51200x16xf32, #tpu.memory_space<vmem_shared>> -> memref<51200x16xf32, #tpu.memory_space<vmem_shared>>
          tpu.wait_indirect_dma semaphore(%run_scoped3A_179 : memref<!tpu.dma_semaphore, #tpu.memory_space<semaphore_mem>>) src(%dma_wait3A_193 : memref<128x16xf32, #tpu.memory_space<vmem>>) dst(%dma_wait3A_199 : memref<51200x16xf32, #tpu.memory_space<vmem_shared>>)
          tpu.yield
        }) : () -> ()
        %mul3A_114 = arith.constant 2 : i32
        %mul3A_115 = arith.muli %mul3A_80, %mul3A_114 : i32
        %add3A_116 = arith.constant 1 : i32
        %add3A_117 = arith.addi %mul3A_115, %add3A_116 : i32
        %run_scoped3A_118 = arith.constant 1 : i32
        "tpu.region"() ({
          %run_scoped3A_179 = tpu.sem_alloc : memref<!tpu.dma_semaphore, #tpu.memory_space<semaphore_mem>>
          %dma_start3A_180 = arith.constant 0 : i32
          %dma_start3A_181 = arith.constant 0 : i32
          %dma_start3A_182 = tpu.memref_slice %arg9[%run_scoped3A_118, %dma_start3A_180, %dma_start3A_181] : memref<2x128x16xf32, #tpu.memory_space<vmem>> -> memref<1x128x16xf32, #tpu.memory_space<vmem>>
          %dma_start3A_183 = tpu.memref_squeeze %dma_start3A_182 : memref<1x128x16xf32, #tpu.memory_space<vmem>> -> memref<128x16xf32, #tpu.memory_space<vmem>>
          %dma_start3A_184 = arith.constant 0 : i32
          %dma_start3A_185 = tpu.memref_slice %arg8[%add3A_117, %dma_start3A_184] : memref<28x128xi32, #tpu.memory_space<vmem>> -> memref<1x128xi32, #tpu.memory_space<vmem>>
          %dma_start3A_186 = tpu.memref_squeeze %dma_start3A_185 : memref<1x128xi32, #tpu.memory_space<vmem>> -> memref<128xi32, #tpu.memory_space<vmem>>
          %dma_start3A_187 = arith.constant 0 : i32
          %dma_start3A_188 = arith.constant 0 : i32
          %dma_start3A_189 = tpu.memref_slice %arg6[%dma_start3A_187, %dma_start3A_188] : memref<51200x16xf32, #tpu.memory_space<vmem_shared>> -> memref<51200x16xf32, #tpu.memory_space<vmem_shared>>
          tpu.enqueue_indirect_dma source(%dma_start3A_183 : memref<128x16xf32, #tpu.memory_space<vmem>>) target(%dma_start3A_189 : memref<51200x16xf32, #tpu.memory_space<vmem_shared>>) offsets(%dma_start3A_186 : memref<128xi32, #tpu.memory_space<vmem>>) semaphore(%run_scoped3A_179 : memref<!tpu.dma_semaphore, #tpu.memory_space<semaphore_mem>>) {add = true}
          %dma_wait3A_190 = arith.constant 0 : i32
          %dma_wait3A_191 = arith.constant 0 : i32
          %dma_wait3A_192 = tpu.memref_slice %arg9[%run_scoped3A_118, %dma_wait3A_190, %dma_wait3A_191] : memref<2x128x16xf32, #tpu.memory_space<vmem>> -> memref<1x128x16xf32, #tpu.memory_space<vmem>>
          %dma_wait3A_193 = tpu.memref_squeeze %dma_wait3A_192 : memref<1x128x16xf32, #tpu.memory_space<vmem>> -> memref<128x16xf32, #tpu.memory_space<vmem>>
          %dma_wait3A_194 = arith.constant 0 : i32
          %dma_wait3A_195 = tpu.memref_slice %arg8[%add3A_117, %dma_wait3A_194] : memref<28x128xi32, #tpu.memory_space<vmem>> -> memref<1x128xi32, #tpu.memory_space<vmem>>
          %dma_wait3A_196 = tpu.memref_squeeze %dma_wait3A_195 : memref<1x128xi32, #tpu.memory_space<vmem>> -> memref<128xi32, #tpu.memory_space<vmem>>
          %dma_wait3A_197 = arith.constant 0 : i32
          %dma_wait3A_198 = arith.constant 0 : i32
          %dma_wait3A_199 = tpu.memref_slice %arg6[%dma_wait3A_197, %dma_wait3A_198] : memref<51200x16xf32, #tpu.memory_space<vmem_shared>> -> memref<51200x16xf32, #tpu.memory_space<vmem_shared>>
          tpu.wait_indirect_dma semaphore(%run_scoped3A_179 : memref<!tpu.dma_semaphore, #tpu.memory_space<semaphore_mem>>) src(%dma_wait3A_193 : memref<128x16xf32, #tpu.memory_space<vmem>>) dst(%dma_wait3A_199 : memref<51200x16xf32, #tpu.memory_space<vmem_shared>>)
          tpu.yield
        }) : () -> ()
        %mul3A_119 = arith.constant 2 : i32
        %mul3A_120 = arith.muli %mul3A_119, %scan3A_77 : i32
        %add3A_121 = arith.constant 2 : i32
        %add3A_122 = arith.addi %mul3A_120, %add3A_121 : i32
        %lt3A = arith.constant 14 : i32
        %lt3A_123 = arith.cmpi slt, %add3A_122, %lt3A : i32
        %convert_element_type3A = arith.extui %lt3A_123 : i1 to i32
        %cond3A = arith.constant 0 : i32
        %cond3A_124 = arith.cmpi ne, %convert_element_type3A, %cond3A : i32
        scf.if %cond3A_124 {
          %mul3A_179 = arith.constant 2 : i32
          %mul3A_180 = arith.muli %mul3A_179, %scan3A_77 : i32
          %add3A_181 = arith.constant 2 : i32
          %add3A_182 = arith.addi %mul3A_180, %add3A_181 : i32
          %mul3A_183 = arith.constant 2 : i32
          %mul3A_184 = arith.muli %add3A_182, %mul3A_183 : i32
          %add3A_185 = arith.constant 0 : i32
          %add3A_186 = arith.addi %mul3A_184, %add3A_185 : i32
          %dma_start3A_187 = arith.constant 0 : i32
          %dma_start3A_188 = arith.constant 0 : i32
          %dma_start3A_189 = arith.constant 0 : i32
          %dma_start3A_190 = tpu.memref_slice %arg9[%dma_start3A_187, %dma_start3A_188, %dma_start3A_189] : memref<2x128x16xf32, #tpu.memory_space<vmem>> -> memref<1x128x16xf32, #tpu.memory_space<vmem>>
          %dma_start3A_191 = tpu.memref_squeeze %dma_start3A_190 : memref<1x128x16xf32, #tpu.memory_space<vmem>> -> memref<128x16xf32, #tpu.memory_space<vmem>>
          %dma_start3A_192 = arith.constant 0 : i32
          %dma_start3A_193 = tpu.memref_slice %arg7[%add3A_186, %dma_start3A_192] : memref<28x128xi32, #tpu.memory_space<vmem>> -> memref<1x128xi32, #tpu.memory_space<vmem>>
          %dma_start3A_194 = tpu.memref_squeeze %dma_start3A_193 : memref<1x128xi32, #tpu.memory_space<vmem>> -> memref<128xi32, #tpu.memory_space<vmem>>
          %dma_start3A_195 = arith.constant 0 : i32
          %dma_start3A_196 = arith.constant 0 : i32
          %dma_start3A_197 = tpu.memref_slice %arg2[%dma_start3A_195, %dma_start3A_196] : memref<102400x16xf32, #tpu.memory_space<hbm>> -> memref<102400x16xf32, #tpu.memory_space<hbm>>
          tpu.enqueue_indirect_dma source(%dma_start3A_197 : memref<102400x16xf32, #tpu.memory_space<hbm>>) target(%dma_start3A_191 : memref<128x16xf32, #tpu.memory_space<vmem>>) offsets(%dma_start3A_194 : memref<128xi32, #tpu.memory_space<vmem>>) semaphore(%arg11 : memref<!tpu.dma_semaphore, #tpu.memory_space<semaphore_mem>>)
          %mul3A_198 = arith.constant 2 : i32
          %mul3A_199 = arith.muli %add3A_182, %mul3A_198 : i32
          %add3A_200 = arith.constant 1 : i32
          %add3A_201 = arith.addi %mul3A_199, %add3A_200 : i32
          %dma_start3A_202 = arith.constant 1 : i32
          %dma_start3A_203 = arith.constant 0 : i32
          %dma_start3A_204 = arith.constant 0 : i32
          %dma_start3A_205 = tpu.memref_slice %arg9[%dma_start3A_202, %dma_start3A_203, %dma_start3A_204] : memref<2x128x16xf32, #tpu.memory_space<vmem>> -> memref<1x128x16xf32, #tpu.memory_space<vmem>>
          %dma_start3A_206 = tpu.memref_squeeze %dma_start3A_205 : memref<1x128x16xf32, #tpu.memory_space<vmem>> -> memref<128x16xf32, #tpu.memory_space<vmem>>
          %dma_start3A_207 = arith.constant 0 : i32
          %dma_start3A_208 = tpu.memref_slice %arg7[%add3A_201, %dma_start3A_207] : memref<28x128xi32, #tpu.memory_space<vmem>> -> memref<1x128xi32, #tpu.memory_space<vmem>>
          %dma_start3A_209 = tpu.memref_squeeze %dma_start3A_208 : memref<1x128xi32, #tpu.memory_space<vmem>> -> memref<128xi32, #tpu.memory_space<vmem>>
          %dma_start3A_210 = arith.constant 0 : i32
          %dma_start3A_211 = arith.constant 0 : i32
          %dma_start3A_212 = tpu.memref_slice %arg2[%dma_start3A_210, %dma_start3A_211] : memref<102400x16xf32, #tpu.memory_space<hbm>> -> memref<102400x16xf32, #tpu.memory_space<hbm>>
          tpu.enqueue_indirect_dma source(%dma_start3A_212 : memref<102400x16xf32, #tpu.memory_space<hbm>>) target(%dma_start3A_206 : memref<128x16xf32, #tpu.memory_space<vmem>>) offsets(%dma_start3A_209 : memref<128xi32, #tpu.memory_space<vmem>>) semaphore(%arg11 : memref<!tpu.dma_semaphore, #tpu.memory_space<semaphore_mem>>)
        } else {
        }
        %mul3A_125 = arith.constant 2 : i32
        %mul3A_126 = arith.muli %mul3A_125, %scan3A_77 : i32
        %add3A_127 = arith.constant 1 : i32
        %add3A_128 = arith.addi %mul3A_126, %add3A_127 : i32
        %dma_wait3A_129 = arith.constant 0 : i32
        %dma_wait3A_130 = arith.constant 0 : i32
        %dma_wait3A_131 = arith.constant 0 : i32
        %dma_wait3A_132 = tpu.memref_slice %arg10[%dma_wait3A_129, %dma_wait3A_130, %dma_wait3A_131] : memref<2x128x16xf32, #tpu.memory_space<vmem>> -> memref<1x128x16xf32, #tpu.memory_space<vmem>>
        %dma_wait3A_133 = tpu.memref_squeeze %dma_wait3A_132 : memref<1x128x16xf32, #tpu.memory_space<vmem>> -> memref<128x16xf32, #tpu.memory_space<vmem>>
        %dma_wait3A_134 = arith.constant 0 : i32
        %dma_wait3A_135 = arith.constant 0 : i32
        %dma_wait3A_136 = tpu.memref_slice %arg2[%dma_wait3A_134, %dma_wait3A_135] : memref<102400x16xf32, #tpu.memory_space<hbm>> -> memref<128x16xf32, #tpu.memory_space<hbm>>
        %dma_wait3A_137 = arith.constant 0 : i32
        %dma_wait3A_138 = arith.constant 0 : i32
        %dma_wait3A_139 = tpu.memref_slice %arg10[%dma_wait3A_129, %dma_wait3A_137, %dma_wait3A_138] : memref<2x128x16xf32, #tpu.memory_space<vmem>> -> memref<1x128x16xf32, #tpu.memory_space<vmem>>
        %dma_wait3A_140 = tpu.memref_squeeze %dma_wait3A_139 : memref<1x128x16xf32, #tpu.memory_space<vmem>> -> memref<128x16xf32, #tpu.memory_space<vmem>>
        %dma_wait3A_141 = arith.constant 0 : i32
        %dma_wait3A_142 = arith.constant 0 : i32
        %dma_wait3A_143 = tpu.memref_slice %arg2[%dma_wait3A_141, %dma_wait3A_142] : memref<102400x16xf32, #tpu.memory_space<hbm>> -> memref<128x16xf32, #tpu.memory_space<hbm>>
        tpu.wait_dma2 semaphore(%arg12 : memref<!tpu.dma_semaphore, #tpu.memory_space<semaphore_mem>>) src(%dma_wait3A_143 : memref<128x16xf32, #tpu.memory_space<hbm>>) dst(%dma_wait3A_140 : memref<128x16xf32, #tpu.memory_space<vmem>>)
        %dma_wait3A_144 = arith.constant 1 : i32
        %dma_wait3A_145 = arith.constant 0 : i32
        %dma_wait3A_146 = arith.constant 0 : i32
        %dma_wait3A_147 = tpu.memref_slice %arg10[%dma_wait3A_144, %dma_wait3A_145, %dma_wait3A_146] : memref<2x128x16xf32, #tpu.memory_space<vmem>> -> memref<1x128x16xf32, #tpu.memory_space<vmem>>
        %dma_wait3A_148 = tpu.memref_squeeze %dma_wait3A_147 : memref<1x128x16xf32, #tpu.memory_space<vmem>> -> memref<128x16xf32, #tpu.memory_space<vmem>>
        %dma_wait3A_149 = arith.constant 0 : i32
        %dma_wait3A_150 = arith.constant 0 : i32
        %dma_wait3A_151 = tpu.memref_slice %arg2[%dma_wait3A_149, %dma_wait3A_150] : memref<102400x16xf32, #tpu.memory_space<hbm>> -> memref<128x16xf32, #tpu.memory_space<hbm>>
        %dma_wait3A_152 = arith.constant 0 : i32
        %dma_wait3A_153 = arith.constant 0 : i32
        %dma_wait3A_154 = tpu.memref_slice %arg10[%dma_wait3A_144, %dma_wait3A_152, %dma_wait3A_153] : memref<2x128x16xf32, #tpu.memory_space<vmem>> -> memref<1x128x16xf32, #tpu.memory_space<vmem>>
        %dma_wait3A_155 = tpu.memref_squeeze %dma_wait3A_154 : memref<1x128x16xf32, #tpu.memory_space<vmem>> -> memref<128x16xf32, #tpu.memory_space<vmem>>
        %dma_wait3A_156 = arith.constant 0 : i32
        %dma_wait3A_157 = arith.constant 0 : i32
        %dma_wait3A_158 = tpu.memref_slice %arg2[%dma_wait3A_156, %dma_wait3A_157] : memref<102400x16xf32, #tpu.memory_space<hbm>> -> memref<128x16xf32, #tpu.memory_space<hbm>>
        tpu.wait_dma2 semaphore(%arg12 : memref<!tpu.dma_semaphore, #tpu.memory_space<semaphore_mem>>) src(%dma_wait3A_158 : memref<128x16xf32, #tpu.memory_space<hbm>>) dst(%dma_wait3A_155 : memref<128x16xf32, #tpu.memory_space<vmem>>)
        %mul3A_159 = arith.constant 2 : i32
        %mul3A_160 = arith.muli %add3A_128, %mul3A_159 : i32
        %add3A_161 = arith.constant 0 : i32
        %add3A_162 = arith.addi %mul3A_160, %add3A_161 : i32
        %run_scoped3A_163 = arith.constant 0 : i32
        "tpu.region"() ({
          %run_scoped3A_179 = tpu.sem_alloc : memref<!tpu.dma_semaphore, #tpu.memory_space<semaphore_mem>>
          %dma_start3A_180 = arith.constant 0 : i32
          %dma_start3A_181 = arith.constant 0 : i32
          %dma_start3A_182 = tpu.memref_slice %arg10[%run_scoped3A_163, %dma_start3A_180, %dma_start3A_181] : memref<2x128x16xf32, #tpu.memory_space<vmem>> -> memref<1x128x16xf32, #tpu.memory_space<vmem>>
          %dma_start3A_183 = tpu.memref_squeeze %dma_start3A_182 : memref<1x128x16xf32, #tpu.memory_space<vmem>> -> memref<128x16xf32, #tpu.memory_space<vmem>>
          %dma_start3A_184 = arith.constant 0 : i32
          %dma_start3A_185 = tpu.memref_slice %arg8[%add3A_162, %dma_start3A_184] : memref<28x128xi32, #tpu.memory_space<vmem>> -> memref<1x128xi32, #tpu.memory_space<vmem>>
          %dma_start3A_186 = tpu.memref_squeeze %dma_start3A_185 : memref<1x128xi32, #tpu.memory_space<vmem>> -> memref<128xi32, #tpu.memory_space<vmem>>
          %dma_start3A_187 = arith.constant 0 : i32
          %dma_start3A_188 = arith.constant 0 : i32
          %dma_start3A_189 = tpu.memref_slice %arg6[%dma_start3A_187, %dma_start3A_188] : memref<51200x16xf32, #tpu.memory_space<vmem_shared>> -> memref<51200x16xf32, #tpu.memory_space<vmem_shared>>
          tpu.enqueue_indirect_dma source(%dma_start3A_183 : memref<128x16xf32, #tpu.memory_space<vmem>>) target(%dma_start3A_189 : memref<51200x16xf32, #tpu.memory_space<vmem_shared>>) offsets(%dma_start3A_186 : memref<128xi32, #tpu.memory_space<vmem>>) semaphore(%run_scoped3A_179 : memref<!tpu.dma_semaphore, #tpu.memory_space<semaphore_mem>>) {add = true}
          %dma_wait3A_190 = arith.constant 0 : i32
          %dma_wait3A_191 = arith.constant 0 : i32
          %dma_wait3A_192 = tpu.memref_slice %arg10[%run_scoped3A_163, %dma_wait3A_190, %dma_wait3A_191] : memref<2x128x16xf32, #tpu.memory_space<vmem>> -> memref<1x128x16xf32, #tpu.memory_space<vmem>>
          %dma_wait3A_193 = tpu.memref_squeeze %dma_wait3A_192 : memref<1x128x16xf32, #tpu.memory_space<vmem>> -> memref<128x16xf32, #tpu.memory_space<vmem>>
          %dma_wait3A_194 = arith.constant 0 : i32
          %dma_wait3A_195 = tpu.memref_slice %arg8[%add3A_162, %dma_wait3A_194] : memref<28x128xi32, #tpu.memory_space<vmem>> -> memref<1x128xi32, #tpu.memory_space<vmem>>
          %dma_wait3A_196 = tpu.memref_squeeze %dma_wait3A_195 : memref<1x128xi32, #tpu.memory_space<vmem>> -> memref<128xi32, #tpu.memory_space<vmem>>
          %dma_wait3A_197 = arith.constant 0 : i32
          %dma_wait3A_198 = arith.constant 0 : i32
          %dma_wait3A_199 = tpu.memref_slice %arg6[%dma_wait3A_197, %dma_wait3A_198] : memref<51200x16xf32, #tpu.memory_space<vmem_shared>> -> memref<51200x16xf32, #tpu.memory_space<vmem_shared>>
          tpu.wait_indirect_dma semaphore(%run_scoped3A_179 : memref<!tpu.dma_semaphore, #tpu.memory_space<semaphore_mem>>) src(%dma_wait3A_193 : memref<128x16xf32, #tpu.memory_space<vmem>>) dst(%dma_wait3A_199 : memref<51200x16xf32, #tpu.memory_space<vmem_shared>>)
          tpu.yield
        }) : () -> ()
        %mul3A_164 = arith.constant 2 : i32
        %mul3A_165 = arith.muli %add3A_128, %mul3A_164 : i32
        %add3A_166 = arith.constant 1 : i32
        %add3A_167 = arith.addi %mul3A_165, %add3A_166 : i32
        %run_scoped3A_168 = arith.constant 1 : i32
        "tpu.region"() ({
          %run_scoped3A_179 = tpu.sem_alloc : memref<!tpu.dma_semaphore, #tpu.memory_space<semaphore_mem>>
          %dma_start3A_180 = arith.constant 0 : i32
          %dma_start3A_181 = arith.constant 0 : i32
          %dma_start3A_182 = tpu.memref_slice %arg10[%run_scoped3A_168, %dma_start3A_180, %dma_start3A_181] : memref<2x128x16xf32, #tpu.memory_space<vmem>> -> memref<1x128x16xf32, #tpu.memory_space<vmem>>
          %dma_start3A_183 = tpu.memref_squeeze %dma_start3A_182 : memref<1x128x16xf32, #tpu.memory_space<vmem>> -> memref<128x16xf32, #tpu.memory_space<vmem>>
          %dma_start3A_184 = arith.constant 0 : i32
          %dma_start3A_185 = tpu.memref_slice %arg8[%add3A_167, %dma_start3A_184] : memref<28x128xi32, #tpu.memory_space<vmem>> -> memref<1x128xi32, #tpu.memory_space<vmem>>
          %dma_start3A_186 = tpu.memref_squeeze %dma_start3A_185 : memref<1x128xi32, #tpu.memory_space<vmem>> -> memref<128xi32, #tpu.memory_space<vmem>>
          %dma_start3A_187 = arith.constant 0 : i32
          %dma_start3A_188 = arith.constant 0 : i32
          %dma_start3A_189 = tpu.memref_slice %arg6[%dma_start3A_187, %dma_start3A_188] : memref<51200x16xf32, #tpu.memory_space<vmem_shared>> -> memref<51200x16xf32, #tpu.memory_space<vmem_shared>>
          tpu.enqueue_indirect_dma source(%dma_start3A_183 : memref<128x16xf32, #tpu.memory_space<vmem>>) target(%dma_start3A_189 : memref<51200x16xf32, #tpu.memory_space<vmem_shared>>) offsets(%dma_start3A_186 : memref<128xi32, #tpu.memory_space<vmem>>) semaphore(%run_scoped3A_179 : memref<!tpu.dma_semaphore, #tpu.memory_space<semaphore_mem>>) {add = true}
          %dma_wait3A_190 = arith.constant 0 : i32
          %dma_wait3A_191 = arith.constant 0 : i32
          %dma_wait3A_192 = tpu.memref_slice %arg10[%run_scoped3A_168, %dma_wait3A_190, %dma_wait3A_191] : memref<2x128x16xf32, #tpu.memory_space<vmem>> -> memref<1x128x16xf32, #tpu.memory_space<vmem>>
          %dma_wait3A_193 = tpu.memref_squeeze %dma_wait3A_192 : memref<1x128x16xf32, #tpu.memory_space<vmem>> -> memref<128x16xf32, #tpu.memory_space<vmem>>
          %dma_wait3A_194 = arith.constant 0 : i32
          %dma_wait3A_195 = tpu.memref_slice %arg8[%add3A_167, %dma_wait3A_194] : memref<28x128xi32, #tpu.memory_space<vmem>> -> memref<1x128xi32, #tpu.memory_space<vmem>>
          %dma_wait3A_196 = tpu.memref_squeeze %dma_wait3A_195 : memref<1x128xi32, #tpu.memory_space<vmem>> -> memref<128xi32, #tpu.memory_space<vmem>>
          %dma_wait3A_197 = arith.constant 0 : i32
          %dma_wait3A_198 = arith.constant 0 : i32
          %dma_wait3A_199 = tpu.memref_slice %arg6[%dma_wait3A_197, %dma_wait3A_198] : memref<51200x16xf32, #tpu.memory_space<vmem_shared>> -> memref<51200x16xf32, #tpu.memory_space<vmem_shared>>
          tpu.wait_indirect_dma semaphore(%run_scoped3A_179 : memref<!tpu.dma_semaphore, #tpu.memory_space<semaphore_mem>>) src(%dma_wait3A_193 : memref<128x16xf32, #tpu.memory_space<vmem>>) dst(%dma_wait3A_199 : memref<51200x16xf32, #tpu.memory_space<vmem_shared>>)
          tpu.yield
        }) : () -> ()
        %mul3A_169 = arith.constant 2 : i32
        %mul3A_170 = arith.muli %mul3A_169, %scan3A_77 : i32
        %add3A_171 = arith.constant 3 : i32
        %add3A_172 = arith.addi %mul3A_170, %add3A_171 : i32
        %lt3A_173 = arith.constant 14 : i32
        %lt3A_174 = arith.cmpi slt, %add3A_172, %lt3A_173 : i32
        %convert_element_type3A_175 = arith.extui %lt3A_174 : i1 to i32
        %cond3A_176 = arith.constant 0 : i32
        %cond3A_177 = arith.cmpi ne, %convert_element_type3A_175, %cond3A_176 : i32
        scf.if %cond3A_177 {
          %mul3A_179 = arith.constant 2 : i32
          %mul3A_180 = arith.muli %mul3A_179, %scan3A_77 : i32
          %add3A_181 = arith.constant 3 : i32
          %add3A_182 = arith.addi %mul3A_180, %add3A_181 : i32
          %mul3A_183 = arith.constant 2 : i32
          %mul3A_184 = arith.muli %add3A_182, %mul3A_183 : i32
          %add3A_185 = arith.constant 0 : i32
          %add3A_186 = arith.addi %mul3A_184, %add3A_185 : i32
          %dma_start3A_187 = arith.constant 0 : i32
          %dma_start3A_188 = arith.constant 0 : i32
          %dma_start3A_189 = arith.constant 0 : i32
          %dma_start3A_190 = tpu.memref_slice %arg10[%dma_start3A_187, %dma_start3A_188, %dma_start3A_189] : memref<2x128x16xf32, #tpu.memory_space<vmem>> -> memref<1x128x16xf32, #tpu.memory_space<vmem>>
          %dma_start3A_191 = tpu.memref_squeeze %dma_start3A_190 : memref<1x128x16xf32, #tpu.memory_space<vmem>> -> memref<128x16xf32, #tpu.memory_space<vmem>>
          %dma_start3A_192 = arith.constant 0 : i32
          %dma_start3A_193 = tpu.memref_slice %arg7[%add3A_186, %dma_start3A_192] : memref<28x128xi32, #tpu.memory_space<vmem>> -> memref<1x128xi32, #tpu.memory_space<vmem>>
          %dma_start3A_194 = tpu.memref_squeeze %dma_start3A_193 : memref<1x128xi32, #tpu.memory_space<vmem>> -> memref<128xi32, #tpu.memory_space<vmem>>
          %dma_start3A_195 = arith.constant 0 : i32
          %dma_start3A_196 = arith.constant 0 : i32
          %dma_start3A_197 = tpu.memref_slice %arg2[%dma_start3A_195, %dma_start3A_196] : memref<102400x16xf32, #tpu.memory_space<hbm>> -> memref<102400x16xf32, #tpu.memory_space<hbm>>
          tpu.enqueue_indirect_dma source(%dma_start3A_197 : memref<102400x16xf32, #tpu.memory_space<hbm>>) target(%dma_start3A_191 : memref<128x16xf32, #tpu.memory_space<vmem>>) offsets(%dma_start3A_194 : memref<128xi32, #tpu.memory_space<vmem>>) semaphore(%arg12 : memref<!tpu.dma_semaphore, #tpu.memory_space<semaphore_mem>>)
          %mul3A_198 = arith.constant 2 : i32
          %mul3A_199 = arith.muli %add3A_182, %mul3A_198 : i32
          %add3A_200 = arith.constant 1 : i32
          %add3A_201 = arith.addi %mul3A_199, %add3A_200 : i32
          %dma_start3A_202 = arith.constant 1 : i32
          %dma_start3A_203 = arith.constant 0 : i32
          %dma_start3A_204 = arith.constant 0 : i32
          %dma_start3A_205 = tpu.memref_slice %arg10[%dma_start3A_202, %dma_start3A_203, %dma_start3A_204] : memref<2x128x16xf32, #tpu.memory_space<vmem>> -> memref<1x128x16xf32, #tpu.memory_space<vmem>>
          %dma_start3A_206 = tpu.memref_squeeze %dma_start3A_205 : memref<1x128x16xf32, #tpu.memory_space<vmem>> -> memref<128x16xf32, #tpu.memory_space<vmem>>
          %dma_start3A_207 = arith.constant 0 : i32
          %dma_start3A_208 = tpu.memref_slice %arg7[%add3A_201, %dma_start3A_207] : memref<28x128xi32, #tpu.memory_space<vmem>> -> memref<1x128xi32, #tpu.memory_space<vmem>>
          %dma_start3A_209 = tpu.memref_squeeze %dma_start3A_208 : memref<1x128xi32, #tpu.memory_space<vmem>> -> memref<128xi32, #tpu.memory_space<vmem>>
          %dma_start3A_210 = arith.constant 0 : i32
          %dma_start3A_211 = arith.constant 0 : i32
          %dma_start3A_212 = tpu.memref_slice %arg2[%dma_start3A_210, %dma_start3A_211] : memref<102400x16xf32, #tpu.memory_space<hbm>> -> memref<102400x16xf32, #tpu.memory_space<hbm>>
          tpu.enqueue_indirect_dma source(%dma_start3A_212 : memref<102400x16xf32, #tpu.memory_space<hbm>>) target(%dma_start3A_206 : memref<128x16xf32, #tpu.memory_space<vmem>>) offsets(%dma_start3A_209 : memref<128xi32, #tpu.memory_space<vmem>>) semaphore(%arg12 : memref<!tpu.dma_semaphore, #tpu.memory_space<semaphore_mem>>)
        } else {
        }
        %scan3A_178 = arith.constant 0 : i32
        scf.yield %scan3A_178 : i32
      }
      %scan3A_75 = arith.constant 7 : i32
      %scan3A_76 = arith.constant 0 : i32
      scf.yield %scan3A_76 : i32
    }
    %scan3A_12 = arith.constant 14 : i32
    %barrier3A_13 = arith.constant 0 : index
    tpu.barrier barrier_id(%barrier3A_13)
    "tpu.region"() ({
      %run_scoped3A = tpu.sem_alloc : memref<!tpu.dma_semaphore, #tpu.memory_space<semaphore_mem>>
      %dma_start3A = arith.constant 0 : i32
      %dma_start3A_14 = tpu.memref_slice %arg5[%arg0, %mul3A_0, %dma_start3A] : memref<2x51200x16xf32, #tpu.memory_space<hbm>> -> memref<1x3200x16xf32, #tpu.memory_space<hbm>>
      %dma_start3A_15 = tpu.memref_squeeze %dma_start3A_14 : memref<1x3200x16xf32, #tpu.memory_space<hbm>> -> memref<3200x16xf32, #tpu.memory_space<hbm>>
      %dma_start3A_16 = arith.constant 0 : i32
      %dma_start3A_17 = tpu.memref_slice %arg6[%mul3A_0, %dma_start3A_16] : memref<51200x16xf32, #tpu.memory_space<vmem_shared>> -> memref<3200x16xf32, #tpu.memory_space<vmem_shared>>
      tpu.enqueue_dma source(%dma_start3A_17 : memref<3200x16xf32, #tpu.memory_space<vmem_shared>>) target(%dma_start3A_15 : memref<3200x16xf32, #tpu.memory_space<hbm>>) target_semaphore(%run_scoped3A : memref<!tpu.dma_semaphore, #tpu.memory_space<semaphore_mem>>)
      %dma_wait3A = arith.constant 0 : i32
      %dma_wait3A_18 = tpu.memref_slice %arg5[%arg0, %mul3A_0, %dma_wait3A] : memref<2x51200x16xf32, #tpu.memory_space<hbm>> -> memref<1x3200x16xf32, #tpu.memory_space<hbm>>
      %dma_wait3A_19 = tpu.memref_squeeze %dma_wait3A_18 : memref<1x3200x16xf32, #tpu.memory_space<hbm>> -> memref<3200x16xf32, #tpu.memory_space<hbm>>
      %dma_wait3A_20 = arith.constant 0 : i32
      %dma_wait3A_21 = tpu.memref_slice %arg6[%mul3A_0, %dma_wait3A_20] : memref<51200x16xf32, #tpu.memory_space<vmem_shared>> -> memref<3200x16xf32, #tpu.memory_space<vmem_shared>>
      tpu.wait_dma2 semaphore(%run_scoped3A : memref<!tpu.dma_semaphore, #tpu.memory_space<semaphore_mem>>) src(%dma_wait3A_21 : memref<3200x16xf32, #tpu.memory_space<vmem_shared>>) dst(%dma_wait3A_19 : memref<3200x16xf32, #tpu.memory_space<hbm>>)
      tpu.yield
    }) : () -> ()
    return
  }
}

#map = affine_map<(d0, d1) -> (0, 0)>
#map1 = affine_map<(d0, d1) -> (0, 0, 0)>
module attributes {stable_mosaic.version = 14 : i64} {
  func.func @sc_aggregate_d32(%arg0: i32, %arg1: i32, %arg2: memref<102400x32xf32, #tpu.memory_space<hbm>>, %arg3: memref<2x6272x128xi32, #tpu.memory_space<hbm>>, %arg4: memref<6272x128xi32, #tpu.memory_space<hbm>>, %arg5: memref<2x51200x32xf32, #tpu.memory_space<hbm>>, %arg6: memref<51200x32xf32, #tpu.memory_space<vmem_shared>>, %arg7: memref<28x128xi32, #tpu.memory_space<vmem>>, %arg8: memref<28x128xi32, #tpu.memory_space<vmem>>, %arg9: memref<2x128x32xf32, #tpu.memory_space<vmem>>, %arg10: memref<2x128x32xf32, #tpu.memory_space<vmem>>, %arg11: memref<!tpu.dma_semaphore, #tpu.memory_space<semaphore_mem>>, %arg12: memref<!tpu.dma_semaphore, #tpu.memory_space<semaphore_mem>>) attributes {dimension_semantics = [#tpu.dimension_semantics<core_parallel>, #tpu.dimension_semantics<subcore_parallel>], iteration_bounds = array<i64: 2, 16>, scalar_prefetch = 0 : i64, scratch_operands = 7 : i64, tpu.core_type = #tpu.core_type<sc_vector_subcore>, window_params = [{transform_indices = #map}, {transform_indices = #map1}, {transform_indices = #map}, {transform_indices = #map1}]} {
    %mul3A = arith.constant 3200 : i32
    %mul3A_0 = arith.muli %arg1, %mul3A : i32
    %mul3A_1 = arith.constant 51200 : i32
    %mul3A_2 = arith.muli %arg0, %mul3A_1 : i32
    %mul3A_3 = arith.constant 3200 : i32
    %mul3A_4 = arith.muli %arg1, %mul3A_3 : i32
    %add3A = arith.addi %mul3A_2, %mul3A_4 : i32
    "tpu.region"() ({
      %run_scoped3A = tpu.sem_alloc : memref<!tpu.dma_semaphore, #tpu.memory_space<semaphore_mem>>
      %dma_start3A = arith.constant 0 : i32
      %dma_start3A_14 = tpu.memref_slice %arg6[%mul3A_0, %dma_start3A] : memref<51200x32xf32, #tpu.memory_space<vmem_shared>> -> memref<3200x32xf32, #tpu.memory_space<vmem_shared>>
      %dma_start3A_15 = arith.constant 0 : i32
      %dma_start3A_16 = tpu.memref_slice %arg2[%add3A, %dma_start3A_15] : memref<102400x32xf32, #tpu.memory_space<hbm>> -> memref<3200x32xf32, #tpu.memory_space<hbm>>
      tpu.enqueue_dma source(%dma_start3A_16 : memref<3200x32xf32, #tpu.memory_space<hbm>>) target(%dma_start3A_14 : memref<3200x32xf32, #tpu.memory_space<vmem_shared>>) target_semaphore(%run_scoped3A : memref<!tpu.dma_semaphore, #tpu.memory_space<semaphore_mem>>)
      %dma_wait3A = arith.constant 0 : i32
      %dma_wait3A_17 = tpu.memref_slice %arg6[%mul3A_0, %dma_wait3A] : memref<51200x32xf32, #tpu.memory_space<vmem_shared>> -> memref<3200x32xf32, #tpu.memory_space<vmem_shared>>
      %dma_wait3A_18 = arith.constant 0 : i32
      %dma_wait3A_19 = tpu.memref_slice %arg2[%add3A, %dma_wait3A_18] : memref<102400x32xf32, #tpu.memory_space<hbm>> -> memref<3200x32xf32, #tpu.memory_space<hbm>>
      tpu.wait_dma2 semaphore(%run_scoped3A : memref<!tpu.dma_semaphore, #tpu.memory_space<semaphore_mem>>) src(%dma_wait3A_19 : memref<3200x32xf32, #tpu.memory_space<hbm>>) dst(%dma_wait3A_17 : memref<3200x32xf32, #tpu.memory_space<vmem_shared>>)
      tpu.yield
    }) : () -> ()
    %barrier3A = arith.constant 0 : index
    tpu.barrier barrier_id(%barrier3A)
    %mul3A_5 = arith.constant 392 : i32
    %mul3A_6 = arith.muli %arg1, %mul3A_5 : i32
    %scan3A = arith.constant 0 : i32
    %scan3A_7 = arith.constant 0 : i32
    %scan3A_8 = arith.constant 14 : i32
    %scan3A_9 = arith.addi %scan3A_7, %scan3A_8 : i32
    %scan3A_10 = arith.constant 1 : i32
    %scan3A_11 = scf.for %scan3A_14 = %scan3A_7 to %scan3A_9 step %scan3A_10 iter_args(%scan3A_15 = %scan3A) -> (i32)  : i32 {
      %mul3A_16 = arith.constant 28 : i32
      %mul3A_17 = arith.muli %scan3A_14, %mul3A_16 : i32
      %add3A_18 = arith.addi %mul3A_6, %mul3A_17 : i32
      "tpu.region"() ({
        %run_scoped3A = tpu.sem_alloc : memref<!tpu.dma_semaphore, #tpu.memory_space<semaphore_mem>>
        %dma_start3A_77 = arith.constant 0 : i32
        %dma_start3A_78 = tpu.memref_slice %arg3[%arg0, %add3A_18, %dma_start3A_77] : memref<2x6272x128xi32, #tpu.memory_space<hbm>> -> memref<1x28x128xi32, #tpu.memory_space<hbm>>
        %dma_start3A_79 = tpu.memref_squeeze %dma_start3A_78 : memref<1x28x128xi32, #tpu.memory_space<hbm>> -> memref<28x128xi32, #tpu.memory_space<hbm>>
        %dma_start3A_80 = arith.constant 0 : i32
        %dma_start3A_81 = tpu.memref_slice %arg3[%arg0, %add3A_18, %dma_start3A_80] : memref<2x6272x128xi32, #tpu.memory_space<hbm>> -> memref<1x28x128xi32, #tpu.memory_space<hbm>>
        %dma_start3A_82 = tpu.memref_squeeze %dma_start3A_81 : memref<1x28x128xi32, #tpu.memory_space<hbm>> -> memref<28x128xi32, #tpu.memory_space<hbm>>
        tpu.enqueue_dma source(%dma_start3A_82 : memref<28x128xi32, #tpu.memory_space<hbm>>) target(%arg7 : memref<28x128xi32, #tpu.memory_space<vmem>>) target_semaphore(%run_scoped3A : memref<!tpu.dma_semaphore, #tpu.memory_space<semaphore_mem>>)
        %dma_wait3A = arith.constant 0 : i32
        %dma_wait3A_83 = tpu.memref_slice %arg3[%arg0, %add3A_18, %dma_wait3A] : memref<2x6272x128xi32, #tpu.memory_space<hbm>> -> memref<1x28x128xi32, #tpu.memory_space<hbm>>
        %dma_wait3A_84 = tpu.memref_squeeze %dma_wait3A_83 : memref<1x28x128xi32, #tpu.memory_space<hbm>> -> memref<28x128xi32, #tpu.memory_space<hbm>>
        %dma_wait3A_85 = arith.constant 0 : i32
        %dma_wait3A_86 = tpu.memref_slice %arg3[%arg0, %add3A_18, %dma_wait3A_85] : memref<2x6272x128xi32, #tpu.memory_space<hbm>> -> memref<1x28x128xi32, #tpu.memory_space<hbm>>
        %dma_wait3A_87 = tpu.memref_squeeze %dma_wait3A_86 : memref<1x28x128xi32, #tpu.memory_space<hbm>> -> memref<28x128xi32, #tpu.memory_space<hbm>>
        tpu.wait_dma2 semaphore(%run_scoped3A : memref<!tpu.dma_semaphore, #tpu.memory_space<semaphore_mem>>) src(%dma_wait3A_87 : memref<28x128xi32, #tpu.memory_space<hbm>>) dst(%arg7 : memref<28x128xi32, #tpu.memory_space<vmem>>)
        tpu.yield
      }) : () -> ()
      %mul3A_19 = arith.constant 28 : i32
      %mul3A_20 = arith.muli %scan3A_14, %mul3A_19 : i32
      %add3A_21 = arith.addi %mul3A_6, %mul3A_20 : i32
      "tpu.region"() ({
        %run_scoped3A = tpu.sem_alloc : memref<!tpu.dma_semaphore, #tpu.memory_space<semaphore_mem>>
        %dma_start3A_77 = arith.constant 0 : i32
        %dma_start3A_78 = tpu.memref_slice %arg4[%add3A_21, %dma_start3A_77] : memref<6272x128xi32, #tpu.memory_space<hbm>> -> memref<28x128xi32, #tpu.memory_space<hbm>>
        %dma_start3A_79 = arith.constant 0 : i32
        %dma_start3A_80 = tpu.memref_slice %arg4[%add3A_21, %dma_start3A_79] : memref<6272x128xi32, #tpu.memory_space<hbm>> -> memref<28x128xi32, #tpu.memory_space<hbm>>
        tpu.enqueue_dma source(%dma_start3A_80 : memref<28x128xi32, #tpu.memory_space<hbm>>) target(%arg8 : memref<28x128xi32, #tpu.memory_space<vmem>>) target_semaphore(%run_scoped3A : memref<!tpu.dma_semaphore, #tpu.memory_space<semaphore_mem>>)
        %dma_wait3A = arith.constant 0 : i32
        %dma_wait3A_81 = tpu.memref_slice %arg4[%add3A_21, %dma_wait3A] : memref<6272x128xi32, #tpu.memory_space<hbm>> -> memref<28x128xi32, #tpu.memory_space<hbm>>
        %dma_wait3A_82 = arith.constant 0 : i32
        %dma_wait3A_83 = tpu.memref_slice %arg4[%add3A_21, %dma_wait3A_82] : memref<6272x128xi32, #tpu.memory_space<hbm>> -> memref<28x128xi32, #tpu.memory_space<hbm>>
        tpu.wait_dma2 semaphore(%run_scoped3A : memref<!tpu.dma_semaphore, #tpu.memory_space<semaphore_mem>>) src(%dma_wait3A_83 : memref<28x128xi32, #tpu.memory_space<hbm>>) dst(%arg8 : memref<28x128xi32, #tpu.memory_space<vmem>>)
        tpu.yield
      }) : () -> ()
      %dma_start3A = arith.constant 0 : i32
      %dma_start3A_22 = arith.constant 0 : i32
      %dma_start3A_23 = arith.constant 0 : i32
      %dma_start3A_24 = arith.constant 0 : i32
      %dma_start3A_25 = tpu.memref_slice %arg9[%dma_start3A_22, %dma_start3A_23, %dma_start3A_24] : memref<2x128x32xf32, #tpu.memory_space<vmem>> -> memref<1x128x32xf32, #tpu.memory_space<vmem>>
      %dma_start3A_26 = tpu.memref_squeeze %dma_start3A_25 : memref<1x128x32xf32, #tpu.memory_space<vmem>> -> memref<128x32xf32, #tpu.memory_space<vmem>>
      %dma_start3A_27 = arith.constant 0 : i32
      %dma_start3A_28 = tpu.memref_slice %arg7[%dma_start3A, %dma_start3A_27] : memref<28x128xi32, #tpu.memory_space<vmem>> -> memref<1x128xi32, #tpu.memory_space<vmem>>
      %dma_start3A_29 = tpu.memref_squeeze %dma_start3A_28 : memref<1x128xi32, #tpu.memory_space<vmem>> -> memref<128xi32, #tpu.memory_space<vmem>>
      %dma_start3A_30 = arith.constant 0 : i32
      %dma_start3A_31 = arith.constant 0 : i32
      %dma_start3A_32 = tpu.memref_slice %arg2[%dma_start3A_30, %dma_start3A_31] : memref<102400x32xf32, #tpu.memory_space<hbm>> -> memref<102400x32xf32, #tpu.memory_space<hbm>>
      tpu.enqueue_indirect_dma source(%dma_start3A_32 : memref<102400x32xf32, #tpu.memory_space<hbm>>) target(%dma_start3A_26 : memref<128x32xf32, #tpu.memory_space<vmem>>) offsets(%dma_start3A_29 : memref<128xi32, #tpu.memory_space<vmem>>) semaphore(%arg11 : memref<!tpu.dma_semaphore, #tpu.memory_space<semaphore_mem>>)
      %dma_start3A_33 = arith.constant 1 : i32
      %dma_start3A_34 = arith.constant 1 : i32
      %dma_start3A_35 = arith.constant 0 : i32
      %dma_start3A_36 = arith.constant 0 : i32
      %dma_start3A_37 = tpu.memref_slice %arg9[%dma_start3A_34, %dma_start3A_35, %dma_start3A_36] : memref<2x128x32xf32, #tpu.memory_space<vmem>> -> memref<1x128x32xf32, #tpu.memory_space<vmem>>
      %dma_start3A_38 = tpu.memref_squeeze %dma_start3A_37 : memref<1x128x32xf32, #tpu.memory_space<vmem>> -> memref<128x32xf32, #tpu.memory_space<vmem>>
      %dma_start3A_39 = arith.constant 0 : i32
      %dma_start3A_40 = tpu.memref_slice %arg7[%dma_start3A_33, %dma_start3A_39] : memref<28x128xi32, #tpu.memory_space<vmem>> -> memref<1x128xi32, #tpu.memory_space<vmem>>
      %dma_start3A_41 = tpu.memref_squeeze %dma_start3A_40 : memref<1x128xi32, #tpu.memory_space<vmem>> -> memref<128xi32, #tpu.memory_space<vmem>>
      %dma_start3A_42 = arith.constant 0 : i32
      %dma_start3A_43 = arith.constant 0 : i32
      %dma_start3A_44 = tpu.memref_slice %arg2[%dma_start3A_42, %dma_start3A_43] : memref<102400x32xf32, #tpu.memory_space<hbm>> -> memref<102400x32xf32, #tpu.memory_space<hbm>>
      tpu.enqueue_indirect_dma source(%dma_start3A_44 : memref<102400x32xf32, #tpu.memory_space<hbm>>) target(%dma_start3A_38 : memref<128x32xf32, #tpu.memory_space<vmem>>) offsets(%dma_start3A_41 : memref<128xi32, #tpu.memory_space<vmem>>) semaphore(%arg11 : memref<!tpu.dma_semaphore, #tpu.memory_space<semaphore_mem>>)
      %dma_start3A_45 = arith.constant 2 : i32
      %dma_start3A_46 = arith.constant 0 : i32
      %dma_start3A_47 = arith.constant 0 : i32
      %dma_start3A_48 = arith.constant 0 : i32
      %dma_start3A_49 = tpu.memref_slice %arg10[%dma_start3A_46, %dma_start3A_47, %dma_start3A_48] : memref<2x128x32xf32, #tpu.memory_space<vmem>> -> memref<1x128x32xf32, #tpu.memory_space<vmem>>
      %dma_start3A_50 = tpu.memref_squeeze %dma_start3A_49 : memref<1x128x32xf32, #tpu.memory_space<vmem>> -> memref<128x32xf32, #tpu.memory_space<vmem>>
      %dma_start3A_51 = arith.constant 0 : i32
      %dma_start3A_52 = tpu.memref_slice %arg7[%dma_start3A_45, %dma_start3A_51] : memref<28x128xi32, #tpu.memory_space<vmem>> -> memref<1x128xi32, #tpu.memory_space<vmem>>
      %dma_start3A_53 = tpu.memref_squeeze %dma_start3A_52 : memref<1x128xi32, #tpu.memory_space<vmem>> -> memref<128xi32, #tpu.memory_space<vmem>>
      %dma_start3A_54 = arith.constant 0 : i32
      %dma_start3A_55 = arith.constant 0 : i32
      %dma_start3A_56 = tpu.memref_slice %arg2[%dma_start3A_54, %dma_start3A_55] : memref<102400x32xf32, #tpu.memory_space<hbm>> -> memref<102400x32xf32, #tpu.memory_space<hbm>>
      tpu.enqueue_indirect_dma source(%dma_start3A_56 : memref<102400x32xf32, #tpu.memory_space<hbm>>) target(%dma_start3A_50 : memref<128x32xf32, #tpu.memory_space<vmem>>) offsets(%dma_start3A_53 : memref<128xi32, #tpu.memory_space<vmem>>) semaphore(%arg12 : memref<!tpu.dma_semaphore, #tpu.memory_space<semaphore_mem>>)
      %dma_start3A_57 = arith.constant 3 : i32
      %dma_start3A_58 = arith.constant 1 : i32
      %dma_start3A_59 = arith.constant 0 : i32
      %dma_start3A_60 = arith.constant 0 : i32
      %dma_start3A_61 = tpu.memref_slice %arg10[%dma_start3A_58, %dma_start3A_59, %dma_start3A_60] : memref<2x128x32xf32, #tpu.memory_space<vmem>> -> memref<1x128x32xf32, #tpu.memory_space<vmem>>
      %dma_start3A_62 = tpu.memref_squeeze %dma_start3A_61 : memref<1x128x32xf32, #tpu.memory_space<vmem>> -> memref<128x32xf32, #tpu.memory_space<vmem>>
      %dma_start3A_63 = arith.constant 0 : i32
      %dma_start3A_64 = tpu.memref_slice %arg7[%dma_start3A_57, %dma_start3A_63] : memref<28x128xi32, #tpu.memory_space<vmem>> -> memref<1x128xi32, #tpu.memory_space<vmem>>
      %dma_start3A_65 = tpu.memref_squeeze %dma_start3A_64 : memref<1x128xi32, #tpu.memory_space<vmem>> -> memref<128xi32, #tpu.memory_space<vmem>>
      %dma_start3A_66 = arith.constant 0 : i32
      %dma_start3A_67 = arith.constant 0 : i32
      %dma_start3A_68 = tpu.memref_slice %arg2[%dma_start3A_66, %dma_start3A_67] : memref<102400x32xf32, #tpu.memory_space<hbm>> -> memref<102400x32xf32, #tpu.memory_space<hbm>>
      tpu.enqueue_indirect_dma source(%dma_start3A_68 : memref<102400x32xf32, #tpu.memory_space<hbm>>) target(%dma_start3A_62 : memref<128x32xf32, #tpu.memory_space<vmem>>) offsets(%dma_start3A_65 : memref<128xi32, #tpu.memory_space<vmem>>) semaphore(%arg12 : memref<!tpu.dma_semaphore, #tpu.memory_space<semaphore_mem>>)
      %scan3A_69 = arith.constant 0 : i32
      %scan3A_70 = arith.constant 0 : i32
      %scan3A_71 = arith.constant 7 : i32
      %scan3A_72 = arith.addi %scan3A_70, %scan3A_71 : i32
      %scan3A_73 = arith.constant 1 : i32
      %scan3A_74 = scf.for %scan3A_77 = %scan3A_70 to %scan3A_72 step %scan3A_73 iter_args(%scan3A_78 = %scan3A_69) -> (i32)  : i32 {
        %mul3A_79 = arith.constant 2 : i32
        %mul3A_80 = arith.muli %mul3A_79, %scan3A_77 : i32
        %dma_wait3A = arith.constant 0 : i32
        %dma_wait3A_81 = arith.constant 0 : i32
        %dma_wait3A_82 = arith.constant 0 : i32
        %dma_wait3A_83 = tpu.memref_slice %arg9[%dma_wait3A, %dma_wait3A_81, %dma_wait3A_82] : memref<2x128x32xf32, #tpu.memory_space<vmem>> -> memref<1x128x32xf32, #tpu.memory_space<vmem>>
        %dma_wait3A_84 = tpu.memref_squeeze %dma_wait3A_83 : memref<1x128x32xf32, #tpu.memory_space<vmem>> -> memref<128x32xf32, #tpu.memory_space<vmem>>
        %dma_wait3A_85 = arith.constant 0 : i32
        %dma_wait3A_86 = arith.constant 0 : i32
        %dma_wait3A_87 = tpu.memref_slice %arg2[%dma_wait3A_85, %dma_wait3A_86] : memref<102400x32xf32, #tpu.memory_space<hbm>> -> memref<128x32xf32, #tpu.memory_space<hbm>>
        %dma_wait3A_88 = arith.constant 0 : i32
        %dma_wait3A_89 = arith.constant 0 : i32
        %dma_wait3A_90 = tpu.memref_slice %arg9[%dma_wait3A, %dma_wait3A_88, %dma_wait3A_89] : memref<2x128x32xf32, #tpu.memory_space<vmem>> -> memref<1x128x32xf32, #tpu.memory_space<vmem>>
        %dma_wait3A_91 = tpu.memref_squeeze %dma_wait3A_90 : memref<1x128x32xf32, #tpu.memory_space<vmem>> -> memref<128x32xf32, #tpu.memory_space<vmem>>
        %dma_wait3A_92 = arith.constant 0 : i32
        %dma_wait3A_93 = arith.constant 0 : i32
        %dma_wait3A_94 = tpu.memref_slice %arg2[%dma_wait3A_92, %dma_wait3A_93] : memref<102400x32xf32, #tpu.memory_space<hbm>> -> memref<128x32xf32, #tpu.memory_space<hbm>>
        tpu.wait_dma2 semaphore(%arg11 : memref<!tpu.dma_semaphore, #tpu.memory_space<semaphore_mem>>) src(%dma_wait3A_94 : memref<128x32xf32, #tpu.memory_space<hbm>>) dst(%dma_wait3A_91 : memref<128x32xf32, #tpu.memory_space<vmem>>)
        %dma_wait3A_95 = arith.constant 1 : i32
        %dma_wait3A_96 = arith.constant 0 : i32
        %dma_wait3A_97 = arith.constant 0 : i32
        %dma_wait3A_98 = tpu.memref_slice %arg9[%dma_wait3A_95, %dma_wait3A_96, %dma_wait3A_97] : memref<2x128x32xf32, #tpu.memory_space<vmem>> -> memref<1x128x32xf32, #tpu.memory_space<vmem>>
        %dma_wait3A_99 = tpu.memref_squeeze %dma_wait3A_98 : memref<1x128x32xf32, #tpu.memory_space<vmem>> -> memref<128x32xf32, #tpu.memory_space<vmem>>
        %dma_wait3A_100 = arith.constant 0 : i32
        %dma_wait3A_101 = arith.constant 0 : i32
        %dma_wait3A_102 = tpu.memref_slice %arg2[%dma_wait3A_100, %dma_wait3A_101] : memref<102400x32xf32, #tpu.memory_space<hbm>> -> memref<128x32xf32, #tpu.memory_space<hbm>>
        %dma_wait3A_103 = arith.constant 0 : i32
        %dma_wait3A_104 = arith.constant 0 : i32
        %dma_wait3A_105 = tpu.memref_slice %arg9[%dma_wait3A_95, %dma_wait3A_103, %dma_wait3A_104] : memref<2x128x32xf32, #tpu.memory_space<vmem>> -> memref<1x128x32xf32, #tpu.memory_space<vmem>>
        %dma_wait3A_106 = tpu.memref_squeeze %dma_wait3A_105 : memref<1x128x32xf32, #tpu.memory_space<vmem>> -> memref<128x32xf32, #tpu.memory_space<vmem>>
        %dma_wait3A_107 = arith.constant 0 : i32
        %dma_wait3A_108 = arith.constant 0 : i32
        %dma_wait3A_109 = tpu.memref_slice %arg2[%dma_wait3A_107, %dma_wait3A_108] : memref<102400x32xf32, #tpu.memory_space<hbm>> -> memref<128x32xf32, #tpu.memory_space<hbm>>
        tpu.wait_dma2 semaphore(%arg11 : memref<!tpu.dma_semaphore, #tpu.memory_space<semaphore_mem>>) src(%dma_wait3A_109 : memref<128x32xf32, #tpu.memory_space<hbm>>) dst(%dma_wait3A_106 : memref<128x32xf32, #tpu.memory_space<vmem>>)
        %mul3A_110 = arith.constant 2 : i32
        %mul3A_111 = arith.muli %mul3A_80, %mul3A_110 : i32
        %add3A_112 = arith.constant 0 : i32
        %add3A_113 = arith.addi %mul3A_111, %add3A_112 : i32
        %run_scoped3A = arith.constant 0 : i32
        "tpu.region"() ({
          %run_scoped3A_179 = tpu.sem_alloc : memref<!tpu.dma_semaphore, #tpu.memory_space<semaphore_mem>>
          %dma_start3A_180 = arith.constant 0 : i32
          %dma_start3A_181 = arith.constant 0 : i32
          %dma_start3A_182 = tpu.memref_slice %arg9[%run_scoped3A, %dma_start3A_180, %dma_start3A_181] : memref<2x128x32xf32, #tpu.memory_space<vmem>> -> memref<1x128x32xf32, #tpu.memory_space<vmem>>
          %dma_start3A_183 = tpu.memref_squeeze %dma_start3A_182 : memref<1x128x32xf32, #tpu.memory_space<vmem>> -> memref<128x32xf32, #tpu.memory_space<vmem>>
          %dma_start3A_184 = arith.constant 0 : i32
          %dma_start3A_185 = tpu.memref_slice %arg8[%add3A_113, %dma_start3A_184] : memref<28x128xi32, #tpu.memory_space<vmem>> -> memref<1x128xi32, #tpu.memory_space<vmem>>
          %dma_start3A_186 = tpu.memref_squeeze %dma_start3A_185 : memref<1x128xi32, #tpu.memory_space<vmem>> -> memref<128xi32, #tpu.memory_space<vmem>>
          %dma_start3A_187 = arith.constant 0 : i32
          %dma_start3A_188 = arith.constant 0 : i32
          %dma_start3A_189 = tpu.memref_slice %arg6[%dma_start3A_187, %dma_start3A_188] : memref<51200x32xf32, #tpu.memory_space<vmem_shared>> -> memref<51200x32xf32, #tpu.memory_space<vmem_shared>>
          tpu.enqueue_indirect_dma source(%dma_start3A_183 : memref<128x32xf32, #tpu.memory_space<vmem>>) target(%dma_start3A_189 : memref<51200x32xf32, #tpu.memory_space<vmem_shared>>) offsets(%dma_start3A_186 : memref<128xi32, #tpu.memory_space<vmem>>) semaphore(%run_scoped3A_179 : memref<!tpu.dma_semaphore, #tpu.memory_space<semaphore_mem>>) {add = true}
          %dma_wait3A_190 = arith.constant 0 : i32
          %dma_wait3A_191 = arith.constant 0 : i32
          %dma_wait3A_192 = tpu.memref_slice %arg9[%run_scoped3A, %dma_wait3A_190, %dma_wait3A_191] : memref<2x128x32xf32, #tpu.memory_space<vmem>> -> memref<1x128x32xf32, #tpu.memory_space<vmem>>
          %dma_wait3A_193 = tpu.memref_squeeze %dma_wait3A_192 : memref<1x128x32xf32, #tpu.memory_space<vmem>> -> memref<128x32xf32, #tpu.memory_space<vmem>>
          %dma_wait3A_194 = arith.constant 0 : i32
          %dma_wait3A_195 = tpu.memref_slice %arg8[%add3A_113, %dma_wait3A_194] : memref<28x128xi32, #tpu.memory_space<vmem>> -> memref<1x128xi32, #tpu.memory_space<vmem>>
          %dma_wait3A_196 = tpu.memref_squeeze %dma_wait3A_195 : memref<1x128xi32, #tpu.memory_space<vmem>> -> memref<128xi32, #tpu.memory_space<vmem>>
          %dma_wait3A_197 = arith.constant 0 : i32
          %dma_wait3A_198 = arith.constant 0 : i32
          %dma_wait3A_199 = tpu.memref_slice %arg6[%dma_wait3A_197, %dma_wait3A_198] : memref<51200x32xf32, #tpu.memory_space<vmem_shared>> -> memref<51200x32xf32, #tpu.memory_space<vmem_shared>>
          tpu.wait_indirect_dma semaphore(%run_scoped3A_179 : memref<!tpu.dma_semaphore, #tpu.memory_space<semaphore_mem>>) src(%dma_wait3A_193 : memref<128x32xf32, #tpu.memory_space<vmem>>) dst(%dma_wait3A_199 : memref<51200x32xf32, #tpu.memory_space<vmem_shared>>)
          tpu.yield
        }) : () -> ()
        %mul3A_114 = arith.constant 2 : i32
        %mul3A_115 = arith.muli %mul3A_80, %mul3A_114 : i32
        %add3A_116 = arith.constant 1 : i32
        %add3A_117 = arith.addi %mul3A_115, %add3A_116 : i32
        %run_scoped3A_118 = arith.constant 1 : i32
        "tpu.region"() ({
          %run_scoped3A_179 = tpu.sem_alloc : memref<!tpu.dma_semaphore, #tpu.memory_space<semaphore_mem>>
          %dma_start3A_180 = arith.constant 0 : i32
          %dma_start3A_181 = arith.constant 0 : i32
          %dma_start3A_182 = tpu.memref_slice %arg9[%run_scoped3A_118, %dma_start3A_180, %dma_start3A_181] : memref<2x128x32xf32, #tpu.memory_space<vmem>> -> memref<1x128x32xf32, #tpu.memory_space<vmem>>
          %dma_start3A_183 = tpu.memref_squeeze %dma_start3A_182 : memref<1x128x32xf32, #tpu.memory_space<vmem>> -> memref<128x32xf32, #tpu.memory_space<vmem>>
          %dma_start3A_184 = arith.constant 0 : i32
          %dma_start3A_185 = tpu.memref_slice %arg8[%add3A_117, %dma_start3A_184] : memref<28x128xi32, #tpu.memory_space<vmem>> -> memref<1x128xi32, #tpu.memory_space<vmem>>
          %dma_start3A_186 = tpu.memref_squeeze %dma_start3A_185 : memref<1x128xi32, #tpu.memory_space<vmem>> -> memref<128xi32, #tpu.memory_space<vmem>>
          %dma_start3A_187 = arith.constant 0 : i32
          %dma_start3A_188 = arith.constant 0 : i32
          %dma_start3A_189 = tpu.memref_slice %arg6[%dma_start3A_187, %dma_start3A_188] : memref<51200x32xf32, #tpu.memory_space<vmem_shared>> -> memref<51200x32xf32, #tpu.memory_space<vmem_shared>>
          tpu.enqueue_indirect_dma source(%dma_start3A_183 : memref<128x32xf32, #tpu.memory_space<vmem>>) target(%dma_start3A_189 : memref<51200x32xf32, #tpu.memory_space<vmem_shared>>) offsets(%dma_start3A_186 : memref<128xi32, #tpu.memory_space<vmem>>) semaphore(%run_scoped3A_179 : memref<!tpu.dma_semaphore, #tpu.memory_space<semaphore_mem>>) {add = true}
          %dma_wait3A_190 = arith.constant 0 : i32
          %dma_wait3A_191 = arith.constant 0 : i32
          %dma_wait3A_192 = tpu.memref_slice %arg9[%run_scoped3A_118, %dma_wait3A_190, %dma_wait3A_191] : memref<2x128x32xf32, #tpu.memory_space<vmem>> -> memref<1x128x32xf32, #tpu.memory_space<vmem>>
          %dma_wait3A_193 = tpu.memref_squeeze %dma_wait3A_192 : memref<1x128x32xf32, #tpu.memory_space<vmem>> -> memref<128x32xf32, #tpu.memory_space<vmem>>
          %dma_wait3A_194 = arith.constant 0 : i32
          %dma_wait3A_195 = tpu.memref_slice %arg8[%add3A_117, %dma_wait3A_194] : memref<28x128xi32, #tpu.memory_space<vmem>> -> memref<1x128xi32, #tpu.memory_space<vmem>>
          %dma_wait3A_196 = tpu.memref_squeeze %dma_wait3A_195 : memref<1x128xi32, #tpu.memory_space<vmem>> -> memref<128xi32, #tpu.memory_space<vmem>>
          %dma_wait3A_197 = arith.constant 0 : i32
          %dma_wait3A_198 = arith.constant 0 : i32
          %dma_wait3A_199 = tpu.memref_slice %arg6[%dma_wait3A_197, %dma_wait3A_198] : memref<51200x32xf32, #tpu.memory_space<vmem_shared>> -> memref<51200x32xf32, #tpu.memory_space<vmem_shared>>
          tpu.wait_indirect_dma semaphore(%run_scoped3A_179 : memref<!tpu.dma_semaphore, #tpu.memory_space<semaphore_mem>>) src(%dma_wait3A_193 : memref<128x32xf32, #tpu.memory_space<vmem>>) dst(%dma_wait3A_199 : memref<51200x32xf32, #tpu.memory_space<vmem_shared>>)
          tpu.yield
        }) : () -> ()
        %mul3A_119 = arith.constant 2 : i32
        %mul3A_120 = arith.muli %mul3A_119, %scan3A_77 : i32
        %add3A_121 = arith.constant 2 : i32
        %add3A_122 = arith.addi %mul3A_120, %add3A_121 : i32
        %lt3A = arith.constant 14 : i32
        %lt3A_123 = arith.cmpi slt, %add3A_122, %lt3A : i32
        %convert_element_type3A = arith.extui %lt3A_123 : i1 to i32
        %cond3A = arith.constant 0 : i32
        %cond3A_124 = arith.cmpi ne, %convert_element_type3A, %cond3A : i32
        scf.if %cond3A_124 {
          %mul3A_179 = arith.constant 2 : i32
          %mul3A_180 = arith.muli %mul3A_179, %scan3A_77 : i32
          %add3A_181 = arith.constant 2 : i32
          %add3A_182 = arith.addi %mul3A_180, %add3A_181 : i32
          %mul3A_183 = arith.constant 2 : i32
          %mul3A_184 = arith.muli %add3A_182, %mul3A_183 : i32
          %add3A_185 = arith.constant 0 : i32
          %add3A_186 = arith.addi %mul3A_184, %add3A_185 : i32
          %dma_start3A_187 = arith.constant 0 : i32
          %dma_start3A_188 = arith.constant 0 : i32
          %dma_start3A_189 = arith.constant 0 : i32
          %dma_start3A_190 = tpu.memref_slice %arg9[%dma_start3A_187, %dma_start3A_188, %dma_start3A_189] : memref<2x128x32xf32, #tpu.memory_space<vmem>> -> memref<1x128x32xf32, #tpu.memory_space<vmem>>
          %dma_start3A_191 = tpu.memref_squeeze %dma_start3A_190 : memref<1x128x32xf32, #tpu.memory_space<vmem>> -> memref<128x32xf32, #tpu.memory_space<vmem>>
          %dma_start3A_192 = arith.constant 0 : i32
          %dma_start3A_193 = tpu.memref_slice %arg7[%add3A_186, %dma_start3A_192] : memref<28x128xi32, #tpu.memory_space<vmem>> -> memref<1x128xi32, #tpu.memory_space<vmem>>
          %dma_start3A_194 = tpu.memref_squeeze %dma_start3A_193 : memref<1x128xi32, #tpu.memory_space<vmem>> -> memref<128xi32, #tpu.memory_space<vmem>>
          %dma_start3A_195 = arith.constant 0 : i32
          %dma_start3A_196 = arith.constant 0 : i32
          %dma_start3A_197 = tpu.memref_slice %arg2[%dma_start3A_195, %dma_start3A_196] : memref<102400x32xf32, #tpu.memory_space<hbm>> -> memref<102400x32xf32, #tpu.memory_space<hbm>>
          tpu.enqueue_indirect_dma source(%dma_start3A_197 : memref<102400x32xf32, #tpu.memory_space<hbm>>) target(%dma_start3A_191 : memref<128x32xf32, #tpu.memory_space<vmem>>) offsets(%dma_start3A_194 : memref<128xi32, #tpu.memory_space<vmem>>) semaphore(%arg11 : memref<!tpu.dma_semaphore, #tpu.memory_space<semaphore_mem>>)
          %mul3A_198 = arith.constant 2 : i32
          %mul3A_199 = arith.muli %add3A_182, %mul3A_198 : i32
          %add3A_200 = arith.constant 1 : i32
          %add3A_201 = arith.addi %mul3A_199, %add3A_200 : i32
          %dma_start3A_202 = arith.constant 1 : i32
          %dma_start3A_203 = arith.constant 0 : i32
          %dma_start3A_204 = arith.constant 0 : i32
          %dma_start3A_205 = tpu.memref_slice %arg9[%dma_start3A_202, %dma_start3A_203, %dma_start3A_204] : memref<2x128x32xf32, #tpu.memory_space<vmem>> -> memref<1x128x32xf32, #tpu.memory_space<vmem>>
          %dma_start3A_206 = tpu.memref_squeeze %dma_start3A_205 : memref<1x128x32xf32, #tpu.memory_space<vmem>> -> memref<128x32xf32, #tpu.memory_space<vmem>>
          %dma_start3A_207 = arith.constant 0 : i32
          %dma_start3A_208 = tpu.memref_slice %arg7[%add3A_201, %dma_start3A_207] : memref<28x128xi32, #tpu.memory_space<vmem>> -> memref<1x128xi32, #tpu.memory_space<vmem>>
          %dma_start3A_209 = tpu.memref_squeeze %dma_start3A_208 : memref<1x128xi32, #tpu.memory_space<vmem>> -> memref<128xi32, #tpu.memory_space<vmem>>
          %dma_start3A_210 = arith.constant 0 : i32
          %dma_start3A_211 = arith.constant 0 : i32
          %dma_start3A_212 = tpu.memref_slice %arg2[%dma_start3A_210, %dma_start3A_211] : memref<102400x32xf32, #tpu.memory_space<hbm>> -> memref<102400x32xf32, #tpu.memory_space<hbm>>
          tpu.enqueue_indirect_dma source(%dma_start3A_212 : memref<102400x32xf32, #tpu.memory_space<hbm>>) target(%dma_start3A_206 : memref<128x32xf32, #tpu.memory_space<vmem>>) offsets(%dma_start3A_209 : memref<128xi32, #tpu.memory_space<vmem>>) semaphore(%arg11 : memref<!tpu.dma_semaphore, #tpu.memory_space<semaphore_mem>>)
        } else {
        }
        %mul3A_125 = arith.constant 2 : i32
        %mul3A_126 = arith.muli %mul3A_125, %scan3A_77 : i32
        %add3A_127 = arith.constant 1 : i32
        %add3A_128 = arith.addi %mul3A_126, %add3A_127 : i32
        %dma_wait3A_129 = arith.constant 0 : i32
        %dma_wait3A_130 = arith.constant 0 : i32
        %dma_wait3A_131 = arith.constant 0 : i32
        %dma_wait3A_132 = tpu.memref_slice %arg10[%dma_wait3A_129, %dma_wait3A_130, %dma_wait3A_131] : memref<2x128x32xf32, #tpu.memory_space<vmem>> -> memref<1x128x32xf32, #tpu.memory_space<vmem>>
        %dma_wait3A_133 = tpu.memref_squeeze %dma_wait3A_132 : memref<1x128x32xf32, #tpu.memory_space<vmem>> -> memref<128x32xf32, #tpu.memory_space<vmem>>
        %dma_wait3A_134 = arith.constant 0 : i32
        %dma_wait3A_135 = arith.constant 0 : i32
        %dma_wait3A_136 = tpu.memref_slice %arg2[%dma_wait3A_134, %dma_wait3A_135] : memref<102400x32xf32, #tpu.memory_space<hbm>> -> memref<128x32xf32, #tpu.memory_space<hbm>>
        %dma_wait3A_137 = arith.constant 0 : i32
        %dma_wait3A_138 = arith.constant 0 : i32
        %dma_wait3A_139 = tpu.memref_slice %arg10[%dma_wait3A_129, %dma_wait3A_137, %dma_wait3A_138] : memref<2x128x32xf32, #tpu.memory_space<vmem>> -> memref<1x128x32xf32, #tpu.memory_space<vmem>>
        %dma_wait3A_140 = tpu.memref_squeeze %dma_wait3A_139 : memref<1x128x32xf32, #tpu.memory_space<vmem>> -> memref<128x32xf32, #tpu.memory_space<vmem>>
        %dma_wait3A_141 = arith.constant 0 : i32
        %dma_wait3A_142 = arith.constant 0 : i32
        %dma_wait3A_143 = tpu.memref_slice %arg2[%dma_wait3A_141, %dma_wait3A_142] : memref<102400x32xf32, #tpu.memory_space<hbm>> -> memref<128x32xf32, #tpu.memory_space<hbm>>
        tpu.wait_dma2 semaphore(%arg12 : memref<!tpu.dma_semaphore, #tpu.memory_space<semaphore_mem>>) src(%dma_wait3A_143 : memref<128x32xf32, #tpu.memory_space<hbm>>) dst(%dma_wait3A_140 : memref<128x32xf32, #tpu.memory_space<vmem>>)
        %dma_wait3A_144 = arith.constant 1 : i32
        %dma_wait3A_145 = arith.constant 0 : i32
        %dma_wait3A_146 = arith.constant 0 : i32
        %dma_wait3A_147 = tpu.memref_slice %arg10[%dma_wait3A_144, %dma_wait3A_145, %dma_wait3A_146] : memref<2x128x32xf32, #tpu.memory_space<vmem>> -> memref<1x128x32xf32, #tpu.memory_space<vmem>>
        %dma_wait3A_148 = tpu.memref_squeeze %dma_wait3A_147 : memref<1x128x32xf32, #tpu.memory_space<vmem>> -> memref<128x32xf32, #tpu.memory_space<vmem>>
        %dma_wait3A_149 = arith.constant 0 : i32
        %dma_wait3A_150 = arith.constant 0 : i32
        %dma_wait3A_151 = tpu.memref_slice %arg2[%dma_wait3A_149, %dma_wait3A_150] : memref<102400x32xf32, #tpu.memory_space<hbm>> -> memref<128x32xf32, #tpu.memory_space<hbm>>
        %dma_wait3A_152 = arith.constant 0 : i32
        %dma_wait3A_153 = arith.constant 0 : i32
        %dma_wait3A_154 = tpu.memref_slice %arg10[%dma_wait3A_144, %dma_wait3A_152, %dma_wait3A_153] : memref<2x128x32xf32, #tpu.memory_space<vmem>> -> memref<1x128x32xf32, #tpu.memory_space<vmem>>
        %dma_wait3A_155 = tpu.memref_squeeze %dma_wait3A_154 : memref<1x128x32xf32, #tpu.memory_space<vmem>> -> memref<128x32xf32, #tpu.memory_space<vmem>>
        %dma_wait3A_156 = arith.constant 0 : i32
        %dma_wait3A_157 = arith.constant 0 : i32
        %dma_wait3A_158 = tpu.memref_slice %arg2[%dma_wait3A_156, %dma_wait3A_157] : memref<102400x32xf32, #tpu.memory_space<hbm>> -> memref<128x32xf32, #tpu.memory_space<hbm>>
        tpu.wait_dma2 semaphore(%arg12 : memref<!tpu.dma_semaphore, #tpu.memory_space<semaphore_mem>>) src(%dma_wait3A_158 : memref<128x32xf32, #tpu.memory_space<hbm>>) dst(%dma_wait3A_155 : memref<128x32xf32, #tpu.memory_space<vmem>>)
        %mul3A_159 = arith.constant 2 : i32
        %mul3A_160 = arith.muli %add3A_128, %mul3A_159 : i32
        %add3A_161 = arith.constant 0 : i32
        %add3A_162 = arith.addi %mul3A_160, %add3A_161 : i32
        %run_scoped3A_163 = arith.constant 0 : i32
        "tpu.region"() ({
          %run_scoped3A_179 = tpu.sem_alloc : memref<!tpu.dma_semaphore, #tpu.memory_space<semaphore_mem>>
          %dma_start3A_180 = arith.constant 0 : i32
          %dma_start3A_181 = arith.constant 0 : i32
          %dma_start3A_182 = tpu.memref_slice %arg10[%run_scoped3A_163, %dma_start3A_180, %dma_start3A_181] : memref<2x128x32xf32, #tpu.memory_space<vmem>> -> memref<1x128x32xf32, #tpu.memory_space<vmem>>
          %dma_start3A_183 = tpu.memref_squeeze %dma_start3A_182 : memref<1x128x32xf32, #tpu.memory_space<vmem>> -> memref<128x32xf32, #tpu.memory_space<vmem>>
          %dma_start3A_184 = arith.constant 0 : i32
          %dma_start3A_185 = tpu.memref_slice %arg8[%add3A_162, %dma_start3A_184] : memref<28x128xi32, #tpu.memory_space<vmem>> -> memref<1x128xi32, #tpu.memory_space<vmem>>
          %dma_start3A_186 = tpu.memref_squeeze %dma_start3A_185 : memref<1x128xi32, #tpu.memory_space<vmem>> -> memref<128xi32, #tpu.memory_space<vmem>>
          %dma_start3A_187 = arith.constant 0 : i32
          %dma_start3A_188 = arith.constant 0 : i32
          %dma_start3A_189 = tpu.memref_slice %arg6[%dma_start3A_187, %dma_start3A_188] : memref<51200x32xf32, #tpu.memory_space<vmem_shared>> -> memref<51200x32xf32, #tpu.memory_space<vmem_shared>>
          tpu.enqueue_indirect_dma source(%dma_start3A_183 : memref<128x32xf32, #tpu.memory_space<vmem>>) target(%dma_start3A_189 : memref<51200x32xf32, #tpu.memory_space<vmem_shared>>) offsets(%dma_start3A_186 : memref<128xi32, #tpu.memory_space<vmem>>) semaphore(%run_scoped3A_179 : memref<!tpu.dma_semaphore, #tpu.memory_space<semaphore_mem>>) {add = true}
          %dma_wait3A_190 = arith.constant 0 : i32
          %dma_wait3A_191 = arith.constant 0 : i32
          %dma_wait3A_192 = tpu.memref_slice %arg10[%run_scoped3A_163, %dma_wait3A_190, %dma_wait3A_191] : memref<2x128x32xf32, #tpu.memory_space<vmem>> -> memref<1x128x32xf32, #tpu.memory_space<vmem>>
          %dma_wait3A_193 = tpu.memref_squeeze %dma_wait3A_192 : memref<1x128x32xf32, #tpu.memory_space<vmem>> -> memref<128x32xf32, #tpu.memory_space<vmem>>
          %dma_wait3A_194 = arith.constant 0 : i32
          %dma_wait3A_195 = tpu.memref_slice %arg8[%add3A_162, %dma_wait3A_194] : memref<28x128xi32, #tpu.memory_space<vmem>> -> memref<1x128xi32, #tpu.memory_space<vmem>>
          %dma_wait3A_196 = tpu.memref_squeeze %dma_wait3A_195 : memref<1x128xi32, #tpu.memory_space<vmem>> -> memref<128xi32, #tpu.memory_space<vmem>>
          %dma_wait3A_197 = arith.constant 0 : i32
          %dma_wait3A_198 = arith.constant 0 : i32
          %dma_wait3A_199 = tpu.memref_slice %arg6[%dma_wait3A_197, %dma_wait3A_198] : memref<51200x32xf32, #tpu.memory_space<vmem_shared>> -> memref<51200x32xf32, #tpu.memory_space<vmem_shared>>
          tpu.wait_indirect_dma semaphore(%run_scoped3A_179 : memref<!tpu.dma_semaphore, #tpu.memory_space<semaphore_mem>>) src(%dma_wait3A_193 : memref<128x32xf32, #tpu.memory_space<vmem>>) dst(%dma_wait3A_199 : memref<51200x32xf32, #tpu.memory_space<vmem_shared>>)
          tpu.yield
        }) : () -> ()
        %mul3A_164 = arith.constant 2 : i32
        %mul3A_165 = arith.muli %add3A_128, %mul3A_164 : i32
        %add3A_166 = arith.constant 1 : i32
        %add3A_167 = arith.addi %mul3A_165, %add3A_166 : i32
        %run_scoped3A_168 = arith.constant 1 : i32
        "tpu.region"() ({
          %run_scoped3A_179 = tpu.sem_alloc : memref<!tpu.dma_semaphore, #tpu.memory_space<semaphore_mem>>
          %dma_start3A_180 = arith.constant 0 : i32
          %dma_start3A_181 = arith.constant 0 : i32
          %dma_start3A_182 = tpu.memref_slice %arg10[%run_scoped3A_168, %dma_start3A_180, %dma_start3A_181] : memref<2x128x32xf32, #tpu.memory_space<vmem>> -> memref<1x128x32xf32, #tpu.memory_space<vmem>>
          %dma_start3A_183 = tpu.memref_squeeze %dma_start3A_182 : memref<1x128x32xf32, #tpu.memory_space<vmem>> -> memref<128x32xf32, #tpu.memory_space<vmem>>
          %dma_start3A_184 = arith.constant 0 : i32
          %dma_start3A_185 = tpu.memref_slice %arg8[%add3A_167, %dma_start3A_184] : memref<28x128xi32, #tpu.memory_space<vmem>> -> memref<1x128xi32, #tpu.memory_space<vmem>>
          %dma_start3A_186 = tpu.memref_squeeze %dma_start3A_185 : memref<1x128xi32, #tpu.memory_space<vmem>> -> memref<128xi32, #tpu.memory_space<vmem>>
          %dma_start3A_187 = arith.constant 0 : i32
          %dma_start3A_188 = arith.constant 0 : i32
          %dma_start3A_189 = tpu.memref_slice %arg6[%dma_start3A_187, %dma_start3A_188] : memref<51200x32xf32, #tpu.memory_space<vmem_shared>> -> memref<51200x32xf32, #tpu.memory_space<vmem_shared>>
          tpu.enqueue_indirect_dma source(%dma_start3A_183 : memref<128x32xf32, #tpu.memory_space<vmem>>) target(%dma_start3A_189 : memref<51200x32xf32, #tpu.memory_space<vmem_shared>>) offsets(%dma_start3A_186 : memref<128xi32, #tpu.memory_space<vmem>>) semaphore(%run_scoped3A_179 : memref<!tpu.dma_semaphore, #tpu.memory_space<semaphore_mem>>) {add = true}
          %dma_wait3A_190 = arith.constant 0 : i32
          %dma_wait3A_191 = arith.constant 0 : i32
          %dma_wait3A_192 = tpu.memref_slice %arg10[%run_scoped3A_168, %dma_wait3A_190, %dma_wait3A_191] : memref<2x128x32xf32, #tpu.memory_space<vmem>> -> memref<1x128x32xf32, #tpu.memory_space<vmem>>
          %dma_wait3A_193 = tpu.memref_squeeze %dma_wait3A_192 : memref<1x128x32xf32, #tpu.memory_space<vmem>> -> memref<128x32xf32, #tpu.memory_space<vmem>>
          %dma_wait3A_194 = arith.constant 0 : i32
          %dma_wait3A_195 = tpu.memref_slice %arg8[%add3A_167, %dma_wait3A_194] : memref<28x128xi32, #tpu.memory_space<vmem>> -> memref<1x128xi32, #tpu.memory_space<vmem>>
          %dma_wait3A_196 = tpu.memref_squeeze %dma_wait3A_195 : memref<1x128xi32, #tpu.memory_space<vmem>> -> memref<128xi32, #tpu.memory_space<vmem>>
          %dma_wait3A_197 = arith.constant 0 : i32
          %dma_wait3A_198 = arith.constant 0 : i32
          %dma_wait3A_199 = tpu.memref_slice %arg6[%dma_wait3A_197, %dma_wait3A_198] : memref<51200x32xf32, #tpu.memory_space<vmem_shared>> -> memref<51200x32xf32, #tpu.memory_space<vmem_shared>>
          tpu.wait_indirect_dma semaphore(%run_scoped3A_179 : memref<!tpu.dma_semaphore, #tpu.memory_space<semaphore_mem>>) src(%dma_wait3A_193 : memref<128x32xf32, #tpu.memory_space<vmem>>) dst(%dma_wait3A_199 : memref<51200x32xf32, #tpu.memory_space<vmem_shared>>)
          tpu.yield
        }) : () -> ()
        %mul3A_169 = arith.constant 2 : i32
        %mul3A_170 = arith.muli %mul3A_169, %scan3A_77 : i32
        %add3A_171 = arith.constant 3 : i32
        %add3A_172 = arith.addi %mul3A_170, %add3A_171 : i32
        %lt3A_173 = arith.constant 14 : i32
        %lt3A_174 = arith.cmpi slt, %add3A_172, %lt3A_173 : i32
        %convert_element_type3A_175 = arith.extui %lt3A_174 : i1 to i32
        %cond3A_176 = arith.constant 0 : i32
        %cond3A_177 = arith.cmpi ne, %convert_element_type3A_175, %cond3A_176 : i32
        scf.if %cond3A_177 {
          %mul3A_179 = arith.constant 2 : i32
          %mul3A_180 = arith.muli %mul3A_179, %scan3A_77 : i32
          %add3A_181 = arith.constant 3 : i32
          %add3A_182 = arith.addi %mul3A_180, %add3A_181 : i32
          %mul3A_183 = arith.constant 2 : i32
          %mul3A_184 = arith.muli %add3A_182, %mul3A_183 : i32
          %add3A_185 = arith.constant 0 : i32
          %add3A_186 = arith.addi %mul3A_184, %add3A_185 : i32
          %dma_start3A_187 = arith.constant 0 : i32
          %dma_start3A_188 = arith.constant 0 : i32
          %dma_start3A_189 = arith.constant 0 : i32
          %dma_start3A_190 = tpu.memref_slice %arg10[%dma_start3A_187, %dma_start3A_188, %dma_start3A_189] : memref<2x128x32xf32, #tpu.memory_space<vmem>> -> memref<1x128x32xf32, #tpu.memory_space<vmem>>
          %dma_start3A_191 = tpu.memref_squeeze %dma_start3A_190 : memref<1x128x32xf32, #tpu.memory_space<vmem>> -> memref<128x32xf32, #tpu.memory_space<vmem>>
          %dma_start3A_192 = arith.constant 0 : i32
          %dma_start3A_193 = tpu.memref_slice %arg7[%add3A_186, %dma_start3A_192] : memref<28x128xi32, #tpu.memory_space<vmem>> -> memref<1x128xi32, #tpu.memory_space<vmem>>
          %dma_start3A_194 = tpu.memref_squeeze %dma_start3A_193 : memref<1x128xi32, #tpu.memory_space<vmem>> -> memref<128xi32, #tpu.memory_space<vmem>>
          %dma_start3A_195 = arith.constant 0 : i32
          %dma_start3A_196 = arith.constant 0 : i32
          %dma_start3A_197 = tpu.memref_slice %arg2[%dma_start3A_195, %dma_start3A_196] : memref<102400x32xf32, #tpu.memory_space<hbm>> -> memref<102400x32xf32, #tpu.memory_space<hbm>>
          tpu.enqueue_indirect_dma source(%dma_start3A_197 : memref<102400x32xf32, #tpu.memory_space<hbm>>) target(%dma_start3A_191 : memref<128x32xf32, #tpu.memory_space<vmem>>) offsets(%dma_start3A_194 : memref<128xi32, #tpu.memory_space<vmem>>) semaphore(%arg12 : memref<!tpu.dma_semaphore, #tpu.memory_space<semaphore_mem>>)
          %mul3A_198 = arith.constant 2 : i32
          %mul3A_199 = arith.muli %add3A_182, %mul3A_198 : i32
          %add3A_200 = arith.constant 1 : i32
          %add3A_201 = arith.addi %mul3A_199, %add3A_200 : i32
          %dma_start3A_202 = arith.constant 1 : i32
          %dma_start3A_203 = arith.constant 0 : i32
          %dma_start3A_204 = arith.constant 0 : i32
          %dma_start3A_205 = tpu.memref_slice %arg10[%dma_start3A_202, %dma_start3A_203, %dma_start3A_204] : memref<2x128x32xf32, #tpu.memory_space<vmem>> -> memref<1x128x32xf32, #tpu.memory_space<vmem>>
          %dma_start3A_206 = tpu.memref_squeeze %dma_start3A_205 : memref<1x128x32xf32, #tpu.memory_space<vmem>> -> memref<128x32xf32, #tpu.memory_space<vmem>>
          %dma_start3A_207 = arith.constant 0 : i32
          %dma_start3A_208 = tpu.memref_slice %arg7[%add3A_201, %dma_start3A_207] : memref<28x128xi32, #tpu.memory_space<vmem>> -> memref<1x128xi32, #tpu.memory_space<vmem>>
          %dma_start3A_209 = tpu.memref_squeeze %dma_start3A_208 : memref<1x128xi32, #tpu.memory_space<vmem>> -> memref<128xi32, #tpu.memory_space<vmem>>
          %dma_start3A_210 = arith.constant 0 : i32
          %dma_start3A_211 = arith.constant 0 : i32
          %dma_start3A_212 = tpu.memref_slice %arg2[%dma_start3A_210, %dma_start3A_211] : memref<102400x32xf32, #tpu.memory_space<hbm>> -> memref<102400x32xf32, #tpu.memory_space<hbm>>
          tpu.enqueue_indirect_dma source(%dma_start3A_212 : memref<102400x32xf32, #tpu.memory_space<hbm>>) target(%dma_start3A_206 : memref<128x32xf32, #tpu.memory_space<vmem>>) offsets(%dma_start3A_209 : memref<128xi32, #tpu.memory_space<vmem>>) semaphore(%arg12 : memref<!tpu.dma_semaphore, #tpu.memory_space<semaphore_mem>>)
        } else {
        }
        %scan3A_178 = arith.constant 0 : i32
        scf.yield %scan3A_178 : i32
      }
      %scan3A_75 = arith.constant 7 : i32
      %scan3A_76 = arith.constant 0 : i32
      scf.yield %scan3A_76 : i32
    }
    %scan3A_12 = arith.constant 14 : i32
    %barrier3A_13 = arith.constant 0 : index
    tpu.barrier barrier_id(%barrier3A_13)
    "tpu.region"() ({
      %run_scoped3A = tpu.sem_alloc : memref<!tpu.dma_semaphore, #tpu.memory_space<semaphore_mem>>
      %dma_start3A = arith.constant 0 : i32
      %dma_start3A_14 = tpu.memref_slice %arg5[%arg0, %mul3A_0, %dma_start3A] : memref<2x51200x32xf32, #tpu.memory_space<hbm>> -> memref<1x3200x32xf32, #tpu.memory_space<hbm>>
      %dma_start3A_15 = tpu.memref_squeeze %dma_start3A_14 : memref<1x3200x32xf32, #tpu.memory_space<hbm>> -> memref<3200x32xf32, #tpu.memory_space<hbm>>
      %dma_start3A_16 = arith.constant 0 : i32
      %dma_start3A_17 = tpu.memref_slice %arg6[%mul3A_0, %dma_start3A_16] : memref<51200x32xf32, #tpu.memory_space<vmem_shared>> -> memref<3200x32xf32, #tpu.memory_space<vmem_shared>>
      tpu.enqueue_dma source(%dma_start3A_17 : memref<3200x32xf32, #tpu.memory_space<vmem_shared>>) target(%dma_start3A_15 : memref<3200x32xf32, #tpu.memory_space<hbm>>) target_semaphore(%run_scoped3A : memref<!tpu.dma_semaphore, #tpu.memory_space<semaphore_mem>>)
      %dma_wait3A = arith.constant 0 : i32
      %dma_wait3A_18 = tpu.memref_slice %arg5[%arg0, %mul3A_0, %dma_wait3A] : memref<2x51200x32xf32, #tpu.memory_space<hbm>> -> memref<1x3200x32xf32, #tpu.memory_space<hbm>>
      %dma_wait3A_19 = tpu.memref_squeeze %dma_wait3A_18 : memref<1x3200x32xf32, #tpu.memory_space<hbm>> -> memref<3200x32xf32, #tpu.memory_space<hbm>>
      %dma_wait3A_20 = arith.constant 0 : i32
      %dma_wait3A_21 = tpu.memref_slice %arg6[%mul3A_0, %dma_wait3A_20] : memref<51200x32xf32, #tpu.memory_space<vmem_shared>> -> memref<3200x32xf32, #tpu.memory_space<vmem_shared>>
      tpu.wait_dma2 semaphore(%run_scoped3A : memref<!tpu.dma_semaphore, #tpu.memory_space<semaphore_mem>>) src(%dma_wait3A_21 : memref<3200x32xf32, #tpu.memory_space<vmem_shared>>) dst(%dma_wait3A_19 : memref<3200x32xf32, #tpu.memory_space<hbm>>)
      tpu.yield
    }) : () -> ()
    return
  }
}

module attributes {stable_mosaic.version = 14 : i64} {
  func.func @tc_prep(%arg0: i32, %arg1: memref<2048x32xf32, #tpu.memory_space<vmem>>, %arg2: memref<2048x6xf32, #tpu.memory_space<vmem>>, %arg3: memref<1x1x2048xi32, #tpu.memory_space<vmem>>, %arg4: memref<2048x1xf32, #tpu.memory_space<vmem>>, %arg5: memref<2048x32xf32, #tpu.memory_space<vmem>>, %arg6: memref<32x1xf32, #tpu.memory_space<vmem>>, %arg7: memref<32x1xf32, #tpu.memory_space<vmem>>) attributes {dimension_semantics = [#tpu.dimension_semantics<arbitrary>], iteration_bounds = array<i64: 25>, scalar_prefetch = 0 : i64, scratch_operands = 1 : i64, tpu.core_type = #tpu.core_type<tc>, window_params = [{transform_indices = @transform_0, window_bounds = array<i64: 2048, 32>}, {transform_indices = @transform_1, window_bounds = array<i64: 2048, 6>}, {transform_indices = @transform_2, window_bounds = array<i64: 1, 1, 2048>}, {transform_indices = @transform_3, window_bounds = array<i64: 2048, 1>}, {transform_indices = @transform_4, window_bounds = array<i64: 2048, 32>}, {pipeline_mode = #tpu.pipeline_mode<synchronous>, transform_indices = @transform_5, window_bounds = array<i64: 32, 1>}]} {
    %get3A = arith.constant 0 : index
    %get3A_0 = arith.constant 0 : index
    %get3A_1 = vector.load %arg1[%get3A, %get3A_0] : memref<2048x32xf32, #tpu.memory_space<vmem>>, vector<2048x32xf32>
    %reduce_sum3A = arith.constant dense<0.000000e+00> : vector<2048xf32>
    %reduce_sum3A_2 = vector.multi_reduction <add>, %get3A_1, %reduce_sum3A [1] : vector<2048x32xf32> to vector<2048xf32>
    %broadcast_in_dim3A = vector.shape_cast %reduce_sum3A_2 : vector<2048xf32> to vector<2048x1xf32>
    %add3A = arith.constant 1.000000e+00 : f32
    %add3A_3 = vector.broadcast %add3A : f32 to vector<2048x1xf32>
    %add3A_4 = arith.addf %broadcast_in_dim3A, %add3A_3 : vector<2048x1xf32>
    %rsqrt3A = math.rsqrt %add3A_4 : vector<2048x1xf32>
    %swap3A = arith.constant 0 : index
    %swap3A_5 = arith.constant 0 : index
    %swap3A_6 = vector.load %arg4[%swap3A, %swap3A_5] : memref<2048x1xf32, #tpu.memory_space<vmem>>, vector<2048x1xf32>
    tpu.vector_store %arg4[%swap3A, %swap3A_5], %rsqrt3A {strides = array<i32>} : memref<2048x1xf32, #tpu.memory_space<vmem>>, vector<2048x1xf32>,
    %get3A_7 = arith.constant 0 : index
    %get3A_8 = arith.constant 0 : index
    %get3A_9 = vector.load %arg2[%get3A_7, %get3A_8] : memref<2048x6xf32, #tpu.memory_space<vmem>>, vector<2048x6xf32>
    %broadcast_in_dim3A_10 = arith.constant 0.000000e+00 : f32
    %broadcast_in_dim3A_11 = vector.broadcast %broadcast_in_dim3A_10 : f32 to vector<2048x13xf32>
    %slice3A = vector.extract_strided_slice %get3A_9 {offsets = [0, 0], sizes = [2048, 3], strides = [1, 1]} : vector<2048x6xf32> to vector<2048x3xf32>
    %mul3A = vector.broadcast %rsqrt3A : vector<2048x1xf32> to vector<2048x3xf32>
    %mul3A_12 = arith.mulf %slice3A, %mul3A : vector<2048x3xf32>
    %slice3A_13 = vector.extract_strided_slice %get3A_9 {offsets = [0, 3], sizes = [2048, 3], strides = [1, 1]} : vector<2048x6xf32> to vector<2048x3xf32>
    %mul3A_14 = vector.broadcast %rsqrt3A : vector<2048x1xf32> to vector<2048x3xf32>
    %mul3A_15 = arith.mulf %slice3A_13, %mul3A_14 : vector<2048x3xf32>
    %concatenate3A = tpu.concatenate %mul3A_12, %broadcast_in_dim3A_11, %mul3A_15, %broadcast_in_dim3A_11 in 1 : vector<2048x3xf32>, vector<2048x13xf32>, vector<2048x3xf32>, vector<2048x13xf32> -> vector<2048x32xf32>
    %swap3A_16 = arith.constant 0 : index
    %swap3A_17 = arith.constant 0 : index
    %swap3A_18 = vector.load %arg5[%swap3A_16, %swap3A_17] : memref<2048x32xf32, #tpu.memory_space<vmem>>, vector<2048x32xf32>
    tpu.vector_store %arg5[%swap3A_16, %swap3A_17], %concatenate3A {strides = array<i32>} : memref<2048x32xf32, #tpu.memory_space<vmem>>, vector<2048x32xf32>,
    %get3A_19 = arith.constant 0 : index
    %get3A_20 = arith.constant 0 : index
    %get3A_21 = arith.constant 0 : index
    %get3A_22 = vector.load %arg3[%get3A_19, %get3A_20, %get3A_21] : memref<1x1x2048xi32, #tpu.memory_space<vmem>>, vector<1x1x2048xi32>
    %get3A_23 = vector.shape_cast %get3A_22 : vector<1x1x2048xi32> to vector<1x2048xi32>
    %iota3A = tpu.iota {dimensions = array<i32: 0>} : vector<32x1xi32>
    %eq3A = vector.broadcast %get3A_23 : vector<1x2048xi32> to vector<32x2048xi32>
    %eq3A_24 = vector.broadcast %iota3A : vector<32x1xi32> to vector<32x2048xi32>
    %eq3A_25 = arith.cmpi eq, %eq3A, %eq3A_24 : vector<32x2048xi32>
    %convert_element_type3A = arith.extui %eq3A_25 : vector<32x2048xi1> to vector<32x2048xi32>
    %convert_element_type3A_26 = arith.sitofp %convert_element_type3A : vector<32x2048xi32> to vector<32x2048xf32>
    %eq3A_27 = arith.constant 0 : i32
    %eq3A_28 = arith.cmpi eq, %arg0, %eq3A_27 : i32
    %convert_element_type3A_29 = arith.extui %eq3A_28 : i1 to i32
    %cond3A = arith.constant 0 : i32
    %cond3A_30 = arith.cmpi ne, %convert_element_type3A_29, %cond3A : i32
    scf.if %cond3A_30 {
      %broadcast_in_dim3A_46 = arith.constant 0.000000e+00 : f32
      %broadcast_in_dim3A_47 = vector.broadcast %broadcast_in_dim3A_46 : f32 to vector<32x1xf32>
      %swap3A_48 = arith.constant 0 : index
      %swap3A_49 = arith.constant 0 : index
      %swap3A_50 = vector.load %arg7[%swap3A_48, %swap3A_49] : memref<32x1xf32, #tpu.memory_space<vmem>>, vector<32x1xf32>
      tpu.vector_store %arg7[%swap3A_48, %swap3A_49], %broadcast_in_dim3A_47 {strides = array<i32>} : memref<32x1xf32, #tpu.memory_space<vmem>>, vector<32x1xf32>,
    } else {
    }
    %get3A_31 = arith.constant 0 : index
    %get3A_32 = arith.constant 0 : index
    %get3A_33 = vector.load %arg7[%get3A_31, %get3A_32] : memref<32x1xf32, #tpu.memory_space<vmem>>, vector<32x1xf32>
    %reduce_sum3A_34 = arith.constant dense<0.000000e+00> : vector<32xf32>
    %reduce_sum3A_35 = vector.multi_reduction <add>, %convert_element_type3A_26, %reduce_sum3A_34 [1] : vector<32x2048xf32> to vector<32xf32>
    %broadcast_in_dim3A_36 = vector.shape_cast %reduce_sum3A_35 : vector<32xf32> to vector<32x1xf32>
    %add3A_37 = arith.addf %get3A_33, %broadcast_in_dim3A_36 : vector<32x1xf32>
    %swap3A_38 = arith.constant 0 : index
    %swap3A_39 = arith.constant 0 : index
    %swap3A_40 = vector.load %arg7[%swap3A_38, %swap3A_39] : memref<32x1xf32, #tpu.memory_space<vmem>>, vector<32x1xf32>
    tpu.vector_store %arg7[%swap3A_38, %swap3A_39], %add3A_37 {strides = array<i32>} : memref<32x1xf32, #tpu.memory_space<vmem>>, vector<32x1xf32>,
    %eq3A_41 = arith.constant 24 : i32
    %eq3A_42 = arith.cmpi eq, %arg0, %eq3A_41 : i32
    %convert_element_type3A_43 = arith.extui %eq3A_42 : i1 to i32
    %cond3A_44 = arith.constant 0 : i32
    %cond3A_45 = arith.cmpi ne, %convert_element_type3A_43, %cond3A_44 : i32
    scf.if %cond3A_45 {
      %get3A_46 = arith.constant 0 : index
      %get3A_47 = arith.constant 0 : index
      %get3A_48 = vector.load %arg7[%get3A_46, %get3A_47] : memref<32x1xf32, #tpu.memory_space<vmem>>, vector<32x1xf32>
      %max3A = arith.constant 1.000000e+00 : f32
      %max3A_49 = vector.broadcast %max3A : f32 to vector<32x1xf32>
      %max3A_50 = arith.maximumf %get3A_48, %max3A_49 : vector<32x1xf32>
      %swap3A_51 = arith.constant 0 : index
      %swap3A_52 = arith.constant 0 : index
      %swap3A_53 = vector.load %arg6[%swap3A_51, %swap3A_52] : memref<32x1xf32, #tpu.memory_space<vmem>>, vector<32x1xf32>
      tpu.vector_store %arg6[%swap3A_51, %swap3A_52], %max3A_50 {strides = array<i32>} : memref<32x1xf32, #tpu.memory_space<vmem>>, vector<32x1xf32>,
    } else {
    }
    return
  }
  func.func @transform_0(%arg0: i32) -> (i32, i32) {
    %c0_i32 = arith.constant 0 : i32
    %c0_i32_0 = arith.constant 0 : i32
    return %arg0, %c0_i32 : i32, i32
  }
  func.func @transform_1(%arg0: i32) -> (i32, i32) {
    %c0_i32 = arith.constant 0 : i32
    %c0_i32_0 = arith.constant 0 : i32
    return %arg0, %c0_i32 : i32, i32
  }
  func.func @transform_2(%arg0: i32) -> (i32, i32, i32) {
    %c0_i32 = arith.constant 0 : i32
    %c0_i32_0 = arith.constant 0 : i32
    %c0_i32_1 = arith.constant 0 : i32
    return %arg0, %c0_i32, %c0_i32_0 : i32, i32, i32
  }
  func.func @transform_3(%arg0: i32) -> (i32, i32) {
    %c0_i32 = arith.constant 0 : i32
    %c0_i32_0 = arith.constant 0 : i32
    return %arg0, %c0_i32 : i32, i32
  }
  func.func @transform_4(%arg0: i32) -> (i32, i32) {
    %c0_i32 = arith.constant 0 : i32
    %c0_i32_0 = arith.constant 0 : i32
    return %arg0, %c0_i32 : i32, i32
  }
  func.func @transform_5(%arg0: i32) -> (i32, i32) {
    %c0_i32 = arith.constant 0 : i32
    %c0_i32_0 = arith.constant 0 : i32
    %c0_i32_1 = arith.constant 0 : i32
    return %c0_i32, %c0_i32_0 : i32, i32
  }
}

module attributes {stable_mosaic.version = 14 : i64} {
  func.func @tc_matstats_f32(%arg0: i32, %arg1: memref<2048x32xf32, #tpu.memory_space<vmem>>, %arg2: memref<2048x1xf32, #tpu.memory_space<vmem>>, %arg3: memref<1x1x2048xi32, #tpu.memory_space<vmem>>, %arg4: memref<3x32xf32, #tpu.memory_space<vmem>>, %arg5: memref<1x64xf32, #tpu.memory_space<vmem>>, %arg6: memref<2048x64xf32, #tpu.memory_space<vmem>>, %arg7: memref<32x64xf32, #tpu.memory_space<vmem>>, %arg8: memref<32x64xf32, #tpu.memory_space<vmem>>, %arg9: memref<32x64xf32, #tpu.memory_space<vmem>>, %arg10: memref<32x64xf32, #tpu.memory_space<vmem>>) attributes {dimension_semantics = [#tpu.dimension_semantics<arbitrary>], iteration_bounds = array<i64: 25>, scalar_prefetch = 0 : i64, scratch_operands = 2 : i64, tpu.core_type = #tpu.core_type<tc>, window_params = [{transform_indices = @transform_0, window_bounds = array<i64: 2048, 32>}, {transform_indices = @transform_1, window_bounds = array<i64: 2048, 1>}, {transform_indices = @transform_2, window_bounds = array<i64: 1, 1, 2048>}, {pipeline_mode = #tpu.pipeline_mode<synchronous>, transform_indices = @transform_3, window_bounds = array<i64: 3, 32>}, {pipeline_mode = #tpu.pipeline_mode<synchronous>, transform_indices = @transform_4, window_bounds = array<i64: 1, 64>}, {transform_indices = @transform_5, window_bounds = array<i64: 2048, 64>}, {pipeline_mode = #tpu.pipeline_mode<synchronous>, transform_indices = @transform_6, window_bounds = array<i64: 32, 64>}, {pipeline_mode = #tpu.pipeline_mode<synchronous>, transform_indices = @transform_7, window_bounds = array<i64: 32, 64>}]} {
    %get3A = arith.constant 0 : index
    %get3A_0 = arith.constant 0 : index
    %get3A_1 = vector.load %arg2[%get3A, %get3A_0] : memref<2048x1xf32, #tpu.memory_space<vmem>>, vector<2048x1xf32>
    %get3A_2 = arith.constant 0 : index
    %get3A_3 = arith.constant 0 : index
    %get3A_4 = vector.load %arg4[%get3A_2, %get3A_3] : memref<3x32xf32, #tpu.memory_space<vmem>>, vector<3x32xf32>
    %get3A_5 = arith.constant 0 : index
    %get3A_6 = arith.constant 0 : index
    %get3A_7 = vector.load %arg1[%get3A_5, %get3A_6] : memref<2048x32xf32, #tpu.memory_space<vmem>>, vector<2048x16xf32>
    %slice3A = vector.extract_strided_slice %get3A_7 {offsets = [0, 0], sizes = [2048, 3], strides = [1, 1]} : vector<2048x16xf32> to vector<2048x3xf32>
    %dot_general3A = arith.constant dense<0.000000e+00> : vector<2048x32xf32>
    %dot_general3A_8 = tpu.matmul %slice3A, %get3A_4, %dot_general3A {dimension_numbers = #tpu.dot_dimension_numbers<[1], [0], [0], [1], [0, 0, 1, 1], [], []>, precision = #tpu.contract_precision<fp32>, transpose_lhs_hint = false} : vector<2048x3xf32>, vector<3x32xf32>, vector<2048x32xf32> -> vector<2048x32xf32>
    %get3A_9 = arith.constant 0 : index
    %get3A_10 = arith.constant 16 : index
    %get3A_11 = vector.load %arg1[%get3A_9, %get3A_10] : memref<2048x32xf32, #tpu.memory_space<vmem>>, vector<2048x16xf32>
    %slice3A_12 = vector.extract_strided_slice %get3A_11 {offsets = [0, 0], sizes = [2048, 3], strides = [1, 1]} : vector<2048x16xf32> to vector<2048x3xf32>
    %dot_general3A_13 = arith.constant dense<0.000000e+00> : vector<2048x32xf32>
    %dot_general3A_14 = tpu.matmul %slice3A_12, %get3A_4, %dot_general3A_13 {dimension_numbers = #tpu.dot_dimension_numbers<[1], [0], [0], [1], [0, 0, 1, 1], [], []>, precision = #tpu.contract_precision<fp32>, transpose_lhs_hint = false} : vector<2048x3xf32>, vector<3x32xf32>, vector<2048x32xf32> -> vector<2048x32xf32>
    %concatenate3A = tpu.concatenate %dot_general3A_8, %dot_general3A_14 in 1 : vector<2048x32xf32>, vector<2048x32xf32> -> vector<2048x64xf32>
    %mul3A = vector.broadcast %get3A_1 : vector<2048x1xf32> to vector<2048x64xf32>
    %mul3A_15 = arith.mulf %concatenate3A, %mul3A : vector<2048x64xf32>
    %get3A_16 = arith.constant 0 : index
    %get3A_17 = arith.constant 0 : index
    %get3A_18 = vector.load %arg5[%get3A_16, %get3A_17] : memref<1x64xf32, #tpu.memory_space<vmem>>, vector<1x64xf32>
    %add3A = vector.broadcast %get3A_18 : vector<1x64xf32> to vector<2048x64xf32>
    %add3A_19 = arith.addf %mul3A_15, %add3A : vector<2048x64xf32>
    %swap3A = arith.constant 0 : index
    %swap3A_20 = arith.constant 0 : index
    %swap3A_21 = vector.load %arg6[%swap3A, %swap3A_20] : memref<2048x64xf32, #tpu.memory_space<vmem>>, vector<2048x64xf32>
    tpu.vector_store %arg6[%swap3A, %swap3A_20], %add3A_19 {strides = array<i32>} : memref<2048x64xf32, #tpu.memory_space<vmem>>, vector<2048x64xf32>,
    %get3A_22 = arith.constant 0 : index
    %get3A_23 = arith.constant 0 : index
    %get3A_24 = arith.constant 0 : index
    %get3A_25 = vector.load %arg3[%get3A_22, %get3A_23, %get3A_24] : memref<1x1x2048xi32, #tpu.memory_space<vmem>>, vector<1x1x2048xi32>
    %get3A_26 = vector.shape_cast %get3A_25 : vector<1x1x2048xi32> to vector<1x2048xi32>
    %iota3A = tpu.iota {dimensions = array<i32: 0>} : vector<32x1xi32>
    %eq3A = vector.broadcast %get3A_26 : vector<1x2048xi32> to vector<32x2048xi32>
    %eq3A_27 = vector.broadcast %iota3A : vector<32x1xi32> to vector<32x2048xi32>
    %eq3A_28 = arith.cmpi eq, %eq3A, %eq3A_27 : vector<32x2048xi32>
    %convert_element_type3A = arith.extui %eq3A_28 : vector<32x2048xi1> to vector<32x2048xi32>
    %convert_element_type3A_29 = arith.sitofp %convert_element_type3A : vector<32x2048xi32> to vector<32x2048xf32>
    %eq3A_30 = arith.constant 0 : i32
    %eq3A_31 = arith.cmpi eq, %arg0, %eq3A_30 : i32
    %convert_element_type3A_32 = arith.extui %eq3A_31 : i1 to i32
    %cond3A = arith.constant 0 : i32
    %cond3A_33 = arith.cmpi ne, %convert_element_type3A_32, %cond3A : i32
    scf.if %cond3A_33 {
      %broadcast_in_dim3A = arith.constant 0.000000e+00 : f32
      %broadcast_in_dim3A_58 = vector.broadcast %broadcast_in_dim3A : f32 to vector<32x64xf32>
      %swap3A_59 = arith.constant 0 : index
      %swap3A_60 = arith.constant 0 : index
      %swap3A_61 = vector.load %arg9[%swap3A_59, %swap3A_60] : memref<32x64xf32, #tpu.memory_space<vmem>>, vector<32x64xf32>
      tpu.vector_store %arg9[%swap3A_59, %swap3A_60], %broadcast_in_dim3A_58 {strides = array<i32>} : memref<32x64xf32, #tpu.memory_space<vmem>>, vector<32x64xf32>,
      %broadcast_in_dim3A_62 = arith.constant 0.000000e+00 : f32
      %broadcast_in_dim3A_63 = vector.broadcast %broadcast_in_dim3A_62 : f32 to vector<32x64xf32>
      %swap3A_64 = arith.constant 0 : index
      %swap3A_65 = arith.constant 0 : index
      %swap3A_66 = vector.load %arg10[%swap3A_64, %swap3A_65] : memref<32x64xf32, #tpu.memory_space<vmem>>, vector<32x64xf32>
      tpu.vector_store %arg10[%swap3A_64, %swap3A_65], %broadcast_in_dim3A_63 {strides = array<i32>} : memref<32x64xf32, #tpu.memory_space<vmem>>, vector<32x64xf32>,
    } else {
    }
    %get3A_34 = arith.constant 0 : index
    %get3A_35 = arith.constant 0 : index
    %get3A_36 = vector.load %arg9[%get3A_34, %get3A_35] : memref<32x64xf32, #tpu.memory_space<vmem>>, vector<32x64xf32>
    %dot_general3A_37 = arith.constant dense<0.000000e+00> : vector<32x64xf32>
    %dot_general3A_38 = tpu.matmul %convert_element_type3A_29, %add3A_19, %dot_general3A_37 {dimension_numbers = #tpu.dot_dimension_numbers<[1], [0], [0], [1], [0, 0, 1, 1], [], []>, precision = #tpu.contract_precision<fp32>, transpose_lhs_hint = false} : vector<32x2048xf32>, vector<2048x64xf32>, vector<32x64xf32> -> vector<32x64xf32>
    %add3A_39 = arith.addf %get3A_36, %dot_general3A_38 : vector<32x64xf32>
    %swap3A_40 = arith.constant 0 : index
    %swap3A_41 = arith.constant 0 : index
    %swap3A_42 = vector.load %arg9[%swap3A_40, %swap3A_41] : memref<32x64xf32, #tpu.memory_space<vmem>>, vector<32x64xf32>
    tpu.vector_store %arg9[%swap3A_40, %swap3A_41], %add3A_39 {strides = array<i32>} : memref<32x64xf32, #tpu.memory_space<vmem>>, vector<32x64xf32>,
    %get3A_43 = arith.constant 0 : index
    %get3A_44 = arith.constant 0 : index
    %get3A_45 = vector.load %arg10[%get3A_43, %get3A_44] : memref<32x64xf32, #tpu.memory_space<vmem>>, vector<32x64xf32>
    %mul3A_46 = arith.mulf %add3A_19, %add3A_19 : vector<2048x64xf32>
    %dot_general3A_47 = arith.constant dense<0.000000e+00> : vector<32x64xf32>
    %dot_general3A_48 = tpu.matmul %convert_element_type3A_29, %mul3A_46, %dot_general3A_47 {dimension_numbers = #tpu.dot_dimension_numbers<[1], [0], [0], [1], [0, 0, 1, 1], [], []>, precision = #tpu.contract_precision<fp32>, transpose_lhs_hint = false} : vector<32x2048xf32>, vector<2048x64xf32>, vector<32x64xf32> -> vector<32x64xf32>
    %add3A_49 = arith.addf %get3A_45, %dot_general3A_48 : vector<32x64xf32>
    %swap3A_50 = arith.constant 0 : index
    %swap3A_51 = arith.constant 0 : index
    %swap3A_52 = vector.load %arg10[%swap3A_50, %swap3A_51] : memref<32x64xf32, #tpu.memory_space<vmem>>, vector<32x64xf32>
    tpu.vector_store %arg10[%swap3A_50, %swap3A_51], %add3A_49 {strides = array<i32>} : memref<32x64xf32, #tpu.memory_space<vmem>>, vector<32x64xf32>,
    %eq3A_53 = arith.constant 24 : i32
    %eq3A_54 = arith.cmpi eq, %arg0, %eq3A_53 : i32
    %convert_element_type3A_55 = arith.extui %eq3A_54 : i1 to i32
    %cond3A_56 = arith.constant 0 : i32
    %cond3A_57 = arith.cmpi ne, %convert_element_type3A_55, %cond3A_56 : i32
    scf.if %cond3A_57 {
      %get3A_58 = arith.constant 0 : index
      %get3A_59 = arith.constant 0 : index
      %get3A_60 = vector.load %arg9[%get3A_58, %get3A_59] : memref<32x64xf32, #tpu.memory_space<vmem>>, vector<32x64xf32>
      %swap3A_61 = arith.constant 0 : index
      %swap3A_62 = arith.constant 0 : index
      %swap3A_63 = vector.load %arg7[%swap3A_61, %swap3A_62] : memref<32x64xf32, #tpu.memory_space<vmem>>, vector<32x64xf32>
      tpu.vector_store %arg7[%swap3A_61, %swap3A_62], %get3A_60 {strides = array<i32>} : memref<32x64xf32, #tpu.memory_space<vmem>>, vector<32x64xf32>,
      %get3A_64 = arith.constant 0 : index
      %get3A_65 = arith.constant 0 : index
      %get3A_66 = vector.load %arg10[%get3A_64, %get3A_65] : memref<32x64xf32, #tpu.memory_space<vmem>>, vector<32x64xf32>
      %swap3A_67 = arith.constant 0 : index
      %swap3A_68 = arith.constant 0 : index
      %swap3A_69 = vector.load %arg8[%swap3A_67, %swap3A_68] : memref<32x64xf32, #tpu.memory_space<vmem>>, vector<32x64xf32>
      tpu.vector_store %arg8[%swap3A_67, %swap3A_68], %get3A_66 {strides = array<i32>} : memref<32x64xf32, #tpu.memory_space<vmem>>, vector<32x64xf32>,
    } else {
    }
    return
  }
  func.func @transform_0(%arg0: i32) -> (i32, i32) {
    %c0_i32 = arith.constant 0 : i32
    %c0_i32_0 = arith.constant 0 : i32
    return %arg0, %c0_i32 : i32, i32
  }
  func.func @transform_1(%arg0: i32) -> (i32, i32) {
    %c0_i32 = arith.constant 0 : i32
    %c0_i32_0 = arith.constant 0 : i32
    return %arg0, %c0_i32 : i32, i32
  }
  func.func @transform_2(%arg0: i32) -> (i32, i32, i32) {
    %c0_i32 = arith.constant 0 : i32
    %c0_i32_0 = arith.constant 0 : i32
    %c0_i32_1 = arith.constant 0 : i32
    return %arg0, %c0_i32, %c0_i32_0 : i32, i32, i32
  }
  func.func @transform_3(%arg0: i32) -> (i32, i32) {
    %c0_i32 = arith.constant 0 : i32
    %c0_i32_0 = arith.constant 0 : i32
    %c0_i32_1 = arith.constant 0 : i32
    return %c0_i32, %c0_i32_0 : i32, i32
  }
  func.func @transform_4(%arg0: i32) -> (i32, i32) {
    %c0_i32 = arith.constant 0 : i32
    %c0_i32_0 = arith.constant 0 : i32
    %c0_i32_1 = arith.constant 0 : i32
    return %c0_i32, %c0_i32_0 : i32, i32
  }
  func.func @transform_5(%arg0: i32) -> (i32, i32) {
    %c0_i32 = arith.constant 0 : i32
    %c0_i32_0 = arith.constant 0 : i32
    return %arg0, %c0_i32 : i32, i32
  }
  func.func @transform_6(%arg0: i32) -> (i32, i32) {
    %c0_i32 = arith.constant 0 : i32
    %c0_i32_0 = arith.constant 0 : i32
    %c0_i32_1 = arith.constant 0 : i32
    return %c0_i32, %c0_i32_0 : i32, i32
  }
  func.func @transform_7(%arg0: i32) -> (i32, i32) {
    %c0_i32 = arith.constant 0 : i32
    %c0_i32_0 = arith.constant 0 : i32
    %c0_i32_1 = arith.constant 0 : i32
    return %c0_i32, %c0_i32_0 : i32, i32
  }
}

module attributes {stable_mosaic.version = 14 : i64} {
  func.func @tc_norm_f32(%arg0: i32, %arg1: memref<2048x64xf32, #tpu.memory_space<vmem>>, %arg2: memref<32x64xf32, #tpu.memory_space<vmem>>, %arg3: memref<32x64xf32, #tpu.memory_space<vmem>>, %arg4: memref<32x1xf32, #tpu.memory_space<vmem>>, %arg5: memref<2048x1xf32, #tpu.memory_space<vmem>>, %arg6: memref<1x1x2048xi32, #tpu.memory_space<vmem>>, %arg7: memref<1x64xf32, #tpu.memory_space<vmem>>, %arg8: memref<1x64xf32, #tpu.memory_space<vmem>>, %arg9: memref<1x64xf32, #tpu.memory_space<vmem>>, %arg10: memref<2048x64xf32, #tpu.memory_space<vmem>>, %arg11: memref<2048x64xf32, #tpu.memory_space<vmem>>) attributes {dimension_semantics = [#tpu.dimension_semantics<arbitrary>], iteration_bounds = array<i64: 25>, scalar_prefetch = 0 : i64, scratch_operands = 0 : i64, tpu.core_type = #tpu.core_type<tc>, window_params = [{transform_indices = @transform_0, window_bounds = array<i64: 2048, 64>}, {pipeline_mode = #tpu.pipeline_mode<synchronous>, transform_indices = @transform_1, window_bounds = array<i64: 32, 64>}, {pipeline_mode = #tpu.pipeline_mode<synchronous>, transform_indices = @transform_2, window_bounds = array<i64: 32, 64>}, {pipeline_mode = #tpu.pipeline_mode<synchronous>, transform_indices = @transform_3, window_bounds = array<i64: 32, 1>}, {transform_indices = @transform_4, window_bounds = array<i64: 2048, 1>}, {transform_indices = @transform_5, window_bounds = array<i64: 1, 1, 2048>}, {pipeline_mode = #tpu.pipeline_mode<synchronous>, transform_indices = @transform_6, window_bounds = array<i64: 1, 64>}, {pipeline_mode = #tpu.pipeline_mode<synchronous>, transform_indices = @transform_7, window_bounds = array<i64: 1, 64>}, {pipeline_mode = #tpu.pipeline_mode<synchronous>, transform_indices = @transform_8, window_bounds = array<i64: 1, 64>}, {transform_indices = @transform_9, window_bounds = array<i64: 2048, 64>}, {transform_indices = @transform_10, window_bounds = array<i64: 2048, 64>}]} {
    %get3A = arith.constant 0 : index
    %get3A_0 = arith.constant 0 : index
    %get3A_1 = vector.load %arg4[%get3A, %get3A_0] : memref<32x1xf32, #tpu.memory_space<vmem>>, vector<32x1xf32>
    %get3A_2 = arith.constant 0 : index
    %get3A_3 = arith.constant 0 : index
    %get3A_4 = vector.load %arg9[%get3A_2, %get3A_3] : memref<1x64xf32, #tpu.memory_space<vmem>>, vector<1x64xf32>
    %get3A_5 = arith.constant 0 : index
    %get3A_6 = arith.constant 0 : index
    %get3A_7 = vector.load %arg2[%get3A_5, %get3A_6] : memref<32x64xf32, #tpu.memory_space<vmem>>, vector<32x64xf32>
    %div3A = vector.broadcast %get3A_1 : vector<32x1xf32> to vector<32x64xf32>
    %div3A_8 = arith.divf %get3A_7, %div3A : vector<32x64xf32>
    %get3A_9 = arith.constant 0 : index
    %get3A_10 = arith.constant 0 : index
    %get3A_11 = vector.load %arg3[%get3A_9, %get3A_10] : memref<32x64xf32, #tpu.memory_space<vmem>>, vector<32x64xf32>
    %div3A_12 = vector.broadcast %get3A_1 : vector<32x1xf32> to vector<32x64xf32>
    %div3A_13 = arith.divf %get3A_11, %div3A_12 : vector<32x64xf32>
    %sub3A = arith.constant 2.000000e+00 : f32
    %sub3A_14 = vector.broadcast %sub3A : f32 to vector<1x64xf32>
    %sub3A_15 = arith.subf %sub3A_14, %get3A_4 : vector<1x64xf32>
    %mul3A = arith.mulf %sub3A_15, %get3A_4 : vector<1x64xf32>
    %mul3A_16 = vector.broadcast %mul3A : vector<1x64xf32> to vector<32x64xf32>
    %mul3A_17 = arith.mulf %mul3A_16, %div3A_8 : vector<32x64xf32>
    %mul3A_18 = arith.mulf %mul3A_17, %div3A_8 : vector<32x64xf32>
    %sub3A_19 = arith.subf %div3A_13, %mul3A_18 : vector<32x64xf32>
    %add3A = arith.constant 9.99999974E-6 : f32
    %add3A_20 = vector.broadcast %add3A : f32 to vector<32x64xf32>
    %add3A_21 = arith.addf %sub3A_19, %add3A_20 : vector<32x64xf32>
    %rsqrt3A = math.rsqrt %add3A_21 : vector<32x64xf32>
    %get3A_22 = arith.constant 0 : index
    %get3A_23 = arith.constant 0 : index
    %get3A_24 = arith.constant 0 : index
    %get3A_25 = vector.load %arg6[%get3A_22, %get3A_23, %get3A_24] : memref<1x1x2048xi32, #tpu.memory_space<vmem>>, vector<1x1x2048xi32>
    %get3A_26 = vector.shape_cast %get3A_25 : vector<1x1x2048xi32> to vector<1x2048xi32>
    %iota3A = tpu.iota {dimensions = array<i32: 0>} : vector<32x1xi32>
    %eq3A = vector.broadcast %get3A_26 : vector<1x2048xi32> to vector<32x2048xi32>
    %eq3A_27 = vector.broadcast %iota3A : vector<32x1xi32> to vector<32x2048xi32>
    %eq3A_28 = arith.cmpi eq, %eq3A, %eq3A_27 : vector<32x2048xi32>
    %convert_element_type3A = arith.extui %eq3A_28 : vector<32x2048xi1> to vector<32x2048xi32>
    %convert_element_type3A_29 = arith.sitofp %convert_element_type3A : vector<32x2048xi32> to vector<32x2048xf32>
    %dot_general3A = arith.constant dense<0.000000e+00> : vector<2048x64xf32>
    %dot_general3A_30 = tpu.matmul %convert_element_type3A_29, %div3A_8, %dot_general3A {dimension_numbers = #tpu.dot_dimension_numbers<[0], [0], [1], [1], [0, 1, 1, 1], [], []>, precision = #tpu.contract_precision<fp32>, transpose_lhs_hint = false} : vector<32x2048xf32>, vector<32x64xf32>, vector<2048x64xf32> -> vector<2048x64xf32>
    %dot_general3A_31 = arith.constant dense<0.000000e+00> : vector<2048x64xf32>
    %dot_general3A_32 = tpu.matmul %convert_element_type3A_29, %rsqrt3A, %dot_general3A_31 {dimension_numbers = #tpu.dot_dimension_numbers<[0], [0], [1], [1], [0, 1, 1, 1], [], []>, precision = #tpu.contract_precision<fp32>, transpose_lhs_hint = false} : vector<32x2048xf32>, vector<32x64xf32>, vector<2048x64xf32> -> vector<2048x64xf32>
    %get3A_33 = arith.constant 0 : index
    %get3A_34 = arith.constant 0 : index
    %get3A_35 = vector.load %arg1[%get3A_33, %get3A_34] : memref<2048x64xf32, #tpu.memory_space<vmem>>, vector<2048x64xf32>
    %mul3A_36 = vector.broadcast %get3A_4 : vector<1x64xf32> to vector<2048x64xf32>
    %mul3A_37 = arith.mulf %dot_general3A_30, %mul3A_36 : vector<2048x64xf32>
    %sub3A_38 = arith.subf %get3A_35, %mul3A_37 : vector<2048x64xf32>
    %mul3A_39 = arith.mulf %sub3A_38, %dot_general3A_32 : vector<2048x64xf32>
    %get3A_40 = arith.constant 0 : index
    %get3A_41 = arith.constant 0 : index
    %get3A_42 = vector.load %arg7[%get3A_40, %get3A_41] : memref<1x64xf32, #tpu.memory_space<vmem>>, vector<1x64xf32>
    %mul3A_43 = vector.broadcast %get3A_42 : vector<1x64xf32> to vector<2048x64xf32>
    %mul3A_44 = arith.mulf %mul3A_39, %mul3A_43 : vector<2048x64xf32>
    %get3A_45 = arith.constant 0 : index
    %get3A_46 = arith.constant 0 : index
    %get3A_47 = vector.load %arg8[%get3A_45, %get3A_46] : memref<1x64xf32, #tpu.memory_space<vmem>>, vector<1x64xf32>
    %add3A_48 = vector.broadcast %get3A_47 : vector<1x64xf32> to vector<2048x64xf32>
    %add3A_49 = arith.addf %mul3A_44, %add3A_48 : vector<2048x64xf32>
    %mul3A_50 = arith.constant 5.000000e-01 : f32
    %mul3A_51 = vector.broadcast %mul3A_50 : f32 to vector<2048x64xf32>
    %mul3A_52 = arith.mulf %mul3A_51, %add3A_49 : vector<2048x64xf32>
    %mul3A_53 = arith.constant 0.707106769 : f32
    %mul3A_54 = vector.broadcast %mul3A_53 : f32 to vector<2048x64xf32>
    %mul3A_55 = arith.mulf %add3A_49, %mul3A_54 : vector<2048x64xf32>
    %erf3A = math.erf %mul3A_55 : vector<2048x64xf32>
    %add3A_56 = arith.constant 1.000000e+00 : f32
    %add3A_57 = vector.broadcast %add3A_56 : f32 to vector<2048x64xf32>
    %add3A_58 = arith.addf %add3A_57, %erf3A : vector<2048x64xf32>
    %mul3A_59 = arith.mulf %mul3A_52, %add3A_58 : vector<2048x64xf32>
    %swap3A = arith.constant 0 : index
    %swap3A_60 = arith.constant 0 : index
    %swap3A_61 = vector.load %arg10[%swap3A, %swap3A_60] : memref<2048x64xf32, #tpu.memory_space<vmem>>, vector<2048x64xf32>
    tpu.vector_store %arg10[%swap3A, %swap3A_60], %mul3A_59 {strides = array<i32>} : memref<2048x64xf32, #tpu.memory_space<vmem>>, vector<2048x64xf32>,
    %get3A_62 = arith.constant 0 : index
    %get3A_63 = arith.constant 0 : index
    %get3A_64 = vector.load %arg5[%get3A_62, %get3A_63] : memref<2048x1xf32, #tpu.memory_space<vmem>>, vector<2048x1xf32>
    %mul3A_65 = vector.broadcast %get3A_64 : vector<2048x1xf32> to vector<2048x64xf32>
    %mul3A_66 = arith.mulf %mul3A_59, %mul3A_65 : vector<2048x64xf32>
    %swap3A_67 = arith.constant 0 : index
    %swap3A_68 = arith.constant 0 : index
    %swap3A_69 = vector.load %arg11[%swap3A_67, %swap3A_68] : memref<2048x64xf32, #tpu.memory_space<vmem>>, vector<2048x64xf32>
    tpu.vector_store %arg11[%swap3A_67, %swap3A_68], %mul3A_66 {strides = array<i32>} : memref<2048x64xf32, #tpu.memory_space<vmem>>, vector<2048x64xf32>,
    return
  }
  func.func @transform_0(%arg0: i32) -> (i32, i32) {
    %c0_i32 = arith.constant 0 : i32
    %c0_i32_0 = arith.constant 0 : i32
    return %arg0, %c0_i32 : i32, i32
  }
  func.func @transform_1(%arg0: i32) -> (i32, i32) {
    %c0_i32 = arith.constant 0 : i32
    %c0_i32_0 = arith.constant 0 : i32
    %c0_i32_1 = arith.constant 0 : i32
    return %c0_i32, %c0_i32_0 : i32, i32
  }
  func.func @transform_2(%arg0: i32) -> (i32, i32) {
    %c0_i32 = arith.constant 0 : i32
    %c0_i32_0 = arith.constant 0 : i32
    %c0_i32_1 = arith.constant 0 : i32
    return %c0_i32, %c0_i32_0 : i32, i32
  }
  func.func @transform_3(%arg0: i32) -> (i32, i32) {
    %c0_i32 = arith.constant 0 : i32
    %c0_i32_0 = arith.constant 0 : i32
    %c0_i32_1 = arith.constant 0 : i32
    return %c0_i32, %c0_i32_0 : i32, i32
  }
  func.func @transform_4(%arg0: i32) -> (i32, i32) {
    %c0_i32 = arith.constant 0 : i32
    %c0_i32_0 = arith.constant 0 : i32
    return %arg0, %c0_i32 : i32, i32
  }
  func.func @transform_5(%arg0: i32) -> (i32, i32, i32) {
    %c0_i32 = arith.constant 0 : i32
    %c0_i32_0 = arith.constant 0 : i32
    %c0_i32_1 = arith.constant 0 : i32
    return %arg0, %c0_i32, %c0_i32_0 : i32, i32, i32
  }
  func.func @transform_6(%arg0: i32) -> (i32, i32) {
    %c0_i32 = arith.constant 0 : i32
    %c0_i32_0 = arith.constant 0 : i32
    %c0_i32_1 = arith.constant 0 : i32
    return %c0_i32, %c0_i32_0 : i32, i32
  }
  func.func @transform_7(%arg0: i32) -> (i32, i32) {
    %c0_i32 = arith.constant 0 : i32
    %c0_i32_0 = arith.constant 0 : i32
    %c0_i32_1 = arith.constant 0 : i32
    return %c0_i32, %c0_i32_0 : i32, i32
  }
  func.func @transform_8(%arg0: i32) -> (i32, i32) {
    %c0_i32 = arith.constant 0 : i32
    %c0_i32_0 = arith.constant 0 : i32
    %c0_i32_1 = arith.constant 0 : i32
    return %c0_i32, %c0_i32_0 : i32, i32
  }
  func.func @transform_9(%arg0: i32) -> (i32, i32) {
    %c0_i32 = arith.constant 0 : i32
    %c0_i32_0 = arith.constant 0 : i32
    return %arg0, %c0_i32 : i32, i32
  }
  func.func @transform_10(%arg0: i32) -> (i32, i32) {
    %c0_i32 = arith.constant 0 : i32
    %c0_i32_0 = arith.constant 0 : i32
    return %arg0, %c0_i32 : i32, i32
  }
}

module attributes {stable_mosaic.version = 14 : i64} {
  func.func @tc_matstats_f32(%arg0: i32, %arg1: memref<2048x64xf32, #tpu.memory_space<vmem>>, %arg2: memref<2048x1xf32, #tpu.memory_space<vmem>>, %arg3: memref<1x1x2048xi32, #tpu.memory_space<vmem>>, %arg4: memref<32x32xf32, #tpu.memory_space<vmem>>, %arg5: memref<1x64xf32, #tpu.memory_space<vmem>>, %arg6: memref<2048x64xf32, #tpu.memory_space<vmem>>, %arg7: memref<32x64xf32, #tpu.memory_space<vmem>>, %arg8: memref<32x64xf32, #tpu.memory_space<vmem>>, %arg9: memref<32x64xf32, #tpu.memory_space<vmem>>, %arg10: memref<32x64xf32, #tpu.memory_space<vmem>>) attributes {dimension_semantics = [#tpu.dimension_semantics<arbitrary>], iteration_bounds = array<i64: 25>, scalar_prefetch = 0 : i64, scratch_operands = 2 : i64, tpu.core_type = #tpu.core_type<tc>, window_params = [{transform_indices = @transform_0, window_bounds = array<i64: 2048, 64>}, {transform_indices = @transform_1, window_bounds = array<i64: 2048, 1>}, {transform_indices = @transform_2, window_bounds = array<i64: 1, 1, 2048>}, {pipeline_mode = #tpu.pipeline_mode<synchronous>, transform_indices = @transform_3, window_bounds = array<i64: 32, 32>}, {pipeline_mode = #tpu.pipeline_mode<synchronous>, transform_indices = @transform_4, window_bounds = array<i64: 1, 64>}, {transform_indices = @transform_5, window_bounds = array<i64: 2048, 64>}, {pipeline_mode = #tpu.pipeline_mode<synchronous>, transform_indices = @transform_6, window_bounds = array<i64: 32, 64>}, {pipeline_mode = #tpu.pipeline_mode<synchronous>, transform_indices = @transform_7, window_bounds = array<i64: 32, 64>}]} {
    %get3A = arith.constant 0 : index
    %get3A_0 = arith.constant 0 : index
    %get3A_1 = vector.load %arg2[%get3A, %get3A_0] : memref<2048x1xf32, #tpu.memory_space<vmem>>, vector<2048x1xf32>
    %get3A_2 = arith.constant 0 : index
    %get3A_3 = arith.constant 0 : index
    %get3A_4 = vector.load %arg4[%get3A_2, %get3A_3] : memref<32x32xf32, #tpu.memory_space<vmem>>, vector<32x32xf32>
    %get3A_5 = arith.constant 0 : index
    %get3A_6 = arith.constant 0 : index
    %get3A_7 = vector.load %arg1[%get3A_5, %get3A_6] : memref<2048x64xf32, #tpu.memory_space<vmem>>, vector<2048x32xf32>
    %dot_general3A = arith.constant dense<0.000000e+00> : vector<2048x32xf32>
    %dot_general3A_8 = tpu.matmul %get3A_7, %get3A_4, %dot_general3A {dimension_numbers = #tpu.dot_dimension_numbers<[1], [0], [0], [1], [0, 0, 1, 1], [], []>, precision = #tpu.contract_precision<fp32>, transpose_lhs_hint = false} : vector<2048x32xf32>, vector<32x32xf32>, vector<2048x32xf32> -> vector<2048x32xf32>
    %get3A_9 = arith.constant 0 : index
    %get3A_10 = arith.constant 32 : index
    %get3A_11 = vector.load %arg1[%get3A_9, %get3A_10] : memref<2048x64xf32, #tpu.memory_space<vmem>>, vector<2048x32xf32>
    %dot_general3A_12 = arith.constant dense<0.000000e+00> : vector<2048x32xf32>
    %dot_general3A_13 = tpu.matmul %get3A_11, %get3A_4, %dot_general3A_12 {dimension_numbers = #tpu.dot_dimension_numbers<[1], [0], [0], [1], [0, 0, 1, 1], [], []>, precision = #tpu.contract_precision<fp32>, transpose_lhs_hint = false} : vector<2048x32xf32>, vector<32x32xf32>, vector<2048x32xf32> -> vector<2048x32xf32>
    %concatenate3A = tpu.concatenate %dot_general3A_8, %dot_general3A_13 in 1 : vector<2048x32xf32>, vector<2048x32xf32> -> vector<2048x64xf32>
    %mul3A = vector.broadcast %get3A_1 : vector<2048x1xf32> to vector<2048x64xf32>
    %mul3A_14 = arith.mulf %concatenate3A, %mul3A : vector<2048x64xf32>
    %get3A_15 = arith.constant 0 : index
    %get3A_16 = arith.constant 0 : index
    %get3A_17 = vector.load %arg5[%get3A_15, %get3A_16] : memref<1x64xf32, #tpu.memory_space<vmem>>, vector<1x64xf32>
    %add3A = vector.broadcast %get3A_17 : vector<1x64xf32> to vector<2048x64xf32>
    %add3A_18 = arith.addf %mul3A_14, %add3A : vector<2048x64xf32>
    %swap3A = arith.constant 0 : index
    %swap3A_19 = arith.constant 0 : index
    %swap3A_20 = vector.load %arg6[%swap3A, %swap3A_19] : memref<2048x64xf32, #tpu.memory_space<vmem>>, vector<2048x64xf32>
    tpu.vector_store %arg6[%swap3A, %swap3A_19], %add3A_18 {strides = array<i32>} : memref<2048x64xf32, #tpu.memory_space<vmem>>, vector<2048x64xf32>,
    %get3A_21 = arith.constant 0 : index
    %get3A_22 = arith.constant 0 : index
    %get3A_23 = arith.constant 0 : index
    %get3A_24 = vector.load %arg3[%get3A_21, %get3A_22, %get3A_23] : memref<1x1x2048xi32, #tpu.memory_space<vmem>>, vector<1x1x2048xi32>
    %get3A_25 = vector.shape_cast %get3A_24 : vector<1x1x2048xi32> to vector<1x2048xi32>
    %iota3A = tpu.iota {dimensions = array<i32: 0>} : vector<32x1xi32>
    %eq3A = vector.broadcast %get3A_25 : vector<1x2048xi32> to vector<32x2048xi32>
    %eq3A_26 = vector.broadcast %iota3A : vector<32x1xi32> to vector<32x2048xi32>
    %eq3A_27 = arith.cmpi eq, %eq3A, %eq3A_26 : vector<32x2048xi32>
    %convert_element_type3A = arith.extui %eq3A_27 : vector<32x2048xi1> to vector<32x2048xi32>
    %convert_element_type3A_28 = arith.sitofp %convert_element_type3A : vector<32x2048xi32> to vector<32x2048xf32>
    %eq3A_29 = arith.constant 0 : i32
    %eq3A_30 = arith.cmpi eq, %arg0, %eq3A_29 : i32
    %convert_element_type3A_31 = arith.extui %eq3A_30 : i1 to i32
    %cond3A = arith.constant 0 : i32
    %cond3A_32 = arith.cmpi ne, %convert_element_type3A_31, %cond3A : i32
    scf.if %cond3A_32 {
      %broadcast_in_dim3A = arith.constant 0.000000e+00 : f32
      %broadcast_in_dim3A_57 = vector.broadcast %broadcast_in_dim3A : f32 to vector<32x64xf32>
      %swap3A_58 = arith.constant 0 : index
      %swap3A_59 = arith.constant 0 : index
      %swap3A_60 = vector.load %arg9[%swap3A_58, %swap3A_59] : memref<32x64xf32, #tpu.memory_space<vmem>>, vector<32x64xf32>
      tpu.vector_store %arg9[%swap3A_58, %swap3A_59], %broadcast_in_dim3A_57 {strides = array<i32>} : memref<32x64xf32, #tpu.memory_space<vmem>>, vector<32x64xf32>,
      %broadcast_in_dim3A_61 = arith.constant 0.000000e+00 : f32
      %broadcast_in_dim3A_62 = vector.broadcast %broadcast_in_dim3A_61 : f32 to vector<32x64xf32>
      %swap3A_63 = arith.constant 0 : index
      %swap3A_64 = arith.constant 0 : index
      %swap3A_65 = vector.load %arg10[%swap3A_63, %swap3A_64] : memref<32x64xf32, #tpu.memory_space<vmem>>, vector<32x64xf32>
      tpu.vector_store %arg10[%swap3A_63, %swap3A_64], %broadcast_in_dim3A_62 {strides = array<i32>} : memref<32x64xf32, #tpu.memory_space<vmem>>, vector<32x64xf32>,
    } else {
    }
    %get3A_33 = arith.constant 0 : index
    %get3A_34 = arith.constant 0 : index
    %get3A_35 = vector.load %arg9[%get3A_33, %get3A_34] : memref<32x64xf32, #tpu.memory_space<vmem>>, vector<32x64xf32>
    %dot_general3A_36 = arith.constant dense<0.000000e+00> : vector<32x64xf32>
    %dot_general3A_37 = tpu.matmul %convert_element_type3A_28, %add3A_18, %dot_general3A_36 {dimension_numbers = #tpu.dot_dimension_numbers<[1], [0], [0], [1], [0, 0, 1, 1], [], []>, precision = #tpu.contract_precision<fp32>, transpose_lhs_hint = false} : vector<32x2048xf32>, vector<2048x64xf32>, vector<32x64xf32> -> vector<32x64xf32>
    %add3A_38 = arith.addf %get3A_35, %dot_general3A_37 : vector<32x64xf32>
    %swap3A_39 = arith.constant 0 : index
    %swap3A_40 = arith.constant 0 : index
    %swap3A_41 = vector.load %arg9[%swap3A_39, %swap3A_40] : memref<32x64xf32, #tpu.memory_space<vmem>>, vector<32x64xf32>
    tpu.vector_store %arg9[%swap3A_39, %swap3A_40], %add3A_38 {strides = array<i32>} : memref<32x64xf32, #tpu.memory_space<vmem>>, vector<32x64xf32>,
    %get3A_42 = arith.constant 0 : index
    %get3A_43 = arith.constant 0 : index
    %get3A_44 = vector.load %arg10[%get3A_42, %get3A_43] : memref<32x64xf32, #tpu.memory_space<vmem>>, vector<32x64xf32>
    %mul3A_45 = arith.mulf %add3A_18, %add3A_18 : vector<2048x64xf32>
    %dot_general3A_46 = arith.constant dense<0.000000e+00> : vector<32x64xf32>
    %dot_general3A_47 = tpu.matmul %convert_element_type3A_28, %mul3A_45, %dot_general3A_46 {dimension_numbers = #tpu.dot_dimension_numbers<[1], [0], [0], [1], [0, 0, 1, 1], [], []>, precision = #tpu.contract_precision<fp32>, transpose_lhs_hint = false} : vector<32x2048xf32>, vector<2048x64xf32>, vector<32x64xf32> -> vector<32x64xf32>
    %add3A_48 = arith.addf %get3A_44, %dot_general3A_47 : vector<32x64xf32>
    %swap3A_49 = arith.constant 0 : index
    %swap3A_50 = arith.constant 0 : index
    %swap3A_51 = vector.load %arg10[%swap3A_49, %swap3A_50] : memref<32x64xf32, #tpu.memory_space<vmem>>, vector<32x64xf32>
    tpu.vector_store %arg10[%swap3A_49, %swap3A_50], %add3A_48 {strides = array<i32>} : memref<32x64xf32, #tpu.memory_space<vmem>>, vector<32x64xf32>,
    %eq3A_52 = arith.constant 24 : i32
    %eq3A_53 = arith.cmpi eq, %arg0, %eq3A_52 : i32
    %convert_element_type3A_54 = arith.extui %eq3A_53 : i1 to i32
    %cond3A_55 = arith.constant 0 : i32
    %cond3A_56 = arith.cmpi ne, %convert_element_type3A_54, %cond3A_55 : i32
    scf.if %cond3A_56 {
      %get3A_57 = arith.constant 0 : index
      %get3A_58 = arith.constant 0 : index
      %get3A_59 = vector.load %arg9[%get3A_57, %get3A_58] : memref<32x64xf32, #tpu.memory_space<vmem>>, vector<32x64xf32>
      %swap3A_60 = arith.constant 0 : index
      %swap3A_61 = arith.constant 0 : index
      %swap3A_62 = vector.load %arg7[%swap3A_60, %swap3A_61] : memref<32x64xf32, #tpu.memory_space<vmem>>, vector<32x64xf32>
      tpu.vector_store %arg7[%swap3A_60, %swap3A_61], %get3A_59 {strides = array<i32>} : memref<32x64xf32, #tpu.memory_space<vmem>>, vector<32x64xf32>,
      %get3A_63 = arith.constant 0 : index
      %get3A_64 = arith.constant 0 : index
      %get3A_65 = vector.load %arg10[%get3A_63, %get3A_64] : memref<32x64xf32, #tpu.memory_space<vmem>>, vector<32x64xf32>
      %swap3A_66 = arith.constant 0 : index
      %swap3A_67 = arith.constant 0 : index
      %swap3A_68 = vector.load %arg8[%swap3A_66, %swap3A_67] : memref<32x64xf32, #tpu.memory_space<vmem>>, vector<32x64xf32>
      tpu.vector_store %arg8[%swap3A_66, %swap3A_67], %get3A_65 {strides = array<i32>} : memref<32x64xf32, #tpu.memory_space<vmem>>, vector<32x64xf32>,
    } else {
    }
    return
  }
  func.func @transform_0(%arg0: i32) -> (i32, i32) {
    %c0_i32 = arith.constant 0 : i32
    %c0_i32_0 = arith.constant 0 : i32
    return %arg0, %c0_i32 : i32, i32
  }
  func.func @transform_1(%arg0: i32) -> (i32, i32) {
    %c0_i32 = arith.constant 0 : i32
    %c0_i32_0 = arith.constant 0 : i32
    return %arg0, %c0_i32 : i32, i32
  }
  func.func @transform_2(%arg0: i32) -> (i32, i32, i32) {
    %c0_i32 = arith.constant 0 : i32
    %c0_i32_0 = arith.constant 0 : i32
    %c0_i32_1 = arith.constant 0 : i32
    return %arg0, %c0_i32, %c0_i32_0 : i32, i32, i32
  }
  func.func @transform_3(%arg0: i32) -> (i32, i32) {
    %c0_i32 = arith.constant 0 : i32
    %c0_i32_0 = arith.constant 0 : i32
    %c0_i32_1 = arith.constant 0 : i32
    return %c0_i32, %c0_i32_0 : i32, i32
  }
  func.func @transform_4(%arg0: i32) -> (i32, i32) {
    %c0_i32 = arith.constant 0 : i32
    %c0_i32_0 = arith.constant 0 : i32
    %c0_i32_1 = arith.constant 0 : i32
    return %c0_i32, %c0_i32_0 : i32, i32
  }
  func.func @transform_5(%arg0: i32) -> (i32, i32) {
    %c0_i32 = arith.constant 0 : i32
    %c0_i32_0 = arith.constant 0 : i32
    return %arg0, %c0_i32 : i32, i32
  }
  func.func @transform_6(%arg0: i32) -> (i32, i32) {
    %c0_i32 = arith.constant 0 : i32
    %c0_i32_0 = arith.constant 0 : i32
    %c0_i32_1 = arith.constant 0 : i32
    return %c0_i32, %c0_i32_0 : i32, i32
  }
  func.func @transform_7(%arg0: i32) -> (i32, i32) {
    %c0_i32 = arith.constant 0 : i32
    %c0_i32_0 = arith.constant 0 : i32
    %c0_i32_1 = arith.constant 0 : i32
    return %c0_i32, %c0_i32_0 : i32, i32
  }
}

module attributes {stable_mosaic.version = 14 : i64} {
  func.func @tc_norm_f32(%arg0: i32, %arg1: memref<2048x64xf32, #tpu.memory_space<vmem>>, %arg2: memref<32x64xf32, #tpu.memory_space<vmem>>, %arg3: memref<32x64xf32, #tpu.memory_space<vmem>>, %arg4: memref<32x1xf32, #tpu.memory_space<vmem>>, %arg5: memref<2048x1xf32, #tpu.memory_space<vmem>>, %arg6: memref<1x1x2048xi32, #tpu.memory_space<vmem>>, %arg7: memref<1x64xf32, #tpu.memory_space<vmem>>, %arg8: memref<1x64xf32, #tpu.memory_space<vmem>>, %arg9: memref<1x64xf32, #tpu.memory_space<vmem>>, %arg10: memref<2048x64xf32, #tpu.memory_space<vmem>>, %arg11: memref<2048x64xf32, #tpu.memory_space<vmem>>) attributes {dimension_semantics = [#tpu.dimension_semantics<arbitrary>], iteration_bounds = array<i64: 25>, scalar_prefetch = 0 : i64, scratch_operands = 0 : i64, tpu.core_type = #tpu.core_type<tc>, window_params = [{transform_indices = @transform_0, window_bounds = array<i64: 2048, 64>}, {pipeline_mode = #tpu.pipeline_mode<synchronous>, transform_indices = @transform_1, window_bounds = array<i64: 32, 64>}, {pipeline_mode = #tpu.pipeline_mode<synchronous>, transform_indices = @transform_2, window_bounds = array<i64: 32, 64>}, {pipeline_mode = #tpu.pipeline_mode<synchronous>, transform_indices = @transform_3, window_bounds = array<i64: 32, 1>}, {transform_indices = @transform_4, window_bounds = array<i64: 2048, 1>}, {transform_indices = @transform_5, window_bounds = array<i64: 1, 1, 2048>}, {pipeline_mode = #tpu.pipeline_mode<synchronous>, transform_indices = @transform_6, window_bounds = array<i64: 1, 64>}, {pipeline_mode = #tpu.pipeline_mode<synchronous>, transform_indices = @transform_7, window_bounds = array<i64: 1, 64>}, {pipeline_mode = #tpu.pipeline_mode<synchronous>, transform_indices = @transform_8, window_bounds = array<i64: 1, 64>}, {transform_indices = @transform_9, window_bounds = array<i64: 2048, 64>}, {transform_indices = @transform_10, window_bounds = array<i64: 2048, 64>}]} {
    %get3A = arith.constant 0 : index
    %get3A_0 = arith.constant 0 : index
    %get3A_1 = vector.load %arg4[%get3A, %get3A_0] : memref<32x1xf32, #tpu.memory_space<vmem>>, vector<32x1xf32>
    %get3A_2 = arith.constant 0 : index
    %get3A_3 = arith.constant 0 : index
    %get3A_4 = vector.load %arg9[%get3A_2, %get3A_3] : memref<1x64xf32, #tpu.memory_space<vmem>>, vector<1x64xf32>
    %get3A_5 = arith.constant 0 : index
    %get3A_6 = arith.constant 0 : index
    %get3A_7 = vector.load %arg2[%get3A_5, %get3A_6] : memref<32x64xf32, #tpu.memory_space<vmem>>, vector<32x64xf32>
    %div3A = vector.broadcast %get3A_1 : vector<32x1xf32> to vector<32x64xf32>
    %div3A_8 = arith.divf %get3A_7, %div3A : vector<32x64xf32>
    %get3A_9 = arith.constant 0 : index
    %get3A_10 = arith.constant 0 : index
    %get3A_11 = vector.load %arg3[%get3A_9, %get3A_10] : memref<32x64xf32, #tpu.memory_space<vmem>>, vector<32x64xf32>
    %div3A_12 = vector.broadcast %get3A_1 : vector<32x1xf32> to vector<32x64xf32>
    %div3A_13 = arith.divf %get3A_11, %div3A_12 : vector<32x64xf32>
    %sub3A = arith.constant 2.000000e+00 : f32
    %sub3A_14 = vector.broadcast %sub3A : f32 to vector<1x64xf32>
    %sub3A_15 = arith.subf %sub3A_14, %get3A_4 : vector<1x64xf32>
    %mul3A = arith.mulf %sub3A_15, %get3A_4 : vector<1x64xf32>
    %mul3A_16 = vector.broadcast %mul3A : vector<1x64xf32> to vector<32x64xf32>
    %mul3A_17 = arith.mulf %mul3A_16, %div3A_8 : vector<32x64xf32>
    %mul3A_18 = arith.mulf %mul3A_17, %div3A_8 : vector<32x64xf32>
    %sub3A_19 = arith.subf %div3A_13, %mul3A_18 : vector<32x64xf32>
    %add3A = arith.constant 9.99999974E-6 : f32
    %add3A_20 = vector.broadcast %add3A : f32 to vector<32x64xf32>
    %add3A_21 = arith.addf %sub3A_19, %add3A_20 : vector<32x64xf32>
    %rsqrt3A = math.rsqrt %add3A_21 : vector<32x64xf32>
    %get3A_22 = arith.constant 0 : index
    %get3A_23 = arith.constant 0 : index
    %get3A_24 = arith.constant 0 : index
    %get3A_25 = vector.load %arg6[%get3A_22, %get3A_23, %get3A_24] : memref<1x1x2048xi32, #tpu.memory_space<vmem>>, vector<1x1x2048xi32>
    %get3A_26 = vector.shape_cast %get3A_25 : vector<1x1x2048xi32> to vector<1x2048xi32>
    %iota3A = tpu.iota {dimensions = array<i32: 0>} : vector<32x1xi32>
    %eq3A = vector.broadcast %get3A_26 : vector<1x2048xi32> to vector<32x2048xi32>
    %eq3A_27 = vector.broadcast %iota3A : vector<32x1xi32> to vector<32x2048xi32>
    %eq3A_28 = arith.cmpi eq, %eq3A, %eq3A_27 : vector<32x2048xi32>
    %convert_element_type3A = arith.extui %eq3A_28 : vector<32x2048xi1> to vector<32x2048xi32>
    %convert_element_type3A_29 = arith.sitofp %convert_element_type3A : vector<32x2048xi32> to vector<32x2048xf32>
    %dot_general3A = arith.constant dense<0.000000e+00> : vector<2048x64xf32>
    %dot_general3A_30 = tpu.matmul %convert_element_type3A_29, %div3A_8, %dot_general3A {dimension_numbers = #tpu.dot_dimension_numbers<[0], [0], [1], [1], [0, 1, 1, 1], [], []>, precision = #tpu.contract_precision<fp32>, transpose_lhs_hint = false} : vector<32x2048xf32>, vector<32x64xf32>, vector<2048x64xf32> -> vector<2048x64xf32>
    %dot_general3A_31 = arith.constant dense<0.000000e+00> : vector<2048x64xf32>
    %dot_general3A_32 = tpu.matmul %convert_element_type3A_29, %rsqrt3A, %dot_general3A_31 {dimension_numbers = #tpu.dot_dimension_numbers<[0], [0], [1], [1], [0, 1, 1, 1], [], []>, precision = #tpu.contract_precision<fp32>, transpose_lhs_hint = false} : vector<32x2048xf32>, vector<32x64xf32>, vector<2048x64xf32> -> vector<2048x64xf32>
    %get3A_33 = arith.constant 0 : index
    %get3A_34 = arith.constant 0 : index
    %get3A_35 = vector.load %arg1[%get3A_33, %get3A_34] : memref<2048x64xf32, #tpu.memory_space<vmem>>, vector<2048x64xf32>
    %mul3A_36 = vector.broadcast %get3A_4 : vector<1x64xf32> to vector<2048x64xf32>
    %mul3A_37 = arith.mulf %dot_general3A_30, %mul3A_36 : vector<2048x64xf32>
    %sub3A_38 = arith.subf %get3A_35, %mul3A_37 : vector<2048x64xf32>
    %mul3A_39 = arith.mulf %sub3A_38, %dot_general3A_32 : vector<2048x64xf32>
    %get3A_40 = arith.constant 0 : index
    %get3A_41 = arith.constant 0 : index
    %get3A_42 = vector.load %arg7[%get3A_40, %get3A_41] : memref<1x64xf32, #tpu.memory_space<vmem>>, vector<1x64xf32>
    %mul3A_43 = vector.broadcast %get3A_42 : vector<1x64xf32> to vector<2048x64xf32>
    %mul3A_44 = arith.mulf %mul3A_39, %mul3A_43 : vector<2048x64xf32>
    %get3A_45 = arith.constant 0 : index
    %get3A_46 = arith.constant 0 : index
    %get3A_47 = vector.load %arg8[%get3A_45, %get3A_46] : memref<1x64xf32, #tpu.memory_space<vmem>>, vector<1x64xf32>
    %add3A_48 = vector.broadcast %get3A_47 : vector<1x64xf32> to vector<2048x64xf32>
    %add3A_49 = arith.addf %mul3A_44, %add3A_48 : vector<2048x64xf32>
    %mul3A_50 = arith.constant 5.000000e-01 : f32
    %mul3A_51 = vector.broadcast %mul3A_50 : f32 to vector<2048x64xf32>
    %mul3A_52 = arith.mulf %mul3A_51, %add3A_49 : vector<2048x64xf32>
    %mul3A_53 = arith.constant 0.707106769 : f32
    %mul3A_54 = vector.broadcast %mul3A_53 : f32 to vector<2048x64xf32>
    %mul3A_55 = arith.mulf %add3A_49, %mul3A_54 : vector<2048x64xf32>
    %erf3A = math.erf %mul3A_55 : vector<2048x64xf32>
    %add3A_56 = arith.constant 1.000000e+00 : f32
    %add3A_57 = vector.broadcast %add3A_56 : f32 to vector<2048x64xf32>
    %add3A_58 = arith.addf %add3A_57, %erf3A : vector<2048x64xf32>
    %mul3A_59 = arith.mulf %mul3A_52, %add3A_58 : vector<2048x64xf32>
    %get3A_60 = arith.constant 0 : index
    %get3A_61 = arith.constant 0 : index
    %get3A_62 = vector.load %arg10[%get3A_60, %get3A_61] : memref<2048x64xf32, #tpu.memory_space<vmem>>, vector<2048x64xf32>
    %add3A_63 = arith.addf %mul3A_59, %get3A_62 : vector<2048x64xf32>
    %get3A_64 = arith.constant 0 : index
    %get3A_65 = arith.constant 0 : index
    %get3A_66 = vector.load %arg5[%get3A_64, %get3A_65] : memref<2048x1xf32, #tpu.memory_space<vmem>>, vector<2048x1xf32>
    %mul3A_67 = vector.broadcast %get3A_66 : vector<2048x1xf32> to vector<2048x64xf32>
    %mul3A_68 = arith.mulf %add3A_63, %mul3A_67 : vector<2048x64xf32>
    %swap3A = arith.constant 0 : index
    %swap3A_69 = arith.constant 0 : index
    %swap3A_70 = vector.load %arg11[%swap3A, %swap3A_69] : memref<2048x64xf32, #tpu.memory_space<vmem>>, vector<2048x64xf32>
    tpu.vector_store %arg11[%swap3A, %swap3A_69], %mul3A_68 {strides = array<i32>} : memref<2048x64xf32, #tpu.memory_space<vmem>>, vector<2048x64xf32>,
    return
  }
  func.func @transform_0(%arg0: i32) -> (i32, i32) {
    %c0_i32 = arith.constant 0 : i32
    %c0_i32_0 = arith.constant 0 : i32
    return %arg0, %c0_i32 : i32, i32
  }
  func.func @transform_1(%arg0: i32) -> (i32, i32) {
    %c0_i32 = arith.constant 0 : i32
    %c0_i32_0 = arith.constant 0 : i32
    %c0_i32_1 = arith.constant 0 : i32
    return %c0_i32, %c0_i32_0 : i32, i32
  }
  func.func @transform_2(%arg0: i32) -> (i32, i32) {
    %c0_i32 = arith.constant 0 : i32
    %c0_i32_0 = arith.constant 0 : i32
    %c0_i32_1 = arith.constant 0 : i32
    return %c0_i32, %c0_i32_0 : i32, i32
  }
  func.func @transform_3(%arg0: i32) -> (i32, i32) {
    %c0_i32 = arith.constant 0 : i32
    %c0_i32_0 = arith.constant 0 : i32
    %c0_i32_1 = arith.constant 0 : i32
    return %c0_i32, %c0_i32_0 : i32, i32
  }
  func.func @transform_4(%arg0: i32) -> (i32, i32) {
    %c0_i32 = arith.constant 0 : i32
    %c0_i32_0 = arith.constant 0 : i32
    return %arg0, %c0_i32 : i32, i32
  }
  func.func @transform_5(%arg0: i32) -> (i32, i32, i32) {
    %c0_i32 = arith.constant 0 : i32
    %c0_i32_0 = arith.constant 0 : i32
    %c0_i32_1 = arith.constant 0 : i32
    return %arg0, %c0_i32, %c0_i32_0 : i32, i32, i32
  }
  func.func @transform_6(%arg0: i32) -> (i32, i32) {
    %c0_i32 = arith.constant 0 : i32
    %c0_i32_0 = arith.constant 0 : i32
    %c0_i32_1 = arith.constant 0 : i32
    return %c0_i32, %c0_i32_0 : i32, i32
  }
  func.func @transform_7(%arg0: i32) -> (i32, i32) {
    %c0_i32 = arith.constant 0 : i32
    %c0_i32_0 = arith.constant 0 : i32
    %c0_i32_1 = arith.constant 0 : i32
    return %c0_i32, %c0_i32_0 : i32, i32
  }
  func.func @transform_8(%arg0: i32) -> (i32, i32) {
    %c0_i32 = arith.constant 0 : i32
    %c0_i32_0 = arith.constant 0 : i32
    %c0_i32_1 = arith.constant 0 : i32
    return %c0_i32, %c0_i32_0 : i32, i32
  }
  func.func @transform_9(%arg0: i32) -> (i32, i32) {
    %c0_i32 = arith.constant 0 : i32
    %c0_i32_0 = arith.constant 0 : i32
    return %arg0, %c0_i32 : i32, i32
  }
  func.func @transform_10(%arg0: i32) -> (i32, i32) {
    %c0_i32 = arith.constant 0 : i32
    %c0_i32_0 = arith.constant 0 : i32
    return %arg0, %c0_i32 : i32, i32
  }
}

module attributes {stable_mosaic.version = 14 : i64} {
  func.func @tc_matstats_f128(%arg0: i32, %arg1: memref<2048x64xf32, #tpu.memory_space<vmem>>, %arg2: memref<2048x1xf32, #tpu.memory_space<vmem>>, %arg3: memref<1x1x2048xi32, #tpu.memory_space<vmem>>, %arg4: memref<32x128xf32, #tpu.memory_space<vmem>>, %arg5: memref<1x256xf32, #tpu.memory_space<vmem>>, %arg6: memref<2048x256xf32, #tpu.memory_space<vmem>>, %arg7: memref<32x256xf32, #tpu.memory_space<vmem>>, %arg8: memref<32x256xf32, #tpu.memory_space<vmem>>, %arg9: memref<32x256xf32, #tpu.memory_space<vmem>>, %arg10: memref<32x256xf32, #tpu.memory_space<vmem>>) attributes {dimension_semantics = [#tpu.dimension_semantics<arbitrary>], iteration_bounds = array<i64: 25>, scalar_prefetch = 0 : i64, scratch_operands = 2 : i64, tpu.core_type = #tpu.core_type<tc>, window_params = [{transform_indices = @transform_0, window_bounds = array<i64: 2048, 64>}, {transform_indices = @transform_1, window_bounds = array<i64: 2048, 1>}, {transform_indices = @transform_2, window_bounds = array<i64: 1, 1, 2048>}, {pipeline_mode = #tpu.pipeline_mode<synchronous>, transform_indices = @transform_3, window_bounds = array<i64: 32, 128>}, {pipeline_mode = #tpu.pipeline_mode<synchronous>, transform_indices = @transform_4, window_bounds = array<i64: 1, 256>}, {transform_indices = @transform_5, window_bounds = array<i64: 2048, 256>}, {pipeline_mode = #tpu.pipeline_mode<synchronous>, transform_indices = @transform_6, window_bounds = array<i64: 32, 256>}, {pipeline_mode = #tpu.pipeline_mode<synchronous>, transform_indices = @transform_7, window_bounds = array<i64: 32, 256>}]} {
    %get3A = arith.constant 0 : index
    %get3A_0 = arith.constant 0 : index
    %get3A_1 = vector.load %arg2[%get3A, %get3A_0] : memref<2048x1xf32, #tpu.memory_space<vmem>>, vector<2048x1xf32>
    %get3A_2 = arith.constant 0 : index
    %get3A_3 = arith.constant 0 : index
    %get3A_4 = vector.load %arg4[%get3A_2, %get3A_3] : memref<32x128xf32, #tpu.memory_space<vmem>>, vector<32x128xf32>
    %get3A_5 = arith.constant 0 : index
    %get3A_6 = arith.constant 0 : index
    %get3A_7 = vector.load %arg1[%get3A_5, %get3A_6] : memref<2048x64xf32, #tpu.memory_space<vmem>>, vector<2048x32xf32>
    %dot_general3A = arith.constant dense<0.000000e+00> : vector<2048x128xf32>
    %dot_general3A_8 = tpu.matmul %get3A_7, %get3A_4, %dot_general3A {dimension_numbers = #tpu.dot_dimension_numbers<[1], [0], [0], [1], [0, 0, 1, 1], [], []>, precision = #tpu.contract_precision<fp32>, transpose_lhs_hint = false} : vector<2048x32xf32>, vector<32x128xf32>, vector<2048x128xf32> -> vector<2048x128xf32>
    %get3A_9 = arith.constant 0 : index
    %get3A_10 = arith.constant 32 : index
    %get3A_11 = vector.load %arg1[%get3A_9, %get3A_10] : memref<2048x64xf32, #tpu.memory_space<vmem>>, vector<2048x32xf32>
    %dot_general3A_12 = arith.constant dense<0.000000e+00> : vector<2048x128xf32>
    %dot_general3A_13 = tpu.matmul %get3A_11, %get3A_4, %dot_general3A_12 {dimension_numbers = #tpu.dot_dimension_numbers<[1], [0], [0], [1], [0, 0, 1, 1], [], []>, precision = #tpu.contract_precision<fp32>, transpose_lhs_hint = false} : vector<2048x32xf32>, vector<32x128xf32>, vector<2048x128xf32> -> vector<2048x128xf32>
    %concatenate3A = tpu.concatenate %dot_general3A_8, %dot_general3A_13 in 1 : vector<2048x128xf32>, vector<2048x128xf32> -> vector<2048x256xf32>
    %mul3A = vector.broadcast %get3A_1 : vector<2048x1xf32> to vector<2048x256xf32>
    %mul3A_14 = arith.mulf %concatenate3A, %mul3A : vector<2048x256xf32>
    %get3A_15 = arith.constant 0 : index
    %get3A_16 = arith.constant 0 : index
    %get3A_17 = vector.load %arg5[%get3A_15, %get3A_16] : memref<1x256xf32, #tpu.memory_space<vmem>>, vector<1x256xf32>
    %add3A = vector.broadcast %get3A_17 : vector<1x256xf32> to vector<2048x256xf32>
    %add3A_18 = arith.addf %mul3A_14, %add3A : vector<2048x256xf32>
    %swap3A = arith.constant 0 : index
    %swap3A_19 = arith.constant 0 : index
    %swap3A_20 = vector.load %arg6[%swap3A, %swap3A_19] : memref<2048x256xf32, #tpu.memory_space<vmem>>, vector<2048x256xf32>
    tpu.vector_store %arg6[%swap3A, %swap3A_19], %add3A_18 {strides = array<i32>} : memref<2048x256xf32, #tpu.memory_space<vmem>>, vector<2048x256xf32>,
    %get3A_21 = arith.constant 0 : index
    %get3A_22 = arith.constant 0 : index
    %get3A_23 = arith.constant 0 : index
    %get3A_24 = vector.load %arg3[%get3A_21, %get3A_22, %get3A_23] : memref<1x1x2048xi32, #tpu.memory_space<vmem>>, vector<1x1x2048xi32>
    %get3A_25 = vector.shape_cast %get3A_24 : vector<1x1x2048xi32> to vector<1x2048xi32>
    %iota3A = tpu.iota {dimensions = array<i32: 0>} : vector<32x1xi32>
    %eq3A = vector.broadcast %get3A_25 : vector<1x2048xi32> to vector<32x2048xi32>
    %eq3A_26 = vector.broadcast %iota3A : vector<32x1xi32> to vector<32x2048xi32>
    %eq3A_27 = arith.cmpi eq, %eq3A, %eq3A_26 : vector<32x2048xi32>
    %convert_element_type3A = arith.extui %eq3A_27 : vector<32x2048xi1> to vector<32x2048xi32>
    %convert_element_type3A_28 = arith.sitofp %convert_element_type3A : vector<32x2048xi32> to vector<32x2048xf32>
    %eq3A_29 = arith.constant 0 : i32
    %eq3A_30 = arith.cmpi eq, %arg0, %eq3A_29 : i32
    %convert_element_type3A_31 = arith.extui %eq3A_30 : i1 to i32
    %cond3A = arith.constant 0 : i32
    %cond3A_32 = arith.cmpi ne, %convert_element_type3A_31, %cond3A : i32
    scf.if %cond3A_32 {
      %broadcast_in_dim3A = arith.constant 0.000000e+00 : f32
      %broadcast_in_dim3A_57 = vector.broadcast %broadcast_in_dim3A : f32 to vector<32x256xf32>
      %swap3A_58 = arith.constant 0 : index
      %swap3A_59 = arith.constant 0 : index
      %swap3A_60 = vector.load %arg9[%swap3A_58, %swap3A_59] : memref<32x256xf32, #tpu.memory_space<vmem>>, vector<32x256xf32>
      tpu.vector_store %arg9[%swap3A_58, %swap3A_59], %broadcast_in_dim3A_57 {strides = array<i32>} : memref<32x256xf32, #tpu.memory_space<vmem>>, vector<32x256xf32>,
      %broadcast_in_dim3A_61 = arith.constant 0.000000e+00 : f32
      %broadcast_in_dim3A_62 = vector.broadcast %broadcast_in_dim3A_61 : f32 to vector<32x256xf32>
      %swap3A_63 = arith.constant 0 : index
      %swap3A_64 = arith.constant 0 : index
      %swap3A_65 = vector.load %arg10[%swap3A_63, %swap3A_64] : memref<32x256xf32, #tpu.memory_space<vmem>>, vector<32x256xf32>
      tpu.vector_store %arg10[%swap3A_63, %swap3A_64], %broadcast_in_dim3A_62 {strides = array<i32>} : memref<32x256xf32, #tpu.memory_space<vmem>>, vector<32x256xf32>,
    } else {
    }
    %get3A_33 = arith.constant 0 : index
    %get3A_34 = arith.constant 0 : index
    %get3A_35 = vector.load %arg9[%get3A_33, %get3A_34] : memref<32x256xf32, #tpu.memory_space<vmem>>, vector<32x256xf32>
    %dot_general3A_36 = arith.constant dense<0.000000e+00> : vector<32x256xf32>
    %dot_general3A_37 = tpu.matmul %convert_element_type3A_28, %add3A_18, %dot_general3A_36 {dimension_numbers = #tpu.dot_dimension_numbers<[1], [0], [0], [1], [0, 0, 1, 1], [], []>, precision = #tpu.contract_precision<fp32>, transpose_lhs_hint = false} : vector<32x2048xf32>, vector<2048x256xf32>, vector<32x256xf32> -> vector<32x256xf32>
    %add3A_38 = arith.addf %get3A_35, %dot_general3A_37 : vector<32x256xf32>
    %swap3A_39 = arith.constant 0 : index
    %swap3A_40 = arith.constant 0 : index
    %swap3A_41 = vector.load %arg9[%swap3A_39, %swap3A_40] : memref<32x256xf32, #tpu.memory_space<vmem>>, vector<32x256xf32>
    tpu.vector_store %arg9[%swap3A_39, %swap3A_40], %add3A_38 {strides = array<i32>} : memref<32x256xf32, #tpu.memory_space<vmem>>, vector<32x256xf32>,
    %get3A_42 = arith.constant 0 : index
    %get3A_43 = arith.constant 0 : index
    %get3A_44 = vector.load %arg10[%get3A_42, %get3A_43] : memref<32x256xf32, #tpu.memory_space<vmem>>, vector<32x256xf32>
    %mul3A_45 = arith.mulf %add3A_18, %add3A_18 : vector<2048x256xf32>
    %dot_general3A_46 = arith.constant dense<0.000000e+00> : vector<32x256xf32>
    %dot_general3A_47 = tpu.matmul %convert_element_type3A_28, %mul3A_45, %dot_general3A_46 {dimension_numbers = #tpu.dot_dimension_numbers<[1], [0], [0], [1], [0, 0, 1, 1], [], []>, precision = #tpu.contract_precision<fp32>, transpose_lhs_hint = false} : vector<32x2048xf32>, vector<2048x256xf32>, vector<32x256xf32> -> vector<32x256xf32>
    %add3A_48 = arith.addf %get3A_44, %dot_general3A_47 : vector<32x256xf32>
    %swap3A_49 = arith.constant 0 : index
    %swap3A_50 = arith.constant 0 : index
    %swap3A_51 = vector.load %arg10[%swap3A_49, %swap3A_50] : memref<32x256xf32, #tpu.memory_space<vmem>>, vector<32x256xf32>
    tpu.vector_store %arg10[%swap3A_49, %swap3A_50], %add3A_48 {strides = array<i32>} : memref<32x256xf32, #tpu.memory_space<vmem>>, vector<32x256xf32>,
    %eq3A_52 = arith.constant 24 : i32
    %eq3A_53 = arith.cmpi eq, %arg0, %eq3A_52 : i32
    %convert_element_type3A_54 = arith.extui %eq3A_53 : i1 to i32
    %cond3A_55 = arith.constant 0 : i32
    %cond3A_56 = arith.cmpi ne, %convert_element_type3A_54, %cond3A_55 : i32
    scf.if %cond3A_56 {
      %get3A_57 = arith.constant 0 : index
      %get3A_58 = arith.constant 0 : index
      %get3A_59 = vector.load %arg9[%get3A_57, %get3A_58] : memref<32x256xf32, #tpu.memory_space<vmem>>, vector<32x256xf32>
      %swap3A_60 = arith.constant 0 : index
      %swap3A_61 = arith.constant 0 : index
      %swap3A_62 = vector.load %arg7[%swap3A_60, %swap3A_61] : memref<32x256xf32, #tpu.memory_space<vmem>>, vector<32x256xf32>
      tpu.vector_store %arg7[%swap3A_60, %swap3A_61], %get3A_59 {strides = array<i32>} : memref<32x256xf32, #tpu.memory_space<vmem>>, vector<32x256xf32>,
      %get3A_63 = arith.constant 0 : index
      %get3A_64 = arith.constant 0 : index
      %get3A_65 = vector.load %arg10[%get3A_63, %get3A_64] : memref<32x256xf32, #tpu.memory_space<vmem>>, vector<32x256xf32>
      %swap3A_66 = arith.constant 0 : index
      %swap3A_67 = arith.constant 0 : index
      %swap3A_68 = vector.load %arg8[%swap3A_66, %swap3A_67] : memref<32x256xf32, #tpu.memory_space<vmem>>, vector<32x256xf32>
      tpu.vector_store %arg8[%swap3A_66, %swap3A_67], %get3A_65 {strides = array<i32>} : memref<32x256xf32, #tpu.memory_space<vmem>>, vector<32x256xf32>,
    } else {
    }
    return
  }
  func.func @transform_0(%arg0: i32) -> (i32, i32) {
    %c0_i32 = arith.constant 0 : i32
    %c0_i32_0 = arith.constant 0 : i32
    return %arg0, %c0_i32 : i32, i32
  }
  func.func @transform_1(%arg0: i32) -> (i32, i32) {
    %c0_i32 = arith.constant 0 : i32
    %c0_i32_0 = arith.constant 0 : i32
    return %arg0, %c0_i32 : i32, i32
  }
  func.func @transform_2(%arg0: i32) -> (i32, i32, i32) {
    %c0_i32 = arith.constant 0 : i32
    %c0_i32_0 = arith.constant 0 : i32
    %c0_i32_1 = arith.constant 0 : i32
    return %arg0, %c0_i32, %c0_i32_0 : i32, i32, i32
  }
  func.func @transform_3(%arg0: i32) -> (i32, i32) {
    %c0_i32 = arith.constant 0 : i32
    %c0_i32_0 = arith.constant 0 : i32
    %c0_i32_1 = arith.constant 0 : i32
    return %c0_i32, %c0_i32_0 : i32, i32
  }
  func.func @transform_4(%arg0: i32) -> (i32, i32) {
    %c0_i32 = arith.constant 0 : i32
    %c0_i32_0 = arith.constant 0 : i32
    %c0_i32_1 = arith.constant 0 : i32
    return %c0_i32, %c0_i32_0 : i32, i32
  }
  func.func @transform_5(%arg0: i32) -> (i32, i32) {
    %c0_i32 = arith.constant 0 : i32
    %c0_i32_0 = arith.constant 0 : i32
    return %arg0, %c0_i32 : i32, i32
  }
  func.func @transform_6(%arg0: i32) -> (i32, i32) {
    %c0_i32 = arith.constant 0 : i32
    %c0_i32_0 = arith.constant 0 : i32
    %c0_i32_1 = arith.constant 0 : i32
    return %c0_i32, %c0_i32_0 : i32, i32
  }
  func.func @transform_7(%arg0: i32) -> (i32, i32) {
    %c0_i32 = arith.constant 0 : i32
    %c0_i32_0 = arith.constant 0 : i32
    %c0_i32_1 = arith.constant 0 : i32
    return %c0_i32, %c0_i32_0 : i32, i32
  }
}

module attributes {stable_mosaic.version = 14 : i64} {
  func.func @tc_norm_f128(%arg0: i32, %arg1: memref<2048x256xf32, #tpu.memory_space<vmem>>, %arg2: memref<32x256xf32, #tpu.memory_space<vmem>>, %arg3: memref<32x256xf32, #tpu.memory_space<vmem>>, %arg4: memref<32x1xf32, #tpu.memory_space<vmem>>, %arg5: memref<2048x1xf32, #tpu.memory_space<vmem>>, %arg6: memref<1x1x2048xi32, #tpu.memory_space<vmem>>, %arg7: memref<1x256xf32, #tpu.memory_space<vmem>>, %arg8: memref<1x256xf32, #tpu.memory_space<vmem>>, %arg9: memref<1x256xf32, #tpu.memory_space<vmem>>, %arg10: memref<2048x2x128xf32, #tpu.memory_space<vmem>>) attributes {dimension_semantics = [#tpu.dimension_semantics<arbitrary>], iteration_bounds = array<i64: 25>, scalar_prefetch = 0 : i64, scratch_operands = 0 : i64, tpu.core_type = #tpu.core_type<tc>, window_params = [{transform_indices = @transform_0, window_bounds = array<i64: 2048, 256>}, {pipeline_mode = #tpu.pipeline_mode<synchronous>, transform_indices = @transform_1, window_bounds = array<i64: 32, 256>}, {pipeline_mode = #tpu.pipeline_mode<synchronous>, transform_indices = @transform_2, window_bounds = array<i64: 32, 256>}, {pipeline_mode = #tpu.pipeline_mode<synchronous>, transform_indices = @transform_3, window_bounds = array<i64: 32, 1>}, {transform_indices = @transform_4, window_bounds = array<i64: 2048, 1>}, {transform_indices = @transform_5, window_bounds = array<i64: 1, 1, 2048>}, {pipeline_mode = #tpu.pipeline_mode<synchronous>, transform_indices = @transform_6, window_bounds = array<i64: 1, 256>}, {pipeline_mode = #tpu.pipeline_mode<synchronous>, transform_indices = @transform_7, window_bounds = array<i64: 1, 256>}, {pipeline_mode = #tpu.pipeline_mode<synchronous>, transform_indices = @transform_8, window_bounds = array<i64: 1, 256>}, {transform_indices = @transform_9, window_bounds = array<i64: 2048, 2, 128>}]} {
    %get3A = arith.constant 0 : index
    %get3A_0 = arith.constant 0 : index
    %get3A_1 = vector.load %arg4[%get3A, %get3A_0] : memref<32x1xf32, #tpu.memory_space<vmem>>, vector<32x1xf32>
    %get3A_2 = arith.constant 0 : index
    %get3A_3 = arith.constant 0 : index
    %get3A_4 = vector.load %arg9[%get3A_2, %get3A_3] : memref<1x256xf32, #tpu.memory_space<vmem>>, vector<1x256xf32>
    %get3A_5 = arith.constant 0 : index
    %get3A_6 = arith.constant 0 : index
    %get3A_7 = vector.load %arg2[%get3A_5, %get3A_6] : memref<32x256xf32, #tpu.memory_space<vmem>>, vector<32x256xf32>
    %div3A = vector.broadcast %get3A_1 : vector<32x1xf32> to vector<32x256xf32>
    %div3A_8 = arith.divf %get3A_7, %div3A : vector<32x256xf32>
    %get3A_9 = arith.constant 0 : index
    %get3A_10 = arith.constant 0 : index
    %get3A_11 = vector.load %arg3[%get3A_9, %get3A_10] : memref<32x256xf32, #tpu.memory_space<vmem>>, vector<32x256xf32>
    %div3A_12 = vector.broadcast %get3A_1 : vector<32x1xf32> to vector<32x256xf32>
    %div3A_13 = arith.divf %get3A_11, %div3A_12 : vector<32x256xf32>
    %sub3A = arith.constant 2.000000e+00 : f32
    %sub3A_14 = vector.broadcast %sub3A : f32 to vector<1x256xf32>
    %sub3A_15 = arith.subf %sub3A_14, %get3A_4 : vector<1x256xf32>
    %mul3A = arith.mulf %sub3A_15, %get3A_4 : vector<1x256xf32>
    %mul3A_16 = vector.broadcast %mul3A : vector<1x256xf32> to vector<32x256xf32>
    %mul3A_17 = arith.mulf %mul3A_16, %div3A_8 : vector<32x256xf32>
    %mul3A_18 = arith.mulf %mul3A_17, %div3A_8 : vector<32x256xf32>
    %sub3A_19 = arith.subf %div3A_13, %mul3A_18 : vector<32x256xf32>
    %add3A = arith.constant 9.99999974E-6 : f32
    %add3A_20 = vector.broadcast %add3A : f32 to vector<32x256xf32>
    %add3A_21 = arith.addf %sub3A_19, %add3A_20 : vector<32x256xf32>
    %rsqrt3A = math.rsqrt %add3A_21 : vector<32x256xf32>
    %get3A_22 = arith.constant 0 : index
    %get3A_23 = arith.constant 0 : index
    %get3A_24 = arith.constant 0 : index
    %get3A_25 = vector.load %arg6[%get3A_22, %get3A_23, %get3A_24] : memref<1x1x2048xi32, #tpu.memory_space<vmem>>, vector<1x1x2048xi32>
    %get3A_26 = vector.shape_cast %get3A_25 : vector<1x1x2048xi32> to vector<1x2048xi32>
    %iota3A = tpu.iota {dimensions = array<i32: 0>} : vector<32x1xi32>
    %eq3A = vector.broadcast %get3A_26 : vector<1x2048xi32> to vector<32x2048xi32>
    %eq3A_27 = vector.broadcast %iota3A : vector<32x1xi32> to vector<32x2048xi32>
    %eq3A_28 = arith.cmpi eq, %eq3A, %eq3A_27 : vector<32x2048xi32>
    %convert_element_type3A = arith.extui %eq3A_28 : vector<32x2048xi1> to vector<32x2048xi32>
    %convert_element_type3A_29 = arith.sitofp %convert_element_type3A : vector<32x2048xi32> to vector<32x2048xf32>
    %dot_general3A = arith.constant dense<0.000000e+00> : vector<2048x256xf32>
    %dot_general3A_30 = tpu.matmul %convert_element_type3A_29, %div3A_8, %dot_general3A {dimension_numbers = #tpu.dot_dimension_numbers<[0], [0], [1], [1], [0, 1, 1, 1], [], []>, precision = #tpu.contract_precision<fp32>, transpose_lhs_hint = false} : vector<32x2048xf32>, vector<32x256xf32>, vector<2048x256xf32> -> vector<2048x256xf32>
    %dot_general3A_31 = arith.constant dense<0.000000e+00> : vector<2048x256xf32>
    %dot_general3A_32 = tpu.matmul %convert_element_type3A_29, %rsqrt3A, %dot_general3A_31 {dimension_numbers = #tpu.dot_dimension_numbers<[0], [0], [1], [1], [0, 1, 1, 1], [], []>, precision = #tpu.contract_precision<fp32>, transpose_lhs_hint = false} : vector<32x2048xf32>, vector<32x256xf32>, vector<2048x256xf32> -> vector<2048x256xf32>
    %get3A_33 = arith.constant 0 : index
    %get3A_34 = arith.constant 0 : index
    %get3A_35 = vector.load %arg1[%get3A_33, %get3A_34] : memref<2048x256xf32, #tpu.memory_space<vmem>>, vector<2048x256xf32>
    %mul3A_36 = vector.broadcast %get3A_4 : vector<1x256xf32> to vector<2048x256xf32>
    %mul3A_37 = arith.mulf %dot_general3A_30, %mul3A_36 : vector<2048x256xf32>
    %sub3A_38 = arith.subf %get3A_35, %mul3A_37 : vector<2048x256xf32>
    %mul3A_39 = arith.mulf %sub3A_38, %dot_general3A_32 : vector<2048x256xf32>
    %get3A_40 = arith.constant 0 : index
    %get3A_41 = arith.constant 0 : index
    %get3A_42 = vector.load %arg7[%get3A_40, %get3A_41] : memref<1x256xf32, #tpu.memory_space<vmem>>, vector<1x256xf32>
    %mul3A_43 = vector.broadcast %get3A_42 : vector<1x256xf32> to vector<2048x256xf32>
    %mul3A_44 = arith.mulf %mul3A_39, %mul3A_43 : vector<2048x256xf32>
    %get3A_45 = arith.constant 0 : index
    %get3A_46 = arith.constant 0 : index
    %get3A_47 = vector.load %arg8[%get3A_45, %get3A_46] : memref<1x256xf32, #tpu.memory_space<vmem>>, vector<1x256xf32>
    %add3A_48 = vector.broadcast %get3A_47 : vector<1x256xf32> to vector<2048x256xf32>
    %add3A_49 = arith.addf %mul3A_44, %add3A_48 : vector<2048x256xf32>
    %mul3A_50 = arith.constant 5.000000e-01 : f32
    %mul3A_51 = vector.broadcast %mul3A_50 : f32 to vector<2048x256xf32>
    %mul3A_52 = arith.mulf %mul3A_51, %add3A_49 : vector<2048x256xf32>
    %mul3A_53 = arith.constant 0.707106769 : f32
    %mul3A_54 = vector.broadcast %mul3A_53 : f32 to vector<2048x256xf32>
    %mul3A_55 = arith.mulf %add3A_49, %mul3A_54 : vector<2048x256xf32>
    %erf3A = math.erf %mul3A_55 : vector<2048x256xf32>
    %add3A_56 = arith.constant 1.000000e+00 : f32
    %add3A_57 = vector.broadcast %add3A_56 : f32 to vector<2048x256xf32>
    %add3A_58 = arith.addf %add3A_57, %erf3A : vector<2048x256xf32>
    %mul3A_59 = arith.mulf %mul3A_52, %add3A_58 : vector<2048x256xf32>
    %slice3A = vector.extract_strided_slice %mul3A_59 {offsets = [0, 0], sizes = [2048, 128], strides = [1, 1]} : vector<2048x256xf32> to vector<2048x128xf32>
    %swap3A = arith.constant 0 : index
    %swap3A_60 = arith.constant 0 : index
    %swap3A_61 = arith.constant 0 : index
    %swap3A_62 = vector.load %arg10[%swap3A, %swap3A_60, %swap3A_61] : memref<2048x2x128xf32, #tpu.memory_space<vmem>>, vector<2048x1x128xf32>
    %swap3A_63 = vector.shape_cast %swap3A_62 : vector<2048x1x128xf32> to vector<2048x128xf32>
    %swap3A_64 = vector.shape_cast %slice3A : vector<2048x128xf32> to vector<2048x1x128xf32>
    tpu.vector_store %arg10[%swap3A, %swap3A_60, %swap3A_61], %swap3A_64 {strides = array<i32>} : memref<2048x2x128xf32, #tpu.memory_space<vmem>>, vector<2048x1x128xf32>,
    %slice3A_65 = vector.extract_strided_slice %mul3A_59 {offsets = [0, 128], sizes = [2048, 128], strides = [1, 1]} : vector<2048x256xf32> to vector<2048x128xf32>
    %swap3A_66 = arith.constant 0 : index
    %swap3A_67 = arith.constant 1 : index
    %swap3A_68 = arith.constant 0 : index
    %swap3A_69 = vector.load %arg10[%swap3A_66, %swap3A_67, %swap3A_68] : memref<2048x2x128xf32, #tpu.memory_space<vmem>>, vector<2048x1x128xf32>
    %swap3A_70 = vector.shape_cast %swap3A_69 : vector<2048x1x128xf32> to vector<2048x128xf32>
    %swap3A_71 = vector.shape_cast %slice3A_65 : vector<2048x128xf32> to vector<2048x1x128xf32>
    tpu.vector_store %arg10[%swap3A_66, %swap3A_67, %swap3A_68], %swap3A_71 {strides = array<i32>} : memref<2048x2x128xf32, #tpu.memory_space<vmem>>, vector<2048x1x128xf32>,
    return
  }
  func.func @transform_0(%arg0: i32) -> (i32, i32) {
    %c0_i32 = arith.constant 0 : i32
    %c0_i32_0 = arith.constant 0 : i32
    return %arg0, %c0_i32 : i32, i32
  }
  func.func @transform_1(%arg0: i32) -> (i32, i32) {
    %c0_i32 = arith.constant 0 : i32
    %c0_i32_0 = arith.constant 0 : i32
    %c0_i32_1 = arith.constant 0 : i32
    return %c0_i32, %c0_i32_0 : i32, i32
  }
  func.func @transform_2(%arg0: i32) -> (i32, i32) {
    %c0_i32 = arith.constant 0 : i32
    %c0_i32_0 = arith.constant 0 : i32
    %c0_i32_1 = arith.constant 0 : i32
    return %c0_i32, %c0_i32_0 : i32, i32
  }
  func.func @transform_3(%arg0: i32) -> (i32, i32) {
    %c0_i32 = arith.constant 0 : i32
    %c0_i32_0 = arith.constant 0 : i32
    %c0_i32_1 = arith.constant 0 : i32
    return %c0_i32, %c0_i32_0 : i32, i32
  }
  func.func @transform_4(%arg0: i32) -> (i32, i32) {
    %c0_i32 = arith.constant 0 : i32
    %c0_i32_0 = arith.constant 0 : i32
    return %arg0, %c0_i32 : i32, i32
  }
  func.func @transform_5(%arg0: i32) -> (i32, i32, i32) {
    %c0_i32 = arith.constant 0 : i32
    %c0_i32_0 = arith.constant 0 : i32
    %c0_i32_1 = arith.constant 0 : i32
    return %arg0, %c0_i32, %c0_i32_0 : i32, i32, i32
  }
  func.func @transform_6(%arg0: i32) -> (i32, i32) {
    %c0_i32 = arith.constant 0 : i32
    %c0_i32_0 = arith.constant 0 : i32
    %c0_i32_1 = arith.constant 0 : i32
    return %c0_i32, %c0_i32_0 : i32, i32
  }
  func.func @transform_7(%arg0: i32) -> (i32, i32) {
    %c0_i32 = arith.constant 0 : i32
    %c0_i32_0 = arith.constant 0 : i32
    %c0_i32_1 = arith.constant 0 : i32
    return %c0_i32, %c0_i32_0 : i32, i32
  }
  func.func @transform_8(%arg0: i32) -> (i32, i32) {
    %c0_i32 = arith.constant 0 : i32
    %c0_i32_0 = arith.constant 0 : i32
    %c0_i32_1 = arith.constant 0 : i32
    return %c0_i32, %c0_i32_0 : i32, i32
  }
  func.func @transform_9(%arg0: i32) -> (i32, i32, i32) {
    %c0_i32 = arith.constant 0 : i32
    %c0_i32_0 = arith.constant 0 : i32
    %c0_i32_1 = arith.constant 0 : i32
    return %arg0, %c0_i32, %c0_i32_0 : i32, i32, i32
  }
}

</mosaic_0001>

<sc_bundles>
// kernel: sc_aggregate_d16.3.cloned.1.call-start
scs
__scs_entry_jumppad:
0x0: {  	(pc) =	sbr.rel $0x88, $3  }
0x1: {  	(tag) =	ssettag $0x0;
	lr =	simm.s32 $0x1  }
0x2: {  	[smem:$0x3F8F] =	sst lr;
	_ =	strace $0xD0000000  }
0x3: {  	_ = 	snop  }
0x4: {  	_ = 	snop  }
0x5: {  	_ = 	snop  }
0x6: {  	_ = 	snop  }
0x7: {  	_ = 	snop  }
__scs_overlays_trampoline_lowered:
0x8: {  	[smem:$0x3F9E] =	sst s0  }
0x9: {  	[smem:$0x3F9F] =	sst s1  }
0xa: {  	[smem:$0x3FA0] =	sst s2  }
0xb: {  	[smem:$0x3FA1] =	sst s3  }
0xc: {  	[smem:$0x3FA2] =	sst s4  }
0xd: {  	[smem:$0x3FA3] =	sst s5  }
0xe: {  	[smem:$0x3FA4] =	sst s6  }
0xf: {  	[smem:$0x3FA5] =	sst s7  }
0x10: {  	[smem:$0x3FA6] =	sst s8  }
0x11: {  	[smem:$0x3FA7] =	sst s9;
	s0 =	simm.s32 @!p0 $0x0  }
0x12: {  	s1 =	sld [smem:$0x3F8D];
	s0 =	simm.s32 @p0 $0x1  }
0x13: {  	[smem:$0x3FA8] =	sst s0;
	s0 =	simm.s32 @!p1 $0x0  }
0x14: {  	s2 =	sld [smem:$0x3F8C];
	s0 =	simm.s32 @p1 $0x1  }
0x15: {  	[smem:$0x3FA9] =	sst s0;
	s0 =	simm.s32 @!p2 $0x0  }
0x16: {  	s3 =	sld [smem:$0x3FDB];
	s0 =	simm.s32 @p2 $0x1  }
0x17: {  	s4 =	simm.s32 $0x1BF5;
	[smem:$0x3FAB] =	sst s0  }
0x18: {  	s0 =	sld [smem:$0x3F8E];
	_ =	swait.ge [sflag:s4], $0x0  }
0x19: {  	s7 =	sld [smem:$0x3F8F]  }
0x1a: {  	s8 =	sadd.s32 $0xFFFFE003, lr  }
0x1b: {  	s9 =	sadd.s32 $0xFFFFFEF7, lr;
	s5 =	simm.s32 $0xFFFFFFFF;
	p2 =	slt.u32 s8, $0xFFFFF086  }
0x1c: {  	p1 =	slt.u32 s9, $0xF7A;
	s5 =	simm.s32 @!p2 $0x0  }
0x1d: {  	s5 =	simm.s32 @p1 $0x1;
	p0 =	seq.s32 s7, s2  }
0x1e: {  	s7 =	smul.u32 @!p0 $0xF7A, s2;
	p2 =	seq.s32 @!p0 s5, $0x0  }
0x1f: {  	s9 =	smul.u32 $0xF7A, s1;
	s8 =	simm.s32 @!p0 $0x1BF5;
	p2 =	por !p2, p0  }
0x20: {  	[sflag:s8] =	ssyncset.s32 @!p0 $0xFFFFF086;
	s6 =	sadd.s32 @!p0 s3, s7;
	s7 =	simm.s32 @!p0 $0x108  }
0x21: {  	s3 =	sadd.s32 s3, s9;
	s6 =	sadd.s32 @!p0 $0x88, s6;
	s7 =	simm.s32 @p2 $0x1082  }
0x22: {  	[simem:s7], [sflag:s8] =	dma.local @!p0 [hbm:s6], $0xF7A  }
0x23: {  	s9 =	sor.u32 $0xD0000000, s2;
	s6 =	simm.s32 $0x108;
	_ =	swait.ge @!p0 [sflag:s8], $0x0  }
0x24: {  	s3 =	sadd.s32 $0x88, s3;
	s6 =	simm.s32 @!p1 $0x1082;
	[sflag:s4] =	ssyncset.s32 $0xFFFFF086  }
0x25: {  	[simem:s6], [sflag:s4] =	dma.local [hbm:s3], $0xF7A  }
0x26: {  	[smem:$0x3F8F] =	sst s1;
	(tag) =	ssettag s2;
	_ =	strace s9  }
0x27: {  	s1 =	sld [smem:$0x3F9F]  }
0x28: {  	s2 =	sld [smem:$0x3FA0]  }
0x29: {  	s4 =	sld [smem:$0x3FA2]  }
0x2a: {  	p0 =	seq.s32 s5, $0x0;
	s5 =	sld [smem:$0x3FA3]  }
0x2b: {  	s6 =	sld [smem:$0x3FA4]  }
0x2c: {  	s7 =	sld [smem:$0x3FA5]  }
0x2d: {  	s3 =	simm.s32 $0x108;
	s8 =	sld [smem:$0x3FA6]  }
0x2e: {  	s3 =	simm.s32 @!p0 $0x1082;
	s9 =	sld [smem:$0x3FA7]  }
0x2f: {  	lr =	sadd.s32 s0, s3;
	s0 =	sld [smem:$0x3F9E]  }
0x30: {  	s3 =	sld [smem:$0x3FA1]  }
0x31: {  	[smem:$0x3FAA] =	sst s10  }
0x32: {  	s10 =	sld [smem:$0x3FA8];
	_ =	sdelay $0x3  }
0x33: {  	p0 =	seq.s32 s10, $0x1;
	s10 =	sld [smem:$0x3FAA];
	_ =	sdelay $0x3  }
0x34: {  	[smem:$0x3FAA] =	sst s10  }
0x35: {  	s10 =	sld [smem:$0x3FA9];
	_ =	sdelay $0x3  }
0x36: {  	p1 =	seq.s32 s10, $0x1;
	s10 =	sld [smem:$0x3FAA];
	_ =	sdelay $0x3  }
0x37: {  	[smem:$0x3FAA] =	sst s10  }
0x38: {  	s10 =	sld [smem:$0x3FAB]  }
0x39: {  	_ = 	snop;
	(pc) =	sbr.ind lr, $3  }
0x3a: {  	_ = 	snop  }
0x3b: {  	_ = 	snop  }
0x3c: {  	p2 =	seq.s32 s10, $0x1;
	s10 =	sld [smem:$0x3FAA]  }
0x3d: {  	_ =	shalt  }
0x3e: {  	_ =	shalt  }
0x3f: {  	_ =	shalt  }
0x40: {  	_ =	shalt  }
0x41: {  	_ =	shalt  }
0x42: {  	_ =	shalt  }
0x43: {  	_ =	shalt  }
0x44: {  	_ =	shalt  }
0x45: {  	_ =	shalt  }
0x46: {  	_ =	shalt  }
0x47: {  	_ =	shalt  }
0x48: {  	_ =	shalt  }
0x49: {  	_ =	shalt  }
0x4a: {  	_ =	shalt  }
0x4b: {  	_ =	shalt  }
0x4c: {  	_ =	shalt  }
0x4d: {  	_ =	shalt  }
0x4e: {  	_ =	shalt  }
0x4f: {  	_ =	shalt  }
0x50: {  	_ =	shalt  }
0x51: {  	_ =	shalt  }
0x52: {  	_ =	shalt  }
0x53: {  	_ =	shalt  }
0x54: {  	_ =	shalt  }
0x55: {  	_ =	shalt  }
0x56: {  	_ =	shalt  }
0x57: {  	_ =	shalt  }
0x58: {  	_ =	shalt  }
0x59: {  	_ =	shalt  }
0x5a: {  	_ =	shalt  }
0x5b: {  	_ =	shalt  }
0x5c: {  	_ =	shalt  }
0x5d: {  	_ =	shalt  }
0x5e: {  	_ =	shalt  }
0x5f: {  	_ =	shalt  }
0x60: {  	_ =	shalt  }
0x61: {  	_ =	shalt  }
0x62: {  	_ =	shalt  }
0x63: {  	_ =	shalt  }
0x64: {  	_ =	shalt  }
0x65: {  	_ =	shalt  }
0x66: {  	_ =	shalt  }
0x67: {  	_ =	shalt  }
0x68: {  	_ =	shalt  }
0x69: {  	_ =	shalt  }
0x6a: {  	_ =	shalt  }
0x6b: {  	_ =	shalt  }
0x6c: {  	_ =	shalt  }
0x6d: {  	_ =	shalt  }
0x6e: {  	_ =	shalt  }
0x6f: {  	_ =	shalt  }
0x70: {  	_ =	shalt  }
0x71: {  	_ =	shalt  }
0x72: {  	_ =	shalt  }
0x73: {  	_ =	shalt  }
0x74: {  	_ =	shalt  }
0x75: {  	_ =	shalt  }
0x76: {  	_ =	shalt  }
0x77: {  	_ =	shalt  }
0x78: {  	_ =	shalt  }
0x79: {  	_ =	shalt  }
0x7a: {  	_ =	shalt  }
0x7b: {  	_ =	shalt  }
0x7c: {  	_ =	shalt  }
0x7d: {  	_ =	shalt  }
0x7e: {  	_ =	shalt  }
0x7f: {  	_ =	shalt  }
0x80: {  	_ =	shalt  }
0x81: {  	_ =	shalt  }
0x82: {  	_ =	shalt  }
0x83: {  	_ =	shalt  }
0x84: {  	_ =	shalt  }
0x85: {  	_ =	shalt  }
0x86: {  	_ =	shalt  }
0x87: {  	_ =	shalt  }
.Lfunc_end0:
.L_simem_size_0:
called_computation.1_lowered:
.L_overlay_start_0:
0x88: {  	s2 =	sld [smem:$0x3FD9]  }
0x89: {  	s3 =	sld [smem:$0x3FFE];
	_ =	sdelay $0x1  }
0x8a: {  	s1 =	srdreg.scid  }
0x8b: {  	s0 =	sand.u32 $0x1, s1  }
0x8c: {  	s14 =	sshll.u32 s0, $0xA;
	s2 =	sadd.s32 s3, s2  }
0x8d: {  	s2 =	sadd.s32 s2, s14  }
0x8e: {  	[smem:$0x3FB6] =	sst s2  }
0x8f: {  	_ = 	snop  }
0x90: {  	s2 =	sld [smem:$0x3FD0];
	_ =	sdelay $0x2  }
0x91: {  	s15 =	simm.s32 $0xA;
	s4 =	simm.s32 $0x10  }
0x92: {  	[smem:s4], [sflag:s15] =	dma.local [hbm:s2], $0x1  }
0x93: {  	_ =	swait.eq [sflag:s15], $0x1  }
0x94: {  	[sflag:s15] =	ssyncset.done $0x0  }
0x95: {  	s16 =	sld [smem:$0x10];
	[sflag:s15] =	ssyncadd.s32 $0xFFFFFFFF  }
0x96: {  	s17 =	sld [smem:$0x12];
	(tm) =	ssettm $0x1  }
0x97: {  	s18 =	sld [smem:$0x3FFB];
	_ =	sdelay $0x3  }
0x98: {  	_ =	strace s18  }
0x99: {  	s4 =	sld [smem:$0x3FFC];
	_ =	sdelay $0x3  }
0x9a: {  	_ =	strace s4  }
0x9b: {  	s4 =	sld [smem:$0x3FFD];
	_ =	sdelay $0x3  }
0x9c: {  	_ =	strace s4  }
0x9d: {  	_ =	strace $0x8FFFFFFF  }
0x9e: {  	s19 =	sld [smem:$0x3FDB];
	_ =	sdelay $0x1  }
0x9f: {  	s5 =	simm.s32 $_scs_section_size  }
0xa0: {  	s6 =	simm.s32 $_size__tile_overlayer_lowered;
	s7 =	simm.s32 $_tile_overlayer_lowered  }
0xa1: {  	s22 =	simm.s32 $0x1BFF;
	s21 =	sshll.u32 s7, $0x1;
	s4 =	sadd.s32 s5, s19  }
0xa2: {  	s8 =	simm.s32 $0x0;
	s20 =	sshll.u32 s6, $0x1;
	s6 =	sadd.s32 s21, s4  }
0xa3: {  	[timem:s8], [sflag:s22] =	dma.local [hbm:s6], s20  }
0xa4: {  	_ =	swait.ge [sflag:s22], s20  }
0xa5: {  	s5 =	ssub.s32 $0x0, s20;
	[sflag:s22] =	ssyncset.done $0x0  }
0xa6: {  	[sflag:s22] =	ssyncadd.s32 s5;
	_ =	sdelay $0x1  }
0xa7: {  	s23 =	simm.s32 $0x1B8B  }
0xa8: {  	_ =	swait.ge [sflag:s23], $0x1  }
0xa9: {  	[sflag:s23] =	ssyncset.done $0x0  }
0xaa: {  	s25 =	simm.s32 $0x1B8E;
	s24 =	sld [smem:$0x3FFE];
	[sflag:s23] =	ssyncadd.s32 $0xFFFFFFFF  }
0xab: {  	s26 =	simm.s32 $execute0_lowered;
	[smem:$0x3FD2] =	sst s25  }
0xac: {  	s6 =	sshll.u32 s26, $0x1;
	_ =	strace $0x80000049;
	[dreg:$0x1] =	wrdreg $0xFFFFFFFF  }
0xad: {  	s28 =	simm.s32 $_size_execute0_lowered;
	s4 =	sadd.s32 s4, s6;
	[dreg:$0x0] =	wrdreg $0x0  }
0xae: {  	s6 =	sshll.u32 s28, $0x1;
	[dreg:$0x2] =	wrdreg s4  }
0xaf: {  	[dreg:$0x3] =	wrdreg s6  }
0xb0: {  	[dreg:$0x4] =	wrdreg $0xC0  }
0xb1: {  	_ =	task [dreg:s8], $0x5FFFF  }
0xb2: {  	[dreg:$0x1] =	wrdreg $0xFFFFFFFF  }
0xb3: {  	[dreg:$0x0] =	wrdreg $0x60  }
0xb4: {  	[dreg:$0x2] =	wrdreg s16  }
0xb5: {  	[dreg:$0x3] =	wrdreg s24  }
0xb6: {  	[dreg:$0x4] =	wrdreg s17  }
0xb7: {  	[dreg:$0x5] =	wrdreg $0x0  }
0xb8: {  	[dreg:$0x6] =	wrdreg $0x9  }
0xb9: {  	_ =	task.clear_ibuf [dreg:s8], $0x7FFFF;
	_ =	strace $0x90000049  }
0xba: {  	s29 =	simm.s32 $0x9;
	_ =	strace $0x8000004B  }
0xbb: {  	_ =	swait.ge [sflag:s29], $0x1  }
0xbc: {  	[sflag:s29] =	ssyncadd.s32 $0xFFFFFFFF  }
0xbd: {  	_ =	strace $0x9000004B  }
0xbe: {  	_ =	sfence  }
0xbf: {  	s30 =	sld [smem:$0x0];
	_ =	sdelay $0x2  }
0xc0: {  	s31 =	sshll.u32 s1, $0xD;
	s1 =	sshrl.u32 s1, $0x2  }
0xc1: {  	s3 =	sand.u32 $0x4000, s31;
	s1 =	sadd.s32 s1, s30  }
0xc2: {  	s0 =	sor.u32 s3, s0;
	s1 =	sshll.u32 s1, $0x11  }
0xc3: {  	s0 =	sor.u32 s1, s0  }
0xc4: {  	s0 =	sadd.s32 $0x8F2B, s0  }
0xc5: {  	[sflag:s0] =	ssyncadd.remote.s32 $0x1  }
0xc6: {  	_ =	sfence.sel $0xFFFF  }
0xc7: {  	[dreg:$0x0] =	wrdreg $0xFFFFFFFF;
	(pc) =	sbr.abs _section_cstart, $3  }
0xc8: {  	[dreg:$0x1] =	wrdreg $0xFFFFFFFF  }
0xc9: {  	_ =	task.clear_ibuf [dreg:s8], $0x2FFFF;
	_ =	strace $0x9FFFFFFF  }
0xca: {  	(tm) =	ssettm $0x7FFFFFFF  }
0xcb: {  	_ =	shalt  }
tec
execute0_lowered:
.L_overlay_start_1:
0x0: {  	(tag) =	ssettag $0x1  }
0x1: {  	s1 =	rddreg [dreg:$0x0]  }
0x2: {  	s0 =	rddreg [dreg:$0x1]  }
0x3: {  	s3 =	rddreg [dreg:$0x2]  }
0x4: {  	s4 =	rddreg [dreg:$0x3];
	s2 =	srdreg.scid  }
0x5: {  	s14 =	stileid.u32;
	s5 =	simm.s32 $0x0;
	s15 =	simm.s32 $0xC800  }
0x6: {  	s16 =	simm.s32 $0xD600;
	s17 =	simm.s32 $0x80;
	s18 =	simm.s32 $0xE400  }
0x7: {  	s19 =	simm.s32 $0xC880;
	s20 =	simm.s32 $0xEC00;
	s21 =	simm.s32 $0xC900  }
0x8: {  	s22 =	simm.s32 $0xF400;
	s23 =	simm.s32 $0xC980;
	s24 =	simm.s32 $0xFC00  }
0x9: {  	s28 =	simm.s32 $0xE200;
	s29 =	simm.s32 $0xE280;
	s7 =	smul.u32 $0xC800, s14  }
0xa: {  	s30 =	simm.s32 $0xE300;
	s2 =	sand.u32 $0x1, s2;
	s12 =	smul.u32 $0x1900, s14  }
0xb: {  	s31 =	simm.s32 $0xE380;
	[smem:$0x7FF] =	sst s5;
	s6 =	smul.u32 $0xC8000, s2  }
0xc: {  	s26 =	sshll.u32 s14, $0x6;
	s8 =	ssub.s32 $0x2, s2;
	s9 =	smul.u32 $0x19000, s2  }
0xd: {  	_ =	strace $0x8000004A;
	s11 =	sshrl.u32 s8, $0x1;
	s6 =	sadd.s32 s7, s6  }
0xe: {  	s13 =	ssub.s32 s8, s11;
	s7 =	sadd.s32 s7, s4;
	s25 =	sadd.s32 s12, s9  }
0xf: {  	s9 =	smul.u32 $0x188, s14;
	s14 =	simm.s32 $0x3;
	s10 =	sshrl.u32 s6, $0x3  }
0x10: {  	s6 =	sadd.s32 $0xCFA00, s0;
	s8 =	sadd.s32 s1, s25;
	s12 =	smax.u32 s13, $0x1  }
0x11: {  	s13 =	sshrl.u32 s7, $0x3;
	s25 =	simm.s32 $0x1;
	s0 =	sadd.s32 s10, s0  }
0x12: {  	[dreg:$0x5] =	wrdreg s8;
	s8 =	sor.u32 $0x1C03, s26;
	s0 =	sadd.s32 $0x7A00, s0  }
0x13: {  	s10 =	smul.u32 $0xC4000, s2;
	s26 =	simm.s32 $0x2;
	[dreg:$0x6] =	wrdreg s0  }
.LBB2_1:
0x14: {  	s0 =	rddreg [dreg:$0x5]  }
0x15: {  	[spmem:s13], [sflag:s8] =	dma.local [hbm:s0], $0x1900  }
0x16: {  	_ =	swait.ge [sflag:s14], $0x1900  }
0x17: {  	[sflag:s14] =	ssyncset.done $0x0  }
0x18: {  	[sflag:s14] =	ssyncadd.s32 $0xFFFFE700  }
0x19: {  	s0 =	simm.s32 $0x0;
	[bflag:$0x0] =	sbarrier.arrive $0xFFFF  }
.LBB2_2:
0x1a: {  	s2 =	smul.u32 $0x1C, s0;
	_ =	sdelay $0x1  }
0x1b: {  	s2 =	sadd.s32 s9, s2  }
0x1c: {  	s7 =	sshll.u32 s2, $0x7  }
0x1d: {  	s7 =	sadd.s32 s10, s7  }
0x1e: {  	s7 =	sshrl.u32 s7, $0x3  }
0x1f: {  	s11 =	simm.s32 $0x0;
	s7 =	sadd.s32 s6, s7  }
0x20: {  	[tilespmem:s15], [sflag:$0x3] =	stream.linear.gather [hbm4b:s7+s11], $0xE00, $0x38;
	[tilespmem:$0x10400] =	vst v63  }
0x21: {  	_ =	swait.ge [sflag:s14], $0xE00  }
0x22: {  	s2 =	sshll.u32 s2, $0x4;
	[sflag:s14] =	ssyncset.done $0x0  }
0x23: {  	s2 =	sadd.s32 s3, s2;
	[sflag:s14] =	ssyncadd.s32 $0xFFFFF200  }
0x24: {  	[tilespmem:s16], [sflag:$0x3] =	stream.linear.gather [hbm4b:s2+s11], $0xE00, $0x38;
	[tilespmem:$0x10400] =	vst v63  }
0x25: {  	_ =	swait.ge [sflag:s14], $0xE00  }
0x26: {  	[sflag:s14] =	ssyncset.done $0x0  }
0x27: {  	[sflag:s14] =	ssyncadd.s32 $0xFFFFF200  }
0x28: {  	[tilespmem:s18], [sflag:$0x1] =	stream.indirect.gather [hbm4b:s1+s17], $0x10, s15, s17, $0xb8;
	[tilespmem:$0x10400] =	vst v63  }
0x29: {  	_ = 	snop  }
0x2a: {  	[tilespmem:s20], [sflag:$0x1] =	stream.indirect.gather [hbm4b:s1+s17], $0x10, s19, s17, $0xb8;
	[tilespmem:$0x10400] =	vst v63  }
0x2b: {  	_ = 	snop  }
0x2c: {  	[tilespmem:s22], [sflag:$0x2] =	stream.indirect.gather [hbm4b:s1+s17], $0x10, s21, s17, $0xb8;
	[tilespmem:$0x10400] =	vst v63  }
0x2d: {  	_ = 	snop  }
0x2e: {  	[tilespmem:s24], [sflag:$0x2] =	stream.indirect.gather [hbm4b:s1+s17], $0x10, s23, s17, $0xb8;
	[tilespmem:$0x10400] =	vst v63  }
0x2f: {  	_ =	swait.ge [sflag:s25], $0x800  }
0x30: {  	[sflag:s25] =	ssyncset.done $0x0  }
0x31: {  	[sflag:s25] =	ssyncadd.s32 $0xFFFFF800  }
0x32: {  	_ =	swait.ge [sflag:s25], $0x800  }
0x33: {  	[sflag:s25] =	ssyncset.done $0x0  }
0x34: {  	s11 =	simm.s32 $0xD600;
	[sflag:s25] =	ssyncadd.s32 $0xFFFFF800  }
0x35: {  	[spmem:s4] =	stream.indirect.scatter.add.f32 [tilespmem:s18], [sflag:$0x3], $0x10, s11, s17, $0xb8;
	[tilespmem:$0x10400] =	vst v63  }
0x36: {  	_ =	swait.ge [sflag:s14], $0x800  }
0x37: {  	[sflag:s14] =	ssyncset.done $0x0  }
0x38: {  	s7 =	simm.s32 $0xD680;
	[sflag:s14] =	ssyncadd.s32 $0xFFFFF800  }
0x39: {  	[spmem:s4] =	stream.indirect.scatter.add.f32 [tilespmem:s20], [sflag:$0x3], $0x10, s7, s17, $0xb8;
	[tilespmem:$0x10400] =	vst v63  }
0x3a: {  	_ =	swait.ge [sflag:s14], $0x800  }
0x3b: {  	[sflag:s14] =	ssyncset.done $0x0  }
0x3c: {  	s11 =	simm.s32 $0xCA00;
	[sflag:s14] =	ssyncadd.s32 $0xFFFFF800  }
0x3d: {  	[tilespmem:s18], [sflag:$0x1] =	stream.indirect.gather [hbm4b:s1+s17], $0x10, s11, s17, $0xb8;
	[tilespmem:$0x10400] =	vst v63  }
0x3e: {  	s7 =	simm.s32 $0xCA80  }
0x3f: {  	[tilespmem:s20], [sflag:$0x1] =	stream.indirect.gather [hbm4b:s1+s17], $0x10, s7, s17, $0xb8;
	[tilespmem:$0x10400] =	vst v63  }
0x40: {  	_ =	swait.ge [sflag:s26], $0x800  }
0x41: {  	[sflag:s26] =	ssyncset.done $0x0  }
0x42: {  	[sflag:s26] =	ssyncadd.s32 $0xFFFFF800  }
0x43: {  	_ =	swait.ge [sflag:s26], $0x800  }
0x44: {  	[sflag:s26] =	ssyncset.done $0x0  }
0x45: {  	s11 =	simm.s32 $0xD700;
	[sflag:s26] =	ssyncadd.s32 $0xFFFFF800  }
0x46: {  	[spmem:s4] =	stream.indirect.scatter.add.f32 [tilespmem:s22], [sflag:$0x3], $0x10, s11, s17, $0xb8;
	[tilespmem:$0x10400] =	vst v63  }
0x47: {  	_ =	swait.ge [sflag:s14], $0x800  }
0x48: {  	[sflag:s14] =	ssyncset.done $0x0  }
0x49: {  	s7 =	simm.s32 $0xD780;
	[sflag:s14] =	ssyncadd.s32 $0xFFFFF800  }
0x4a: {  	[spmem:s4] =	stream.indirect.scatter.add.f32 [tilespmem:s24], [sflag:$0x3], $0x10, s7, s17, $0xb8;
	[tilespmem:$0x10400] =	vst v63  }
0x4b: {  	_ =	swait.ge [sflag:s14], $0x800  }
0x4c: {  	s2 =	simm.s32 $0x800;
	[sflag:s14] =	ssyncset.done $0x0  }
0x4d: {  	s11 =	simm.s32 $0xCB00;
	s7 =	simm.s32 $0xCB80;
	[sflag:s14] =	ssyncadd.s32 $0xFFFFF800  }
0x4e: {  	[tilespmem:s22], [sflag:$0x2] =	stream.indirect.gather [hbm4b:s1+s17], $0x10, s11, s17, $0xb8;
	[tilespmem:$0x10400] =	vst v63  }
.LBB2_3:
0x4f: {  	[tilespmem:s24], [sflag:$0x2] =	stream.indirect.gather [hbm4b:s1+s17], $0x10, s7, s17, $0xb8;
	[tilespmem:$0x10400] =	vst v63  }
0x50: {  	s7 =	smov.u32 s2  }
0x51: {  	p0 =	sne.s32 s2, $0x2800;
	s2 =	sadd.s32 $0x800, s2;
	_ =	swait.ge [sflag:s25], $0x800  }
0x52: {  	[sflag:s25] =	ssyncset.done $0x0  }
0x53: {  	[sflag:s25] =	ssyncadd.s32 $0xFFFFF800  }
0x54: {  	_ =	swait.ge [sflag:s25], $0x800  }
0x55: {  	s7 =	sshra.s32 s7, $0x2;
	[sflag:s25] =	ssyncset.done $0x0  }
0x56: {  	s11 =	sadd.s32 $0xD600, s7;
	[sflag:s25] =	ssyncadd.s32 $0xFFFFF800  }
0x57: {  	[spmem:s4] =	stream.indirect.scatter.add.f32 [tilespmem:s18], [sflag:$0x3], $0x10, s11, s17, $0xb8;
	[tilespmem:$0x10400] =	vst v63  }
0x58: {  	_ =	swait.ge [sflag:s14], $0x800  }
0x59: {  	[sflag:s14] =	ssyncset.done $0x0  }
0x5a: {  	s11 =	sadd.s32 $0xD680, s7;
	[sflag:s14] =	ssyncadd.s32 $0xFFFFF800  }
0x5b: {  	[spmem:s4] =	stream.indirect.scatter.add.f32 [tilespmem:s20], [sflag:$0x3], $0x10, s11, s17, $0xb8;
	[tilespmem:$0x10400] =	vst v63  }
0x5c: {  	_ =	swait.ge [sflag:s14], $0x800  }
0x5d: {  	[sflag:s14] =	ssyncset.done $0x0  }
0x5e: {  	s11 =	sadd.s32 $0xCA00, s7;
	[sflag:s14] =	ssyncadd.s32 $0xFFFFF800  }
0x5f: {  	[tilespmem:s18], [sflag:$0x1] =	stream.indirect.gather [hbm4b:s1+s17], $0x10, s11, s17, $0xb8;
	[tilespmem:$0x10400] =	vst v63  }
0x60: {  	s11 =	sadd.s32 $0xCA80, s7  }
0x61: {  	[tilespmem:s20], [sflag:$0x1] =	stream.indirect.gather [hbm4b:s1+s17], $0x10, s11, s17, $0xb8;
	[tilespmem:$0x10400] =	vst v63  }
0x62: {  	_ =	swait.ge [sflag:s26], $0x800  }
0x63: {  	[sflag:s26] =	ssyncset.done $0x0  }
0x64: {  	[sflag:s26] =	ssyncadd.s32 $0xFFFFF800  }
0x65: {  	_ =	swait.ge [sflag:s26], $0x800  }
0x66: {  	[sflag:s26] =	ssyncset.done $0x0  }
0x67: {  	s11 =	sadd.s32 $0xD700, s7;
	[sflag:s26] =	ssyncadd.s32 $0xFFFFF800  }
0x68: {  	[spmem:s4] =	stream.indirect.scatter.add.f32 [tilespmem:s22], [sflag:$0x3], $0x10, s11, s17, $0xb8;
	[tilespmem:$0x10400] =	vst v63  }
0x69: {  	_ =	swait.ge [sflag:s14], $0x800  }
0x6a: {  	[sflag:s14] =	ssyncset.done $0x0  }
0x6b: {  	s11 =	sadd.s32 $0xD780, s7;
	[sflag:s14] =	ssyncadd.s32 $0xFFFFF800  }
0x6c: {  	[spmem:s4] =	stream.indirect.scatter.add.f32 [tilespmem:s24], [sflag:$0x3], $0x10, s11, s17, $0xb8;
	[tilespmem:$0x10400] =	vst v63  }
.Ltmp0:
0x6d: {  	_ =	swait.ge [sflag:s14], $0x800;
	(pc) =	sbr.rel @p0 .LBB2_3-.Ltmp0, $4  }
0x6e: {  	[sflag:s14] =	ssyncset.done $0x0  }
0x6f: {  	s11 =	sadd.s32 $0xCB00, s7;
	[sflag:s14] =	ssyncadd.s32 $0xFFFFF800  }
0x70: {  	[tilespmem:s22], [sflag:$0x2] =	stream.indirect.gather [hbm4b:s1+s17], $0x10, s11, s17, $0xb8;
	[tilespmem:$0x10400] =	vst v63  }
0x71: {  	s7 =	sadd.s32 $0xCB80, s7  }
0x72: {  	[tilespmem:s24], [sflag:$0x2] =	stream.indirect.gather [hbm4b:s1+s17], $0x10, s7, s17, $0xb8;
	[tilespmem:$0x10400] =	vst v63  }
0x73: {  	_ =	swait.ge [sflag:s25], $0x800  }
0x74: {  	[sflag:s25] =	ssyncset.done $0x0  }
0x75: {  	[sflag:s25] =	ssyncadd.s32 $0xFFFFF800  }
0x76: {  	_ =	swait.ge [sflag:s25], $0x800  }
0x77: {  	[sflag:s25] =	ssyncset.done $0x0  }
0x78: {  	[sflag:s25] =	ssyncadd.s32 $0xFFFFF800  }
0x79: {  	[spmem:s4] =	stream.indirect.scatter.add.f32 [tilespmem:s18], [sflag:$0x3], $0x10, s28, s17, $0xb8;
	[tilespmem:$0x10400] =	vst v63  }
0x7a: {  	_ =	swait.ge [sflag:s14], $0x800  }
0x7b: {  	[sflag:s14] =	ssyncset.done $0x0  }
0x7c: {  	[sflag:s14] =	ssyncadd.s32 $0xFFFFF800  }
0x7d: {  	[spmem:s4] =	stream.indirect.scatter.add.f32 [tilespmem:s20], [sflag:$0x3], $0x10, s29, s17, $0xb8;
	[tilespmem:$0x10400] =	vst v63  }
0x7e: {  	_ =	swait.ge [sflag:s14], $0x800  }
0x7f: {  	[sflag:s14] =	ssyncset.done $0x0  }
0x80: {  	[sflag:s14] =	ssyncadd.s32 $0xFFFFF800  }
0x81: {  	_ =	swait.ge [sflag:s26], $0x800  }
0x82: {  	[sflag:s26] =	ssyncset.done $0x0  }
0x83: {  	[sflag:s26] =	ssyncadd.s32 $0xFFFFF800  }
0x84: {  	_ =	swait.ge [sflag:s26], $0x800  }
0x85: {  	[sflag:s26] =	ssyncset.done $0x0  }
0x86: {  	[sflag:s26] =	ssyncadd.s32 $0xFFFFF800  }
0x87: {  	[spmem:s4] =	stream.indirect.scatter.add.f32 [tilespmem:s22], [sflag:$0x3], $0x10, s30, s17, $0xb8;
	[tilespmem:$0x10400] =	vst v63  }
0x88: {  	s0 =	sadd.s32 $0x1, s0;
	_ =	swait.ge [sflag:s14], $0x800  }
0x89: {  	p0 =	sne.s32 s0, $0xE;
	[sflag:s14] =	ssyncset.done $0x0  }
.Ltmp1:
0x8a: {  	[sflag:s14] =	ssyncadd.s32 $0xFFFFF800;
	(pc) =	sbr.rel @p0 .LBB2_2-.Ltmp1, $4  }
0x8b: {  	[spmem:s4] =	stream.indirect.scatter.add.f32 [tilespmem:s24], [sflag:$0x3], $0x10, s31, s17, $0xb8;
	[tilespmem:$0x10400] =	vst v63  }
0x8c: {  	_ =	swait.ge [sflag:s14], $0x800  }
0x8d: {  	[sflag:s14] =	ssyncset.done $0x0  }
0x8e: {  	[sflag:s14] =	ssyncadd.s32 $0xFFFFF800  }
0x8f: {  	s5 =	sadd.s32 $0x1, s5  }
0x90: {  	[bflag:$0x0] =	sbarrier.arrive $0xFFFF;
	p0 =	sne.s32 s5, s12  }
.Ltmp2:
0x91: {  	s0 =	rddreg [dreg:$0x6];
	(pc) =	sbr.rel @p0 .LBB2_1-.Ltmp2, $4  }
0x92: {  	[hbm:s0], [sflag:s8] =	dma.local [spmem:s13], $0x1900  }
0x93: {  	_ =	swait.ge [sflag:s14], $0x1900  }
0x94: {  	[sflag:s14] =	ssyncset.done $0x0  }
0x95: {  	[sflag:s14] =	ssyncadd.s32 $0xFFFFE700  }
0x96: {  	_ =	sfence.sel $0x180000  }
0x97: {  	[bflag:$0x0] =	sbarrier.arrive $0xFFFF  }
0x98: {  	_ =	strace $0x9000004A  }
0x99: {  	s0 =	stileid.u32;
	[bflag:$0x2] =	sbarrier.arrive $0xFFFF  }
0x9a: {  	p0 =	sne.s32 s0, $0x0;
	s0 =	rddreg [dreg:$0x4]  }
0x9b: {  	s0 =	sadd.s32 @!p0 $0x100000, s0  }
0x9c: {  	[sflag:s0] =	ssyncadd.tile.s32 @!p0 $0x1;
	_ =	shalt  }
.Lfunc_end2:
_tile_overlayer_lowered:
.L_overlay_start_2:
0x9d: {  	(tag) =	ssettag $0x2  }
0x9e: {  	s0 =	rddreg [dreg:$0x0];
	s2 =	stileid.u32  }
0x9f: {  	s1 =	rddreg [dreg:$0x1];
	p0 =	sne.s32 s2, $0x0  }
0xa0: {  	s3 =	rddreg [dreg:$0x2];
	[bflag:$0x3] =	sbarrier.arrive $0xFFFF;
	s2 =	simm.s32 @!p0 $0x1C03  }
0xa1: {  	[timem:s3], [sflag:s2] =	dma.local @!p0 [hbm:s0], s1  }
0xa2: {  	s0 =	simm.s32 @!p0 $0x3  }
0xa3: {  	_ =	swait.ge @!p0 [sflag:s0], s1  }
0xa4: {  	s1 =	ssub.s32 @!p0 $0x0, s1;
	[sflag:s0] =	ssyncset.done @!p0 $0x0  }
0xa5: {  	[sflag:s0] =	ssyncadd.s32 @!p0 s1  }
0xa6: {  	[bflag:$0x3] =	sbarrier.arrive $0xFFFF  }
0xa7: {  	_ =	shalt  }

// kernel: sc_aggregate_d32.4.cloned.1.call-start
scs
__scs_entry_jumppad:
0x0: {  	(pc) =	sbr.rel $0x88, $3  }
0x1: {  	(tag) =	ssettag $0x0;
	lr =	simm.s32 $0x1  }
0x2: {  	[smem:$0x3F8F] =	sst lr;
	_ =	strace $0xD0000000  }
0x3: {  	_ = 	snop  }
0x4: {  	_ = 	snop  }
0x5: {  	_ = 	snop  }
0x6: {  	_ = 	snop  }
0x7: {  	_ = 	snop  }
__scs_overlays_trampoline_lowered:
0x8: {  	[smem:$0x3F9E] =	sst s0  }
0x9: {  	[smem:$0x3F9F] =	sst s1  }
0xa: {  	[smem:$0x3FA0] =	sst s2  }
0xb: {  	[smem:$0x3FA1] =	sst s3  }
0xc: {  	[smem:$0x3FA2] =	sst s4  }
0xd: {  	[smem:$0x3FA3] =	sst s5  }
0xe: {  	[smem:$0x3FA4] =	sst s6  }
0xf: {  	[smem:$0x3FA5] =	sst s7  }
0x10: {  	[smem:$0x3FA6] =	sst s8  }
0x11: {  	[smem:$0x3FA7] =	sst s9;
	s0 =	simm.s32 @!p0 $0x0  }
0x12: {  	s1 =	sld [smem:$0x3F8D];
	s0 =	simm.s32 @p0 $0x1  }
0x13: {  	[smem:$0x3FA8] =	sst s0;
	s0 =	simm.s32 @!p1 $0x0  }
0x14: {  	s2 =	sld [smem:$0x3F8C];
	s0 =	simm.s32 @p1 $0x1  }
0x15: {  	[smem:$0x3FA9] =	sst s0;
	s0 =	simm.s32 @!p2 $0x0  }
0x16: {  	s3 =	sld [smem:$0x3FDB];
	s0 =	simm.s32 @p2 $0x1  }
0x17: {  	s4 =	simm.s32 $0x1BF5;
	[smem:$0x3FAB] =	sst s0  }
0x18: {  	s0 =	sld [smem:$0x3F8E];
	_ =	swait.ge [sflag:s4], $0x0  }
0x19: {  	s7 =	sld [smem:$0x3F8F]  }
0x1a: {  	s8 =	sadd.s32 $0xFFFFE003, lr  }
0x1b: {  	s9 =	sadd.s32 $0xFFFFFEF7, lr;
	s5 =	simm.s32 $0xFFFFFFFF;
	p2 =	slt.u32 s8, $0xFFFFF086  }
0x1c: {  	p1 =	slt.u32 s9, $0xF7A;
	s5 =	simm.s32 @!p2 $0x0  }
0x1d: {  	s5 =	simm.s32 @p1 $0x1;
	p0 =	seq.s32 s7, s2  }
0x1e: {  	s7 =	smul.u32 @!p0 $0xF7A, s2;
	p2 =	seq.s32 @!p0 s5, $0x0  }
0x1f: {  	s9 =	smul.u32 $0xF7A, s1;
	s8 =	simm.s32 @!p0 $0x1BF5;
	p2 =	por !p2, p0  }
0x20: {  	[sflag:s8] =	ssyncset.s32 @!p0 $0xFFFFF086;
	s6 =	sadd.s32 @!p0 s3, s7;
	s7 =	simm.s32 @!p0 $0x108  }
0x21: {  	s3 =	sadd.s32 s3, s9;
	s6 =	sadd.s32 @!p0 $0x88, s6;
	s7 =	simm.s32 @p2 $0x1082  }
0x22: {  	[simem:s7], [sflag:s8] =	dma.local @!p0 [hbm:s6], $0xF7A  }
0x23: {  	s9 =	sor.u32 $0xD0000000, s2;
	s6 =	simm.s32 $0x108;
	_ =	swait.ge @!p0 [sflag:s8], $0x0  }
0x24: {  	s3 =	sadd.s32 $0x88, s3;
	s6 =	simm.s32 @!p1 $0x1082;
	[sflag:s4] =	ssyncset.s32 $0xFFFFF086  }
0x25: {  	[simem:s6], [sflag:s4] =	dma.local [hbm:s3], $0xF7A  }
0x26: {  	[smem:$0x3F8F] =	sst s1;
	(tag) =	ssettag s2;
	_ =	strace s9  }
0x27: {  	s1 =	sld [smem:$0x3F9F]  }
0x28: {  	s2 =	sld [smem:$0x3FA0]  }
0x29: {  	s4 =	sld [smem:$0x3FA2]  }
0x2a: {  	p0 =	seq.s32 s5, $0x0;
	s5 =	sld [smem:$0x3FA3]  }
0x2b: {  	s6 =	sld [smem:$0x3FA4]  }
0x2c: {  	s7 =	sld [smem:$0x3FA5]  }
0x2d: {  	s3 =	simm.s32 $0x108;
	s8 =	sld [smem:$0x3FA6]  }
0x2e: {  	s3 =	simm.s32 @!p0 $0x1082;
	s9 =	sld [smem:$0x3FA7]  }
0x2f: {  	lr =	sadd.s32 s0, s3;
	s0 =	sld [smem:$0x3F9E]  }
0x30: {  	s3 =	sld [smem:$0x3FA1]  }
0x31: {  	[smem:$0x3FAA] =	sst s10  }
0x32: {  	s10 =	sld [smem:$0x3FA8];
	_ =	sdelay $0x3  }
0x33: {  	p0 =	seq.s32 s10, $0x1;
	s10 =	sld [smem:$0x3FAA];
	_ =	sdelay $0x3  }
0x34: {  	[smem:$0x3FAA] =	sst s10  }
0x35: {  	s10 =	sld [smem:$0x3FA9];
	_ =	sdelay $0x3  }
0x36: {  	p1 =	seq.s32 s10, $0x1;
	s10 =	sld [smem:$0x3FAA];
	_ =	sdelay $0x3  }
0x37: {  	[smem:$0x3FAA] =	sst s10  }
0x38: {  	s10 =	sld [smem:$0x3FAB]  }
0x39: {  	_ = 	snop;
	(pc) =	sbr.ind lr, $3  }
0x3a: {  	_ = 	snop  }
0x3b: {  	_ = 	snop  }
0x3c: {  	p2 =	seq.s32 s10, $0x1;
	s10 =	sld [smem:$0x3FAA]  }
0x3d: {  	_ =	shalt  }
0x3e: {  	_ =	shalt  }
0x3f: {  	_ =	shalt  }
0x40: {  	_ =	shalt  }
0x41: {  	_ =	shalt  }
0x42: {  	_ =	shalt  }
0x43: {  	_ =	shalt  }
0x44: {  	_ =	shalt  }
0x45: {  	_ =	shalt  }
0x46: {  	_ =	shalt  }
0x47: {  	_ =	shalt  }
0x48: {  	_ =	shalt  }
0x49: {  	_ =	shalt  }
0x4a: {  	_ =	shalt  }
0x4b: {  	_ =	shalt  }
0x4c: {  	_ =	shalt  }
0x4d: {  	_ =	shalt  }
0x4e: {  	_ =	shalt  }
0x4f: {  	_ =	shalt  }
0x50: {  	_ =	shalt  }
0x51: {  	_ =	shalt  }
0x52: {  	_ =	shalt  }
0x53: {  	_ =	shalt  }
0x54: {  	_ =	shalt  }
0x55: {  	_ =	shalt  }
0x56: {  	_ =	shalt  }
0x57: {  	_ =	shalt  }
0x58: {  	_ =	shalt  }
0x59: {  	_ =	shalt  }
0x5a: {  	_ =	shalt  }
0x5b: {  	_ =	shalt  }
0x5c: {  	_ =	shalt  }
0x5d: {  	_ =	shalt  }
0x5e: {  	_ =	shalt  }
0x5f: {  	_ =	shalt  }
0x60: {  	_ =	shalt  }
0x61: {  	_ =	shalt  }
0x62: {  	_ =	shalt  }
0x63: {  	_ =	shalt  }
0x64: {  	_ =	shalt  }
0x65: {  	_ =	shalt  }
0x66: {  	_ =	shalt  }
0x67: {  	_ =	shalt  }
0x68: {  	_ =	shalt  }
0x69: {  	_ =	shalt  }
0x6a: {  	_ =	shalt  }
0x6b: {  	_ =	shalt  }
0x6c: {  	_ =	shalt  }
0x6d: {  	_ =	shalt  }
0x6e: {  	_ =	shalt  }
0x6f: {  	_ =	shalt  }
0x70: {  	_ =	shalt  }
0x71: {  	_ =	shalt  }
0x72: {  	_ =	shalt  }
0x73: {  	_ =	shalt  }
0x74: {  	_ =	shalt  }
0x75: {  	_ =	shalt  }
0x76: {  	_ =	shalt  }
0x77: {  	_ =	shalt  }
0x78: {  	_ =	shalt  }
0x79: {  	_ =	shalt  }
0x7a: {  	_ =	shalt  }
0x7b: {  	_ =	shalt  }
0x7c: {  	_ =	shalt  }
0x7d: {  	_ =	shalt  }
0x7e: {  	_ =	shalt  }
0x7f: {  	_ =	shalt  }
0x80: {  	_ =	shalt  }
0x81: {  	_ =	shalt  }
0x82: {  	_ =	shalt  }
0x83: {  	_ =	shalt  }
0x84: {  	_ =	shalt  }
0x85: {  	_ =	shalt  }
0x86: {  	_ =	shalt  }
0x87: {  	_ =	shalt  }
.Lfunc_end0:
.L_simem_size_0:
called_computation.2_lowered:
.L_overlay_start_0:
0x88: {  	s2 =	sld [smem:$0x3FD9]  }
0x89: {  	s3 =	sld [smem:$0x3FFE];
	_ =	sdelay $0x1  }
0x8a: {  	s1 =	srdreg.scid  }
0x8b: {  	s0 =	sand.u32 $0x1, s1  }
0x8c: {  	s14 =	sshll.u32 s0, $0xA;
	s2 =	sadd.s32 s3, s2  }
0x8d: {  	s2 =	sadd.s32 s2, s14  }
0x8e: {  	[smem:$0x3FB6] =	sst s2  }
0x8f: {  	_ = 	snop  }
0x90: {  	s2 =	sld [smem:$0x3FD0];
	_ =	sdelay $0x2  }
0x91: {  	s15 =	simm.s32 $0xA;
	s4 =	simm.s32 $0x10  }
0x92: {  	[smem:s4], [sflag:s15] =	dma.local [hbm:s2], $0x1  }
0x93: {  	_ =	swait.eq [sflag:s15], $0x1  }
0x94: {  	[sflag:s15] =	ssyncset.done $0x0  }
0x95: {  	s16 =	sld [smem:$0x10];
	[sflag:s15] =	ssyncadd.s32 $0xFFFFFFFF  }
0x96: {  	s17 =	sld [smem:$0x12];
	(tm) =	ssettm $0x1  }
0x97: {  	s18 =	sld [smem:$0x3FFB];
	_ =	sdelay $0x3  }
0x98: {  	_ =	strace s18  }
0x99: {  	s4 =	sld [smem:$0x3FFC];
	_ =	sdelay $0x3  }
0x9a: {  	_ =	strace s4  }
0x9b: {  	s4 =	sld [smem:$0x3FFD];
	_ =	sdelay $0x3  }
0x9c: {  	_ =	strace s4  }
0x9d: {  	_ =	strace $0x8FFFFFFF  }
0x9e: {  	s19 =	sld [smem:$0x3FDB];
	_ =	sdelay $0x1  }
0x9f: {  	s5 =	simm.s32 $_scs_section_size  }
0xa0: {  	s6 =	simm.s32 $_size__tile_overlayer_lowered;
	s7 =	simm.s32 $_tile_overlayer_lowered  }
0xa1: {  	s22 =	simm.s32 $0x1BFF;
	s21 =	sshll.u32 s7, $0x1;
	s4 =	sadd.s32 s5, s19  }
0xa2: {  	s8 =	simm.s32 $0x0;
	s20 =	sshll.u32 s6, $0x1;
	s6 =	sadd.s32 s21, s4  }
0xa3: {  	[timem:s8], [sflag:s22] =	dma.local [hbm:s6], s20  }
0xa4: {  	_ =	swait.ge [sflag:s22], s20  }
0xa5: {  	s5 =	ssub.s32 $0x0, s20;
	[sflag:s22] =	ssyncset.done $0x0  }
0xa6: {  	[sflag:s22] =	ssyncadd.s32 s5;
	_ =	sdelay $0x1  }
0xa7: {  	s23 =	simm.s32 $0x1B8B  }
0xa8: {  	_ =	swait.ge [sflag:s23], $0x1  }
0xa9: {  	[sflag:s23] =	ssyncset.done $0x0  }
0xaa: {  	s25 =	simm.s32 $0x1B8E;
	s24 =	sld [smem:$0x3FFE];
	[sflag:s23] =	ssyncadd.s32 $0xFFFFFFFF  }
0xab: {  	s26 =	simm.s32 $execute0_lowered;
	[smem:$0x3FD2] =	sst s25  }
0xac: {  	s6 =	sshll.u32 s26, $0x1;
	_ =	strace $0x8000004C;
	[dreg:$0x1] =	wrdreg $0xFFFFFFFF  }
0xad: {  	s28 =	simm.s32 $_size_execute0_lowered;
	s4 =	sadd.s32 s4, s6;
	[dreg:$0x0] =	wrdreg $0x0  }
0xae: {  	s6 =	sshll.u32 s28, $0x1;
	[dreg:$0x2] =	wrdreg s4  }
0xaf: {  	[dreg:$0x3] =	wrdreg s6  }
0xb0: {  	[dreg:$0x4] =	wrdreg $0xC0  }
0xb1: {  	_ =	task [dreg:s8], $0x5FFFF  }
0xb2: {  	[dreg:$0x1] =	wrdreg $0xFFFFFFFF  }
0xb3: {  	[dreg:$0x0] =	wrdreg $0x60  }
0xb4: {  	[dreg:$0x2] =	wrdreg s16  }
0xb5: {  	[dreg:$0x3] =	wrdreg s24  }
0xb6: {  	[dreg:$0x4] =	wrdreg s17  }
0xb7: {  	[dreg:$0x5] =	wrdreg $0x0  }
0xb8: {  	[dreg:$0x6] =	wrdreg $0x9  }
0xb9: {  	_ =	task.clear_ibuf [dreg:s8], $0x7FFFF;
	_ =	strace $0x9000004C  }
0xba: {  	s29 =	simm.s32 $0x9;
	_ =	strace $0x8000004E  }
0xbb: {  	_ =	swait.ge [sflag:s29], $0x1  }
0xbc: {  	[sflag:s29] =	ssyncadd.s32 $0xFFFFFFFF  }
0xbd: {  	_ =	strace $0x9000004E  }
0xbe: {  	_ =	sfence  }
0xbf: {  	s30 =	sld [smem:$0x0];
	_ =	sdelay $0x2  }
0xc0: {  	s31 =	sshll.u32 s1, $0xD;
	s1 =	sshrl.u32 s1, $0x2  }
0xc1: {  	s3 =	sand.u32 $0x4000, s31;
	s1 =	sadd.s32 s1, s30  }
0xc2: {  	s0 =	sor.u32 s3, s0;
	s1 =	sshll.u32 s1, $0x11  }
0xc3: {  	s0 =	sor.u32 s1, s0  }
0xc4: {  	s0 =	sadd.s32 $0x8F2B, s0  }
0xc5: {  	[sflag:s0] =	ssyncadd.remote.s32 $0x1  }
0xc6: {  	_ =	sfence.sel $0xFFFF  }
0xc7: {  	[dreg:$0x0] =	wrdreg $0xFFFFFFFF;
	(pc) =	sbr.abs _section_cstart, $3  }
0xc8: {  	[dreg:$0x1] =	wrdreg $0xFFFFFFFF  }
0xc9: {  	_ =	task.clear_ibuf [dreg:s8], $0x2FFFF;
	_ =	strace $0x9FFFFFFF  }
0xca: {  	(tm) =	ssettm $0x7FFFFFFF  }
0xcb: {  	_ =	shalt  }
tec
execute0_lowered:
.L_overlay_start_1:
0x0: {  	(tag) =	ssettag $0x1  }
0x1: {  	s1 =	rddreg [dreg:$0x0]  }
0x2: {  	s0 =	rddreg [dreg:$0x1]  }
0x3: {  	s3 =	rddreg [dreg:$0x2]  }
0x4: {  	s4 =	rddreg [dreg:$0x3];
	s2 =	srdreg.scid  }
0x5: {  	s14 =	stileid.u32;
	s5 =	simm.s32 $0x0;
	s15 =	simm.s32 $0x19000  }
0x6: {  	s16 =	simm.s32 $0x19E00;
	s17 =	simm.s32 $0x80;
	s18 =	simm.s32 $0x1AC00  }
0x7: {  	s19 =	simm.s32 $0x19080;
	s20 =	simm.s32 $0x1BC00;
	s21 =	simm.s32 $0x19100  }
0x8: {  	s22 =	simm.s32 $0x1CC00;
	s23 =	simm.s32 $0x19180;
	s24 =	simm.s32 $0x1DC00  }
0x9: {  	s28 =	simm.s32 $0x1AA00;
	s29 =	simm.s32 $0x1AA80;
	s7 =	smul.u32 $0x19000, s14  }
0xa: {  	s30 =	simm.s32 $0x1AB00;
	s2 =	sand.u32 $0x1, s2;
	s12 =	smul.u32 $0x3200, s14  }
0xb: {  	s31 =	simm.s32 $0x1AB80;
	[smem:$0x7FF] =	sst s5;
	s6 =	smul.u32 $0x190000, s2  }
0xc: {  	s26 =	sshll.u32 s14, $0x6;
	s8 =	ssub.s32 $0x2, s2;
	s9 =	smul.u32 $0x32000, s2  }
0xd: {  	_ =	strace $0x8000004D;
	s11 =	sshrl.u32 s8, $0x1;
	s6 =	sadd.s32 s7, s6  }
0xe: {  	s13 =	ssub.s32 s8, s11;
	s7 =	sadd.s32 s7, s4;
	s25 =	sadd.s32 s12, s9  }
0xf: {  	s9 =	smul.u32 $0x188, s14;
	s14 =	simm.s32 $0x3;
	s10 =	sshrl.u32 s6, $0x3  }
0x10: {  	s6 =	sadd.s32 $0xCFA00, s0;
	s8 =	sadd.s32 s1, s25;
	s12 =	smax.u32 s13, $0x1  }
0x11: {  	s13 =	sshrl.u32 s7, $0x3;
	s25 =	simm.s32 $0x1;
	s0 =	sadd.s32 s10, s0  }
0x12: {  	[dreg:$0x5] =	wrdreg s8;
	s8 =	sor.u32 $0x1C03, s26;
	s0 =	sadd.s32 $0x7A00, s0  }
0x13: {  	s10 =	smul.u32 $0xC4000, s2;
	s26 =	simm.s32 $0x2;
	[dreg:$0x6] =	wrdreg s0  }
.LBB2_1:
0x14: {  	s0 =	rddreg [dreg:$0x5]  }
0x15: {  	[spmem:s13], [sflag:s8] =	dma.local [hbm:s0], $0x3200  }
0x16: {  	_ =	swait.ge [sflag:s14], $0x3200  }
0x17: {  	[sflag:s14] =	ssyncset.done $0x0  }
0x18: {  	[sflag:s14] =	ssyncadd.s32 $0xFFFFCE00  }
0x19: {  	s0 =	simm.s32 $0x0;
	[bflag:$0x0] =	sbarrier.arrive $0xFFFF  }
.LBB2_2:
0x1a: {  	s2 =	smul.u32 $0x1C, s0;
	_ =	sdelay $0x1  }
0x1b: {  	s2 =	sadd.s32 s9, s2  }
0x1c: {  	s7 =	sshll.u32 s2, $0x7  }
0x1d: {  	s7 =	sadd.s32 s10, s7  }
0x1e: {  	s7 =	sshrl.u32 s7, $0x3  }
0x1f: {  	s11 =	simm.s32 $0x0;
	s7 =	sadd.s32 s6, s7  }
0x20: {  	[tilespmem:s15], [sflag:$0x3] =	stream.linear.gather [hbm4b:s7+s11], $0xE00, $0x38;
	[tilespmem:$0x1EC00] =	vst v63  }
0x21: {  	_ =	swait.ge [sflag:s14], $0xE00  }
0x22: {  	s2 =	sshll.u32 s2, $0x4;
	[sflag:s14] =	ssyncset.done $0x0  }
0x23: {  	s2 =	sadd.s32 s3, s2;
	[sflag:s14] =	ssyncadd.s32 $0xFFFFF200  }
0x24: {  	[tilespmem:s16], [sflag:$0x3] =	stream.linear.gather [hbm4b:s2+s11], $0xE00, $0x38;
	[tilespmem:$0x1EC00] =	vst v63  }
0x25: {  	_ =	swait.ge [sflag:s14], $0xE00  }
0x26: {  	[sflag:s14] =	ssyncset.done $0x0  }
0x27: {  	[sflag:s14] =	ssyncadd.s32 $0xFFFFF200  }
0x28: {  	[tilespmem:s18], [sflag:$0x1] =	stream.indirect.gather [hbm4b:s1+s17], $0x20, s15, s17, $0xb8;
	[tilespmem:$0x1EC00] =	vst v63  }
0x29: {  	_ = 	snop  }
0x2a: {  	[tilespmem:s20], [sflag:$0x1] =	stream.indirect.gather [hbm4b:s1+s17], $0x20, s19, s17, $0xb8;
	[tilespmem:$0x1EC00] =	vst v63  }
0x2b: {  	_ = 	snop  }
0x2c: {  	[tilespmem:s22], [sflag:$0x2] =	stream.indirect.gather [hbm4b:s1+s17], $0x20, s21, s17, $0xb8;
	[tilespmem:$0x1EC00] =	vst v63  }
0x2d: {  	_ = 	snop  }
0x2e: {  	[tilespmem:s24], [sflag:$0x2] =	stream.indirect.gather [hbm4b:s1+s17], $0x20, s23, s17, $0xb8;
	[tilespmem:$0x1EC00] =	vst v63  }
0x2f: {  	_ =	swait.ge [sflag:s25], $0x1000  }
0x30: {  	[sflag:s25] =	ssyncset.done $0x0  }
0x31: {  	[sflag:s25] =	ssyncadd.s32 $0xFFFFF000  }
0x32: {  	_ =	swait.ge [sflag:s25], $0x1000  }
0x33: {  	[sflag:s25] =	ssyncset.done $0x0  }
0x34: {  	s11 =	simm.s32 $0x19E00;
	[sflag:s25] =	ssyncadd.s32 $0xFFFFF000  }
0x35: {  	[spmem:s4] =	stream.indirect.scatter.add.f32 [tilespmem:s18], [sflag:$0x3], $0x20, s11, s17, $0xb8;
	[tilespmem:$0x1EC00] =	vst v63  }
0x36: {  	_ =	swait.ge [sflag:s14], $0x1000  }
0x37: {  	[sflag:s14] =	ssyncset.done $0x0  }
0x38: {  	s7 =	simm.s32 $0x19E80;
	[sflag:s14] =	ssyncadd.s32 $0xFFFFF000  }
0x39: {  	[spmem:s4] =	stream.indirect.scatter.add.f32 [tilespmem:s20], [sflag:$0x3], $0x20, s7, s17, $0xb8;
	[tilespmem:$0x1EC00] =	vst v63  }
0x3a: {  	_ =	swait.ge [sflag:s14], $0x1000  }
0x3b: {  	[sflag:s14] =	ssyncset.done $0x0  }
0x3c: {  	s11 =	simm.s32 $0x19200;
	[sflag:s14] =	ssyncadd.s32 $0xFFFFF000  }
0x3d: {  	[tilespmem:s18], [sflag:$0x1] =	stream.indirect.gather [hbm4b:s1+s17], $0x20, s11, s17, $0xb8;
	[tilespmem:$0x1EC00] =	vst v63  }
0x3e: {  	s7 =	simm.s32 $0x19280  }
0x3f: {  	[tilespmem:s20], [sflag:$0x1] =	stream.indirect.gather [hbm4b:s1+s17], $0x20, s7, s17, $0xb8;
	[tilespmem:$0x1EC00] =	vst v63  }
0x40: {  	_ =	swait.ge [sflag:s26], $0x1000  }
0x41: {  	[sflag:s26] =	ssyncset.done $0x0  }
0x42: {  	[sflag:s26] =	ssyncadd.s32 $0xFFFFF000  }
0x43: {  	_ =	swait.ge [sflag:s26], $0x1000  }
0x44: {  	[sflag:s26] =	ssyncset.done $0x0  }
0x45: {  	s11 =	simm.s32 $0x19F00;
	[sflag:s26] =	ssyncadd.s32 $0xFFFFF000  }
0x46: {  	[spmem:s4] =	stream.indirect.scatter.add.f32 [tilespmem:s22], [sflag:$0x3], $0x20, s11, s17, $0xb8;
	[tilespmem:$0x1EC00] =	vst v63  }
0x47: {  	_ =	swait.ge [sflag:s14], $0x1000  }
0x48: {  	[sflag:s14] =	ssyncset.done $0x0  }
0x49: {  	s7 =	simm.s32 $0x19F80;
	[sflag:s14] =	ssyncadd.s32 $0xFFFFF000  }
0x4a: {  	[spmem:s4] =	stream.indirect.scatter.add.f32 [tilespmem:s24], [sflag:$0x3], $0x20, s7, s17, $0xb8;
	[tilespmem:$0x1EC00] =	vst v63  }
0x4b: {  	_ =	swait.ge [sflag:s14], $0x1000  }
0x4c: {  	s2 =	simm.s32 $0x800;
	[sflag:s14] =	ssyncset.done $0x0  }
0x4d: {  	s11 =	simm.s32 $0x19300;
	s7 =	simm.s32 $0x19380;
	[sflag:s14] =	ssyncadd.s32 $0xFFFFF000  }
0x4e: {  	[tilespmem:s22], [sflag:$0x2] =	stream.indirect.gather [hbm4b:s1+s17], $0x20, s11, s17, $0xb8;
	[tilespmem:$0x1EC00] =	vst v63  }
.LBB2_3:
0x4f: {  	[tilespmem:s24], [sflag:$0x2] =	stream.indirect.gather [hbm4b:s1+s17], $0x20, s7, s17, $0xb8;
	[tilespmem:$0x1EC00] =	vst v63  }
0x50: {  	s7 =	smov.u32 s2  }
0x51: {  	p0 =	sne.s32 s2, $0x2800;
	s2 =	sadd.s32 $0x800, s2;
	_ =	swait.ge [sflag:s25], $0x1000  }
0x52: {  	[sflag:s25] =	ssyncset.done $0x0  }
0x53: {  	[sflag:s25] =	ssyncadd.s32 $0xFFFFF000  }
0x54: {  	_ =	swait.ge [sflag:s25], $0x1000  }
0x55: {  	s7 =	sshra.s32 s7, $0x2;
	[sflag:s25] =	ssyncset.done $0x0  }
0x56: {  	s11 =	sadd.s32 $0x19E00, s7;
	[sflag:s25] =	ssyncadd.s32 $0xFFFFF000  }
0x57: {  	[spmem:s4] =	stream.indirect.scatter.add.f32 [tilespmem:s18], [sflag:$0x3], $0x20, s11, s17, $0xb8;
	[tilespmem:$0x1EC00] =	vst v63  }
0x58: {  	_ =	swait.ge [sflag:s14], $0x1000  }
0x59: {  	[sflag:s14] =	ssyncset.done $0x0  }
0x5a: {  	s11 =	sadd.s32 $0x19E80, s7;
	[sflag:s14] =	ssyncadd.s32 $0xFFFFF000  }
0x5b: {  	[spmem:s4] =	stream.indirect.scatter.add.f32 [tilespmem:s20], [sflag:$0x3], $0x20, s11, s17, $0xb8;
	[tilespmem:$0x1EC00] =	vst v63  }
0x5c: {  	_ =	swait.ge [sflag:s14], $0x1000  }
0x5d: {  	[sflag:s14] =	ssyncset.done $0x0  }
0x5e: {  	s11 =	sadd.s32 $0x19200, s7;
	[sflag:s14] =	ssyncadd.s32 $0xFFFFF000  }
0x5f: {  	[tilespmem:s18], [sflag:$0x1] =	stream.indirect.gather [hbm4b:s1+s17], $0x20, s11, s17, $0xb8;
	[tilespmem:$0x1EC00] =	vst v63  }
0x60: {  	s11 =	sadd.s32 $0x19280, s7  }
0x61: {  	[tilespmem:s20], [sflag:$0x1] =	stream.indirect.gather [hbm4b:s1+s17], $0x20, s11, s17, $0xb8;
	[tilespmem:$0x1EC00] =	vst v63  }
0x62: {  	_ =	swait.ge [sflag:s26], $0x1000  }
0x63: {  	[sflag:s26] =	ssyncset.done $0x0  }
0x64: {  	[sflag:s26] =	ssyncadd.s32 $0xFFFFF000  }
0x65: {  	_ =	swait.ge [sflag:s26], $0x1000  }
0x66: {  	[sflag:s26] =	ssyncset.done $0x0  }
0x67: {  	s11 =	sadd.s32 $0x19F00, s7;
	[sflag:s26] =	ssyncadd.s32 $0xFFFFF000  }
0x68: {  	[spmem:s4] =	stream.indirect.scatter.add.f32 [tilespmem:s22], [sflag:$0x3], $0x20, s11, s17, $0xb8;
	[tilespmem:$0x1EC00] =	vst v63  }
0x69: {  	_ =	swait.ge [sflag:s14], $0x1000  }
0x6a: {  	[sflag:s14] =	ssyncset.done $0x0  }
0x6b: {  	s11 =	sadd.s32 $0x19F80, s7;
	[sflag:s14] =	ssyncadd.s32 $0xFFFFF000  }
0x6c: {  	[spmem:s4] =	stream.indirect.scatter.add.f32 [tilespmem:s24], [sflag:$0x3], $0x20, s11, s17, $0xb8;
	[tilespmem:$0x1EC00] =	vst v63  }
.Ltmp0:
0x6d: {  	_ =	swait.ge [sflag:s14], $0x1000;
	(pc) =	sbr.rel @p0 .LBB2_3-.Ltmp0, $4  }
0x6e: {  	[sflag:s14] =	ssyncset.done $0x0  }
0x6f: {  	s11 =	sadd.s32 $0x19300, s7;
	[sflag:s14] =	ssyncadd.s32 $0xFFFFF000  }
0x70: {  	[tilespmem:s22], [sflag:$0x2] =	stream.indirect.gather [hbm4b:s1+s17], $0x20, s11, s17, $0xb8;
	[tilespmem:$0x1EC00] =	vst v63  }
0x71: {  	s7 =	sadd.s32 $0x19380, s7  }
0x72: {  	[tilespmem:s24], [sflag:$0x2] =	stream.indirect.gather [hbm4b:s1+s17], $0x20, s7, s17, $0xb8;
	[tilespmem:$0x1EC00] =	vst v63  }
0x73: {  	_ =	swait.ge [sflag:s25], $0x1000  }
0x74: {  	[sflag:s25] =	ssyncset.done $0x0  }
0x75: {  	[sflag:s25] =	ssyncadd.s32 $0xFFFFF000  }
0x76: {  	_ =	swait.ge [sflag:s25], $0x1000  }
0x77: {  	[sflag:s25] =	ssyncset.done $0x0  }
0x78: {  	[sflag:s25] =	ssyncadd.s32 $0xFFFFF000  }
0x79: {  	[spmem:s4] =	stream.indirect.scatter.add.f32 [tilespmem:s18], [sflag:$0x3], $0x20, s28, s17, $0xb8;
	[tilespmem:$0x1EC00] =	vst v63  }
0x7a: {  	_ =	swait.ge [sflag:s14], $0x1000  }
0x7b: {  	[sflag:s14] =	ssyncset.done $0x0  }
0x7c: {  	[sflag:s14] =	ssyncadd.s32 $0xFFFFF000  }
0x7d: {  	[spmem:s4] =	stream.indirect.scatter.add.f32 [tilespmem:s20], [sflag:$0x3], $0x20, s29, s17, $0xb8;
	[tilespmem:$0x1EC00] =	vst v63  }
0x7e: {  	_ =	swait.ge [sflag:s14], $0x1000  }
0x7f: {  	[sflag:s14] =	ssyncset.done $0x0  }
0x80: {  	[sflag:s14] =	ssyncadd.s32 $0xFFFFF000  }
0x81: {  	_ =	swait.ge [sflag:s26], $0x1000  }
0x82: {  	[sflag:s26] =	ssyncset.done $0x0  }
0x83: {  	[sflag:s26] =	ssyncadd.s32 $0xFFFFF000  }
0x84: {  	_ =	swait.ge [sflag:s26], $0x1000  }
0x85: {  	[sflag:s26] =	ssyncset.done $0x0  }
0x86: {  	[sflag:s26] =	ssyncadd.s32 $0xFFFFF000  }
0x87: {  	[spmem:s4] =	stream.indirect.scatter.add.f32 [tilespmem:s22], [sflag:$0x3], $0x20, s30, s17, $0xb8;
	[tilespmem:$0x1EC00] =	vst v63  }
0x88: {  	s0 =	sadd.s32 $0x1, s0;
	_ =	swait.ge [sflag:s14], $0x1000  }
0x89: {  	p0 =	sne.s32 s0, $0xE;
	[sflag:s14] =	ssyncset.done $0x0  }
.Ltmp1:
0x8a: {  	[sflag:s14] =	ssyncadd.s32 $0xFFFFF000;
	(pc) =	sbr.rel @p0 .LBB2_2-.Ltmp1, $4  }
0x8b: {  	[spmem:s4] =	stream.indirect.scatter.add.f32 [tilespmem:s24], [sflag:$0x3], $0x20, s31, s17, $0xb8;
	[tilespmem:$0x1EC00] =	vst v63  }
0x8c: {  	_ =	swait.ge [sflag:s14], $0x1000  }
0x8d: {  	[sflag:s14] =	ssyncset.done $0x0  }
0x8e: {  	[sflag:s14] =	ssyncadd.s32 $0xFFFFF000  }
0x8f: {  	s5 =	sadd.s32 $0x1, s5  }
0x90: {  	[bflag:$0x0] =	sbarrier.arrive $0xFFFF;
	p0 =	sne.s32 s5, s12  }
.Ltmp2:
0x91: {  	s0 =	rddreg [dreg:$0x6];
	(pc) =	sbr.rel @p0 .LBB2_1-.Ltmp2, $4  }
0x92: {  	[hbm:s0], [sflag:s8] =	dma.local [spmem:s13], $0x3200  }
0x93: {  	_ =	swait.ge [sflag:s14], $0x3200  }
0x94: {  	[sflag:s14] =	ssyncset.done $0x0  }
0x95: {  	[sflag:s14] =	ssyncadd.s32 $0xFFFFCE00  }
0x96: {  	_ =	sfence.sel $0x180000  }
0x97: {  	[bflag:$0x0] =	sbarrier.arrive $0xFFFF  }
0x98: {  	_ =	strace $0x9000004D  }
0x99: {  	s0 =	stileid.u32;
	[bflag:$0x2] =	sbarrier.arrive $0xFFFF  }
0x9a: {  	p0 =	sne.s32 s0, $0x0;
	s0 =	rddreg [dreg:$0x4]  }
0x9b: {  	s0 =	sadd.s32 @!p0 $0x100000, s0  }
0x9c: {  	[sflag:s0] =	ssyncadd.tile.s32 @!p0 $0x1;
	_ =	shalt  }
.Lfunc_end2:
_tile_overlayer_lowered:
.L_overlay_start_2:
0x9d: {  	(tag) =	ssettag $0x2  }
0x9e: {  	s0 =	rddreg [dreg:$0x0];
	s2 =	stileid.u32  }
0x9f: {  	s1 =	rddreg [dreg:$0x1];
	p0 =	sne.s32 s2, $0x0  }
0xa0: {  	s3 =	rddreg [dreg:$0x2];
	[bflag:$0x3] =	sbarrier.arrive $0xFFFF;
	s2 =	simm.s32 @!p0 $0x1C03  }
0xa1: {  	[timem:s3], [sflag:s2] =	dma.local @!p0 [hbm:s0], s1  }
0xa2: {  	s0 =	simm.s32 @!p0 $0x3  }
0xa3: {  	_ =	swait.ge @!p0 [sflag:s0], s1  }
0xa4: {  	s1 =	ssub.s32 @!p0 $0x0, s1;
	[sflag:s0] =	ssyncset.done @!p0 $0x0  }
0xa5: {  	[sflag:s0] =	ssyncadd.s32 @!p0 s1  }
0xa6: {  	[bflag:$0x3] =	sbarrier.arrive $0xFFFF  }
0xa7: {  	_ =	shalt  }

// kernel: sc_aggregate_d32.7.cloned.1.call-start
scs
__scs_entry_jumppad:
0x0: {  	(pc) =	sbr.rel $0x88, $3  }
0x1: {  	(tag) =	ssettag $0x0;
	lr =	simm.s32 $0x1  }
0x2: {  	[smem:$0x3F8F] =	sst lr;
	_ =	strace $0xD0000000  }
0x3: {  	_ = 	snop  }
0x4: {  	_ = 	snop  }
0x5: {  	_ = 	snop  }
0x6: {  	_ = 	snop  }
0x7: {  	_ = 	snop  }
__scs_overlays_trampoline_lowered:
0x8: {  	[smem:$0x3F9E] =	sst s0  }
0x9: {  	[smem:$0x3F9F] =	sst s1  }
0xa: {  	[smem:$0x3FA0] =	sst s2  }
0xb: {  	[smem:$0x3FA1] =	sst s3  }
0xc: {  	[smem:$0x3FA2] =	sst s4  }
0xd: {  	[smem:$0x3FA3] =	sst s5  }
0xe: {  	[smem:$0x3FA4] =	sst s6  }
0xf: {  	[smem:$0x3FA5] =	sst s7  }
0x10: {  	[smem:$0x3FA6] =	sst s8  }
0x11: {  	[smem:$0x3FA7] =	sst s9;
	s0 =	simm.s32 @!p0 $0x0  }
0x12: {  	s1 =	sld [smem:$0x3F8D];
	s0 =	simm.s32 @p0 $0x1  }
0x13: {  	[smem:$0x3FA8] =	sst s0;
	s0 =	simm.s32 @!p1 $0x0  }
0x14: {  	s2 =	sld [smem:$0x3F8C];
	s0 =	simm.s32 @p1 $0x1  }
0x15: {  	[smem:$0x3FA9] =	sst s0;
	s0 =	simm.s32 @!p2 $0x0  }
0x16: {  	s3 =	sld [smem:$0x3FDB];
	s0 =	simm.s32 @p2 $0x1  }
0x17: {  	s4 =	simm.s32 $0x1BF5;
	[smem:$0x3FAB] =	sst s0  }
0x18: {  	s0 =	sld [smem:$0x3F8E];
	_ =	swait.ge [sflag:s4], $0x0  }
0x19: {  	s7 =	sld [smem:$0x3F8F]  }
0x1a: {  	s8 =	sadd.s32 $0xFFFFE003, lr  }
0x1b: {  	s9 =	sadd.s32 $0xFFFFFEF7, lr;
	s5 =	simm.s32 $0xFFFFFFFF;
	p2 =	slt.u32 s8, $0xFFFFF086  }
0x1c: {  	p1 =	slt.u32 s9, $0xF7A;
	s5 =	simm.s32 @!p2 $0x0  }
0x1d: {  	s5 =	simm.s32 @p1 $0x1;
	p0 =	seq.s32 s7, s2  }
0x1e: {  	s7 =	smul.u32 @!p0 $0xF7A, s2;
	p2 =	seq.s32 @!p0 s5, $0x0  }
0x1f: {  	s9 =	smul.u32 $0xF7A, s1;
	s8 =	simm.s32 @!p0 $0x1BF5;
	p2 =	por !p2, p0  }
0x20: {  	[sflag:s8] =	ssyncset.s32 @!p0 $0xFFFFF086;
	s6 =	sadd.s32 @!p0 s3, s7;
	s7 =	simm.s32 @!p0 $0x108  }
0x21: {  	s3 =	sadd.s32 s3, s9;
	s6 =	sadd.s32 @!p0 $0x88, s6;
	s7 =	simm.s32 @p2 $0x1082  }
0x22: {  	[simem:s7], [sflag:s8] =	dma.local @!p0 [hbm:s6], $0xF7A  }
0x23: {  	s9 =	sor.u32 $0xD0000000, s2;
	s6 =	simm.s32 $0x108;
	_ =	swait.ge @!p0 [sflag:s8], $0x0  }
0x24: {  	s3 =	sadd.s32 $0x88, s3;
	s6 =	simm.s32 @!p1 $0x1082;
	[sflag:s4] =	ssyncset.s32 $0xFFFFF086  }
0x25: {  	[simem:s6], [sflag:s4] =	dma.local [hbm:s3], $0xF7A  }
0x26: {  	[smem:$0x3F8F] =	sst s1;
	(tag) =	ssettag s2;
	_ =	strace s9  }
0x27: {  	s1 =	sld [smem:$0x3F9F]  }
0x28: {  	s2 =	sld [smem:$0x3FA0]  }
0x29: {  	s4 =	sld [smem:$0x3FA2]  }
0x2a: {  	p0 =	seq.s32 s5, $0x0;
	s5 =	sld [smem:$0x3FA3]  }
0x2b: {  	s6 =	sld [smem:$0x3FA4]  }
0x2c: {  	s7 =	sld [smem:$0x3FA5]  }
0x2d: {  	s3 =	simm.s32 $0x108;
	s8 =	sld [smem:$0x3FA6]  }
0x2e: {  	s3 =	simm.s32 @!p0 $0x1082;
	s9 =	sld [smem:$0x3FA7]  }
0x2f: {  	lr =	sadd.s32 s0, s3;
	s0 =	sld [smem:$0x3F9E]  }
0x30: {  	s3 =	sld [smem:$0x3FA1]  }
0x31: {  	[smem:$0x3FAA] =	sst s10  }
0x32: {  	s10 =	sld [smem:$0x3FA8];
	_ =	sdelay $0x3  }
0x33: {  	p0 =	seq.s32 s10, $0x1;
	s10 =	sld [smem:$0x3FAA];
	_ =	sdelay $0x3  }
0x34: {  	[smem:$0x3FAA] =	sst s10  }
0x35: {  	s10 =	sld [smem:$0x3FA9];
	_ =	sdelay $0x3  }
0x36: {  	p1 =	seq.s32 s10, $0x1;
	s10 =	sld [smem:$0x3FAA];
	_ =	sdelay $0x3  }
0x37: {  	[smem:$0x3FAA] =	sst s10  }
0x38: {  	s10 =	sld [smem:$0x3FAB]  }
0x39: {  	_ = 	snop;
	(pc) =	sbr.ind lr, $3  }
0x3a: {  	_ = 	snop  }
0x3b: {  	_ = 	snop  }
0x3c: {  	p2 =	seq.s32 s10, $0x1;
	s10 =	sld [smem:$0x3FAA]  }
0x3d: {  	_ =	shalt  }
0x3e: {  	_ =	shalt  }
0x3f: {  	_ =	shalt  }
0x40: {  	_ =	shalt  }
0x41: {  	_ =	shalt  }
0x42: {  	_ =	shalt  }
0x43: {  	_ =	shalt  }
0x44: {  	_ =	shalt  }
0x45: {  	_ =	shalt  }
0x46: {  	_ =	shalt  }
0x47: {  	_ =	shalt  }
0x48: {  	_ =	shalt  }
0x49: {  	_ =	shalt  }
0x4a: {  	_ =	shalt  }
0x4b: {  	_ =	shalt  }
0x4c: {  	_ =	shalt  }
0x4d: {  	_ =	shalt  }
0x4e: {  	_ =	shalt  }
0x4f: {  	_ =	shalt  }
0x50: {  	_ =	shalt  }
0x51: {  	_ =	shalt  }
0x52: {  	_ =	shalt  }
0x53: {  	_ =	shalt  }
0x54: {  	_ =	shalt  }
0x55: {  	_ =	shalt  }
0x56: {  	_ =	shalt  }
0x57: {  	_ =	shalt  }
0x58: {  	_ =	shalt  }
0x59: {  	_ =	shalt  }
0x5a: {  	_ =	shalt  }
0x5b: {  	_ =	shalt  }
0x5c: {  	_ =	shalt  }
0x5d: {  	_ =	shalt  }
0x5e: {  	_ =	shalt  }
0x5f: {  	_ =	shalt  }
0x60: {  	_ =	shalt  }
0x61: {  	_ =	shalt  }
0x62: {  	_ =	shalt  }
0x63: {  	_ =	shalt  }
0x64: {  	_ =	shalt  }
0x65: {  	_ =	shalt  }
0x66: {  	_ =	shalt  }
0x67: {  	_ =	shalt  }
0x68: {  	_ =	shalt  }
0x69: {  	_ =	shalt  }
0x6a: {  	_ =	shalt  }
0x6b: {  	_ =	shalt  }
0x6c: {  	_ =	shalt  }
0x6d: {  	_ =	shalt  }
0x6e: {  	_ =	shalt  }
0x6f: {  	_ =	shalt  }
0x70: {  	_ =	shalt  }
0x71: {  	_ =	shalt  }
0x72: {  	_ =	shalt  }
0x73: {  	_ =	shalt  }
0x74: {  	_ =	shalt  }
0x75: {  	_ =	shalt  }
0x76: {  	_ =	shalt  }
0x77: {  	_ =	shalt  }
0x78: {  	_ =	shalt  }
0x79: {  	_ =	shalt  }
0x7a: {  	_ =	shalt  }
0x7b: {  	_ =	shalt  }
0x7c: {  	_ =	shalt  }
0x7d: {  	_ =	shalt  }
0x7e: {  	_ =	shalt  }
0x7f: {  	_ =	shalt  }
0x80: {  	_ =	shalt  }
0x81: {  	_ =	shalt  }
0x82: {  	_ =	shalt  }
0x83: {  	_ =	shalt  }
0x84: {  	_ =	shalt  }
0x85: {  	_ =	shalt  }
0x86: {  	_ =	shalt  }
0x87: {  	_ =	shalt  }
.Lfunc_end0:
.L_simem_size_0:
called_computation.3_lowered:
.L_overlay_start_0:
0x88: {  	s2 =	sld [smem:$0x3FD9]  }
0x89: {  	s3 =	sld [smem:$0x3FFE];
	_ =	sdelay $0x1  }
0x8a: {  	s1 =	srdreg.scid  }
0x8b: {  	s0 =	sand.u32 $0x1, s1  }
0x8c: {  	s14 =	sshll.u32 s0, $0xA;
	s2 =	sadd.s32 s3, s2  }
0x8d: {  	s2 =	sadd.s32 s2, s14  }
0x8e: {  	[smem:$0x3FB6] =	sst s2  }
0x8f: {  	_ = 	snop  }
0x90: {  	s2 =	sld [smem:$0x3FD0];
	_ =	sdelay $0x2  }
0x91: {  	s15 =	simm.s32 $0xA;
	s4 =	simm.s32 $0x10  }
0x92: {  	[smem:s4], [sflag:s15] =	dma.local [hbm:s2], $0x1  }
0x93: {  	_ =	swait.eq [sflag:s15], $0x1  }
0x94: {  	[sflag:s15] =	ssyncset.done $0x0  }
0x95: {  	s16 =	sld [smem:$0x10];
	[sflag:s15] =	ssyncadd.s32 $0xFFFFFFFF  }
0x96: {  	s17 =	sld [smem:$0x12];
	(tm) =	ssettm $0x1  }
0x97: {  	s18 =	sld [smem:$0x3FFB];
	_ =	sdelay $0x3  }
0x98: {  	_ =	strace s18  }
0x99: {  	s4 =	sld [smem:$0x3FFC];
	_ =	sdelay $0x3  }
0x9a: {  	_ =	strace s4  }
0x9b: {  	s4 =	sld [smem:$0x3FFD];
	_ =	sdelay $0x3  }
0x9c: {  	_ =	strace s4  }
0x9d: {  	_ =	strace $0x8FFFFFFF  }
0x9e: {  	s19 =	sld [smem:$0x3FDB];
	_ =	sdelay $0x1  }
0x9f: {  	s5 =	simm.s32 $_scs_section_size  }
0xa0: {  	s6 =	simm.s32 $_size__tile_overlayer_lowered;
	s7 =	simm.s32 $_tile_overlayer_lowered  }
0xa1: {  	s22 =	simm.s32 $0x1BFF;
	s21 =	sshll.u32 s7, $0x1;
	s4 =	sadd.s32 s5, s19  }
0xa2: {  	s8 =	simm.s32 $0x0;
	s20 =	sshll.u32 s6, $0x1;
	s6 =	sadd.s32 s21, s4  }
0xa3: {  	[timem:s8], [sflag:s22] =	dma.local [hbm:s6], s20  }
0xa4: {  	_ =	swait.ge [sflag:s22], s20  }
0xa5: {  	s5 =	ssub.s32 $0x0, s20;
	[sflag:s22] =	ssyncset.done $0x0  }
0xa6: {  	[sflag:s22] =	ssyncadd.s32 s5;
	_ =	sdelay $0x1  }
0xa7: {  	s23 =	simm.s32 $0x1B8B  }
0xa8: {  	_ =	swait.ge [sflag:s23], $0x1  }
0xa9: {  	[sflag:s23] =	ssyncset.done $0x0  }
0xaa: {  	s25 =	simm.s32 $0x1B8E;
	s24 =	sld [smem:$0x3FFE];
	[sflag:s23] =	ssyncadd.s32 $0xFFFFFFFF  }
0xab: {  	s26 =	simm.s32 $execute0_lowered;
	[smem:$0x3FD2] =	sst s25  }
0xac: {  	s6 =	sshll.u32 s26, $0x1;
	_ =	strace $0x8000004F;
	[dreg:$0x1] =	wrdreg $0xFFFFFFFF  }
0xad: {  	s28 =	simm.s32 $_size_execute0_lowered;
	s4 =	sadd.s32 s4, s6;
	[dreg:$0x0] =	wrdreg $0x0  }
0xae: {  	s6 =	sshll.u32 s28, $0x1;
	[dreg:$0x2] =	wrdreg s4  }
0xaf: {  	[dreg:$0x3] =	wrdreg s6  }
0xb0: {  	[dreg:$0x4] =	wrdreg $0xC0  }
0xb1: {  	_ =	task [dreg:s8], $0x5FFFF  }
0xb2: {  	[dreg:$0x1] =	wrdreg $0xFFFFFFFF  }
0xb3: {  	[dreg:$0x0] =	wrdreg $0x60  }
0xb4: {  	[dreg:$0x2] =	wrdreg s16  }
0xb5: {  	[dreg:$0x3] =	wrdreg s24  }
0xb6: {  	[dreg:$0x4] =	wrdreg s17  }
0xb7: {  	[dreg:$0x5] =	wrdreg $0x0  }
0xb8: {  	[dreg:$0x6] =	wrdreg $0x9  }
0xb9: {  	_ =	task.clear_ibuf [dreg:s8], $0x7FFFF;
	_ =	strace $0x9000004F  }
0xba: {  	s29 =	simm.s32 $0x9;
	_ =	strace $0x80000051  }
0xbb: {  	_ =	swait.ge [sflag:s29], $0x1  }
0xbc: {  	[sflag:s29] =	ssyncadd.s32 $0xFFFFFFFF  }
0xbd: {  	_ =	strace $0x90000051  }
0xbe: {  	_ =	sfence  }
0xbf: {  	s30 =	sld [smem:$0x0];
	_ =	sdelay $0x2  }
0xc0: {  	s31 =	sshll.u32 s1, $0xD;
	s1 =	sshrl.u32 s1, $0x2  }
0xc1: {  	s3 =	sand.u32 $0x4000, s31;
	s1 =	sadd.s32 s1, s30  }
0xc2: {  	s0 =	sor.u32 s3, s0;
	s1 =	sshll.u32 s1, $0x11  }
0xc3: {  	s0 =	sor.u32 s1, s0  }
0xc4: {  	s0 =	sadd.s32 $0x8F2B, s0  }
0xc5: {  	[sflag:s0] =	ssyncadd.remote.s32 $0x1  }
0xc6: {  	_ =	sfence.sel $0xFFFF  }
0xc7: {  	[dreg:$0x0] =	wrdreg $0xFFFFFFFF;
	(pc) =	sbr.abs _section_cstart, $3  }
0xc8: {  	[dreg:$0x1] =	wrdreg $0xFFFFFFFF  }
0xc9: {  	_ =	task.clear_ibuf [dreg:s8], $0x2FFFF;
	_ =	strace $0x9FFFFFFF  }
0xca: {  	(tm) =	ssettm $0x7FFFFFFF  }
0xcb: {  	_ =	shalt  }
tec
execute0_lowered:
.L_overlay_start_1:
0x0: {  	(tag) =	ssettag $0x1  }
0x1: {  	s1 =	rddreg [dreg:$0x0]  }
0x2: {  	s0 =	rddreg [dreg:$0x1]  }
0x3: {  	s3 =	rddreg [dreg:$0x2]  }
0x4: {  	s4 =	rddreg [dreg:$0x3];
	s2 =	srdreg.scid  }
0x5: {  	s14 =	stileid.u32;
	s5 =	simm.s32 $0x0;
	s15 =	simm.s32 $0x19000  }
0x6: {  	s16 =	simm.s32 $0x19E00;
	s17 =	simm.s32 $0x80;
	s18 =	simm.s32 $0x1AC00  }
0x7: {  	s19 =	simm.s32 $0x19080;
	s20 =	simm.s32 $0x1BC00;
	s21 =	simm.s32 $0x19100  }
0x8: {  	s22 =	simm.s32 $0x1CC00;
	s23 =	simm.s32 $0x19180;
	s24 =	simm.s32 $0x1DC00  }
0x9: {  	s28 =	simm.s32 $0x1AA00;
	s29 =	simm.s32 $0x1AA80;
	s7 =	smul.u32 $0x19000, s14  }
0xa: {  	s30 =	simm.s32 $0x1AB00;
	s2 =	sand.u32 $0x1, s2;
	s12 =	smul.u32 $0x3200, s14  }
0xb: {  	s31 =	simm.s32 $0x1AB80;
	[smem:$0x7FF] =	sst s5;
	s6 =	smul.u32 $0x190000, s2  }
0xc: {  	s26 =	sshll.u32 s14, $0x6;
	s8 =	ssub.s32 $0x2, s2;
	s9 =	smul.u32 $0x32000, s2  }
0xd: {  	_ =	strace $0x80000050;
	s11 =	sshrl.u32 s8, $0x1;
	s6 =	sadd.s32 s7, s6  }
0xe: {  	s13 =	ssub.s32 s8, s11;
	s7 =	sadd.s32 s7, s4;
	s25 =	sadd.s32 s12, s9  }
0xf: {  	s9 =	smul.u32 $0x188, s14;
	s14 =	simm.s32 $0x3;
	s10 =	sshrl.u32 s6, $0x3  }
0x10: {  	s6 =	sadd.s32 $0xCFA00, s0;
	s8 =	sadd.s32 s1, s25;
	s12 =	smax.u32 s13, $0x1  }
0x11: {  	s13 =	sshrl.u32 s7, $0x3;
	s25 =	simm.s32 $0x1;
	s0 =	sadd.s32 s10, s0  }
0x12: {  	[dreg:$0x5] =	wrdreg s8;
	s8 =	sor.u32 $0x1C03, s26;
	s0 =	sadd.s32 $0x7A00, s0  }
0x13: {  	s10 =	smul.u32 $0xC4000, s2;
	s26 =	simm.s32 $0x2;
	[dreg:$0x6] =	wrdreg s0  }
.LBB2_1:
0x14: {  	s0 =	rddreg [dreg:$0x5]  }
0x15: {  	[spmem:s13], [sflag:s8] =	dma.local [hbm:s0], $0x3200  }
0x16: {  	_ =	swait.ge [sflag:s14], $0x3200  }
0x17: {  	[sflag:s14] =	ssyncset.done $0x0  }
0x18: {  	[sflag:s14] =	ssyncadd.s32 $0xFFFFCE00  }
0x19: {  	s0 =	simm.s32 $0x0;
	[bflag:$0x0] =	sbarrier.arrive $0xFFFF  }
.LBB2_2:
0x1a: {  	s2 =	smul.u32 $0x1C, s0;
	_ =	sdelay $0x1  }
0x1b: {  	s2 =	sadd.s32 s9, s2  }
0x1c: {  	s7 =	sshll.u32 s2, $0x7  }
0x1d: {  	s7 =	sadd.s32 s10, s7  }
0x1e: {  	s7 =	sshrl.u32 s7, $0x3  }
0x1f: {  	s11 =	simm.s32 $0x0;
	s7 =	sadd.s32 s6, s7  }
0x20: {  	[tilespmem:s15], [sflag:$0x3] =	stream.linear.gather [hbm4b:s7+s11], $0xE00, $0x38;
	[tilespmem:$0x1EC00] =	vst v63  }
0x21: {  	_ =	swait.ge [sflag:s14], $0xE00  }
0x22: {  	s2 =	sshll.u32 s2, $0x4;
	[sflag:s14] =	ssyncset.done $0x0  }
0x23: {  	s2 =	sadd.s32 s3, s2;
	[sflag:s14] =	ssyncadd.s32 $0xFFFFF200  }
0x24: {  	[tilespmem:s16], [sflag:$0x3] =	stream.linear.gather [hbm4b:s2+s11], $0xE00, $0x38;
	[tilespmem:$0x1EC00] =	vst v63  }
0x25: {  	_ =	swait.ge [sflag:s14], $0xE00  }
0x26: {  	[sflag:s14] =	ssyncset.done $0x0  }
0x27: {  	[sflag:s14] =	ssyncadd.s32 $0xFFFFF200  }
0x28: {  	[tilespmem:s18], [sflag:$0x1] =	stream.indirect.gather [hbm4b:s1+s17], $0x20, s15, s17, $0xb8;
	[tilespmem:$0x1EC00] =	vst v63  }
0x29: {  	_ = 	snop  }
0x2a: {  	[tilespmem:s20], [sflag:$0x1] =	stream.indirect.gather [hbm4b:s1+s17], $0x20, s19, s17, $0xb8;
	[tilespmem:$0x1EC00] =	vst v63  }
0x2b: {  	_ = 	snop  }
0x2c: {  	[tilespmem:s22], [sflag:$0x2] =	stream.indirect.gather [hbm4b:s1+s17], $0x20, s21, s17, $0xb8;
	[tilespmem:$0x1EC00] =	vst v63  }
0x2d: {  	_ = 	snop  }
0x2e: {  	[tilespmem:s24], [sflag:$0x2] =	stream.indirect.gather [hbm4b:s1+s17], $0x20, s23, s17, $0xb8;
	[tilespmem:$0x1EC00] =	vst v63  }
0x2f: {  	_ =	swait.ge [sflag:s25], $0x1000  }
0x30: {  	[sflag:s25] =	ssyncset.done $0x0  }
0x31: {  	[sflag:s25] =	ssyncadd.s32 $0xFFFFF000  }
0x32: {  	_ =	swait.ge [sflag:s25], $0x1000  }
0x33: {  	[sflag:s25] =	ssyncset.done $0x0  }
0x34: {  	s11 =	simm.s32 $0x19E00;
	[sflag:s25] =	ssyncadd.s32 $0xFFFFF000  }
0x35: {  	[spmem:s4] =	stream.indirect.scatter.add.f32 [tilespmem:s18], [sflag:$0x3], $0x20, s11, s17, $0xb8;
	[tilespmem:$0x1EC00] =	vst v63  }
0x36: {  	_ =	swait.ge [sflag:s14], $0x1000  }
0x37: {  	[sflag:s14] =	ssyncset.done $0x0  }
0x38: {  	s7 =	simm.s32 $0x19E80;
	[sflag:s14] =	ssyncadd.s32 $0xFFFFF000  }
0x39: {  	[spmem:s4] =	stream.indirect.scatter.add.f32 [tilespmem:s20], [sflag:$0x3], $0x20, s7, s17, $0xb8;
	[tilespmem:$0x1EC00] =	vst v63  }
0x3a: {  	_ =	swait.ge [sflag:s14], $0x1000  }
0x3b: {  	[sflag:s14] =	ssyncset.done $0x0  }
0x3c: {  	s11 =	simm.s32 $0x19200;
	[sflag:s14] =	ssyncadd.s32 $0xFFFFF000  }
0x3d: {  	[tilespmem:s18], [sflag:$0x1] =	stream.indirect.gather [hbm4b:s1+s17], $0x20, s11, s17, $0xb8;
	[tilespmem:$0x1EC00] =	vst v63  }
0x3e: {  	s7 =	simm.s32 $0x19280  }
0x3f: {  	[tilespmem:s20], [sflag:$0x1] =	stream.indirect.gather [hbm4b:s1+s17], $0x20, s7, s17, $0xb8;
	[tilespmem:$0x1EC00] =	vst v63  }
0x40: {  	_ =	swait.ge [sflag:s26], $0x1000  }
0x41: {  	[sflag:s26] =	ssyncset.done $0x0  }
0x42: {  	[sflag:s26] =	ssyncadd.s32 $0xFFFFF000  }
0x43: {  	_ =	swait.ge [sflag:s26], $0x1000  }
0x44: {  	[sflag:s26] =	ssyncset.done $0x0  }
0x45: {  	s11 =	simm.s32 $0x19F00;
	[sflag:s26] =	ssyncadd.s32 $0xFFFFF000  }
0x46: {  	[spmem:s4] =	stream.indirect.scatter.add.f32 [tilespmem:s22], [sflag:$0x3], $0x20, s11, s17, $0xb8;
	[tilespmem:$0x1EC00] =	vst v63  }
0x47: {  	_ =	swait.ge [sflag:s14], $0x1000  }
0x48: {  	[sflag:s14] =	ssyncset.done $0x0  }
0x49: {  	s7 =	simm.s32 $0x19F80;
	[sflag:s14] =	ssyncadd.s32 $0xFFFFF000  }
0x4a: {  	[spmem:s4] =	stream.indirect.scatter.add.f32 [tilespmem:s24], [sflag:$0x3], $0x20, s7, s17, $0xb8;
	[tilespmem:$0x1EC00] =	vst v63  }
0x4b: {  	_ =	swait.ge [sflag:s14], $0x1000  }
0x4c: {  	s2 =	simm.s32 $0x800;
	[sflag:s14] =	ssyncset.done $0x0  }
0x4d: {  	s11 =	simm.s32 $0x19300;
	s7 =	simm.s32 $0x19380;
	[sflag:s14] =	ssyncadd.s32 $0xFFFFF000  }
0x4e: {  	[tilespmem:s22], [sflag:$0x2] =	stream.indirect.gather [hbm4b:s1+s17], $0x20, s11, s17, $0xb8;
	[tilespmem:$0x1EC00] =	vst v63  }
.LBB2_3:
0x4f: {  	[tilespmem:s24], [sflag:$0x2] =	stream.indirect.gather [hbm4b:s1+s17], $0x20, s7, s17, $0xb8;
	[tilespmem:$0x1EC00] =	vst v63  }
0x50: {  	s7 =	smov.u32 s2  }
0x51: {  	p0 =	sne.s32 s2, $0x2800;
	s2 =	sadd.s32 $0x800, s2;
	_ =	swait.ge [sflag:s25], $0x1000  }
0x52: {  	[sflag:s25] =	ssyncset.done $0x0  }
0x53: {  	[sflag:s25] =	ssyncadd.s32 $0xFFFFF000  }
0x54: {  	_ =	swait.ge [sflag:s25], $0x1000  }
0x55: {  	s7 =	sshra.s32 s7, $0x2;
	[sflag:s25] =	ssyncset.done $0x0  }
0x56: {  	s11 =	sadd.s32 $0x19E00, s7;
	[sflag:s25] =	ssyncadd.s32 $0xFFFFF000  }
0x57: {  	[spmem:s4] =	stream.indirect.scatter.add.f32 [tilespmem:s18], [sflag:$0x3], $0x20, s11, s17, $0xb8;
	[tilespmem:$0x1EC00] =	vst v63  }
0x58: {  	_ =	swait.ge [sflag:s14], $0x1000  }
0x59: {  	[sflag:s14] =	ssyncset.done $0x0  }
0x5a: {  	s11 =	sadd.s32 $0x19E80, s7;
	[sflag:s14] =	ssyncadd.s32 $0xFFFFF000  }
0x5b: {  	[spmem:s4] =	stream.indirect.scatter.add.f32 [tilespmem:s20], [sflag:$0x3], $0x20, s11, s17, $0xb8;
	[tilespmem:$0x1EC00] =	vst v63  }
0x5c: {  	_ =	swait.ge [sflag:s14], $0x1000  }
0x5d: {  	[sflag:s14] =	ssyncset.done $0x0  }
0x5e: {  	s11 =	sadd.s32 $0x19200, s7;
	[sflag:s14] =	ssyncadd.s32 $0xFFFFF000  }
0x5f: {  	[tilespmem:s18], [sflag:$0x1] =	stream.indirect.gather [hbm4b:s1+s17], $0x20, s11, s17, $0xb8;
	[tilespmem:$0x1EC00] =	vst v63  }
0x60: {  	s11 =	sadd.s32 $0x19280, s7  }
0x61: {  	[tilespmem:s20], [sflag:$0x1] =	stream.indirect.gather [hbm4b:s1+s17], $0x20, s11, s17, $0xb8;
	[tilespmem:$0x1EC00] =	vst v63  }
0x62: {  	_ =	swait.ge [sflag:s26], $0x1000  }
0x63: {  	[sflag:s26] =	ssyncset.done $0x0  }
0x64: {  	[sflag:s26] =	ssyncadd.s32 $0xFFFFF000  }
0x65: {  	_ =	swait.ge [sflag:s26], $0x1000  }
0x66: {  	[sflag:s26] =	ssyncset.done $0x0  }
0x67: {  	s11 =	sadd.s32 $0x19F00, s7;
	[sflag:s26] =	ssyncadd.s32 $0xFFFFF000  }
0x68: {  	[spmem:s4] =	stream.indirect.scatter.add.f32 [tilespmem:s22], [sflag:$0x3], $0x20, s11, s17, $0xb8;
	[tilespmem:$0x1EC00] =	vst v63  }
0x69: {  	_ =	swait.ge [sflag:s14], $0x1000  }
0x6a: {  	[sflag:s14] =	ssyncset.done $0x0  }
0x6b: {  	s11 =	sadd.s32 $0x19F80, s7;
	[sflag:s14] =	ssyncadd.s32 $0xFFFFF000  }
0x6c: {  	[spmem:s4] =	stream.indirect.scatter.add.f32 [tilespmem:s24], [sflag:$0x3], $0x20, s11, s17, $0xb8;
	[tilespmem:$0x1EC00] =	vst v63  }
.Ltmp0:
0x6d: {  	_ =	swait.ge [sflag:s14], $0x1000;
	(pc) =	sbr.rel @p0 .LBB2_3-.Ltmp0, $4  }
0x6e: {  	[sflag:s14] =	ssyncset.done $0x0  }
0x6f: {  	s11 =	sadd.s32 $0x19300, s7;
	[sflag:s14] =	ssyncadd.s32 $0xFFFFF000  }
0x70: {  	[tilespmem:s22], [sflag:$0x2] =	stream.indirect.gather [hbm4b:s1+s17], $0x20, s11, s17, $0xb8;
	[tilespmem:$0x1EC00] =	vst v63  }
0x71: {  	s7 =	sadd.s32 $0x19380, s7  }
0x72: {  	[tilespmem:s24], [sflag:$0x2] =	stream.indirect.gather [hbm4b:s1+s17], $0x20, s7, s17, $0xb8;
	[tilespmem:$0x1EC00] =	vst v63  }
0x73: {  	_ =	swait.ge [sflag:s25], $0x1000  }
0x74: {  	[sflag:s25] =	ssyncset.done $0x0  }
0x75: {  	[sflag:s25] =	ssyncadd.s32 $0xFFFFF000  }
0x76: {  	_ =	swait.ge [sflag:s25], $0x1000  }
0x77: {  	[sflag:s25] =	ssyncset.done $0x0  }
0x78: {  	[sflag:s25] =	ssyncadd.s32 $0xFFFFF000  }
0x79: {  	[spmem:s4] =	stream.indirect.scatter.add.f32 [tilespmem:s18], [sflag:$0x3], $0x20, s28, s17, $0xb8;
	[tilespmem:$0x1EC00] =	vst v63  }
0x7a: {  	_ =	swait.ge [sflag:s14], $0x1000  }
0x7b: {  	[sflag:s14] =	ssyncset.done $0x0  }
0x7c: {  	[sflag:s14] =	ssyncadd.s32 $0xFFFFF000  }
0x7d: {  	[spmem:s4] =	stream.indirect.scatter.add.f32 [tilespmem:s20], [sflag:$0x3], $0x20, s29, s17, $0xb8;
	[tilespmem:$0x1EC00] =	vst v63  }
0x7e: {  	_ =	swait.ge [sflag:s14], $0x1000  }
0x7f: {  	[sflag:s14] =	ssyncset.done $0x0  }
0x80: {  	[sflag:s14] =	ssyncadd.s32 $0xFFFFF000  }
0x81: {  	_ =	swait.ge [sflag:s26], $0x1000  }
0x82: {  	[sflag:s26] =	ssyncset.done $0x0  }
0x83: {  	[sflag:s26] =	ssyncadd.s32 $0xFFFFF000  }
0x84: {  	_ =	swait.ge [sflag:s26], $0x1000  }
0x85: {  	[sflag:s26] =	ssyncset.done $0x0  }
0x86: {  	[sflag:s26] =	ssyncadd.s32 $0xFFFFF000  }
0x87: {  	[spmem:s4] =	stream.indirect.scatter.add.f32 [tilespmem:s22], [sflag:$0x3], $0x20, s30, s17, $0xb8;
	[tilespmem:$0x1EC00] =	vst v63  }
0x88: {  	s0 =	sadd.s32 $0x1, s0;
	_ =	swait.ge [sflag:s14], $0x1000  }
0x89: {  	p0 =	sne.s32 s0, $0xE;
	[sflag:s14] =	ssyncset.done $0x0  }
.Ltmp1:
0x8a: {  	[sflag:s14] =	ssyncadd.s32 $0xFFFFF000;
	(pc) =	sbr.rel @p0 .LBB2_2-.Ltmp1, $4  }
0x8b: {  	[spmem:s4] =	stream.indirect.scatter.add.f32 [tilespmem:s24], [sflag:$0x3], $0x20, s31, s17, $0xb8;
	[tilespmem:$0x1EC00] =	vst v63  }
0x8c: {  	_ =	swait.ge [sflag:s14], $0x1000  }
0x8d: {  	[sflag:s14] =	ssyncset.done $0x0  }
0x8e: {  	[sflag:s14] =	ssyncadd.s32 $0xFFFFF000  }
0x8f: {  	s5 =	sadd.s32 $0x1, s5  }
0x90: {  	[bflag:$0x0] =	sbarrier.arrive $0xFFFF;
	p0 =	sne.s32 s5, s12  }
.Ltmp2:
0x91: {  	s0 =	rddreg [dreg:$0x6];
	(pc) =	sbr.rel @p0 .LBB2_1-.Ltmp2, $4  }
0x92: {  	[hbm:s0], [sflag:s8] =	dma.local [spmem:s13], $0x3200  }
0x93: {  	_ =	swait.ge [sflag:s14], $0x3200  }
0x94: {  	[sflag:s14] =	ssyncset.done $0x0  }
0x95: {  	[sflag:s14] =	ssyncadd.s32 $0xFFFFCE00  }
0x96: {  	_ =	sfence.sel $0x180000  }
0x97: {  	[bflag:$0x0] =	sbarrier.arrive $0xFFFF  }
0x98: {  	_ =	strace $0x90000050  }
0x99: {  	s0 =	stileid.u32;
	[bflag:$0x2] =	sbarrier.arrive $0xFFFF  }
0x9a: {  	p0 =	sne.s32 s0, $0x0;
	s0 =	rddreg [dreg:$0x4]  }
0x9b: {  	s0 =	sadd.s32 @!p0 $0x100000, s0  }
0x9c: {  	[sflag:s0] =	ssyncadd.tile.s32 @!p0 $0x1;
	_ =	shalt  }
.Lfunc_end2:
_tile_overlayer_lowered:
.L_overlay_start_2:
0x9d: {  	(tag) =	ssettag $0x2  }
0x9e: {  	s0 =	rddreg [dreg:$0x0];
	s2 =	stileid.u32  }
0x9f: {  	s1 =	rddreg [dreg:$0x1];
	p0 =	sne.s32 s2, $0x0  }
0xa0: {  	s3 =	rddreg [dreg:$0x2];
	[bflag:$0x3] =	sbarrier.arrive $0xFFFF;
	s2 =	simm.s32 @!p0 $0x1C03  }
0xa1: {  	[timem:s3], [sflag:s2] =	dma.local @!p0 [hbm:s0], s1  }
0xa2: {  	s0 =	simm.s32 @!p0 $0x3  }
0xa3: {  	_ =	swait.ge @!p0 [sflag:s0], s1  }
0xa4: {  	s1 =	ssub.s32 @!p0 $0x0, s1;
	[sflag:s0] =	ssyncset.done @!p0 $0x0  }
0xa5: {  	[sflag:s0] =	ssyncadd.s32 @!p0 s1  }
0xa6: {  	[bflag:$0x3] =	sbarrier.arrive $0xFFFF  }
0xa7: {  	_ =	shalt  }

// kernel: sc_degree.3.cloned.1.call-start
scs
__scs_entry_jumppad:
0x0: {  	(pc) =	sbr.rel $0x88, $3  }
0x1: {  	(tag) =	ssettag $0x0;
	lr =	simm.s32 $0x1  }
0x2: {  	[smem:$0x3F8F] =	sst lr;
	_ =	strace $0xD0000000  }
0x3: {  	_ = 	snop  }
0x4: {  	_ = 	snop  }
0x5: {  	_ = 	snop  }
0x6: {  	_ = 	snop  }
0x7: {  	_ = 	snop  }
__scs_overlays_trampoline_lowered:
0x8: {  	[smem:$0x3F9E] =	sst s0  }
0x9: {  	[smem:$0x3F9F] =	sst s1  }
0xa: {  	[smem:$0x3FA0] =	sst s2  }
0xb: {  	[smem:$0x3FA1] =	sst s3  }
0xc: {  	[smem:$0x3FA2] =	sst s4  }
0xd: {  	[smem:$0x3FA3] =	sst s5  }
0xe: {  	[smem:$0x3FA4] =	sst s6  }
0xf: {  	[smem:$0x3FA5] =	sst s7  }
0x10: {  	[smem:$0x3FA6] =	sst s8  }
0x11: {  	[smem:$0x3FA7] =	sst s9;
	s0 =	simm.s32 @!p0 $0x0  }
0x12: {  	s1 =	sld [smem:$0x3F8D];
	s0 =	simm.s32 @p0 $0x1  }
0x13: {  	[smem:$0x3FA8] =	sst s0;
	s0 =	simm.s32 @!p1 $0x0  }
0x14: {  	s2 =	sld [smem:$0x3F8C];
	s0 =	simm.s32 @p1 $0x1  }
0x15: {  	[smem:$0x3FA9] =	sst s0;
	s0 =	simm.s32 @!p2 $0x0  }
0x16: {  	s3 =	sld [smem:$0x3FDB];
	s0 =	simm.s32 @p2 $0x1  }
0x17: {  	s4 =	simm.s32 $0x1BF5;
	[smem:$0x3FAB] =	sst s0  }
0x18: {  	s0 =	sld [smem:$0x3F8E];
	_ =	swait.ge [sflag:s4], $0x0  }
0x19: {  	s7 =	sld [smem:$0x3F8F]  }
0x1a: {  	s8 =	sadd.s32 $0xFFFFE003, lr  }
0x1b: {  	s9 =	sadd.s32 $0xFFFFFEF7, lr;
	s5 =	simm.s32 $0xFFFFFFFF;
	p2 =	slt.u32 s8, $0xFFFFF086  }
0x1c: {  	p1 =	slt.u32 s9, $0xF7A;
	s5 =	simm.s32 @!p2 $0x0  }
0x1d: {  	s5 =	simm.s32 @p1 $0x1;
	p0 =	seq.s32 s7, s2  }
0x1e: {  	s7 =	smul.u32 @!p0 $0xF7A, s2;
	p2 =	seq.s32 @!p0 s5, $0x0  }
0x1f: {  	s9 =	smul.u32 $0xF7A, s1;
	s8 =	simm.s32 @!p0 $0x1BF5;
	p2 =	por !p2, p0  }
0x20: {  	[sflag:s8] =	ssyncset.s32 @!p0 $0xFFFFF086;
	s6 =	sadd.s32 @!p0 s3, s7;
	s7 =	simm.s32 @!p0 $0x108  }
0x21: {  	s3 =	sadd.s32 s3, s9;
	s6 =	sadd.s32 @!p0 $0x88, s6;
	s7 =	simm.s32 @p2 $0x1082  }
0x22: {  	[simem:s7], [sflag:s8] =	dma.local @!p0 [hbm:s6], $0xF7A  }
0x23: {  	s9 =	sor.u32 $0xD0000000, s2;
	s6 =	simm.s32 $0x108;
	_ =	swait.ge @!p0 [sflag:s8], $0x0  }
0x24: {  	s3 =	sadd.s32 $0x88, s3;
	s6 =	simm.s32 @!p1 $0x1082;
	[sflag:s4] =	ssyncset.s32 $0xFFFFF086  }
0x25: {  	[simem:s6], [sflag:s4] =	dma.local [hbm:s3], $0xF7A  }
0x26: {  	[smem:$0x3F8F] =	sst s1;
	(tag) =	ssettag s2;
	_ =	strace s9  }
0x27: {  	s1 =	sld [smem:$0x3F9F]  }
0x28: {  	s2 =	sld [smem:$0x3FA0]  }
0x29: {  	s4 =	sld [smem:$0x3FA2]  }
0x2a: {  	p0 =	seq.s32 s5, $0x0;
	s5 =	sld [smem:$0x3FA3]  }
0x2b: {  	s6 =	sld [smem:$0x3FA4]  }
0x2c: {  	s7 =	sld [smem:$0x3FA5]  }
0x2d: {  	s3 =	simm.s32 $0x108;
	s8 =	sld [smem:$0x3FA6]  }
0x2e: {  	s3 =	simm.s32 @!p0 $0x1082;
	s9 =	sld [smem:$0x3FA7]  }
0x2f: {  	lr =	sadd.s32 s0, s3;
	s0 =	sld [smem:$0x3F9E]  }
0x30: {  	s3 =	sld [smem:$0x3FA1]  }
0x31: {  	[smem:$0x3FAA] =	sst s10  }
0x32: {  	s10 =	sld [smem:$0x3FA8];
	_ =	sdelay $0x3  }
0x33: {  	p0 =	seq.s32 s10, $0x1;
	s10 =	sld [smem:$0x3FAA];
	_ =	sdelay $0x3  }
0x34: {  	[smem:$0x3FAA] =	sst s10  }
0x35: {  	s10 =	sld [smem:$0x3FA9];
	_ =	sdelay $0x3  }
0x36: {  	p1 =	seq.s32 s10, $0x1;
	s10 =	sld [smem:$0x3FAA];
	_ =	sdelay $0x3  }
0x37: {  	[smem:$0x3FAA] =	sst s10  }
0x38: {  	s10 =	sld [smem:$0x3FAB]  }
0x39: {  	_ = 	snop;
	(pc) =	sbr.ind lr, $3  }
0x3a: {  	_ = 	snop  }
0x3b: {  	_ = 	snop  }
0x3c: {  	p2 =	seq.s32 s10, $0x1;
	s10 =	sld [smem:$0x3FAA]  }
0x3d: {  	_ =	shalt  }
0x3e: {  	_ =	shalt  }
0x3f: {  	_ =	shalt  }
0x40: {  	_ =	shalt  }
0x41: {  	_ =	shalt  }
0x42: {  	_ =	shalt  }
0x43: {  	_ =	shalt  }
0x44: {  	_ =	shalt  }
0x45: {  	_ =	shalt  }
0x46: {  	_ =	shalt  }
0x47: {  	_ =	shalt  }
0x48: {  	_ =	shalt  }
0x49: {  	_ =	shalt  }
0x4a: {  	_ =	shalt  }
0x4b: {  	_ =	shalt  }
0x4c: {  	_ =	shalt  }
0x4d: {  	_ =	shalt  }
0x4e: {  	_ =	shalt  }
0x4f: {  	_ =	shalt  }
0x50: {  	_ =	shalt  }
0x51: {  	_ =	shalt  }
0x52: {  	_ =	shalt  }
0x53: {  	_ =	shalt  }
0x54: {  	_ =	shalt  }
0x55: {  	_ =	shalt  }
0x56: {  	_ =	shalt  }
0x57: {  	_ =	shalt  }
0x58: {  	_ =	shalt  }
0x59: {  	_ =	shalt  }
0x5a: {  	_ =	shalt  }
0x5b: {  	_ =	shalt  }
0x5c: {  	_ =	shalt  }
0x5d: {  	_ =	shalt  }
0x5e: {  	_ =	shalt  }
0x5f: {  	_ =	shalt  }
0x60: {  	_ =	shalt  }
0x61: {  	_ =	shalt  }
0x62: {  	_ =	shalt  }
0x63: {  	_ =	shalt  }
0x64: {  	_ =	shalt  }
0x65: {  	_ =	shalt  }
0x66: {  	_ =	shalt  }
0x67: {  	_ =	shalt  }
0x68: {  	_ =	shalt  }
0x69: {  	_ =	shalt  }
0x6a: {  	_ =	shalt  }
0x6b: {  	_ =	shalt  }
0x6c: {  	_ =	shalt  }
0x6d: {  	_ =	shalt  }
0x6e: {  	_ =	shalt  }
0x6f: {  	_ =	shalt  }
0x70: {  	_ =	shalt  }
0x71: {  	_ =	shalt  }
0x72: {  	_ =	shalt  }
0x73: {  	_ =	shalt  }
0x74: {  	_ =	shalt  }
0x75: {  	_ =	shalt  }
0x76: {  	_ =	shalt  }
0x77: {  	_ =	shalt  }
0x78: {  	_ =	shalt  }
0x79: {  	_ =	shalt  }
0x7a: {  	_ =	shalt  }
0x7b: {  	_ =	shalt  }
0x7c: {  	_ =	shalt  }
0x7d: {  	_ =	shalt  }
0x7e: {  	_ =	shalt  }
0x7f: {  	_ =	shalt  }
0x80: {  	_ =	shalt  }
0x81: {  	_ =	shalt  }
0x82: {  	_ =	shalt  }
0x83: {  	_ =	shalt  }
0x84: {  	_ =	shalt  }
0x85: {  	_ =	shalt  }
0x86: {  	_ =	shalt  }
0x87: {  	_ =	shalt  }
.Lfunc_end0:
.L_simem_size_0:
called_computation_lowered:
.L_overlay_start_0:
0x88: {  	s2 =	sld [smem:$0x3FD9]  }
0x89: {  	s3 =	sld [smem:$0x3FFE];
	_ =	sdelay $0x1  }
0x8a: {  	s1 =	srdreg.scid  }
0x8b: {  	s0 =	sand.u32 $0x1, s1  }
0x8c: {  	s15 =	sshll.u32 s0, $0xA;
	s2 =	sadd.s32 s3, s2  }
0x8d: {  	s2 =	sadd.s32 s2, s15  }
0x8e: {  	[smem:$0x3FB6] =	sst s2  }
0x8f: {  	_ = 	snop  }
0x90: {  	s2 =	sld [smem:$0x3FD0];
	_ =	sdelay $0x2  }
0x91: {  	s16 =	simm.s32 $0xA;
	s4 =	simm.s32 $0x10  }
0x92: {  	[smem:s4], [sflag:s16] =	dma.local [hbm:s2], $0x1  }
0x93: {  	_ =	swait.eq [sflag:s16], $0x1  }
0x94: {  	[sflag:s16] =	ssyncset.done $0x0  }
0x95: {  	s17 =	sld [smem:$0x10];
	[sflag:s16] =	ssyncadd.s32 $0xFFFFFFFF  }
0x96: {  	s18 =	sld [smem:$0x12];
	(tm) =	ssettm $0x1  }
0x97: {  	s19 =	sld [smem:$0x3FFB];
	_ =	sdelay $0x3  }
0x98: {  	_ =	strace s19  }
0x99: {  	s4 =	sld [smem:$0x3FFC];
	_ =	sdelay $0x3  }
0x9a: {  	_ =	strace s4  }
0x9b: {  	s4 =	sld [smem:$0x3FFD];
	_ =	sdelay $0x3  }
0x9c: {  	_ =	strace s4  }
0x9d: {  	_ =	strace $0x8FFFFFFF  }
0x9e: {  	s20 =	sld [smem:$0x3FDB];
	_ =	sdelay $0x1  }
0x9f: {  	s5 =	simm.s32 $_scs_section_size  }
0xa0: {  	s6 =	simm.s32 $_size__tile_overlayer_lowered;
	s7 =	simm.s32 $_tile_overlayer_lowered  }
0xa1: {  	s23 =	simm.s32 $0x1BFF;
	s22 =	sshll.u32 s7, $0x1;
	s4 =	sadd.s32 s5, s20  }
0xa2: {  	s8 =	simm.s32 $0x0;
	s21 =	sshll.u32 s6, $0x1;
	s6 =	sadd.s32 s22, s4  }
0xa3: {  	[timem:s8], [sflag:s23] =	dma.local [hbm:s6], s21  }
0xa4: {  	_ =	swait.ge [sflag:s23], s21  }
0xa5: {  	s5 =	ssub.s32 $0x0, s21;
	[sflag:s23] =	ssyncset.done $0x0  }
0xa6: {  	[sflag:s23] =	ssyncadd.s32 s5;
	_ =	sdelay $0x1  }
0xa7: {  	s24 =	simm.s32 $0x1B8B  }
0xa8: {  	_ =	swait.ge [sflag:s24], $0x1  }
0xa9: {  	[sflag:s24] =	ssyncset.done $0x0  }
0xaa: {  	s25 =	simm.s32 $0x1B8E;
	[sflag:s24] =	ssyncadd.s32 $0xFFFFFFFF  }
0xab: {  	s26 =	simm.s32 $execute0_lowered;
	[smem:$0x3FD2] =	sst s25  }
0xac: {  	s5 =	sshll.u32 s26, $0x1;
	_ =	strace $0x80000046;
	[dreg:$0x1] =	wrdreg $0xFFFFFFFF  }
0xad: {  	s28 =	simm.s32 $_size_execute0_lowered;
	s4 =	sadd.s32 s4, s5;
	[dreg:$0x0] =	wrdreg $0x0  }
0xae: {  	s5 =	sshll.u32 s28, $0x1;
	[dreg:$0x2] =	wrdreg s4  }
0xaf: {  	[dreg:$0x3] =	wrdreg s5  }
0xb0: {  	[dreg:$0x4] =	wrdreg $0xC0  }
0xb1: {  	_ =	task [dreg:s8], $0x5FFFF  }
0xb2: {  	[dreg:$0x1] =	wrdreg $0xFFFFFFFF  }
0xb3: {  	[dreg:$0x0] =	wrdreg $0x60  }
0xb4: {  	[dreg:$0x2] =	wrdreg s18  }
0xb5: {  	[dreg:$0x3] =	wrdreg s17  }
0xb6: {  	[dreg:$0x4] =	wrdreg $0x9  }
0xb7: {  	_ =	task.clear_ibuf [dreg:s8], $0x5FFFF;
	_ =	strace $0x90000046  }
0xb8: {  	s29 =	simm.s32 $0x9;
	_ =	strace $0x80000048  }
0xb9: {  	_ =	swait.ge [sflag:s29], $0x1  }
0xba: {  	[sflag:s29] =	ssyncadd.s32 $0xFFFFFFFF  }
0xbb: {  	_ =	strace $0x90000048  }
0xbc: {  	_ =	sfence  }
0xbd: {  	s30 =	sld [smem:$0x0];
	_ =	sdelay $0x2  }
0xbe: {  	s31 =	sshll.u32 s1, $0xD;
	s1 =	sshrl.u32 s1, $0x2  }
0xbf: {  	s3 =	sand.u32 $0x4000, s31;
	s1 =	sadd.s32 s1, s30  }
0xc0: {  	s0 =	sor.u32 s3, s0;
	s1 =	sshll.u32 s1, $0x11  }
0xc1: {  	s0 =	sor.u32 s1, s0  }
0xc2: {  	s0 =	sadd.s32 $0x8F2B, s0  }
0xc3: {  	[sflag:s0] =	ssyncadd.remote.s32 $0x1  }
0xc4: {  	_ =	sfence.sel $0xFFFF  }
0xc5: {  	[dreg:$0x0] =	wrdreg $0xFFFFFFFF;
	(pc) =	sbr.abs _section_cstart, $3  }
0xc6: {  	[dreg:$0x1] =	wrdreg $0xFFFFFFFF  }
0xc7: {  	_ =	task.clear_ibuf [dreg:s8], $0x2FFFF;
	_ =	strace $0x9FFFFFFF  }
0xc8: {  	(tm) =	ssettm $0x7FFFFFFF  }
0xc9: {  	_ =	shalt  }
tec
execute0_lowered:
.L_overlay_start_1:
0x0: {  	(tag) =	ssettag $0x1  }
0x1: {  	s1 =	srdreg.scid;
	s0 =	stileid.u32  }
0x2: {  	s3 =	rddreg [dreg:$0x0];
	s5 =	sand.u32 $0x1, s1;
	s2 =	sshll.u32 s0, $0x1  }
0x3: {  	s4 =	rddreg [dreg:$0x1];
	s6 =	sor.u32 s5, s2  }
0x4: {  	s2 =	simm.s32 $0x0;
	s5 =	ssub.s32 $0x2, s5;
	s7 =	smul.u32 $0xC40, s6  }
0x5: {  	[smem:$0x7FF] =	sst s2;
	s8 =	sshrl.u32 s5, $0x1;
	s6 =	smul.u32 $0x1900, s6  }
0x6: {  	s1 =	rddreg [dreg:$0x2];
	_ =	strace $0x80000047;
	s5 =	ssub.s32 s5, s8  }
0x7: {  	s8 =	simm.s32 $0x0;
	s3 =	sadd.s32 s3, s7;
	s4 =	sadd.s32 s4, s6  }
0x8: {  	v0 =	vimm.f32 $0.0e+00;
	v1 =	vimm.f32 $1.000000000e+00;
	s5 =	smax.u32 s5, $0x1;
	s6 =	simm.s32 $0xC800;
	s7 =	simm.s32 $0x1  }
.LBB2_1:
0x9: {  	s9 =	simm.s32 $0x40;
	s10 =	simm.s32 $0x0  }
.LBB2_2:
0xa: {  	p0 =	sne.s32 s9, $0x31FC0;
	[tilespmem:s10+$0x0] =	vst v0;
	s10 =	smov.u32 s9;
	s9 =	sadd.s32 $0x40, s9  }
.Ltmp0:
0xb: {  	(pc) =	sbr.rel @p0 .LBB2_2-.Ltmp0, $2  }
0xc: {  	_ =	sdelay $0x2  }
0xd: {  	s10 =	sshra.s32 s10, $0x2  }
0xe: {  	[tilespmem:s10+$0x0] =	vst v0;
	s9 =	simm.s32 $0x0  }
0xf: {  	[tilespmem:s6], [sflag:$0x1] =	stream.linear.gather [hbm4b:s3+s9], $0x6200, $0x38;
	[tilespmem:$0x12A00] =	vst v63  }
0x10: {  	_ =	swait.ge [sflag:s7], $0x6200  }
0x11: {  	[sflag:s7] =	ssyncset.done $0x0  }
0x12: {  	[sflag:s7] =	ssyncadd.s32 $0xFFFF9E00  }
.LBB2_4:
0x13: {  	s10 =	sshra.s32 s9, $0x2  }
0x14: {  	v2 =	vld [tilespmem:s10+$0xC800];
	_ =	sdelay $0x7  }
0x15: {  	[tilespmem:v2+s2+$0x0] =	vst.idx.add.f32.msk $0xffff, v1  }
0x16: {  	v2 =	vld [tilespmem:s10+$0xC810];
	_ =	sdelay $0x7  }
0x17: {  	[tilespmem:v2+s2+$0x0] =	vst.idx.add.f32.msk $0xffff, v1  }
0x18: {  	v2 =	vld [tilespmem:s10+$0xC820];
	_ =	sdelay $0x7  }
0x19: {  	[tilespmem:v2+s2+$0x0] =	vst.idx.add.f32.msk $0xffff, v1  }
0x1a: {  	v2 =	vld [tilespmem:s10+$0xC830];
	_ =	sdelay $0x7  }
0x1b: {  	[tilespmem:v2+s2+$0x0] =	vst.idx.add.f32.msk $0xffff, v1  }
0x1c: {  	v2 =	vld [tilespmem:s10+$0xC840];
	_ =	sdelay $0x7  }
0x1d: {  	[tilespmem:v2+s2+$0x0] =	vst.idx.add.f32.msk $0xffff, v1  }
0x1e: {  	v2 =	vld [tilespmem:s10+$0xC850];
	_ =	sdelay $0x7  }
0x1f: {  	[tilespmem:v2+s2+$0x0] =	vst.idx.add.f32.msk $0xffff, v1  }
0x20: {  	v2 =	vld [tilespmem:s10+$0xC860];
	_ =	sdelay $0x7  }
0x21: {  	[tilespmem:v2+s2+$0x0] =	vst.idx.add.f32.msk $0xffff, v1  }
0x22: {  	v2 =	vld [tilespmem:s10+$0xC870];
	_ =	sdelay $0x2  }
0x23: {  	p0 =	sne.s32 s9, $0x18600  }
.Ltmp1:
0x24: {  	_ = 	snop;
	(pc) =	sbr.rel @p0 .LBB2_4-.Ltmp1, $2  }
0x25: {  	_ =	sdelay $0x2  }
0x26: {  	s9 =	sadd.s32 $0x200, s9;
	[tilespmem:v2+s2+$0x0] =	vst.idx.add.f32.msk $0xffff, v1  }
0x27: {  	s8 =	sadd.s32 $0x1, s8  }
0x28: {  	p0 =	sne.s32 s8, s5  }
.Ltmp2:
0x29: {  	_ = 	snop;
	(pc) =	sbr.rel @p0 .LBB2_1-.Ltmp2, $4  }
0x2a: {  	[hbm4b:s4+s2] =	stream.linear.scatter [tilespmem:s2], [sflag:$0x1], $0xC800, $0x38;
	[tilespmem:$0x12A00] =	vst v63  }
0x2b: {  	_ =	swait.ge [sflag:s7], $0xC800  }
0x2c: {  	[sflag:s7] =	ssyncset.done $0x0  }
0x2d: {  	[sflag:s7] =	ssyncadd.s32 $0xFFFF3800  }
0x2e: {  	_ =	sfence.sel $0x180000  }
0x2f: {  	[bflag:$0x0] =	sbarrier.arrive $0xFFFF  }
0x30: {  	p0 =	sne.s32 s0, $0x0;
	_ =	strace $0x90000047  }
0x31: {  	s0 =	sadd.s32 @!p0 $0x100000, s1;
	[bflag:$0x2] =	sbarrier.arrive $0xFFFF  }
0x32: {  	[sflag:s0] =	ssyncadd.tile.s32 @!p0 $0x1;
	_ =	shalt  }
.Lfunc_end2:
_tile_overlayer_lowered:
.L_overlay_start_2:
0x33: {  	(tag) =	ssettag $0x2  }
0x34: {  	s0 =	rddreg [dreg:$0x0];
	s2 =	stileid.u32  }
0x35: {  	s1 =	rddreg [dreg:$0x1];
	p0 =	sne.s32 s2, $0x0  }
0x36: {  	s3 =	rddreg [dreg:$0x2];
	[bflag:$0x3] =	sbarrier.arrive $0xFFFF;
	s2 =	simm.s32 @!p0 $0x1C01  }
0x37: {  	[timem:s3], [sflag:s2] =	dma.local @!p0 [hbm:s0], s1  }
0x38: {  	s0 =	simm.s32 @!p0 $0x1  }
0x39: {  	_ =	swait.ge @!p0 [sflag:s0], s1  }
0x3a: {  	s1 =	ssub.s32 @!p0 $0x0, s1;
	[sflag:s0] =	ssyncset.done @!p0 $0x0  }
0x3b: {  	[sflag:s0] =	ssyncadd.s32 @!p0 s1  }
0x3c: {  	[bflag:$0x3] =	sbarrier.arrive $0xFFFF  }
0x3d: {  	_ =	shalt  }

</sc_bundles>
